<compile_context>
chip_gen: v7x
topology: tpu7x:2x2x1
jax: 0.10.2.dev20260603
libtpu: 0.0.44.dev20260713+nightly
codegen_flags: <defaults>
</compile_context>

<pallas_src>
import functools

import jax
import jax.numpy as jnp
from jax import lax
from jax.experimental import pallas as pl
from jax.experimental.pallas import tpu as pltpu
from jax.experimental.pallas import tpu_sc as plsc

_F = 26
_V = 100000
_D = 32
_B = 4096
_H = 50
_N = _B * _H * _F

_NC, _NS, _L = 2, 16, 16
_NW = _NC * _NS
_NPW = _N // _NW
_CH = 1664
_NCHUNK = _NPW // _CH
_GG = 128
_NG = _CH // _GG


def _make_kernel():
    mesh = plsc.VectorSubcoreMesh(core_axis_name="c", subcore_axis_name="s")

    @functools.partial(
        pl.kernel,
        mesh=mesh,
        out_type=jax.ShapeDtypeStruct((_N, _D), jnp.float32),
        compiler_params=pltpu.CompilerParams(use_tc_tiling_on_sc=False),
        scratch_types=[
            pltpu.VMEM((_CH,), jnp.int32),
            pltpu.VMEM((_CH,), jnp.int32),
            pltpu.VMEM((_CH, _D), jnp.float32),
            pltpu.SemaphoreType.DMA,
        ],
    )
    def k(x_hbm, tab_hbm, out_hbm, offs_v, idx_v, rows_v, sem):
        wid = lax.axis_index("s") * _NC + lax.axis_index("c")
        base = wid * _NPW

        for i in range(_CH // _L):
            p = lax.iota(jnp.int32, _L) + (i * _L)
            offs_v[pl.ds(i * _L, _L)] = lax.rem(p, _F) * _V

        def chunk(c, carry):
            start = base + c * _CH
            pltpu.sync_copy(x_hbm.at[pl.ds(start, _CH)], idx_v)
            for i in range(_CH // _L):
                s = pl.ds(i * _L, _L)
                idx_v[s] = idx_v[s] + offs_v[s]
            cps = []
            for j in range(_NG):
                g = pl.ds(j * _GG, _GG)
                cps.append(
                    pltpu.async_copy(tab_hbm.at[idx_v.at[g]], rows_v.at[g], sem)
                )
            for cp in cps:
                cp.wait()
            pltpu.sync_copy(rows_v, out_hbm.at[pl.ds(start, _CH)])
            return carry

        lax.fori_loop(0, _NCHUNK, chunk, 0)

    return k


_gather_kernel = _make_kernel()


@jax.jit
def kernel(x, tables):
    xf = x.reshape(-1).astype(jnp.int32)
    tf = tables.reshape(_F * _V, _D)
    out = _gather_kernel(xf, tf)
    return out.reshape(_B, _H, _F * _D)

# --- scband reference (transcript-rebuilt; emitter-appended) ---
"""Pipeline reference for scband-feature-embedder-16389595202262 (READ-ONLY COPY).

The authoritative reference and input builder live on the scoring server;
editing this copy changes nothing except your own understanding.
"""

import jax, jax.numpy as jnp
import numpy as np

N_FEATURES = 26
VOCAB = 100000
DIM = 32
BATCH = 4096
HIST = 50

def setup_inputs(seed: int = 0) -> dict:
    key = jax.random.key(seed)
    k1, k2 = jax.random.split(key)
    x = jax.random.randint(k1, (BATCH, HIST, N_FEATURES), 0, VOCAB, dtype=jnp.int64 if jax.config.jax_enable_x64 else jnp.int32)
    # All 26 embedding tables have identical (vocab, dim), so stack into one array [F, V, D]
    tables = jax.random.normal(k2, (N_FEATURES, VOCAB, DIM), dtype=jnp.float32) * 0.02
    return {"x": x, "tables": tables}

def reference(x, tables):
    # Faithful translation: per-feature embedding lookup, then concat on last dim.
    outs = []
    for f in range(N_FEATURES):
        outs.append(jnp.take(tables[f], x[:, :, f], axis=0))
    return jnp.concatenate(outs, axis=2)

if __name__ == "__main__":
    import jax
    _d = setup_inputs()
    print(jax.jit(kernel)(*tuple(_d.values())))

</pallas_src>

<mosaic_0001>
#map = affine_map<(d0, d1) -> (0)>
#map1 = affine_map<(d0, d1) -> (0, 0)>
module attributes {stable_mosaic.version = 14 : i64} {
  func.func @k(%arg0: i32, %arg1: i32, %arg2: memref<5324800xi32, #tpu.memory_space<hbm>>, %arg3: memref<2600000x32xf32, #tpu.memory_space<hbm>>, %arg4: memref<5324800x32xf32, #tpu.memory_space<hbm>>, %arg5: memref<1664xi32, #tpu.memory_space<vmem>>, %arg6: memref<1664xi32, #tpu.memory_space<vmem>>, %arg7: memref<1664x32xf32, #tpu.memory_space<vmem>>, %arg8: memref<!tpu.dma_semaphore, #tpu.memory_space<semaphore_mem>>) attributes {dimension_semantics = [#tpu.dimension_semantics<core_parallel>, #tpu.dimension_semantics<subcore_parallel>], iteration_bounds = array<i64: 2, 16>, scalar_prefetch = 0 : i64, scratch_operands = 4 : i64, tpu.core_type = #tpu.core_type<sc_vector_subcore>, window_params = [{transform_indices = #map}, {transform_indices = #map1}, {transform_indices = #map1}]} {
    %mul3A = arith.constant 2 : i32
    %mul3A_0 = arith.muli %arg1, %mul3A : i32
    %add3A = arith.addi %mul3A_0, %arg0 : i32
    %mul3A_1 = arith.constant 166400 : i32
    %mul3A_2 = arith.muli %add3A, %mul3A_1 : i32
    %iota3A = tpu.iota {dimensions = array<i32: 0>} : vector<16xi32>
    %add3A_3 = arith.constant 0 : i32
    %add3A_4 = vector.broadcast %add3A_3 : i32 to vector<16xi32>
    %add3A_5 = arith.addi %iota3A, %add3A_4 : vector<16xi32>
    %rem3A = arith.constant 26 : i32
    %rem3A_6 = vector.broadcast %rem3A : i32 to vector<16xi32>
    %rem3A_7 = arith.remsi %add3A_5, %rem3A_6 : vector<16xi32>
    %mul3A_8 = arith.constant 100000 : i32
    %mul3A_9 = vector.broadcast %mul3A_8 : i32 to vector<16xi32>
    %mul3A_10 = arith.muli %rem3A_7, %mul3A_9 : vector<16xi32>
    %swap3A = arith.constant 0 : index
    %swap3A_11 = tpu.vector_load %arg5[%swap3A] {strides = array<i32>} : memref<1664xi32, #tpu.memory_space<vmem>>, vector<16xi32>,
    %swap3A_12 = vector.shape_cast %swap3A_11 : vector<16xi32> to vector<16xi32>
    %swap3A_13 = vector.shape_cast %mul3A_10 : vector<16xi32> to vector<16xi32>
    tpu.vector_store %arg5[%swap3A], %swap3A_13 {strides = array<i32>} : memref<1664xi32, #tpu.memory_space<vmem>>, vector<16xi32>,
    %iota3A_14 = tpu.iota {dimensions = array<i32: 0>} : vector<16xi32>
    %add3A_15 = arith.constant 16 : i32
    %add3A_16 = vector.broadcast %add3A_15 : i32 to vector<16xi32>
    %add3A_17 = arith.addi %iota3A_14, %add3A_16 : vector<16xi32>
    %rem3A_18 = arith.constant 26 : i32
    %rem3A_19 = vector.broadcast %rem3A_18 : i32 to vector<16xi32>
    %rem3A_20 = arith.remsi %add3A_17, %rem3A_19 : vector<16xi32>
    %mul3A_21 = arith.constant 100000 : i32
    %mul3A_22 = vector.broadcast %mul3A_21 : i32 to vector<16xi32>
    %mul3A_23 = arith.muli %rem3A_20, %mul3A_22 : vector<16xi32>
    %swap3A_24 = arith.constant 16 : index
    %swap3A_25 = tpu.vector_load %arg5[%swap3A_24] {strides = array<i32>} : memref<1664xi32, #tpu.memory_space<vmem>>, vector<16xi32>,
    %swap3A_26 = vector.shape_cast %swap3A_25 : vector<16xi32> to vector<16xi32>
    %swap3A_27 = vector.shape_cast %mul3A_23 : vector<16xi32> to vector<16xi32>
    tpu.vector_store %arg5[%swap3A_24], %swap3A_27 {strides = array<i32>} : memref<1664xi32, #tpu.memory_space<vmem>>, vector<16xi32>,
    %iota3A_28 = tpu.iota {dimensions = array<i32: 0>} : vector<16xi32>
    %add3A_29 = arith.constant 32 : i32
    %add3A_30 = vector.broadcast %add3A_29 : i32 to vector<16xi32>
    %add3A_31 = arith.addi %iota3A_28, %add3A_30 : vector<16xi32>
    %rem3A_32 = arith.constant 26 : i32
    %rem3A_33 = vector.broadcast %rem3A_32 : i32 to vector<16xi32>
    %rem3A_34 = arith.remsi %add3A_31, %rem3A_33 : vector<16xi32>
    %mul3A_35 = arith.constant 100000 : i32
    %mul3A_36 = vector.broadcast %mul3A_35 : i32 to vector<16xi32>
    %mul3A_37 = arith.muli %rem3A_34, %mul3A_36 : vector<16xi32>
    %swap3A_38 = arith.constant 32 : index
    %swap3A_39 = tpu.vector_load %arg5[%swap3A_38] {strides = array<i32>} : memref<1664xi32, #tpu.memory_space<vmem>>, vector<16xi32>,
    %swap3A_40 = vector.shape_cast %swap3A_39 : vector<16xi32> to vector<16xi32>
    %swap3A_41 = vector.shape_cast %mul3A_37 : vector<16xi32> to vector<16xi32>
    tpu.vector_store %arg5[%swap3A_38], %swap3A_41 {strides = array<i32>} : memref<1664xi32, #tpu.memory_space<vmem>>, vector<16xi32>,
    %iota3A_42 = tpu.iota {dimensions = array<i32: 0>} : vector<16xi32>
    %add3A_43 = arith.constant 48 : i32
    %add3A_44 = vector.broadcast %add3A_43 : i32 to vector<16xi32>
    %add3A_45 = arith.addi %iota3A_42, %add3A_44 : vector<16xi32>
    %rem3A_46 = arith.constant 26 : i32
    %rem3A_47 = vector.broadcast %rem3A_46 : i32 to vector<16xi32>
    %rem3A_48 = arith.remsi %add3A_45, %rem3A_47 : vector<16xi32>
    %mul3A_49 = arith.constant 100000 : i32
    %mul3A_50 = vector.broadcast %mul3A_49 : i32 to vector<16xi32>
    %mul3A_51 = arith.muli %rem3A_48, %mul3A_50 : vector<16xi32>
    %swap3A_52 = arith.constant 48 : index
    %swap3A_53 = tpu.vector_load %arg5[%swap3A_52] {strides = array<i32>} : memref<1664xi32, #tpu.memory_space<vmem>>, vector<16xi32>,
    %swap3A_54 = vector.shape_cast %swap3A_53 : vector<16xi32> to vector<16xi32>
    %swap3A_55 = vector.shape_cast %mul3A_51 : vector<16xi32> to vector<16xi32>
    tpu.vector_store %arg5[%swap3A_52], %swap3A_55 {strides = array<i32>} : memref<1664xi32, #tpu.memory_space<vmem>>, vector<16xi32>,
    %iota3A_56 = tpu.iota {dimensions = array<i32: 0>} : vector<16xi32>
    %add3A_57 = arith.constant 64 : i32
    %add3A_58 = vector.broadcast %add3A_57 : i32 to vector<16xi32>
    %add3A_59 = arith.addi %iota3A_56, %add3A_58 : vector<16xi32>
    %rem3A_60 = arith.constant 26 : i32
    %rem3A_61 = vector.broadcast %rem3A_60 : i32 to vector<16xi32>
    %rem3A_62 = arith.remsi %add3A_59, %rem3A_61 : vector<16xi32>
    %mul3A_63 = arith.constant 100000 : i32
    %mul3A_64 = vector.broadcast %mul3A_63 : i32 to vector<16xi32>
    %mul3A_65 = arith.muli %rem3A_62, %mul3A_64 : vector<16xi32>
    %swap3A_66 = arith.constant 64 : index
    %swap3A_67 = tpu.vector_load %arg5[%swap3A_66] {strides = array<i32>} : memref<1664xi32, #tpu.memory_space<vmem>>, vector<16xi32>,
    %swap3A_68 = vector.shape_cast %swap3A_67 : vector<16xi32> to vector<16xi32>
    %swap3A_69 = vector.shape_cast %mul3A_65 : vector<16xi32> to vector<16xi32>
    tpu.vector_store %arg5[%swap3A_66], %swap3A_69 {strides = array<i32>} : memref<1664xi32, #tpu.memory_space<vmem>>, vector<16xi32>,
    %iota3A_70 = tpu.iota {dimensions = array<i32: 0>} : vector<16xi32>
    %add3A_71 = arith.constant 80 : i32
    %add3A_72 = vector.broadcast %add3A_71 : i32 to vector<16xi32>
    %add3A_73 = arith.addi %iota3A_70, %add3A_72 : vector<16xi32>
    %rem3A_74 = arith.constant 26 : i32
    %rem3A_75 = vector.broadcast %rem3A_74 : i32 to vector<16xi32>
    %rem3A_76 = arith.remsi %add3A_73, %rem3A_75 : vector<16xi32>
    %mul3A_77 = arith.constant 100000 : i32
    %mul3A_78 = vector.broadcast %mul3A_77 : i32 to vector<16xi32>
    %mul3A_79 = arith.muli %rem3A_76, %mul3A_78 : vector<16xi32>
    %swap3A_80 = arith.constant 80 : index
    %swap3A_81 = tpu.vector_load %arg5[%swap3A_80] {strides = array<i32>} : memref<1664xi32, #tpu.memory_space<vmem>>, vector<16xi32>,
    %swap3A_82 = vector.shape_cast %swap3A_81 : vector<16xi32> to vector<16xi32>
    %swap3A_83 = vector.shape_cast %mul3A_79 : vector<16xi32> to vector<16xi32>
    tpu.vector_store %arg5[%swap3A_80], %swap3A_83 {strides = array<i32>} : memref<1664xi32, #tpu.memory_space<vmem>>, vector<16xi32>,
    %iota3A_84 = tpu.iota {dimensions = array<i32: 0>} : vector<16xi32>
    %add3A_85 = arith.constant 96 : i32
    %add3A_86 = vector.broadcast %add3A_85 : i32 to vector<16xi32>
    %add3A_87 = arith.addi %iota3A_84, %add3A_86 : vector<16xi32>
    %rem3A_88 = arith.constant 26 : i32
    %rem3A_89 = vector.broadcast %rem3A_88 : i32 to vector<16xi32>
    %rem3A_90 = arith.remsi %add3A_87, %rem3A_89 : vector<16xi32>
    %mul3A_91 = arith.constant 100000 : i32
    %mul3A_92 = vector.broadcast %mul3A_91 : i32 to vector<16xi32>
    %mul3A_93 = arith.muli %rem3A_90, %mul3A_92 : vector<16xi32>
    %swap3A_94 = arith.constant 96 : index
    %swap3A_95 = tpu.vector_load %arg5[%swap3A_94] {strides = array<i32>} : memref<1664xi32, #tpu.memory_space<vmem>>, vector<16xi32>,
    %swap3A_96 = vector.shape_cast %swap3A_95 : vector<16xi32> to vector<16xi32>
    %swap3A_97 = vector.shape_cast %mul3A_93 : vector<16xi32> to vector<16xi32>
    tpu.vector_store %arg5[%swap3A_94], %swap3A_97 {strides = array<i32>} : memref<1664xi32, #tpu.memory_space<vmem>>, vector<16xi32>,
    %iota3A_98 = tpu.iota {dimensions = array<i32: 0>} : vector<16xi32>
    %add3A_99 = arith.constant 112 : i32
    %add3A_100 = vector.broadcast %add3A_99 : i32 to vector<16xi32>
    %add3A_101 = arith.addi %iota3A_98, %add3A_100 : vector<16xi32>
    %rem3A_102 = arith.constant 26 : i32
    %rem3A_103 = vector.broadcast %rem3A_102 : i32 to vector<16xi32>
    %rem3A_104 = arith.remsi %add3A_101, %rem3A_103 : vector<16xi32>
    %mul3A_105 = arith.constant 100000 : i32
    %mul3A_106 = vector.broadcast %mul3A_105 : i32 to vector<16xi32>
    %mul3A_107 = arith.muli %rem3A_104, %mul3A_106 : vector<16xi32>
    %swap3A_108 = arith.constant 112 : index
    %swap3A_109 = tpu.vector_load %arg5[%swap3A_108] {strides = array<i32>} : memref<1664xi32, #tpu.memory_space<vmem>>, vector<16xi32>,
    %swap3A_110 = vector.shape_cast %swap3A_109 : vector<16xi32> to vector<16xi32>
    %swap3A_111 = vector.shape_cast %mul3A_107 : vector<16xi32> to vector<16xi32>
    tpu.vector_store %arg5[%swap3A_108], %swap3A_111 {strides = array<i32>} : memref<1664xi32, #tpu.memory_space<vmem>>, vector<16xi32>,
    %iota3A_112 = tpu.iota {dimensions = array<i32: 0>} : vector<16xi32>
    %add3A_113 = arith.constant 128 : i32
    %add3A_114 = vector.broadcast %add3A_113 : i32 to vector<16xi32>
    %add3A_115 = arith.addi %iota3A_112, %add3A_114 : vector<16xi32>
    %rem3A_116 = arith.constant 26 : i32
    %rem3A_117 = vector.broadcast %rem3A_116 : i32 to vector<16xi32>
    %rem3A_118 = arith.remsi %add3A_115, %rem3A_117 : vector<16xi32>
    %mul3A_119 = arith.constant 100000 : i32
    %mul3A_120 = vector.broadcast %mul3A_119 : i32 to vector<16xi32>
    %mul3A_121 = arith.muli %rem3A_118, %mul3A_120 : vector<16xi32>
    %swap3A_122 = arith.constant 128 : index
    %swap3A_123 = tpu.vector_load %arg5[%swap3A_122] {strides = array<i32>} : memref<1664xi32, #tpu.memory_space<vmem>>, vector<16xi32>,
    %swap3A_124 = vector.shape_cast %swap3A_123 : vector<16xi32> to vector<16xi32>
    %swap3A_125 = vector.shape_cast %mul3A_121 : vector<16xi32> to vector<16xi32>
    tpu.vector_store %arg5[%swap3A_122], %swap3A_125 {strides = array<i32>} : memref<1664xi32, #tpu.memory_space<vmem>>, vector<16xi32>,
    %iota3A_126 = tpu.iota {dimensions = array<i32: 0>} : vector<16xi32>
    %add3A_127 = arith.constant 144 : i32
    %add3A_128 = vector.broadcast %add3A_127 : i32 to vector<16xi32>
    %add3A_129 = arith.addi %iota3A_126, %add3A_128 : vector<16xi32>
    %rem3A_130 = arith.constant 26 : i32
    %rem3A_131 = vector.broadcast %rem3A_130 : i32 to vector<16xi32>
    %rem3A_132 = arith.remsi %add3A_129, %rem3A_131 : vector<16xi32>
    %mul3A_133 = arith.constant 100000 : i32
    %mul3A_134 = vector.broadcast %mul3A_133 : i32 to vector<16xi32>
    %mul3A_135 = arith.muli %rem3A_132, %mul3A_134 : vector<16xi32>
    %swap3A_136 = arith.constant 144 : index
    %swap3A_137 = tpu.vector_load %arg5[%swap3A_136] {strides = array<i32>} : memref<1664xi32, #tpu.memory_space<vmem>>, vector<16xi32>,
    %swap3A_138 = vector.shape_cast %swap3A_137 : vector<16xi32> to vector<16xi32>
    %swap3A_139 = vector.shape_cast %mul3A_135 : vector<16xi32> to vector<16xi32>
    tpu.vector_store %arg5[%swap3A_136], %swap3A_139 {strides = array<i32>} : memref<1664xi32, #tpu.memory_space<vmem>>, vector<16xi32>,
    %iota3A_140 = tpu.iota {dimensions = array<i32: 0>} : vector<16xi32>
    %add3A_141 = arith.constant 160 : i32
    %add3A_142 = vector.broadcast %add3A_141 : i32 to vector<16xi32>
    %add3A_143 = arith.addi %iota3A_140, %add3A_142 : vector<16xi32>
    %rem3A_144 = arith.constant 26 : i32
    %rem3A_145 = vector.broadcast %rem3A_144 : i32 to vector<16xi32>
    %rem3A_146 = arith.remsi %add3A_143, %rem3A_145 : vector<16xi32>
    %mul3A_147 = arith.constant 100000 : i32
    %mul3A_148 = vector.broadcast %mul3A_147 : i32 to vector<16xi32>
    %mul3A_149 = arith.muli %rem3A_146, %mul3A_148 : vector<16xi32>
    %swap3A_150 = arith.constant 160 : index
    %swap3A_151 = tpu.vector_load %arg5[%swap3A_150] {strides = array<i32>} : memref<1664xi32, #tpu.memory_space<vmem>>, vector<16xi32>,
    %swap3A_152 = vector.shape_cast %swap3A_151 : vector<16xi32> to vector<16xi32>
    %swap3A_153 = vector.shape_cast %mul3A_149 : vector<16xi32> to vector<16xi32>
    tpu.vector_store %arg5[%swap3A_150], %swap3A_153 {strides = array<i32>} : memref<1664xi32, #tpu.memory_space<vmem>>, vector<16xi32>,
    %iota3A_154 = tpu.iota {dimensions = array<i32: 0>} : vector<16xi32>
    %add3A_155 = arith.constant 176 : i32
    %add3A_156 = vector.broadcast %add3A_155 : i32 to vector<16xi32>
    %add3A_157 = arith.addi %iota3A_154, %add3A_156 : vector<16xi32>
    %rem3A_158 = arith.constant 26 : i32
    %rem3A_159 = vector.broadcast %rem3A_158 : i32 to vector<16xi32>
    %rem3A_160 = arith.remsi %add3A_157, %rem3A_159 : vector<16xi32>
    %mul3A_161 = arith.constant 100000 : i32
    %mul3A_162 = vector.broadcast %mul3A_161 : i32 to vector<16xi32>
    %mul3A_163 = arith.muli %rem3A_160, %mul3A_162 : vector<16xi32>
    %swap3A_164 = arith.constant 176 : index
    %swap3A_165 = tpu.vector_load %arg5[%swap3A_164] {strides = array<i32>} : memref<1664xi32, #tpu.memory_space<vmem>>, vector<16xi32>,
    %swap3A_166 = vector.shape_cast %swap3A_165 : vector<16xi32> to vector<16xi32>
    %swap3A_167 = vector.shape_cast %mul3A_163 : vector<16xi32> to vector<16xi32>
    tpu.vector_store %arg5[%swap3A_164], %swap3A_167 {strides = array<i32>} : memref<1664xi32, #tpu.memory_space<vmem>>, vector<16xi32>,
    %iota3A_168 = tpu.iota {dimensions = array<i32: 0>} : vector<16xi32>
    %add3A_169 = arith.constant 192 : i32
    %add3A_170 = vector.broadcast %add3A_169 : i32 to vector<16xi32>
    %add3A_171 = arith.addi %iota3A_168, %add3A_170 : vector<16xi32>
    %rem3A_172 = arith.constant 26 : i32
    %rem3A_173 = vector.broadcast %rem3A_172 : i32 to vector<16xi32>
    %rem3A_174 = arith.remsi %add3A_171, %rem3A_173 : vector<16xi32>
    %mul3A_175 = arith.constant 100000 : i32
    %mul3A_176 = vector.broadcast %mul3A_175 : i32 to vector<16xi32>
    %mul3A_177 = arith.muli %rem3A_174, %mul3A_176 : vector<16xi32>
    %swap3A_178 = arith.constant 192 : index
    %swap3A_179 = tpu.vector_load %arg5[%swap3A_178] {strides = array<i32>} : memref<1664xi32, #tpu.memory_space<vmem>>, vector<16xi32>,
    %swap3A_180 = vector.shape_cast %swap3A_179 : vector<16xi32> to vector<16xi32>
    %swap3A_181 = vector.shape_cast %mul3A_177 : vector<16xi32> to vector<16xi32>
    tpu.vector_store %arg5[%swap3A_178], %swap3A_181 {strides = array<i32>} : memref<1664xi32, #tpu.memory_space<vmem>>, vector<16xi32>,
    %iota3A_182 = tpu.iota {dimensions = array<i32: 0>} : vector<16xi32>
    %add3A_183 = arith.constant 208 : i32
    %add3A_184 = vector.broadcast %add3A_183 : i32 to vector<16xi32>
    %add3A_185 = arith.addi %iota3A_182, %add3A_184 : vector<16xi32>
    %rem3A_186 = arith.constant 26 : i32
    %rem3A_187 = vector.broadcast %rem3A_186 : i32 to vector<16xi32>
    %rem3A_188 = arith.remsi %add3A_185, %rem3A_187 : vector<16xi32>
    %mul3A_189 = arith.constant 100000 : i32
    %mul3A_190 = vector.broadcast %mul3A_189 : i32 to vector<16xi32>
    %mul3A_191 = arith.muli %rem3A_188, %mul3A_190 : vector<16xi32>
    %swap3A_192 = arith.constant 208 : index
    %swap3A_193 = tpu.vector_load %arg5[%swap3A_192] {strides = array<i32>} : memref<1664xi32, #tpu.memory_space<vmem>>, vector<16xi32>,
    %swap3A_194 = vector.shape_cast %swap3A_193 : vector<16xi32> to vector<16xi32>
    %swap3A_195 = vector.shape_cast %mul3A_191 : vector<16xi32> to vector<16xi32>
    tpu.vector_store %arg5[%swap3A_192], %swap3A_195 {strides = array<i32>} : memref<1664xi32, #tpu.memory_space<vmem>>, vector<16xi32>,
    %iota3A_196 = tpu.iota {dimensions = array<i32: 0>} : vector<16xi32>
    %add3A_197 = arith.constant 224 : i32
    %add3A_198 = vector.broadcast %add3A_197 : i32 to vector<16xi32>
    %add3A_199 = arith.addi %iota3A_196, %add3A_198 : vector<16xi32>
    %rem3A_200 = arith.constant 26 : i32
    %rem3A_201 = vector.broadcast %rem3A_200 : i32 to vector<16xi32>
    %rem3A_202 = arith.remsi %add3A_199, %rem3A_201 : vector<16xi32>
    %mul3A_203 = arith.constant 100000 : i32
    %mul3A_204 = vector.broadcast %mul3A_203 : i32 to vector<16xi32>
    %mul3A_205 = arith.muli %rem3A_202, %mul3A_204 : vector<16xi32>
    %swap3A_206 = arith.constant 224 : index
    %swap3A_207 = tpu.vector_load %arg5[%swap3A_206] {strides = array<i32>} : memref<1664xi32, #tpu.memory_space<vmem>>, vector<16xi32>,
    %swap3A_208 = vector.shape_cast %swap3A_207 : vector<16xi32> to vector<16xi32>
    %swap3A_209 = vector.shape_cast %mul3A_205 : vector<16xi32> to vector<16xi32>
    tpu.vector_store %arg5[%swap3A_206], %swap3A_209 {strides = array<i32>} : memref<1664xi32, #tpu.memory_space<vmem>>, vector<16xi32>,
    %iota3A_210 = tpu.iota {dimensions = array<i32: 0>} : vector<16xi32>
    %add3A_211 = arith.constant 240 : i32
    %add3A_212 = vector.broadcast %add3A_211 : i32 to vector<16xi32>
    %add3A_213 = arith.addi %iota3A_210, %add3A_212 : vector<16xi32>
    %rem3A_214 = arith.constant 26 : i32
    %rem3A_215 = vector.broadcast %rem3A_214 : i32 to vector<16xi32>
    %rem3A_216 = arith.remsi %add3A_213, %rem3A_215 : vector<16xi32>
    %mul3A_217 = arith.constant 100000 : i32
    %mul3A_218 = vector.broadcast %mul3A_217 : i32 to vector<16xi32>
    %mul3A_219 = arith.muli %rem3A_216, %mul3A_218 : vector<16xi32>
    %swap3A_220 = arith.constant 240 : index
    %swap3A_221 = tpu.vector_load %arg5[%swap3A_220] {strides = array<i32>} : memref<1664xi32, #tpu.memory_space<vmem>>, vector<16xi32>,
    %swap3A_222 = vector.shape_cast %swap3A_221 : vector<16xi32> to vector<16xi32>
    %swap3A_223 = vector.shape_cast %mul3A_219 : vector<16xi32> to vector<16xi32>
    tpu.vector_store %arg5[%swap3A_220], %swap3A_223 {strides = array<i32>} : memref<1664xi32, #tpu.memory_space<vmem>>, vector<16xi32>,
    %iota3A_224 = tpu.iota {dimensions = array<i32: 0>} : vector<16xi32>
    %add3A_225 = arith.constant 256 : i32
    %add3A_226 = vector.broadcast %add3A_225 : i32 to vector<16xi32>
    %add3A_227 = arith.addi %iota3A_224, %add3A_226 : vector<16xi32>
    %rem3A_228 = arith.constant 26 : i32
    %rem3A_229 = vector.broadcast %rem3A_228 : i32 to vector<16xi32>
    %rem3A_230 = arith.remsi %add3A_227, %rem3A_229 : vector<16xi32>
    %mul3A_231 = arith.constant 100000 : i32
    %mul3A_232 = vector.broadcast %mul3A_231 : i32 to vector<16xi32>
    %mul3A_233 = arith.muli %rem3A_230, %mul3A_232 : vector<16xi32>
    %swap3A_234 = arith.constant 256 : index
    %swap3A_235 = tpu.vector_load %arg5[%swap3A_234] {strides = array<i32>} : memref<1664xi32, #tpu.memory_space<vmem>>, vector<16xi32>,
    %swap3A_236 = vector.shape_cast %swap3A_235 : vector<16xi32> to vector<16xi32>
    %swap3A_237 = vector.shape_cast %mul3A_233 : vector<16xi32> to vector<16xi32>
    tpu.vector_store %arg5[%swap3A_234], %swap3A_237 {strides = array<i32>} : memref<1664xi32, #tpu.memory_space<vmem>>, vector<16xi32>,
    %iota3A_238 = tpu.iota {dimensions = array<i32: 0>} : vector<16xi32>
    %add3A_239 = arith.constant 272 : i32
    %add3A_240 = vector.broadcast %add3A_239 : i32 to vector<16xi32>
    %add3A_241 = arith.addi %iota3A_238, %add3A_240 : vector<16xi32>
    %rem3A_242 = arith.constant 26 : i32
    %rem3A_243 = vector.broadcast %rem3A_242 : i32 to vector<16xi32>
    %rem3A_244 = arith.remsi %add3A_241, %rem3A_243 : vector<16xi32>
    %mul3A_245 = arith.constant 100000 : i32
    %mul3A_246 = vector.broadcast %mul3A_245 : i32 to vector<16xi32>
    %mul3A_247 = arith.muli %rem3A_244, %mul3A_246 : vector<16xi32>
    %swap3A_248 = arith.constant 272 : index
    %swap3A_249 = tpu.vector_load %arg5[%swap3A_248] {strides = array<i32>} : memref<1664xi32, #tpu.memory_space<vmem>>, vector<16xi32>,
    %swap3A_250 = vector.shape_cast %swap3A_249 : vector<16xi32> to vector<16xi32>
    %swap3A_251 = vector.shape_cast %mul3A_247 : vector<16xi32> to vector<16xi32>
    tpu.vector_store %arg5[%swap3A_248], %swap3A_251 {strides = array<i32>} : memref<1664xi32, #tpu.memory_space<vmem>>, vector<16xi32>,
    %iota3A_252 = tpu.iota {dimensions = array<i32: 0>} : vector<16xi32>
    %add3A_253 = arith.constant 288 : i32
    %add3A_254 = vector.broadcast %add3A_253 : i32 to vector<16xi32>
    %add3A_255 = arith.addi %iota3A_252, %add3A_254 : vector<16xi32>
    %rem3A_256 = arith.constant 26 : i32
    %rem3A_257 = vector.broadcast %rem3A_256 : i32 to vector<16xi32>
    %rem3A_258 = arith.remsi %add3A_255, %rem3A_257 : vector<16xi32>
    %mul3A_259 = arith.constant 100000 : i32
    %mul3A_260 = vector.broadcast %mul3A_259 : i32 to vector<16xi32>
    %mul3A_261 = arith.muli %rem3A_258, %mul3A_260 : vector<16xi32>
    %swap3A_262 = arith.constant 288 : index
    %swap3A_263 = tpu.vector_load %arg5[%swap3A_262] {strides = array<i32>} : memref<1664xi32, #tpu.memory_space<vmem>>, vector<16xi32>,
    %swap3A_264 = vector.shape_cast %swap3A_263 : vector<16xi32> to vector<16xi32>
    %swap3A_265 = vector.shape_cast %mul3A_261 : vector<16xi32> to vector<16xi32>
    tpu.vector_store %arg5[%swap3A_262], %swap3A_265 {strides = array<i32>} : memref<1664xi32, #tpu.memory_space<vmem>>, vector<16xi32>,
    %iota3A_266 = tpu.iota {dimensions = array<i32: 0>} : vector<16xi32>
    %add3A_267 = arith.constant 304 : i32
    %add3A_268 = vector.broadcast %add3A_267 : i32 to vector<16xi32>
    %add3A_269 = arith.addi %iota3A_266, %add3A_268 : vector<16xi32>
    %rem3A_270 = arith.constant 26 : i32
    %rem3A_271 = vector.broadcast %rem3A_270 : i32 to vector<16xi32>
    %rem3A_272 = arith.remsi %add3A_269, %rem3A_271 : vector<16xi32>
    %mul3A_273 = arith.constant 100000 : i32
    %mul3A_274 = vector.broadcast %mul3A_273 : i32 to vector<16xi32>
    %mul3A_275 = arith.muli %rem3A_272, %mul3A_274 : vector<16xi32>
    %swap3A_276 = arith.constant 304 : index
    %swap3A_277 = tpu.vector_load %arg5[%swap3A_276] {strides = array<i32>} : memref<1664xi32, #tpu.memory_space<vmem>>, vector<16xi32>,
    %swap3A_278 = vector.shape_cast %swap3A_277 : vector<16xi32> to vector<16xi32>
    %swap3A_279 = vector.shape_cast %mul3A_275 : vector<16xi32> to vector<16xi32>
    tpu.vector_store %arg5[%swap3A_276], %swap3A_279 {strides = array<i32>} : memref<1664xi32, #tpu.memory_space<vmem>>, vector<16xi32>,
    %iota3A_280 = tpu.iota {dimensions = array<i32: 0>} : vector<16xi32>
    %add3A_281 = arith.constant 320 : i32
    %add3A_282 = vector.broadcast %add3A_281 : i32 to vector<16xi32>
    %add3A_283 = arith.addi %iota3A_280, %add3A_282 : vector<16xi32>
    %rem3A_284 = arith.constant 26 : i32
    %rem3A_285 = vector.broadcast %rem3A_284 : i32 to vector<16xi32>
    %rem3A_286 = arith.remsi %add3A_283, %rem3A_285 : vector<16xi32>
    %mul3A_287 = arith.constant 100000 : i32
    %mul3A_288 = vector.broadcast %mul3A_287 : i32 to vector<16xi32>
    %mul3A_289 = arith.muli %rem3A_286, %mul3A_288 : vector<16xi32>
    %swap3A_290 = arith.constant 320 : index
    %swap3A_291 = tpu.vector_load %arg5[%swap3A_290] {strides = array<i32>} : memref<1664xi32, #tpu.memory_space<vmem>>, vector<16xi32>,
    %swap3A_292 = vector.shape_cast %swap3A_291 : vector<16xi32> to vector<16xi32>
    %swap3A_293 = vector.shape_cast %mul3A_289 : vector<16xi32> to vector<16xi32>
    tpu.vector_store %arg5[%swap3A_290], %swap3A_293 {strides = array<i32>} : memref<1664xi32, #tpu.memory_space<vmem>>, vector<16xi32>,
    %iota3A_294 = tpu.iota {dimensions = array<i32: 0>} : vector<16xi32>
    %add3A_295 = arith.constant 336 : i32
    %add3A_296 = vector.broadcast %add3A_295 : i32 to vector<16xi32>
    %add3A_297 = arith.addi %iota3A_294, %add3A_296 : vector<16xi32>
    %rem3A_298 = arith.constant 26 : i32
    %rem3A_299 = vector.broadcast %rem3A_298 : i32 to vector<16xi32>
    %rem3A_300 = arith.remsi %add3A_297, %rem3A_299 : vector<16xi32>
    %mul3A_301 = arith.constant 100000 : i32
    %mul3A_302 = vector.broadcast %mul3A_301 : i32 to vector<16xi32>
    %mul3A_303 = arith.muli %rem3A_300, %mul3A_302 : vector<16xi32>
    %swap3A_304 = arith.constant 336 : index
    %swap3A_305 = tpu.vector_load %arg5[%swap3A_304] {strides = array<i32>} : memref<1664xi32, #tpu.memory_space<vmem>>, vector<16xi32>,
    %swap3A_306 = vector.shape_cast %swap3A_305 : vector<16xi32> to vector<16xi32>
    %swap3A_307 = vector.shape_cast %mul3A_303 : vector<16xi32> to vector<16xi32>
    tpu.vector_store %arg5[%swap3A_304], %swap3A_307 {strides = array<i32>} : memref<1664xi32, #tpu.memory_space<vmem>>, vector<16xi32>,
    %iota3A_308 = tpu.iota {dimensions = array<i32: 0>} : vector<16xi32>
    %add3A_309 = arith.constant 352 : i32
    %add3A_310 = vector.broadcast %add3A_309 : i32 to vector<16xi32>
    %add3A_311 = arith.addi %iota3A_308, %add3A_310 : vector<16xi32>
    %rem3A_312 = arith.constant 26 : i32
    %rem3A_313 = vector.broadcast %rem3A_312 : i32 to vector<16xi32>
    %rem3A_314 = arith.remsi %add3A_311, %rem3A_313 : vector<16xi32>
    %mul3A_315 = arith.constant 100000 : i32
    %mul3A_316 = vector.broadcast %mul3A_315 : i32 to vector<16xi32>
    %mul3A_317 = arith.muli %rem3A_314, %mul3A_316 : vector<16xi32>
    %swap3A_318 = arith.constant 352 : index
    %swap3A_319 = tpu.vector_load %arg5[%swap3A_318] {strides = array<i32>} : memref<1664xi32, #tpu.memory_space<vmem>>, vector<16xi32>,
    %swap3A_320 = vector.shape_cast %swap3A_319 : vector<16xi32> to vector<16xi32>
    %swap3A_321 = vector.shape_cast %mul3A_317 : vector<16xi32> to vector<16xi32>
    tpu.vector_store %arg5[%swap3A_318], %swap3A_321 {strides = array<i32>} : memref<1664xi32, #tpu.memory_space<vmem>>, vector<16xi32>,
    %iota3A_322 = tpu.iota {dimensions = array<i32: 0>} : vector<16xi32>
    %add3A_323 = arith.constant 368 : i32
    %add3A_324 = vector.broadcast %add3A_323 : i32 to vector<16xi32>
    %add3A_325 = arith.addi %iota3A_322, %add3A_324 : vector<16xi32>
    %rem3A_326 = arith.constant 26 : i32
    %rem3A_327 = vector.broadcast %rem3A_326 : i32 to vector<16xi32>
    %rem3A_328 = arith.remsi %add3A_325, %rem3A_327 : vector<16xi32>
    %mul3A_329 = arith.constant 100000 : i32
    %mul3A_330 = vector.broadcast %mul3A_329 : i32 to vector<16xi32>
    %mul3A_331 = arith.muli %rem3A_328, %mul3A_330 : vector<16xi32>
    %swap3A_332 = arith.constant 368 : index
    %swap3A_333 = tpu.vector_load %arg5[%swap3A_332] {strides = array<i32>} : memref<1664xi32, #tpu.memory_space<vmem>>, vector<16xi32>,
    %swap3A_334 = vector.shape_cast %swap3A_333 : vector<16xi32> to vector<16xi32>
    %swap3A_335 = vector.shape_cast %mul3A_331 : vector<16xi32> to vector<16xi32>
    tpu.vector_store %arg5[%swap3A_332], %swap3A_335 {strides = array<i32>} : memref<1664xi32, #tpu.memory_space<vmem>>, vector<16xi32>,
    %iota3A_336 = tpu.iota {dimensions = array<i32: 0>} : vector<16xi32>
    %add3A_337 = arith.constant 384 : i32
    %add3A_338 = vector.broadcast %add3A_337 : i32 to vector<16xi32>
    %add3A_339 = arith.addi %iota3A_336, %add3A_338 : vector<16xi32>
    %rem3A_340 = arith.constant 26 : i32
    %rem3A_341 = vector.broadcast %rem3A_340 : i32 to vector<16xi32>
    %rem3A_342 = arith.remsi %add3A_339, %rem3A_341 : vector<16xi32>
    %mul3A_343 = arith.constant 100000 : i32
    %mul3A_344 = vector.broadcast %mul3A_343 : i32 to vector<16xi32>
    %mul3A_345 = arith.muli %rem3A_342, %mul3A_344 : vector<16xi32>
    %swap3A_346 = arith.constant 384 : index
    %swap3A_347 = tpu.vector_load %arg5[%swap3A_346] {strides = array<i32>} : memref<1664xi32, #tpu.memory_space<vmem>>, vector<16xi32>,
    %swap3A_348 = vector.shape_cast %swap3A_347 : vector<16xi32> to vector<16xi32>
    %swap3A_349 = vector.shape_cast %mul3A_345 : vector<16xi32> to vector<16xi32>
    tpu.vector_store %arg5[%swap3A_346], %swap3A_349 {strides = array<i32>} : memref<1664xi32, #tpu.memory_space<vmem>>, vector<16xi32>,
    %iota3A_350 = tpu.iota {dimensions = array<i32: 0>} : vector<16xi32>
    %add3A_351 = arith.constant 400 : i32
    %add3A_352 = vector.broadcast %add3A_351 : i32 to vector<16xi32>
    %add3A_353 = arith.addi %iota3A_350, %add3A_352 : vector<16xi32>
    %rem3A_354 = arith.constant 26 : i32
    %rem3A_355 = vector.broadcast %rem3A_354 : i32 to vector<16xi32>
    %rem3A_356 = arith.remsi %add3A_353, %rem3A_355 : vector<16xi32>
    %mul3A_357 = arith.constant 100000 : i32
    %mul3A_358 = vector.broadcast %mul3A_357 : i32 to vector<16xi32>
    %mul3A_359 = arith.muli %rem3A_356, %mul3A_358 : vector<16xi32>
    %swap3A_360 = arith.constant 400 : index
    %swap3A_361 = tpu.vector_load %arg5[%swap3A_360] {strides = array<i32>} : memref<1664xi32, #tpu.memory_space<vmem>>, vector<16xi32>,
    %swap3A_362 = vector.shape_cast %swap3A_361 : vector<16xi32> to vector<16xi32>
    %swap3A_363 = vector.shape_cast %mul3A_359 : vector<16xi32> to vector<16xi32>
    tpu.vector_store %arg5[%swap3A_360], %swap3A_363 {strides = array<i32>} : memref<1664xi32, #tpu.memory_space<vmem>>, vector<16xi32>,
    %iota3A_364 = tpu.iota {dimensions = array<i32: 0>} : vector<16xi32>
    %add3A_365 = arith.constant 416 : i32
    %add3A_366 = vector.broadcast %add3A_365 : i32 to vector<16xi32>
    %add3A_367 = arith.addi %iota3A_364, %add3A_366 : vector<16xi32>
    %rem3A_368 = arith.constant 26 : i32
    %rem3A_369 = vector.broadcast %rem3A_368 : i32 to vector<16xi32>
    %rem3A_370 = arith.remsi %add3A_367, %rem3A_369 : vector<16xi32>
    %mul3A_371 = arith.constant 100000 : i32
    %mul3A_372 = vector.broadcast %mul3A_371 : i32 to vector<16xi32>
    %mul3A_373 = arith.muli %rem3A_370, %mul3A_372 : vector<16xi32>
    %swap3A_374 = arith.constant 416 : index
    %swap3A_375 = tpu.vector_load %arg5[%swap3A_374] {strides = array<i32>} : memref<1664xi32, #tpu.memory_space<vmem>>, vector<16xi32>,
    %swap3A_376 = vector.shape_cast %swap3A_375 : vector<16xi32> to vector<16xi32>
    %swap3A_377 = vector.shape_cast %mul3A_373 : vector<16xi32> to vector<16xi32>
    tpu.vector_store %arg5[%swap3A_374], %swap3A_377 {strides = array<i32>} : memref<1664xi32, #tpu.memory_space<vmem>>, vector<16xi32>,
    %iota3A_378 = tpu.iota {dimensions = array<i32: 0>} : vector<16xi32>
    %add3A_379 = arith.constant 432 : i32
    %add3A_380 = vector.broadcast %add3A_379 : i32 to vector<16xi32>
    %add3A_381 = arith.addi %iota3A_378, %add3A_380 : vector<16xi32>
    %rem3A_382 = arith.constant 26 : i32
    %rem3A_383 = vector.broadcast %rem3A_382 : i32 to vector<16xi32>
    %rem3A_384 = arith.remsi %add3A_381, %rem3A_383 : vector<16xi32>
    %mul3A_385 = arith.constant 100000 : i32
    %mul3A_386 = vector.broadcast %mul3A_385 : i32 to vector<16xi32>
    %mul3A_387 = arith.muli %rem3A_384, %mul3A_386 : vector<16xi32>
    %swap3A_388 = arith.constant 432 : index
    %swap3A_389 = tpu.vector_load %arg5[%swap3A_388] {strides = array<i32>} : memref<1664xi32, #tpu.memory_space<vmem>>, vector<16xi32>,
    %swap3A_390 = vector.shape_cast %swap3A_389 : vector<16xi32> to vector<16xi32>
    %swap3A_391 = vector.shape_cast %mul3A_387 : vector<16xi32> to vector<16xi32>
    tpu.vector_store %arg5[%swap3A_388], %swap3A_391 {strides = array<i32>} : memref<1664xi32, #tpu.memory_space<vmem>>, vector<16xi32>,
    %iota3A_392 = tpu.iota {dimensions = array<i32: 0>} : vector<16xi32>
    %add3A_393 = arith.constant 448 : i32
    %add3A_394 = vector.broadcast %add3A_393 : i32 to vector<16xi32>
    %add3A_395 = arith.addi %iota3A_392, %add3A_394 : vector<16xi32>
    %rem3A_396 = arith.constant 26 : i32
    %rem3A_397 = vector.broadcast %rem3A_396 : i32 to vector<16xi32>
    %rem3A_398 = arith.remsi %add3A_395, %rem3A_397 : vector<16xi32>
    %mul3A_399 = arith.constant 100000 : i32
    %mul3A_400 = vector.broadcast %mul3A_399 : i32 to vector<16xi32>
    %mul3A_401 = arith.muli %rem3A_398, %mul3A_400 : vector<16xi32>
    %swap3A_402 = arith.constant 448 : index
    %swap3A_403 = tpu.vector_load %arg5[%swap3A_402] {strides = array<i32>} : memref<1664xi32, #tpu.memory_space<vmem>>, vector<16xi32>,
    %swap3A_404 = vector.shape_cast %swap3A_403 : vector<16xi32> to vector<16xi32>
    %swap3A_405 = vector.shape_cast %mul3A_401 : vector<16xi32> to vector<16xi32>
    tpu.vector_store %arg5[%swap3A_402], %swap3A_405 {strides = array<i32>} : memref<1664xi32, #tpu.memory_space<vmem>>, vector<16xi32>,
    %iota3A_406 = tpu.iota {dimensions = array<i32: 0>} : vector<16xi32>
    %add3A_407 = arith.constant 464 : i32
    %add3A_408 = vector.broadcast %add3A_407 : i32 to vector<16xi32>
    %add3A_409 = arith.addi %iota3A_406, %add3A_408 : vector<16xi32>
    %rem3A_410 = arith.constant 26 : i32
    %rem3A_411 = vector.broadcast %rem3A_410 : i32 to vector<16xi32>
    %rem3A_412 = arith.remsi %add3A_409, %rem3A_411 : vector<16xi32>
    %mul3A_413 = arith.constant 100000 : i32
    %mul3A_414 = vector.broadcast %mul3A_413 : i32 to vector<16xi32>
    %mul3A_415 = arith.muli %rem3A_412, %mul3A_414 : vector<16xi32>
    %swap3A_416 = arith.constant 464 : index
    %swap3A_417 = tpu.vector_load %arg5[%swap3A_416] {strides = array<i32>} : memref<1664xi32, #tpu.memory_space<vmem>>, vector<16xi32>,
    %swap3A_418 = vector.shape_cast %swap3A_417 : vector<16xi32> to vector<16xi32>
    %swap3A_419 = vector.shape_cast %mul3A_415 : vector<16xi32> to vector<16xi32>
    tpu.vector_store %arg5[%swap3A_416], %swap3A_419 {strides = array<i32>} : memref<1664xi32, #tpu.memory_space<vmem>>, vector<16xi32>,
    %iota3A_420 = tpu.iota {dimensions = array<i32: 0>} : vector<16xi32>
    %add3A_421 = arith.constant 480 : i32
    %add3A_422 = vector.broadcast %add3A_421 : i32 to vector<16xi32>
    %add3A_423 = arith.addi %iota3A_420, %add3A_422 : vector<16xi32>
    %rem3A_424 = arith.constant 26 : i32
    %rem3A_425 = vector.broadcast %rem3A_424 : i32 to vector<16xi32>
    %rem3A_426 = arith.remsi %add3A_423, %rem3A_425 : vector<16xi32>
    %mul3A_427 = arith.constant 100000 : i32
    %mul3A_428 = vector.broadcast %mul3A_427 : i32 to vector<16xi32>
    %mul3A_429 = arith.muli %rem3A_426, %mul3A_428 : vector<16xi32>
    %swap3A_430 = arith.constant 480 : index
    %swap3A_431 = tpu.vector_load %arg5[%swap3A_430] {strides = array<i32>} : memref<1664xi32, #tpu.memory_space<vmem>>, vector<16xi32>,
    %swap3A_432 = vector.shape_cast %swap3A_431 : vector<16xi32> to vector<16xi32>
    %swap3A_433 = vector.shape_cast %mul3A_429 : vector<16xi32> to vector<16xi32>
    tpu.vector_store %arg5[%swap3A_430], %swap3A_433 {strides = array<i32>} : memref<1664xi32, #tpu.memory_space<vmem>>, vector<16xi32>,
    %iota3A_434 = tpu.iota {dimensions = array<i32: 0>} : vector<16xi32>
    %add3A_435 = arith.constant 496 : i32
    %add3A_436 = vector.broadcast %add3A_435 : i32 to vector<16xi32>
    %add3A_437 = arith.addi %iota3A_434, %add3A_436 : vector<16xi32>
    %rem3A_438 = arith.constant 26 : i32
    %rem3A_439 = vector.broadcast %rem3A_438 : i32 to vector<16xi32>
    %rem3A_440 = arith.remsi %add3A_437, %rem3A_439 : vector<16xi32>
    %mul3A_441 = arith.constant 100000 : i32
    %mul3A_442 = vector.broadcast %mul3A_441 : i32 to vector<16xi32>
    %mul3A_443 = arith.muli %rem3A_440, %mul3A_442 : vector<16xi32>
    %swap3A_444 = arith.constant 496 : index
    %swap3A_445 = tpu.vector_load %arg5[%swap3A_444] {strides = array<i32>} : memref<1664xi32, #tpu.memory_space<vmem>>, vector<16xi32>,
    %swap3A_446 = vector.shape_cast %swap3A_445 : vector<16xi32> to vector<16xi32>
    %swap3A_447 = vector.shape_cast %mul3A_443 : vector<16xi32> to vector<16xi32>
    tpu.vector_store %arg5[%swap3A_444], %swap3A_447 {strides = array<i32>} : memref<1664xi32, #tpu.memory_space<vmem>>, vector<16xi32>,
    %iota3A_448 = tpu.iota {dimensions = array<i32: 0>} : vector<16xi32>
    %add3A_449 = arith.constant 512 : i32
    %add3A_450 = vector.broadcast %add3A_449 : i32 to vector<16xi32>
    %add3A_451 = arith.addi %iota3A_448, %add3A_450 : vector<16xi32>
    %rem3A_452 = arith.constant 26 : i32
    %rem3A_453 = vector.broadcast %rem3A_452 : i32 to vector<16xi32>
    %rem3A_454 = arith.remsi %add3A_451, %rem3A_453 : vector<16xi32>
    %mul3A_455 = arith.constant 100000 : i32
    %mul3A_456 = vector.broadcast %mul3A_455 : i32 to vector<16xi32>
    %mul3A_457 = arith.muli %rem3A_454, %mul3A_456 : vector<16xi32>
    %swap3A_458 = arith.constant 512 : index
    %swap3A_459 = tpu.vector_load %arg5[%swap3A_458] {strides = array<i32>} : memref<1664xi32, #tpu.memory_space<vmem>>, vector<16xi32>,
    %swap3A_460 = vector.shape_cast %swap3A_459 : vector<16xi32> to vector<16xi32>
    %swap3A_461 = vector.shape_cast %mul3A_457 : vector<16xi32> to vector<16xi32>
    tpu.vector_store %arg5[%swap3A_458], %swap3A_461 {strides = array<i32>} : memref<1664xi32, #tpu.memory_space<vmem>>, vector<16xi32>,
    %iota3A_462 = tpu.iota {dimensions = array<i32: 0>} : vector<16xi32>
    %add3A_463 = arith.constant 528 : i32
    %add3A_464 = vector.broadcast %add3A_463 : i32 to vector<16xi32>
    %add3A_465 = arith.addi %iota3A_462, %add3A_464 : vector<16xi32>
    %rem3A_466 = arith.constant 26 : i32
    %rem3A_467 = vector.broadcast %rem3A_466 : i32 to vector<16xi32>
    %rem3A_468 = arith.remsi %add3A_465, %rem3A_467 : vector<16xi32>
    %mul3A_469 = arith.constant 100000 : i32
    %mul3A_470 = vector.broadcast %mul3A_469 : i32 to vector<16xi32>
    %mul3A_471 = arith.muli %rem3A_468, %mul3A_470 : vector<16xi32>
    %swap3A_472 = arith.constant 528 : index
    %swap3A_473 = tpu.vector_load %arg5[%swap3A_472] {strides = array<i32>} : memref<1664xi32, #tpu.memory_space<vmem>>, vector<16xi32>,
    %swap3A_474 = vector.shape_cast %swap3A_473 : vector<16xi32> to vector<16xi32>
    %swap3A_475 = vector.shape_cast %mul3A_471 : vector<16xi32> to vector<16xi32>
    tpu.vector_store %arg5[%swap3A_472], %swap3A_475 {strides = array<i32>} : memref<1664xi32, #tpu.memory_space<vmem>>, vector<16xi32>,
    %iota3A_476 = tpu.iota {dimensions = array<i32: 0>} : vector<16xi32>
    %add3A_477 = arith.constant 544 : i32
    %add3A_478 = vector.broadcast %add3A_477 : i32 to vector<16xi32>
    %add3A_479 = arith.addi %iota3A_476, %add3A_478 : vector<16xi32>
    %rem3A_480 = arith.constant 26 : i32
    %rem3A_481 = vector.broadcast %rem3A_480 : i32 to vector<16xi32>
    %rem3A_482 = arith.remsi %add3A_479, %rem3A_481 : vector<16xi32>
    %mul3A_483 = arith.constant 100000 : i32
    %mul3A_484 = vector.broadcast %mul3A_483 : i32 to vector<16xi32>
    %mul3A_485 = arith.muli %rem3A_482, %mul3A_484 : vector<16xi32>
    %swap3A_486 = arith.constant 544 : index
    %swap3A_487 = tpu.vector_load %arg5[%swap3A_486] {strides = array<i32>} : memref<1664xi32, #tpu.memory_space<vmem>>, vector<16xi32>,
    %swap3A_488 = vector.shape_cast %swap3A_487 : vector<16xi32> to vector<16xi32>
    %swap3A_489 = vector.shape_cast %mul3A_485 : vector<16xi32> to vector<16xi32>
    tpu.vector_store %arg5[%swap3A_486], %swap3A_489 {strides = array<i32>} : memref<1664xi32, #tpu.memory_space<vmem>>, vector<16xi32>,
    %iota3A_490 = tpu.iota {dimensions = array<i32: 0>} : vector<16xi32>
    %add3A_491 = arith.constant 560 : i32
    %add3A_492 = vector.broadcast %add3A_491 : i32 to vector<16xi32>
    %add3A_493 = arith.addi %iota3A_490, %add3A_492 : vector<16xi32>
    %rem3A_494 = arith.constant 26 : i32
    %rem3A_495 = vector.broadcast %rem3A_494 : i32 to vector<16xi32>
    %rem3A_496 = arith.remsi %add3A_493, %rem3A_495 : vector<16xi32>
    %mul3A_497 = arith.constant 100000 : i32
    %mul3A_498 = vector.broadcast %mul3A_497 : i32 to vector<16xi32>
    %mul3A_499 = arith.muli %rem3A_496, %mul3A_498 : vector<16xi32>
    %swap3A_500 = arith.constant 560 : index
    %swap3A_501 = tpu.vector_load %arg5[%swap3A_500] {strides = array<i32>} : memref<1664xi32, #tpu.memory_space<vmem>>, vector<16xi32>,
    %swap3A_502 = vector.shape_cast %swap3A_501 : vector<16xi32> to vector<16xi32>
    %swap3A_503 = vector.shape_cast %mul3A_499 : vector<16xi32> to vector<16xi32>
    tpu.vector_store %arg5[%swap3A_500], %swap3A_503 {strides = array<i32>} : memref<1664xi32, #tpu.memory_space<vmem>>, vector<16xi32>,
    %iota3A_504 = tpu.iota {dimensions = array<i32: 0>} : vector<16xi32>
    %add3A_505 = arith.constant 576 : i32
    %add3A_506 = vector.broadcast %add3A_505 : i32 to vector<16xi32>
    %add3A_507 = arith.addi %iota3A_504, %add3A_506 : vector<16xi32>
    %rem3A_508 = arith.constant 26 : i32
    %rem3A_509 = vector.broadcast %rem3A_508 : i32 to vector<16xi32>
    %rem3A_510 = arith.remsi %add3A_507, %rem3A_509 : vector<16xi32>
    %mul3A_511 = arith.constant 100000 : i32
    %mul3A_512 = vector.broadcast %mul3A_511 : i32 to vector<16xi32>
    %mul3A_513 = arith.muli %rem3A_510, %mul3A_512 : vector<16xi32>
    %swap3A_514 = arith.constant 576 : index
    %swap3A_515 = tpu.vector_load %arg5[%swap3A_514] {strides = array<i32>} : memref<1664xi32, #tpu.memory_space<vmem>>, vector<16xi32>,
    %swap3A_516 = vector.shape_cast %swap3A_515 : vector<16xi32> to vector<16xi32>
    %swap3A_517 = vector.shape_cast %mul3A_513 : vector<16xi32> to vector<16xi32>
    tpu.vector_store %arg5[%swap3A_514], %swap3A_517 {strides = array<i32>} : memref<1664xi32, #tpu.memory_space<vmem>>, vector<16xi32>,
    %iota3A_518 = tpu.iota {dimensions = array<i32: 0>} : vector<16xi32>
    %add3A_519 = arith.constant 592 : i32
    %add3A_520 = vector.broadcast %add3A_519 : i32 to vector<16xi32>
    %add3A_521 = arith.addi %iota3A_518, %add3A_520 : vector<16xi32>
    %rem3A_522 = arith.constant 26 : i32
    %rem3A_523 = vector.broadcast %rem3A_522 : i32 to vector<16xi32>
    %rem3A_524 = arith.remsi %add3A_521, %rem3A_523 : vector<16xi32>
    %mul3A_525 = arith.constant 100000 : i32
    %mul3A_526 = vector.broadcast %mul3A_525 : i32 to vector<16xi32>
    %mul3A_527 = arith.muli %rem3A_524, %mul3A_526 : vector<16xi32>
    %swap3A_528 = arith.constant 592 : index
    %swap3A_529 = tpu.vector_load %arg5[%swap3A_528] {strides = array<i32>} : memref<1664xi32, #tpu.memory_space<vmem>>, vector<16xi32>,
    %swap3A_530 = vector.shape_cast %swap3A_529 : vector<16xi32> to vector<16xi32>
    %swap3A_531 = vector.shape_cast %mul3A_527 : vector<16xi32> to vector<16xi32>
    tpu.vector_store %arg5[%swap3A_528], %swap3A_531 {strides = array<i32>} : memref<1664xi32, #tpu.memory_space<vmem>>, vector<16xi32>,
    %iota3A_532 = tpu.iota {dimensions = array<i32: 0>} : vector<16xi32>
    %add3A_533 = arith.constant 608 : i32
    %add3A_534 = vector.broadcast %add3A_533 : i32 to vector<16xi32>
    %add3A_535 = arith.addi %iota3A_532, %add3A_534 : vector<16xi32>
    %rem3A_536 = arith.constant 26 : i32
    %rem3A_537 = vector.broadcast %rem3A_536 : i32 to vector<16xi32>
    %rem3A_538 = arith.remsi %add3A_535, %rem3A_537 : vector<16xi32>
    %mul3A_539 = arith.constant 100000 : i32
    %mul3A_540 = vector.broadcast %mul3A_539 : i32 to vector<16xi32>
    %mul3A_541 = arith.muli %rem3A_538, %mul3A_540 : vector<16xi32>
    %swap3A_542 = arith.constant 608 : index
    %swap3A_543 = tpu.vector_load %arg5[%swap3A_542] {strides = array<i32>} : memref<1664xi32, #tpu.memory_space<vmem>>, vector<16xi32>,
    %swap3A_544 = vector.shape_cast %swap3A_543 : vector<16xi32> to vector<16xi32>
    %swap3A_545 = vector.shape_cast %mul3A_541 : vector<16xi32> to vector<16xi32>
    tpu.vector_store %arg5[%swap3A_542], %swap3A_545 {strides = array<i32>} : memref<1664xi32, #tpu.memory_space<vmem>>, vector<16xi32>,
    %iota3A_546 = tpu.iota {dimensions = array<i32: 0>} : vector<16xi32>
    %add3A_547 = arith.constant 624 : i32
    %add3A_548 = vector.broadcast %add3A_547 : i32 to vector<16xi32>
    %add3A_549 = arith.addi %iota3A_546, %add3A_548 : vector<16xi32>
    %rem3A_550 = arith.constant 26 : i32
    %rem3A_551 = vector.broadcast %rem3A_550 : i32 to vector<16xi32>
    %rem3A_552 = arith.remsi %add3A_549, %rem3A_551 : vector<16xi32>
    %mul3A_553 = arith.constant 100000 : i32
    %mul3A_554 = vector.broadcast %mul3A_553 : i32 to vector<16xi32>
    %mul3A_555 = arith.muli %rem3A_552, %mul3A_554 : vector<16xi32>
    %swap3A_556 = arith.constant 624 : index
    %swap3A_557 = tpu.vector_load %arg5[%swap3A_556] {strides = array<i32>} : memref<1664xi32, #tpu.memory_space<vmem>>, vector<16xi32>,
    %swap3A_558 = vector.shape_cast %swap3A_557 : vector<16xi32> to vector<16xi32>
    %swap3A_559 = vector.shape_cast %mul3A_555 : vector<16xi32> to vector<16xi32>
    tpu.vector_store %arg5[%swap3A_556], %swap3A_559 {strides = array<i32>} : memref<1664xi32, #tpu.memory_space<vmem>>, vector<16xi32>,
    %iota3A_560 = tpu.iota {dimensions = array<i32: 0>} : vector<16xi32>
    %add3A_561 = arith.constant 640 : i32
    %add3A_562 = vector.broadcast %add3A_561 : i32 to vector<16xi32>
    %add3A_563 = arith.addi %iota3A_560, %add3A_562 : vector<16xi32>
    %rem3A_564 = arith.constant 26 : i32
    %rem3A_565 = vector.broadcast %rem3A_564 : i32 to vector<16xi32>
    %rem3A_566 = arith.remsi %add3A_563, %rem3A_565 : vector<16xi32>
    %mul3A_567 = arith.constant 100000 : i32
    %mul3A_568 = vector.broadcast %mul3A_567 : i32 to vector<16xi32>
    %mul3A_569 = arith.muli %rem3A_566, %mul3A_568 : vector<16xi32>
    %swap3A_570 = arith.constant 640 : index
    %swap3A_571 = tpu.vector_load %arg5[%swap3A_570] {strides = array<i32>} : memref<1664xi32, #tpu.memory_space<vmem>>, vector<16xi32>,
    %swap3A_572 = vector.shape_cast %swap3A_571 : vector<16xi32> to vector<16xi32>
    %swap3A_573 = vector.shape_cast %mul3A_569 : vector<16xi32> to vector<16xi32>
    tpu.vector_store %arg5[%swap3A_570], %swap3A_573 {strides = array<i32>} : memref<1664xi32, #tpu.memory_space<vmem>>, vector<16xi32>,
    %iota3A_574 = tpu.iota {dimensions = array<i32: 0>} : vector<16xi32>
    %add3A_575 = arith.constant 656 : i32
    %add3A_576 = vector.broadcast %add3A_575 : i32 to vector<16xi32>
    %add3A_577 = arith.addi %iota3A_574, %add3A_576 : vector<16xi32>
    %rem3A_578 = arith.constant 26 : i32
    %rem3A_579 = vector.broadcast %rem3A_578 : i32 to vector<16xi32>
    %rem3A_580 = arith.remsi %add3A_577, %rem3A_579 : vector<16xi32>
    %mul3A_581 = arith.constant 100000 : i32
    %mul3A_582 = vector.broadcast %mul3A_581 : i32 to vector<16xi32>
    %mul3A_583 = arith.muli %rem3A_580, %mul3A_582 : vector<16xi32>
    %swap3A_584 = arith.constant 656 : index
    %swap3A_585 = tpu.vector_load %arg5[%swap3A_584] {strides = array<i32>} : memref<1664xi32, #tpu.memory_space<vmem>>, vector<16xi32>,
    %swap3A_586 = vector.shape_cast %swap3A_585 : vector<16xi32> to vector<16xi32>
    %swap3A_587 = vector.shape_cast %mul3A_583 : vector<16xi32> to vector<16xi32>
    tpu.vector_store %arg5[%swap3A_584], %swap3A_587 {strides = array<i32>} : memref<1664xi32, #tpu.memory_space<vmem>>, vector<16xi32>,
    %iota3A_588 = tpu.iota {dimensions = array<i32: 0>} : vector<16xi32>
    %add3A_589 = arith.constant 672 : i32
    %add3A_590 = vector.broadcast %add3A_589 : i32 to vector<16xi32>
    %add3A_591 = arith.addi %iota3A_588, %add3A_590 : vector<16xi32>
    %rem3A_592 = arith.constant 26 : i32
    %rem3A_593 = vector.broadcast %rem3A_592 : i32 to vector<16xi32>
    %rem3A_594 = arith.remsi %add3A_591, %rem3A_593 : vector<16xi32>
    %mul3A_595 = arith.constant 100000 : i32
    %mul3A_596 = vector.broadcast %mul3A_595 : i32 to vector<16xi32>
    %mul3A_597 = arith.muli %rem3A_594, %mul3A_596 : vector<16xi32>
    %swap3A_598 = arith.constant 672 : index
    %swap3A_599 = tpu.vector_load %arg5[%swap3A_598] {strides = array<i32>} : memref<1664xi32, #tpu.memory_space<vmem>>, vector<16xi32>,
    %swap3A_600 = vector.shape_cast %swap3A_599 : vector<16xi32> to vector<16xi32>
    %swap3A_601 = vector.shape_cast %mul3A_597 : vector<16xi32> to vector<16xi32>
    tpu.vector_store %arg5[%swap3A_598], %swap3A_601 {strides = array<i32>} : memref<1664xi32, #tpu.memory_space<vmem>>, vector<16xi32>,
    %iota3A_602 = tpu.iota {dimensions = array<i32: 0>} : vector<16xi32>
    %add3A_603 = arith.constant 688 : i32
    %add3A_604 = vector.broadcast %add3A_603 : i32 to vector<16xi32>
    %add3A_605 = arith.addi %iota3A_602, %add3A_604 : vector<16xi32>
    %rem3A_606 = arith.constant 26 : i32
    %rem3A_607 = vector.broadcast %rem3A_606 : i32 to vector<16xi32>
    %rem3A_608 = arith.remsi %add3A_605, %rem3A_607 : vector<16xi32>
    %mul3A_609 = arith.constant 100000 : i32
    %mul3A_610 = vector.broadcast %mul3A_609 : i32 to vector<16xi32>
    %mul3A_611 = arith.muli %rem3A_608, %mul3A_610 : vector<16xi32>
    %swap3A_612 = arith.constant 688 : index
    %swap3A_613 = tpu.vector_load %arg5[%swap3A_612] {strides = array<i32>} : memref<1664xi32, #tpu.memory_space<vmem>>, vector<16xi32>,
    %swap3A_614 = vector.shape_cast %swap3A_613 : vector<16xi32> to vector<16xi32>
    %swap3A_615 = vector.shape_cast %mul3A_611 : vector<16xi32> to vector<16xi32>
    tpu.vector_store %arg5[%swap3A_612], %swap3A_615 {strides = array<i32>} : memref<1664xi32, #tpu.memory_space<vmem>>, vector<16xi32>,
    %iota3A_616 = tpu.iota {dimensions = array<i32: 0>} : vector<16xi32>
    %add3A_617 = arith.constant 704 : i32
    %add3A_618 = vector.broadcast %add3A_617 : i32 to vector<16xi32>
    %add3A_619 = arith.addi %iota3A_616, %add3A_618 : vector<16xi32>
    %rem3A_620 = arith.constant 26 : i32
    %rem3A_621 = vector.broadcast %rem3A_620 : i32 to vector<16xi32>
    %rem3A_622 = arith.remsi %add3A_619, %rem3A_621 : vector<16xi32>
    %mul3A_623 = arith.constant 100000 : i32
    %mul3A_624 = vector.broadcast %mul3A_623 : i32 to vector<16xi32>
    %mul3A_625 = arith.muli %rem3A_622, %mul3A_624 : vector<16xi32>
    %swap3A_626 = arith.constant 704 : index
    %swap3A_627 = tpu.vector_load %arg5[%swap3A_626] {strides = array<i32>} : memref<1664xi32, #tpu.memory_space<vmem>>, vector<16xi32>,
    %swap3A_628 = vector.shape_cast %swap3A_627 : vector<16xi32> to vector<16xi32>
    %swap3A_629 = vector.shape_cast %mul3A_625 : vector<16xi32> to vector<16xi32>
    tpu.vector_store %arg5[%swap3A_626], %swap3A_629 {strides = array<i32>} : memref<1664xi32, #tpu.memory_space<vmem>>, vector<16xi32>,
    %iota3A_630 = tpu.iota {dimensions = array<i32: 0>} : vector<16xi32>
    %add3A_631 = arith.constant 720 : i32
    %add3A_632 = vector.broadcast %add3A_631 : i32 to vector<16xi32>
    %add3A_633 = arith.addi %iota3A_630, %add3A_632 : vector<16xi32>
    %rem3A_634 = arith.constant 26 : i32
    %rem3A_635 = vector.broadcast %rem3A_634 : i32 to vector<16xi32>
    %rem3A_636 = arith.remsi %add3A_633, %rem3A_635 : vector<16xi32>
    %mul3A_637 = arith.constant 100000 : i32
    %mul3A_638 = vector.broadcast %mul3A_637 : i32 to vector<16xi32>
    %mul3A_639 = arith.muli %rem3A_636, %mul3A_638 : vector<16xi32>
    %swap3A_640 = arith.constant 720 : index
    %swap3A_641 = tpu.vector_load %arg5[%swap3A_640] {strides = array<i32>} : memref<1664xi32, #tpu.memory_space<vmem>>, vector<16xi32>,
    %swap3A_642 = vector.shape_cast %swap3A_641 : vector<16xi32> to vector<16xi32>
    %swap3A_643 = vector.shape_cast %mul3A_639 : vector<16xi32> to vector<16xi32>
    tpu.vector_store %arg5[%swap3A_640], %swap3A_643 {strides = array<i32>} : memref<1664xi32, #tpu.memory_space<vmem>>, vector<16xi32>,
    %iota3A_644 = tpu.iota {dimensions = array<i32: 0>} : vector<16xi32>
    %add3A_645 = arith.constant 736 : i32
    %add3A_646 = vector.broadcast %add3A_645 : i32 to vector<16xi32>
    %add3A_647 = arith.addi %iota3A_644, %add3A_646 : vector<16xi32>
    %rem3A_648 = arith.constant 26 : i32
    %rem3A_649 = vector.broadcast %rem3A_648 : i32 to vector<16xi32>
    %rem3A_650 = arith.remsi %add3A_647, %rem3A_649 : vector<16xi32>
    %mul3A_651 = arith.constant 100000 : i32
    %mul3A_652 = vector.broadcast %mul3A_651 : i32 to vector<16xi32>
    %mul3A_653 = arith.muli %rem3A_650, %mul3A_652 : vector<16xi32>
    %swap3A_654 = arith.constant 736 : index
    %swap3A_655 = tpu.vector_load %arg5[%swap3A_654] {strides = array<i32>} : memref<1664xi32, #tpu.memory_space<vmem>>, vector<16xi32>,
    %swap3A_656 = vector.shape_cast %swap3A_655 : vector<16xi32> to vector<16xi32>
    %swap3A_657 = vector.shape_cast %mul3A_653 : vector<16xi32> to vector<16xi32>
    tpu.vector_store %arg5[%swap3A_654], %swap3A_657 {strides = array<i32>} : memref<1664xi32, #tpu.memory_space<vmem>>, vector<16xi32>,
    %iota3A_658 = tpu.iota {dimensions = array<i32: 0>} : vector<16xi32>
    %add3A_659 = arith.constant 752 : i32
    %add3A_660 = vector.broadcast %add3A_659 : i32 to vector<16xi32>
    %add3A_661 = arith.addi %iota3A_658, %add3A_660 : vector<16xi32>
    %rem3A_662 = arith.constant 26 : i32
    %rem3A_663 = vector.broadcast %rem3A_662 : i32 to vector<16xi32>
    %rem3A_664 = arith.remsi %add3A_661, %rem3A_663 : vector<16xi32>
    %mul3A_665 = arith.constant 100000 : i32
    %mul3A_666 = vector.broadcast %mul3A_665 : i32 to vector<16xi32>
    %mul3A_667 = arith.muli %rem3A_664, %mul3A_666 : vector<16xi32>
    %swap3A_668 = arith.constant 752 : index
    %swap3A_669 = tpu.vector_load %arg5[%swap3A_668] {strides = array<i32>} : memref<1664xi32, #tpu.memory_space<vmem>>, vector<16xi32>,
    %swap3A_670 = vector.shape_cast %swap3A_669 : vector<16xi32> to vector<16xi32>
    %swap3A_671 = vector.shape_cast %mul3A_667 : vector<16xi32> to vector<16xi32>
    tpu.vector_store %arg5[%swap3A_668], %swap3A_671 {strides = array<i32>} : memref<1664xi32, #tpu.memory_space<vmem>>, vector<16xi32>,
    %iota3A_672 = tpu.iota {dimensions = array<i32: 0>} : vector<16xi32>
    %add3A_673 = arith.constant 768 : i32
    %add3A_674 = vector.broadcast %add3A_673 : i32 to vector<16xi32>
    %add3A_675 = arith.addi %iota3A_672, %add3A_674 : vector<16xi32>
    %rem3A_676 = arith.constant 26 : i32
    %rem3A_677 = vector.broadcast %rem3A_676 : i32 to vector<16xi32>
    %rem3A_678 = arith.remsi %add3A_675, %rem3A_677 : vector<16xi32>
    %mul3A_679 = arith.constant 100000 : i32
    %mul3A_680 = vector.broadcast %mul3A_679 : i32 to vector<16xi32>
    %mul3A_681 = arith.muli %rem3A_678, %mul3A_680 : vector<16xi32>
    %swap3A_682 = arith.constant 768 : index
    %swap3A_683 = tpu.vector_load %arg5[%swap3A_682] {strides = array<i32>} : memref<1664xi32, #tpu.memory_space<vmem>>, vector<16xi32>,
    %swap3A_684 = vector.shape_cast %swap3A_683 : vector<16xi32> to vector<16xi32>
    %swap3A_685 = vector.shape_cast %mul3A_681 : vector<16xi32> to vector<16xi32>
    tpu.vector_store %arg5[%swap3A_682], %swap3A_685 {strides = array<i32>} : memref<1664xi32, #tpu.memory_space<vmem>>, vector<16xi32>,
    %iota3A_686 = tpu.iota {dimensions = array<i32: 0>} : vector<16xi32>
    %add3A_687 = arith.constant 784 : i32
    %add3A_688 = vector.broadcast %add3A_687 : i32 to vector<16xi32>
    %add3A_689 = arith.addi %iota3A_686, %add3A_688 : vector<16xi32>
    %rem3A_690 = arith.constant 26 : i32
    %rem3A_691 = vector.broadcast %rem3A_690 : i32 to vector<16xi32>
    %rem3A_692 = arith.remsi %add3A_689, %rem3A_691 : vector<16xi32>
    %mul3A_693 = arith.constant 100000 : i32
    %mul3A_694 = vector.broadcast %mul3A_693 : i32 to vector<16xi32>
    %mul3A_695 = arith.muli %rem3A_692, %mul3A_694 : vector<16xi32>
    %swap3A_696 = arith.constant 784 : index
    %swap3A_697 = tpu.vector_load %arg5[%swap3A_696] {strides = array<i32>} : memref<1664xi32, #tpu.memory_space<vmem>>, vector<16xi32>,
    %swap3A_698 = vector.shape_cast %swap3A_697 : vector<16xi32> to vector<16xi32>
    %swap3A_699 = vector.shape_cast %mul3A_695 : vector<16xi32> to vector<16xi32>
    tpu.vector_store %arg5[%swap3A_696], %swap3A_699 {strides = array<i32>} : memref<1664xi32, #tpu.memory_space<vmem>>, vector<16xi32>,
    %iota3A_700 = tpu.iota {dimensions = array<i32: 0>} : vector<16xi32>
    %add3A_701 = arith.constant 800 : i32
    %add3A_702 = vector.broadcast %add3A_701 : i32 to vector<16xi32>
    %add3A_703 = arith.addi %iota3A_700, %add3A_702 : vector<16xi32>
    %rem3A_704 = arith.constant 26 : i32
    %rem3A_705 = vector.broadcast %rem3A_704 : i32 to vector<16xi32>
    %rem3A_706 = arith.remsi %add3A_703, %rem3A_705 : vector<16xi32>
    %mul3A_707 = arith.constant 100000 : i32
    %mul3A_708 = vector.broadcast %mul3A_707 : i32 to vector<16xi32>
    %mul3A_709 = arith.muli %rem3A_706, %mul3A_708 : vector<16xi32>
    %swap3A_710 = arith.constant 800 : index
    %swap3A_711 = tpu.vector_load %arg5[%swap3A_710] {strides = array<i32>} : memref<1664xi32, #tpu.memory_space<vmem>>, vector<16xi32>,
    %swap3A_712 = vector.shape_cast %swap3A_711 : vector<16xi32> to vector<16xi32>
    %swap3A_713 = vector.shape_cast %mul3A_709 : vector<16xi32> to vector<16xi32>
    tpu.vector_store %arg5[%swap3A_710], %swap3A_713 {strides = array<i32>} : memref<1664xi32, #tpu.memory_space<vmem>>, vector<16xi32>,
    %iota3A_714 = tpu.iota {dimensions = array<i32: 0>} : vector<16xi32>
    %add3A_715 = arith.constant 816 : i32
    %add3A_716 = vector.broadcast %add3A_715 : i32 to vector<16xi32>
    %add3A_717 = arith.addi %iota3A_714, %add3A_716 : vector<16xi32>
    %rem3A_718 = arith.constant 26 : i32
    %rem3A_719 = vector.broadcast %rem3A_718 : i32 to vector<16xi32>
    %rem3A_720 = arith.remsi %add3A_717, %rem3A_719 : vector<16xi32>
    %mul3A_721 = arith.constant 100000 : i32
    %mul3A_722 = vector.broadcast %mul3A_721 : i32 to vector<16xi32>
    %mul3A_723 = arith.muli %rem3A_720, %mul3A_722 : vector<16xi32>
    %swap3A_724 = arith.constant 816 : index
    %swap3A_725 = tpu.vector_load %arg5[%swap3A_724] {strides = array<i32>} : memref<1664xi32, #tpu.memory_space<vmem>>, vector<16xi32>,
    %swap3A_726 = vector.shape_cast %swap3A_725 : vector<16xi32> to vector<16xi32>
    %swap3A_727 = vector.shape_cast %mul3A_723 : vector<16xi32> to vector<16xi32>
    tpu.vector_store %arg5[%swap3A_724], %swap3A_727 {strides = array<i32>} : memref<1664xi32, #tpu.memory_space<vmem>>, vector<16xi32>,
    %iota3A_728 = tpu.iota {dimensions = array<i32: 0>} : vector<16xi32>
    %add3A_729 = arith.constant 832 : i32
    %add3A_730 = vector.broadcast %add3A_729 : i32 to vector<16xi32>
    %add3A_731 = arith.addi %iota3A_728, %add3A_730 : vector<16xi32>
    %rem3A_732 = arith.constant 26 : i32
    %rem3A_733 = vector.broadcast %rem3A_732 : i32 to vector<16xi32>
    %rem3A_734 = arith.remsi %add3A_731, %rem3A_733 : vector<16xi32>
    %mul3A_735 = arith.constant 100000 : i32
    %mul3A_736 = vector.broadcast %mul3A_735 : i32 to vector<16xi32>
    %mul3A_737 = arith.muli %rem3A_734, %mul3A_736 : vector<16xi32>
    %swap3A_738 = arith.constant 832 : index
    %swap3A_739 = tpu.vector_load %arg5[%swap3A_738] {strides = array<i32>} : memref<1664xi32, #tpu.memory_space<vmem>>, vector<16xi32>,
    %swap3A_740 = vector.shape_cast %swap3A_739 : vector<16xi32> to vector<16xi32>
    %swap3A_741 = vector.shape_cast %mul3A_737 : vector<16xi32> to vector<16xi32>
    tpu.vector_store %arg5[%swap3A_738], %swap3A_741 {strides = array<i32>} : memref<1664xi32, #tpu.memory_space<vmem>>, vector<16xi32>,
    %iota3A_742 = tpu.iota {dimensions = array<i32: 0>} : vector<16xi32>
    %add3A_743 = arith.constant 848 : i32
    %add3A_744 = vector.broadcast %add3A_743 : i32 to vector<16xi32>
    %add3A_745 = arith.addi %iota3A_742, %add3A_744 : vector<16xi32>
    %rem3A_746 = arith.constant 26 : i32
    %rem3A_747 = vector.broadcast %rem3A_746 : i32 to vector<16xi32>
    %rem3A_748 = arith.remsi %add3A_745, %rem3A_747 : vector<16xi32>
    %mul3A_749 = arith.constant 100000 : i32
    %mul3A_750 = vector.broadcast %mul3A_749 : i32 to vector<16xi32>
    %mul3A_751 = arith.muli %rem3A_748, %mul3A_750 : vector<16xi32>
    %swap3A_752 = arith.constant 848 : index
    %swap3A_753 = tpu.vector_load %arg5[%swap3A_752] {strides = array<i32>} : memref<1664xi32, #tpu.memory_space<vmem>>, vector<16xi32>,
    %swap3A_754 = vector.shape_cast %swap3A_753 : vector<16xi32> to vector<16xi32>
    %swap3A_755 = vector.shape_cast %mul3A_751 : vector<16xi32> to vector<16xi32>
    tpu.vector_store %arg5[%swap3A_752], %swap3A_755 {strides = array<i32>} : memref<1664xi32, #tpu.memory_space<vmem>>, vector<16xi32>,
    %iota3A_756 = tpu.iota {dimensions = array<i32: 0>} : vector<16xi32>
    %add3A_757 = arith.constant 864 : i32
    %add3A_758 = vector.broadcast %add3A_757 : i32 to vector<16xi32>
    %add3A_759 = arith.addi %iota3A_756, %add3A_758 : vector<16xi32>
    %rem3A_760 = arith.constant 26 : i32
    %rem3A_761 = vector.broadcast %rem3A_760 : i32 to vector<16xi32>
    %rem3A_762 = arith.remsi %add3A_759, %rem3A_761 : vector<16xi32>
    %mul3A_763 = arith.constant 100000 : i32
    %mul3A_764 = vector.broadcast %mul3A_763 : i32 to vector<16xi32>
    %mul3A_765 = arith.muli %rem3A_762, %mul3A_764 : vector<16xi32>
    %swap3A_766 = arith.constant 864 : index
    %swap3A_767 = tpu.vector_load %arg5[%swap3A_766] {strides = array<i32>} : memref<1664xi32, #tpu.memory_space<vmem>>, vector<16xi32>,
    %swap3A_768 = vector.shape_cast %swap3A_767 : vector<16xi32> to vector<16xi32>
    %swap3A_769 = vector.shape_cast %mul3A_765 : vector<16xi32> to vector<16xi32>
    tpu.vector_store %arg5[%swap3A_766], %swap3A_769 {strides = array<i32>} : memref<1664xi32, #tpu.memory_space<vmem>>, vector<16xi32>,
    %iota3A_770 = tpu.iota {dimensions = array<i32: 0>} : vector<16xi32>
    %add3A_771 = arith.constant 880 : i32
    %add3A_772 = vector.broadcast %add3A_771 : i32 to vector<16xi32>
    %add3A_773 = arith.addi %iota3A_770, %add3A_772 : vector<16xi32>
    %rem3A_774 = arith.constant 26 : i32
    %rem3A_775 = vector.broadcast %rem3A_774 : i32 to vector<16xi32>
    %rem3A_776 = arith.remsi %add3A_773, %rem3A_775 : vector<16xi32>
    %mul3A_777 = arith.constant 100000 : i32
    %mul3A_778 = vector.broadcast %mul3A_777 : i32 to vector<16xi32>
    %mul3A_779 = arith.muli %rem3A_776, %mul3A_778 : vector<16xi32>
    %swap3A_780 = arith.constant 880 : index
    %swap3A_781 = tpu.vector_load %arg5[%swap3A_780] {strides = array<i32>} : memref<1664xi32, #tpu.memory_space<vmem>>, vector<16xi32>,
    %swap3A_782 = vector.shape_cast %swap3A_781 : vector<16xi32> to vector<16xi32>
    %swap3A_783 = vector.shape_cast %mul3A_779 : vector<16xi32> to vector<16xi32>
    tpu.vector_store %arg5[%swap3A_780], %swap3A_783 {strides = array<i32>} : memref<1664xi32, #tpu.memory_space<vmem>>, vector<16xi32>,
    %iota3A_784 = tpu.iota {dimensions = array<i32: 0>} : vector<16xi32>
    %add3A_785 = arith.constant 896 : i32
    %add3A_786 = vector.broadcast %add3A_785 : i32 to vector<16xi32>
    %add3A_787 = arith.addi %iota3A_784, %add3A_786 : vector<16xi32>
    %rem3A_788 = arith.constant 26 : i32
    %rem3A_789 = vector.broadcast %rem3A_788 : i32 to vector<16xi32>
    %rem3A_790 = arith.remsi %add3A_787, %rem3A_789 : vector<16xi32>
    %mul3A_791 = arith.constant 100000 : i32
    %mul3A_792 = vector.broadcast %mul3A_791 : i32 to vector<16xi32>
    %mul3A_793 = arith.muli %rem3A_790, %mul3A_792 : vector<16xi32>
    %swap3A_794 = arith.constant 896 : index
    %swap3A_795 = tpu.vector_load %arg5[%swap3A_794] {strides = array<i32>} : memref<1664xi32, #tpu.memory_space<vmem>>, vector<16xi32>,
    %swap3A_796 = vector.shape_cast %swap3A_795 : vector<16xi32> to vector<16xi32>
    %swap3A_797 = vector.shape_cast %mul3A_793 : vector<16xi32> to vector<16xi32>
    tpu.vector_store %arg5[%swap3A_794], %swap3A_797 {strides = array<i32>} : memref<1664xi32, #tpu.memory_space<vmem>>, vector<16xi32>,
    %iota3A_798 = tpu.iota {dimensions = array<i32: 0>} : vector<16xi32>
    %add3A_799 = arith.constant 912 : i32
    %add3A_800 = vector.broadcast %add3A_799 : i32 to vector<16xi32>
    %add3A_801 = arith.addi %iota3A_798, %add3A_800 : vector<16xi32>
    %rem3A_802 = arith.constant 26 : i32
    %rem3A_803 = vector.broadcast %rem3A_802 : i32 to vector<16xi32>
    %rem3A_804 = arith.remsi %add3A_801, %rem3A_803 : vector<16xi32>
    %mul3A_805 = arith.constant 100000 : i32
    %mul3A_806 = vector.broadcast %mul3A_805 : i32 to vector<16xi32>
    %mul3A_807 = arith.muli %rem3A_804, %mul3A_806 : vector<16xi32>
    %swap3A_808 = arith.constant 912 : index
    %swap3A_809 = tpu.vector_load %arg5[%swap3A_808] {strides = array<i32>} : memref<1664xi32, #tpu.memory_space<vmem>>, vector<16xi32>,
    %swap3A_810 = vector.shape_cast %swap3A_809 : vector<16xi32> to vector<16xi32>
    %swap3A_811 = vector.shape_cast %mul3A_807 : vector<16xi32> to vector<16xi32>
    tpu.vector_store %arg5[%swap3A_808], %swap3A_811 {strides = array<i32>} : memref<1664xi32, #tpu.memory_space<vmem>>, vector<16xi32>,
    %iota3A_812 = tpu.iota {dimensions = array<i32: 0>} : vector<16xi32>
    %add3A_813 = arith.constant 928 : i32
    %add3A_814 = vector.broadcast %add3A_813 : i32 to vector<16xi32>
    %add3A_815 = arith.addi %iota3A_812, %add3A_814 : vector<16xi32>
    %rem3A_816 = arith.constant 26 : i32
    %rem3A_817 = vector.broadcast %rem3A_816 : i32 to vector<16xi32>
    %rem3A_818 = arith.remsi %add3A_815, %rem3A_817 : vector<16xi32>
    %mul3A_819 = arith.constant 100000 : i32
    %mul3A_820 = vector.broadcast %mul3A_819 : i32 to vector<16xi32>
    %mul3A_821 = arith.muli %rem3A_818, %mul3A_820 : vector<16xi32>
    %swap3A_822 = arith.constant 928 : index
    %swap3A_823 = tpu.vector_load %arg5[%swap3A_822] {strides = array<i32>} : memref<1664xi32, #tpu.memory_space<vmem>>, vector<16xi32>,
    %swap3A_824 = vector.shape_cast %swap3A_823 : vector<16xi32> to vector<16xi32>
    %swap3A_825 = vector.shape_cast %mul3A_821 : vector<16xi32> to vector<16xi32>
    tpu.vector_store %arg5[%swap3A_822], %swap3A_825 {strides = array<i32>} : memref<1664xi32, #tpu.memory_space<vmem>>, vector<16xi32>,
    %iota3A_826 = tpu.iota {dimensions = array<i32: 0>} : vector<16xi32>
    %add3A_827 = arith.constant 944 : i32
    %add3A_828 = vector.broadcast %add3A_827 : i32 to vector<16xi32>
    %add3A_829 = arith.addi %iota3A_826, %add3A_828 : vector<16xi32>
    %rem3A_830 = arith.constant 26 : i32
    %rem3A_831 = vector.broadcast %rem3A_830 : i32 to vector<16xi32>
    %rem3A_832 = arith.remsi %add3A_829, %rem3A_831 : vector<16xi32>
    %mul3A_833 = arith.constant 100000 : i32
    %mul3A_834 = vector.broadcast %mul3A_833 : i32 to vector<16xi32>
    %mul3A_835 = arith.muli %rem3A_832, %mul3A_834 : vector<16xi32>
    %swap3A_836 = arith.constant 944 : index
    %swap3A_837 = tpu.vector_load %arg5[%swap3A_836] {strides = array<i32>} : memref<1664xi32, #tpu.memory_space<vmem>>, vector<16xi32>,
    %swap3A_838 = vector.shape_cast %swap3A_837 : vector<16xi32> to vector<16xi32>
    %swap3A_839 = vector.shape_cast %mul3A_835 : vector<16xi32> to vector<16xi32>
    tpu.vector_store %arg5[%swap3A_836], %swap3A_839 {strides = array<i32>} : memref<1664xi32, #tpu.memory_space<vmem>>, vector<16xi32>,
    %iota3A_840 = tpu.iota {dimensions = array<i32: 0>} : vector<16xi32>
    %add3A_841 = arith.constant 960 : i32
    %add3A_842 = vector.broadcast %add3A_841 : i32 to vector<16xi32>
    %add3A_843 = arith.addi %iota3A_840, %add3A_842 : vector<16xi32>
    %rem3A_844 = arith.constant 26 : i32
    %rem3A_845 = vector.broadcast %rem3A_844 : i32 to vector<16xi32>
    %rem3A_846 = arith.remsi %add3A_843, %rem3A_845 : vector<16xi32>
    %mul3A_847 = arith.constant 100000 : i32
    %mul3A_848 = vector.broadcast %mul3A_847 : i32 to vector<16xi32>
    %mul3A_849 = arith.muli %rem3A_846, %mul3A_848 : vector<16xi32>
    %swap3A_850 = arith.constant 960 : index
    %swap3A_851 = tpu.vector_load %arg5[%swap3A_850] {strides = array<i32>} : memref<1664xi32, #tpu.memory_space<vmem>>, vector<16xi32>,
    %swap3A_852 = vector.shape_cast %swap3A_851 : vector<16xi32> to vector<16xi32>
    %swap3A_853 = vector.shape_cast %mul3A_849 : vector<16xi32> to vector<16xi32>
    tpu.vector_store %arg5[%swap3A_850], %swap3A_853 {strides = array<i32>} : memref<1664xi32, #tpu.memory_space<vmem>>, vector<16xi32>,
    %iota3A_854 = tpu.iota {dimensions = array<i32: 0>} : vector<16xi32>
    %add3A_855 = arith.constant 976 : i32
    %add3A_856 = vector.broadcast %add3A_855 : i32 to vector<16xi32>
    %add3A_857 = arith.addi %iota3A_854, %add3A_856 : vector<16xi32>
    %rem3A_858 = arith.constant 26 : i32
    %rem3A_859 = vector.broadcast %rem3A_858 : i32 to vector<16xi32>
    %rem3A_860 = arith.remsi %add3A_857, %rem3A_859 : vector<16xi32>
    %mul3A_861 = arith.constant 100000 : i32
    %mul3A_862 = vector.broadcast %mul3A_861 : i32 to vector<16xi32>
    %mul3A_863 = arith.muli %rem3A_860, %mul3A_862 : vector<16xi32>
    %swap3A_864 = arith.constant 976 : index
    %swap3A_865 = tpu.vector_load %arg5[%swap3A_864] {strides = array<i32>} : memref<1664xi32, #tpu.memory_space<vmem>>, vector<16xi32>,
    %swap3A_866 = vector.shape_cast %swap3A_865 : vector<16xi32> to vector<16xi32>
    %swap3A_867 = vector.shape_cast %mul3A_863 : vector<16xi32> to vector<16xi32>
    tpu.vector_store %arg5[%swap3A_864], %swap3A_867 {strides = array<i32>} : memref<1664xi32, #tpu.memory_space<vmem>>, vector<16xi32>,
    %iota3A_868 = tpu.iota {dimensions = array<i32: 0>} : vector<16xi32>
    %add3A_869 = arith.constant 992 : i32
    %add3A_870 = vector.broadcast %add3A_869 : i32 to vector<16xi32>
    %add3A_871 = arith.addi %iota3A_868, %add3A_870 : vector<16xi32>
    %rem3A_872 = arith.constant 26 : i32
    %rem3A_873 = vector.broadcast %rem3A_872 : i32 to vector<16xi32>
    %rem3A_874 = arith.remsi %add3A_871, %rem3A_873 : vector<16xi32>
    %mul3A_875 = arith.constant 100000 : i32
    %mul3A_876 = vector.broadcast %mul3A_875 : i32 to vector<16xi32>
    %mul3A_877 = arith.muli %rem3A_874, %mul3A_876 : vector<16xi32>
    %swap3A_878 = arith.constant 992 : index
    %swap3A_879 = tpu.vector_load %arg5[%swap3A_878] {strides = array<i32>} : memref<1664xi32, #tpu.memory_space<vmem>>, vector<16xi32>,
    %swap3A_880 = vector.shape_cast %swap3A_879 : vector<16xi32> to vector<16xi32>
    %swap3A_881 = vector.shape_cast %mul3A_877 : vector<16xi32> to vector<16xi32>
    tpu.vector_store %arg5[%swap3A_878], %swap3A_881 {strides = array<i32>} : memref<1664xi32, #tpu.memory_space<vmem>>, vector<16xi32>,
    %iota3A_882 = tpu.iota {dimensions = array<i32: 0>} : vector<16xi32>
    %add3A_883 = arith.constant 1008 : i32
    %add3A_884 = vector.broadcast %add3A_883 : i32 to vector<16xi32>
    %add3A_885 = arith.addi %iota3A_882, %add3A_884 : vector<16xi32>
    %rem3A_886 = arith.constant 26 : i32
    %rem3A_887 = vector.broadcast %rem3A_886 : i32 to vector<16xi32>
    %rem3A_888 = arith.remsi %add3A_885, %rem3A_887 : vector<16xi32>
    %mul3A_889 = arith.constant 100000 : i32
    %mul3A_890 = vector.broadcast %mul3A_889 : i32 to vector<16xi32>
    %mul3A_891 = arith.muli %rem3A_888, %mul3A_890 : vector<16xi32>
    %swap3A_892 = arith.constant 1008 : index
    %swap3A_893 = tpu.vector_load %arg5[%swap3A_892] {strides = array<i32>} : memref<1664xi32, #tpu.memory_space<vmem>>, vector<16xi32>,
    %swap3A_894 = vector.shape_cast %swap3A_893 : vector<16xi32> to vector<16xi32>
    %swap3A_895 = vector.shape_cast %mul3A_891 : vector<16xi32> to vector<16xi32>
    tpu.vector_store %arg5[%swap3A_892], %swap3A_895 {strides = array<i32>} : memref<1664xi32, #tpu.memory_space<vmem>>, vector<16xi32>,
    %iota3A_896 = tpu.iota {dimensions = array<i32: 0>} : vector<16xi32>
    %add3A_897 = arith.constant 1024 : i32
    %add3A_898 = vector.broadcast %add3A_897 : i32 to vector<16xi32>
    %add3A_899 = arith.addi %iota3A_896, %add3A_898 : vector<16xi32>
    %rem3A_900 = arith.constant 26 : i32
    %rem3A_901 = vector.broadcast %rem3A_900 : i32 to vector<16xi32>
    %rem3A_902 = arith.remsi %add3A_899, %rem3A_901 : vector<16xi32>
    %mul3A_903 = arith.constant 100000 : i32
    %mul3A_904 = vector.broadcast %mul3A_903 : i32 to vector<16xi32>
    %mul3A_905 = arith.muli %rem3A_902, %mul3A_904 : vector<16xi32>
    %swap3A_906 = arith.constant 1024 : index
    %swap3A_907 = tpu.vector_load %arg5[%swap3A_906] {strides = array<i32>} : memref<1664xi32, #tpu.memory_space<vmem>>, vector<16xi32>,
    %swap3A_908 = vector.shape_cast %swap3A_907 : vector<16xi32> to vector<16xi32>
    %swap3A_909 = vector.shape_cast %mul3A_905 : vector<16xi32> to vector<16xi32>
    tpu.vector_store %arg5[%swap3A_906], %swap3A_909 {strides = array<i32>} : memref<1664xi32, #tpu.memory_space<vmem>>, vector<16xi32>,
    %iota3A_910 = tpu.iota {dimensions = array<i32: 0>} : vector<16xi32>
    %add3A_911 = arith.constant 1040 : i32
    %add3A_912 = vector.broadcast %add3A_911 : i32 to vector<16xi32>
    %add3A_913 = arith.addi %iota3A_910, %add3A_912 : vector<16xi32>
    %rem3A_914 = arith.constant 26 : i32
    %rem3A_915 = vector.broadcast %rem3A_914 : i32 to vector<16xi32>
    %rem3A_916 = arith.remsi %add3A_913, %rem3A_915 : vector<16xi32>
    %mul3A_917 = arith.constant 100000 : i32
    %mul3A_918 = vector.broadcast %mul3A_917 : i32 to vector<16xi32>
    %mul3A_919 = arith.muli %rem3A_916, %mul3A_918 : vector<16xi32>
    %swap3A_920 = arith.constant 1040 : index
    %swap3A_921 = tpu.vector_load %arg5[%swap3A_920] {strides = array<i32>} : memref<1664xi32, #tpu.memory_space<vmem>>, vector<16xi32>,
    %swap3A_922 = vector.shape_cast %swap3A_921 : vector<16xi32> to vector<16xi32>
    %swap3A_923 = vector.shape_cast %mul3A_919 : vector<16xi32> to vector<16xi32>
    tpu.vector_store %arg5[%swap3A_920], %swap3A_923 {strides = array<i32>} : memref<1664xi32, #tpu.memory_space<vmem>>, vector<16xi32>,
    %iota3A_924 = tpu.iota {dimensions = array<i32: 0>} : vector<16xi32>
    %add3A_925 = arith.constant 1056 : i32
    %add3A_926 = vector.broadcast %add3A_925 : i32 to vector<16xi32>
    %add3A_927 = arith.addi %iota3A_924, %add3A_926 : vector<16xi32>
    %rem3A_928 = arith.constant 26 : i32
    %rem3A_929 = vector.broadcast %rem3A_928 : i32 to vector<16xi32>
    %rem3A_930 = arith.remsi %add3A_927, %rem3A_929 : vector<16xi32>
    %mul3A_931 = arith.constant 100000 : i32
    %mul3A_932 = vector.broadcast %mul3A_931 : i32 to vector<16xi32>
    %mul3A_933 = arith.muli %rem3A_930, %mul3A_932 : vector<16xi32>
    %swap3A_934 = arith.constant 1056 : index
    %swap3A_935 = tpu.vector_load %arg5[%swap3A_934] {strides = array<i32>} : memref<1664xi32, #tpu.memory_space<vmem>>, vector<16xi32>,
    %swap3A_936 = vector.shape_cast %swap3A_935 : vector<16xi32> to vector<16xi32>
    %swap3A_937 = vector.shape_cast %mul3A_933 : vector<16xi32> to vector<16xi32>
    tpu.vector_store %arg5[%swap3A_934], %swap3A_937 {strides = array<i32>} : memref<1664xi32, #tpu.memory_space<vmem>>, vector<16xi32>,
    %iota3A_938 = tpu.iota {dimensions = array<i32: 0>} : vector<16xi32>
    %add3A_939 = arith.constant 1072 : i32
    %add3A_940 = vector.broadcast %add3A_939 : i32 to vector<16xi32>
    %add3A_941 = arith.addi %iota3A_938, %add3A_940 : vector<16xi32>
    %rem3A_942 = arith.constant 26 : i32
    %rem3A_943 = vector.broadcast %rem3A_942 : i32 to vector<16xi32>
    %rem3A_944 = arith.remsi %add3A_941, %rem3A_943 : vector<16xi32>
    %mul3A_945 = arith.constant 100000 : i32
    %mul3A_946 = vector.broadcast %mul3A_945 : i32 to vector<16xi32>
    %mul3A_947 = arith.muli %rem3A_944, %mul3A_946 : vector<16xi32>
    %swap3A_948 = arith.constant 1072 : index
    %swap3A_949 = tpu.vector_load %arg5[%swap3A_948] {strides = array<i32>} : memref<1664xi32, #tpu.memory_space<vmem>>, vector<16xi32>,
    %swap3A_950 = vector.shape_cast %swap3A_949 : vector<16xi32> to vector<16xi32>
    %swap3A_951 = vector.shape_cast %mul3A_947 : vector<16xi32> to vector<16xi32>
    tpu.vector_store %arg5[%swap3A_948], %swap3A_951 {strides = array<i32>} : memref<1664xi32, #tpu.memory_space<vmem>>, vector<16xi32>,
    %iota3A_952 = tpu.iota {dimensions = array<i32: 0>} : vector<16xi32>
    %add3A_953 = arith.constant 1088 : i32
    %add3A_954 = vector.broadcast %add3A_953 : i32 to vector<16xi32>
    %add3A_955 = arith.addi %iota3A_952, %add3A_954 : vector<16xi32>
    %rem3A_956 = arith.constant 26 : i32
    %rem3A_957 = vector.broadcast %rem3A_956 : i32 to vector<16xi32>
    %rem3A_958 = arith.remsi %add3A_955, %rem3A_957 : vector<16xi32>
    %mul3A_959 = arith.constant 100000 : i32
    %mul3A_960 = vector.broadcast %mul3A_959 : i32 to vector<16xi32>
    %mul3A_961 = arith.muli %rem3A_958, %mul3A_960 : vector<16xi32>
    %swap3A_962 = arith.constant 1088 : index
    %swap3A_963 = tpu.vector_load %arg5[%swap3A_962] {strides = array<i32>} : memref<1664xi32, #tpu.memory_space<vmem>>, vector<16xi32>,
    %swap3A_964 = vector.shape_cast %swap3A_963 : vector<16xi32> to vector<16xi32>
    %swap3A_965 = vector.shape_cast %mul3A_961 : vector<16xi32> to vector<16xi32>
    tpu.vector_store %arg5[%swap3A_962], %swap3A_965 {strides = array<i32>} : memref<1664xi32, #tpu.memory_space<vmem>>, vector<16xi32>,
    %iota3A_966 = tpu.iota {dimensions = array<i32: 0>} : vector<16xi32>
    %add3A_967 = arith.constant 1104 : i32
    %add3A_968 = vector.broadcast %add3A_967 : i32 to vector<16xi32>
    %add3A_969 = arith.addi %iota3A_966, %add3A_968 : vector<16xi32>
    %rem3A_970 = arith.constant 26 : i32
    %rem3A_971 = vector.broadcast %rem3A_970 : i32 to vector<16xi32>
    %rem3A_972 = arith.remsi %add3A_969, %rem3A_971 : vector<16xi32>
    %mul3A_973 = arith.constant 100000 : i32
    %mul3A_974 = vector.broadcast %mul3A_973 : i32 to vector<16xi32>
    %mul3A_975 = arith.muli %rem3A_972, %mul3A_974 : vector<16xi32>
    %swap3A_976 = arith.constant 1104 : index
    %swap3A_977 = tpu.vector_load %arg5[%swap3A_976] {strides = array<i32>} : memref<1664xi32, #tpu.memory_space<vmem>>, vector<16xi32>,
    %swap3A_978 = vector.shape_cast %swap3A_977 : vector<16xi32> to vector<16xi32>
    %swap3A_979 = vector.shape_cast %mul3A_975 : vector<16xi32> to vector<16xi32>
    tpu.vector_store %arg5[%swap3A_976], %swap3A_979 {strides = array<i32>} : memref<1664xi32, #tpu.memory_space<vmem>>, vector<16xi32>,
    %iota3A_980 = tpu.iota {dimensions = array<i32: 0>} : vector<16xi32>
    %add3A_981 = arith.constant 1120 : i32
    %add3A_982 = vector.broadcast %add3A_981 : i32 to vector<16xi32>
    %add3A_983 = arith.addi %iota3A_980, %add3A_982 : vector<16xi32>
    %rem3A_984 = arith.constant 26 : i32
    %rem3A_985 = vector.broadcast %rem3A_984 : i32 to vector<16xi32>
    %rem3A_986 = arith.remsi %add3A_983, %rem3A_985 : vector<16xi32>
    %mul3A_987 = arith.constant 100000 : i32
    %mul3A_988 = vector.broadcast %mul3A_987 : i32 to vector<16xi32>
    %mul3A_989 = arith.muli %rem3A_986, %mul3A_988 : vector<16xi32>
    %swap3A_990 = arith.constant 1120 : index
    %swap3A_991 = tpu.vector_load %arg5[%swap3A_990] {strides = array<i32>} : memref<1664xi32, #tpu.memory_space<vmem>>, vector<16xi32>,
    %swap3A_992 = vector.shape_cast %swap3A_991 : vector<16xi32> to vector<16xi32>
    %swap3A_993 = vector.shape_cast %mul3A_989 : vector<16xi32> to vector<16xi32>
    tpu.vector_store %arg5[%swap3A_990], %swap3A_993 {strides = array<i32>} : memref<1664xi32, #tpu.memory_space<vmem>>, vector<16xi32>,
    %iota3A_994 = tpu.iota {dimensions = array<i32: 0>} : vector<16xi32>
    %add3A_995 = arith.constant 1136 : i32
    %add3A_996 = vector.broadcast %add3A_995 : i32 to vector<16xi32>
    %add3A_997 = arith.addi %iota3A_994, %add3A_996 : vector<16xi32>
    %rem3A_998 = arith.constant 26 : i32
    %rem3A_999 = vector.broadcast %rem3A_998 : i32 to vector<16xi32>
    %rem3A_1000 = arith.remsi %add3A_997, %rem3A_999 : vector<16xi32>
    %mul3A_1001 = arith.constant 100000 : i32
    %mul3A_1002 = vector.broadcast %mul3A_1001 : i32 to vector<16xi32>
    %mul3A_1003 = arith.muli %rem3A_1000, %mul3A_1002 : vector<16xi32>
    %swap3A_1004 = arith.constant 1136 : index
    %swap3A_1005 = tpu.vector_load %arg5[%swap3A_1004] {strides = array<i32>} : memref<1664xi32, #tpu.memory_space<vmem>>, vector<16xi32>,
    %swap3A_1006 = vector.shape_cast %swap3A_1005 : vector<16xi32> to vector<16xi32>
    %swap3A_1007 = vector.shape_cast %mul3A_1003 : vector<16xi32> to vector<16xi32>
    tpu.vector_store %arg5[%swap3A_1004], %swap3A_1007 {strides = array<i32>} : memref<1664xi32, #tpu.memory_space<vmem>>, vector<16xi32>,
    %iota3A_1008 = tpu.iota {dimensions = array<i32: 0>} : vector<16xi32>
    %add3A_1009 = arith.constant 1152 : i32
    %add3A_1010 = vector.broadcast %add3A_1009 : i32 to vector<16xi32>
    %add3A_1011 = arith.addi %iota3A_1008, %add3A_1010 : vector<16xi32>
    %rem3A_1012 = arith.constant 26 : i32
    %rem3A_1013 = vector.broadcast %rem3A_1012 : i32 to vector<16xi32>
    %rem3A_1014 = arith.remsi %add3A_1011, %rem3A_1013 : vector<16xi32>
    %mul3A_1015 = arith.constant 100000 : i32
    %mul3A_1016 = vector.broadcast %mul3A_1015 : i32 to vector<16xi32>
    %mul3A_1017 = arith.muli %rem3A_1014, %mul3A_1016 : vector<16xi32>
    %swap3A_1018 = arith.constant 1152 : index
    %swap3A_1019 = tpu.vector_load %arg5[%swap3A_1018] {strides = array<i32>} : memref<1664xi32, #tpu.memory_space<vmem>>, vector<16xi32>,
    %swap3A_1020 = vector.shape_cast %swap3A_1019 : vector<16xi32> to vector<16xi32>
    %swap3A_1021 = vector.shape_cast %mul3A_1017 : vector<16xi32> to vector<16xi32>
    tpu.vector_store %arg5[%swap3A_1018], %swap3A_1021 {strides = array<i32>} : memref<1664xi32, #tpu.memory_space<vmem>>, vector<16xi32>,
    %iota3A_1022 = tpu.iota {dimensions = array<i32: 0>} : vector<16xi32>
    %add3A_1023 = arith.constant 1168 : i32
    %add3A_1024 = vector.broadcast %add3A_1023 : i32 to vector<16xi32>
    %add3A_1025 = arith.addi %iota3A_1022, %add3A_1024 : vector<16xi32>
    %rem3A_1026 = arith.constant 26 : i32
    %rem3A_1027 = vector.broadcast %rem3A_1026 : i32 to vector<16xi32>
    %rem3A_1028 = arith.remsi %add3A_1025, %rem3A_1027 : vector<16xi32>
    %mul3A_1029 = arith.constant 100000 : i32
    %mul3A_1030 = vector.broadcast %mul3A_1029 : i32 to vector<16xi32>
    %mul3A_1031 = arith.muli %rem3A_1028, %mul3A_1030 : vector<16xi32>
    %swap3A_1032 = arith.constant 1168 : index
    %swap3A_1033 = tpu.vector_load %arg5[%swap3A_1032] {strides = array<i32>} : memref<1664xi32, #tpu.memory_space<vmem>>, vector<16xi32>,
    %swap3A_1034 = vector.shape_cast %swap3A_1033 : vector<16xi32> to vector<16xi32>
    %swap3A_1035 = vector.shape_cast %mul3A_1031 : vector<16xi32> to vector<16xi32>
    tpu.vector_store %arg5[%swap3A_1032], %swap3A_1035 {strides = array<i32>} : memref<1664xi32, #tpu.memory_space<vmem>>, vector<16xi32>,
    %iota3A_1036 = tpu.iota {dimensions = array<i32: 0>} : vector<16xi32>
    %add3A_1037 = arith.constant 1184 : i32
    %add3A_1038 = vector.broadcast %add3A_1037 : i32 to vector<16xi32>
    %add3A_1039 = arith.addi %iota3A_1036, %add3A_1038 : vector<16xi32>
    %rem3A_1040 = arith.constant 26 : i32
    %rem3A_1041 = vector.broadcast %rem3A_1040 : i32 to vector<16xi32>
    %rem3A_1042 = arith.remsi %add3A_1039, %rem3A_1041 : vector<16xi32>
    %mul3A_1043 = arith.constant 100000 : i32
    %mul3A_1044 = vector.broadcast %mul3A_1043 : i32 to vector<16xi32>
    %mul3A_1045 = arith.muli %rem3A_1042, %mul3A_1044 : vector<16xi32>
    %swap3A_1046 = arith.constant 1184 : index
    %swap3A_1047 = tpu.vector_load %arg5[%swap3A_1046] {strides = array<i32>} : memref<1664xi32, #tpu.memory_space<vmem>>, vector<16xi32>,
    %swap3A_1048 = vector.shape_cast %swap3A_1047 : vector<16xi32> to vector<16xi32>
    %swap3A_1049 = vector.shape_cast %mul3A_1045 : vector<16xi32> to vector<16xi32>
    tpu.vector_store %arg5[%swap3A_1046], %swap3A_1049 {strides = array<i32>} : memref<1664xi32, #tpu.memory_space<vmem>>, vector<16xi32>,
    %iota3A_1050 = tpu.iota {dimensions = array<i32: 0>} : vector<16xi32>
    %add3A_1051 = arith.constant 1200 : i32
    %add3A_1052 = vector.broadcast %add3A_1051 : i32 to vector<16xi32>
    %add3A_1053 = arith.addi %iota3A_1050, %add3A_1052 : vector<16xi32>
    %rem3A_1054 = arith.constant 26 : i32
    %rem3A_1055 = vector.broadcast %rem3A_1054 : i32 to vector<16xi32>
    %rem3A_1056 = arith.remsi %add3A_1053, %rem3A_1055 : vector<16xi32>
    %mul3A_1057 = arith.constant 100000 : i32
    %mul3A_1058 = vector.broadcast %mul3A_1057 : i32 to vector<16xi32>
    %mul3A_1059 = arith.muli %rem3A_1056, %mul3A_1058 : vector<16xi32>
    %swap3A_1060 = arith.constant 1200 : index
    %swap3A_1061 = tpu.vector_load %arg5[%swap3A_1060] {strides = array<i32>} : memref<1664xi32, #tpu.memory_space<vmem>>, vector<16xi32>,
    %swap3A_1062 = vector.shape_cast %swap3A_1061 : vector<16xi32> to vector<16xi32>
    %swap3A_1063 = vector.shape_cast %mul3A_1059 : vector<16xi32> to vector<16xi32>
    tpu.vector_store %arg5[%swap3A_1060], %swap3A_1063 {strides = array<i32>} : memref<1664xi32, #tpu.memory_space<vmem>>, vector<16xi32>,
    %iota3A_1064 = tpu.iota {dimensions = array<i32: 0>} : vector<16xi32>
    %add3A_1065 = arith.constant 1216 : i32
    %add3A_1066 = vector.broadcast %add3A_1065 : i32 to vector<16xi32>
    %add3A_1067 = arith.addi %iota3A_1064, %add3A_1066 : vector<16xi32>
    %rem3A_1068 = arith.constant 26 : i32
    %rem3A_1069 = vector.broadcast %rem3A_1068 : i32 to vector<16xi32>
    %rem3A_1070 = arith.remsi %add3A_1067, %rem3A_1069 : vector<16xi32>
    %mul3A_1071 = arith.constant 100000 : i32
    %mul3A_1072 = vector.broadcast %mul3A_1071 : i32 to vector<16xi32>
    %mul3A_1073 = arith.muli %rem3A_1070, %mul3A_1072 : vector<16xi32>
    %swap3A_1074 = arith.constant 1216 : index
    %swap3A_1075 = tpu.vector_load %arg5[%swap3A_1074] {strides = array<i32>} : memref<1664xi32, #tpu.memory_space<vmem>>, vector<16xi32>,
    %swap3A_1076 = vector.shape_cast %swap3A_1075 : vector<16xi32> to vector<16xi32>
    %swap3A_1077 = vector.shape_cast %mul3A_1073 : vector<16xi32> to vector<16xi32>
    tpu.vector_store %arg5[%swap3A_1074], %swap3A_1077 {strides = array<i32>} : memref<1664xi32, #tpu.memory_space<vmem>>, vector<16xi32>,
    %iota3A_1078 = tpu.iota {dimensions = array<i32: 0>} : vector<16xi32>
    %add3A_1079 = arith.constant 1232 : i32
    %add3A_1080 = vector.broadcast %add3A_1079 : i32 to vector<16xi32>
    %add3A_1081 = arith.addi %iota3A_1078, %add3A_1080 : vector<16xi32>
    %rem3A_1082 = arith.constant 26 : i32
    %rem3A_1083 = vector.broadcast %rem3A_1082 : i32 to vector<16xi32>
    %rem3A_1084 = arith.remsi %add3A_1081, %rem3A_1083 : vector<16xi32>
    %mul3A_1085 = arith.constant 100000 : i32
    %mul3A_1086 = vector.broadcast %mul3A_1085 : i32 to vector<16xi32>
    %mul3A_1087 = arith.muli %rem3A_1084, %mul3A_1086 : vector<16xi32>
    %swap3A_1088 = arith.constant 1232 : index
    %swap3A_1089 = tpu.vector_load %arg5[%swap3A_1088] {strides = array<i32>} : memref<1664xi32, #tpu.memory_space<vmem>>, vector<16xi32>,
    %swap3A_1090 = vector.shape_cast %swap3A_1089 : vector<16xi32> to vector<16xi32>
    %swap3A_1091 = vector.shape_cast %mul3A_1087 : vector<16xi32> to vector<16xi32>
    tpu.vector_store %arg5[%swap3A_1088], %swap3A_1091 {strides = array<i32>} : memref<1664xi32, #tpu.memory_space<vmem>>, vector<16xi32>,
    %iota3A_1092 = tpu.iota {dimensions = array<i32: 0>} : vector<16xi32>
    %add3A_1093 = arith.constant 1248 : i32
    %add3A_1094 = vector.broadcast %add3A_1093 : i32 to vector<16xi32>
    %add3A_1095 = arith.addi %iota3A_1092, %add3A_1094 : vector<16xi32>
    %rem3A_1096 = arith.constant 26 : i32
    %rem3A_1097 = vector.broadcast %rem3A_1096 : i32 to vector<16xi32>
    %rem3A_1098 = arith.remsi %add3A_1095, %rem3A_1097 : vector<16xi32>
    %mul3A_1099 = arith.constant 100000 : i32
    %mul3A_1100 = vector.broadcast %mul3A_1099 : i32 to vector<16xi32>
    %mul3A_1101 = arith.muli %rem3A_1098, %mul3A_1100 : vector<16xi32>
    %swap3A_1102 = arith.constant 1248 : index
    %swap3A_1103 = tpu.vector_load %arg5[%swap3A_1102] {strides = array<i32>} : memref<1664xi32, #tpu.memory_space<vmem>>, vector<16xi32>,
    %swap3A_1104 = vector.shape_cast %swap3A_1103 : vector<16xi32> to vector<16xi32>
    %swap3A_1105 = vector.shape_cast %mul3A_1101 : vector<16xi32> to vector<16xi32>
    tpu.vector_store %arg5[%swap3A_1102], %swap3A_1105 {strides = array<i32>} : memref<1664xi32, #tpu.memory_space<vmem>>, vector<16xi32>,
    %iota3A_1106 = tpu.iota {dimensions = array<i32: 0>} : vector<16xi32>
    %add3A_1107 = arith.constant 1264 : i32
    %add3A_1108 = vector.broadcast %add3A_1107 : i32 to vector<16xi32>
    %add3A_1109 = arith.addi %iota3A_1106, %add3A_1108 : vector<16xi32>
    %rem3A_1110 = arith.constant 26 : i32
    %rem3A_1111 = vector.broadcast %rem3A_1110 : i32 to vector<16xi32>
    %rem3A_1112 = arith.remsi %add3A_1109, %rem3A_1111 : vector<16xi32>
    %mul3A_1113 = arith.constant 100000 : i32
    %mul3A_1114 = vector.broadcast %mul3A_1113 : i32 to vector<16xi32>
    %mul3A_1115 = arith.muli %rem3A_1112, %mul3A_1114 : vector<16xi32>
    %swap3A_1116 = arith.constant 1264 : index
    %swap3A_1117 = tpu.vector_load %arg5[%swap3A_1116] {strides = array<i32>} : memref<1664xi32, #tpu.memory_space<vmem>>, vector<16xi32>,
    %swap3A_1118 = vector.shape_cast %swap3A_1117 : vector<16xi32> to vector<16xi32>
    %swap3A_1119 = vector.shape_cast %mul3A_1115 : vector<16xi32> to vector<16xi32>
    tpu.vector_store %arg5[%swap3A_1116], %swap3A_1119 {strides = array<i32>} : memref<1664xi32, #tpu.memory_space<vmem>>, vector<16xi32>,
    %iota3A_1120 = tpu.iota {dimensions = array<i32: 0>} : vector<16xi32>
    %add3A_1121 = arith.constant 1280 : i32
    %add3A_1122 = vector.broadcast %add3A_1121 : i32 to vector<16xi32>
    %add3A_1123 = arith.addi %iota3A_1120, %add3A_1122 : vector<16xi32>
    %rem3A_1124 = arith.constant 26 : i32
    %rem3A_1125 = vector.broadcast %rem3A_1124 : i32 to vector<16xi32>
    %rem3A_1126 = arith.remsi %add3A_1123, %rem3A_1125 : vector<16xi32>
    %mul3A_1127 = arith.constant 100000 : i32
    %mul3A_1128 = vector.broadcast %mul3A_1127 : i32 to vector<16xi32>
    %mul3A_1129 = arith.muli %rem3A_1126, %mul3A_1128 : vector<16xi32>
    %swap3A_1130 = arith.constant 1280 : index
    %swap3A_1131 = tpu.vector_load %arg5[%swap3A_1130] {strides = array<i32>} : memref<1664xi32, #tpu.memory_space<vmem>>, vector<16xi32>,
    %swap3A_1132 = vector.shape_cast %swap3A_1131 : vector<16xi32> to vector<16xi32>
    %swap3A_1133 = vector.shape_cast %mul3A_1129 : vector<16xi32> to vector<16xi32>
    tpu.vector_store %arg5[%swap3A_1130], %swap3A_1133 {strides = array<i32>} : memref<1664xi32, #tpu.memory_space<vmem>>, vector<16xi32>,
    %iota3A_1134 = tpu.iota {dimensions = array<i32: 0>} : vector<16xi32>
    %add3A_1135 = arith.constant 1296 : i32
    %add3A_1136 = vector.broadcast %add3A_1135 : i32 to vector<16xi32>
    %add3A_1137 = arith.addi %iota3A_1134, %add3A_1136 : vector<16xi32>
    %rem3A_1138 = arith.constant 26 : i32
    %rem3A_1139 = vector.broadcast %rem3A_1138 : i32 to vector<16xi32>
    %rem3A_1140 = arith.remsi %add3A_1137, %rem3A_1139 : vector<16xi32>
    %mul3A_1141 = arith.constant 100000 : i32
    %mul3A_1142 = vector.broadcast %mul3A_1141 : i32 to vector<16xi32>
    %mul3A_1143 = arith.muli %rem3A_1140, %mul3A_1142 : vector<16xi32>
    %swap3A_1144 = arith.constant 1296 : index
    %swap3A_1145 = tpu.vector_load %arg5[%swap3A_1144] {strides = array<i32>} : memref<1664xi32, #tpu.memory_space<vmem>>, vector<16xi32>,
    %swap3A_1146 = vector.shape_cast %swap3A_1145 : vector<16xi32> to vector<16xi32>
    %swap3A_1147 = vector.shape_cast %mul3A_1143 : vector<16xi32> to vector<16xi32>
    tpu.vector_store %arg5[%swap3A_1144], %swap3A_1147 {strides = array<i32>} : memref<1664xi32, #tpu.memory_space<vmem>>, vector<16xi32>,
    %iota3A_1148 = tpu.iota {dimensions = array<i32: 0>} : vector<16xi32>
    %add3A_1149 = arith.constant 1312 : i32
    %add3A_1150 = vector.broadcast %add3A_1149 : i32 to vector<16xi32>
    %add3A_1151 = arith.addi %iota3A_1148, %add3A_1150 : vector<16xi32>
    %rem3A_1152 = arith.constant 26 : i32
    %rem3A_1153 = vector.broadcast %rem3A_1152 : i32 to vector<16xi32>
    %rem3A_1154 = arith.remsi %add3A_1151, %rem3A_1153 : vector<16xi32>
    %mul3A_1155 = arith.constant 100000 : i32
    %mul3A_1156 = vector.broadcast %mul3A_1155 : i32 to vector<16xi32>
    %mul3A_1157 = arith.muli %rem3A_1154, %mul3A_1156 : vector<16xi32>
    %swap3A_1158 = arith.constant 1312 : index
    %swap3A_1159 = tpu.vector_load %arg5[%swap3A_1158] {strides = array<i32>} : memref<1664xi32, #tpu.memory_space<vmem>>, vector<16xi32>,
    %swap3A_1160 = vector.shape_cast %swap3A_1159 : vector<16xi32> to vector<16xi32>
    %swap3A_1161 = vector.shape_cast %mul3A_1157 : vector<16xi32> to vector<16xi32>
    tpu.vector_store %arg5[%swap3A_1158], %swap3A_1161 {strides = array<i32>} : memref<1664xi32, #tpu.memory_space<vmem>>, vector<16xi32>,
    %iota3A_1162 = tpu.iota {dimensions = array<i32: 0>} : vector<16xi32>
    %add3A_1163 = arith.constant 1328 : i32
    %add3A_1164 = vector.broadcast %add3A_1163 : i32 to vector<16xi32>
    %add3A_1165 = arith.addi %iota3A_1162, %add3A_1164 : vector<16xi32>
    %rem3A_1166 = arith.constant 26 : i32
    %rem3A_1167 = vector.broadcast %rem3A_1166 : i32 to vector<16xi32>
    %rem3A_1168 = arith.remsi %add3A_1165, %rem3A_1167 : vector<16xi32>
    %mul3A_1169 = arith.constant 100000 : i32
    %mul3A_1170 = vector.broadcast %mul3A_1169 : i32 to vector<16xi32>
    %mul3A_1171 = arith.muli %rem3A_1168, %mul3A_1170 : vector<16xi32>
    %swap3A_1172 = arith.constant 1328 : index
    %swap3A_1173 = tpu.vector_load %arg5[%swap3A_1172] {strides = array<i32>} : memref<1664xi32, #tpu.memory_space<vmem>>, vector<16xi32>,
    %swap3A_1174 = vector.shape_cast %swap3A_1173 : vector<16xi32> to vector<16xi32>
    %swap3A_1175 = vector.shape_cast %mul3A_1171 : vector<16xi32> to vector<16xi32>
    tpu.vector_store %arg5[%swap3A_1172], %swap3A_1175 {strides = array<i32>} : memref<1664xi32, #tpu.memory_space<vmem>>, vector<16xi32>,
    %iota3A_1176 = tpu.iota {dimensions = array<i32: 0>} : vector<16xi32>
    %add3A_1177 = arith.constant 1344 : i32
    %add3A_1178 = vector.broadcast %add3A_1177 : i32 to vector<16xi32>
    %add3A_1179 = arith.addi %iota3A_1176, %add3A_1178 : vector<16xi32>
    %rem3A_1180 = arith.constant 26 : i32
    %rem3A_1181 = vector.broadcast %rem3A_1180 : i32 to vector<16xi32>
    %rem3A_1182 = arith.remsi %add3A_1179, %rem3A_1181 : vector<16xi32>
    %mul3A_1183 = arith.constant 100000 : i32
    %mul3A_1184 = vector.broadcast %mul3A_1183 : i32 to vector<16xi32>
    %mul3A_1185 = arith.muli %rem3A_1182, %mul3A_1184 : vector<16xi32>
    %swap3A_1186 = arith.constant 1344 : index
    %swap3A_1187 = tpu.vector_load %arg5[%swap3A_1186] {strides = array<i32>} : memref<1664xi32, #tpu.memory_space<vmem>>, vector<16xi32>,
    %swap3A_1188 = vector.shape_cast %swap3A_1187 : vector<16xi32> to vector<16xi32>
    %swap3A_1189 = vector.shape_cast %mul3A_1185 : vector<16xi32> to vector<16xi32>
    tpu.vector_store %arg5[%swap3A_1186], %swap3A_1189 {strides = array<i32>} : memref<1664xi32, #tpu.memory_space<vmem>>, vector<16xi32>,
    %iota3A_1190 = tpu.iota {dimensions = array<i32: 0>} : vector<16xi32>
    %add3A_1191 = arith.constant 1360 : i32
    %add3A_1192 = vector.broadcast %add3A_1191 : i32 to vector<16xi32>
    %add3A_1193 = arith.addi %iota3A_1190, %add3A_1192 : vector<16xi32>
    %rem3A_1194 = arith.constant 26 : i32
    %rem3A_1195 = vector.broadcast %rem3A_1194 : i32 to vector<16xi32>
    %rem3A_1196 = arith.remsi %add3A_1193, %rem3A_1195 : vector<16xi32>
    %mul3A_1197 = arith.constant 100000 : i32
    %mul3A_1198 = vector.broadcast %mul3A_1197 : i32 to vector<16xi32>
    %mul3A_1199 = arith.muli %rem3A_1196, %mul3A_1198 : vector<16xi32>
    %swap3A_1200 = arith.constant 1360 : index
    %swap3A_1201 = tpu.vector_load %arg5[%swap3A_1200] {strides = array<i32>} : memref<1664xi32, #tpu.memory_space<vmem>>, vector<16xi32>,
    %swap3A_1202 = vector.shape_cast %swap3A_1201 : vector<16xi32> to vector<16xi32>
    %swap3A_1203 = vector.shape_cast %mul3A_1199 : vector<16xi32> to vector<16xi32>
    tpu.vector_store %arg5[%swap3A_1200], %swap3A_1203 {strides = array<i32>} : memref<1664xi32, #tpu.memory_space<vmem>>, vector<16xi32>,
    %iota3A_1204 = tpu.iota {dimensions = array<i32: 0>} : vector<16xi32>
    %add3A_1205 = arith.constant 1376 : i32
    %add3A_1206 = vector.broadcast %add3A_1205 : i32 to vector<16xi32>
    %add3A_1207 = arith.addi %iota3A_1204, %add3A_1206 : vector<16xi32>
    %rem3A_1208 = arith.constant 26 : i32
    %rem3A_1209 = vector.broadcast %rem3A_1208 : i32 to vector<16xi32>
    %rem3A_1210 = arith.remsi %add3A_1207, %rem3A_1209 : vector<16xi32>
    %mul3A_1211 = arith.constant 100000 : i32
    %mul3A_1212 = vector.broadcast %mul3A_1211 : i32 to vector<16xi32>
    %mul3A_1213 = arith.muli %rem3A_1210, %mul3A_1212 : vector<16xi32>
    %swap3A_1214 = arith.constant 1376 : index
    %swap3A_1215 = tpu.vector_load %arg5[%swap3A_1214] {strides = array<i32>} : memref<1664xi32, #tpu.memory_space<vmem>>, vector<16xi32>,
    %swap3A_1216 = vector.shape_cast %swap3A_1215 : vector<16xi32> to vector<16xi32>
    %swap3A_1217 = vector.shape_cast %mul3A_1213 : vector<16xi32> to vector<16xi32>
    tpu.vector_store %arg5[%swap3A_1214], %swap3A_1217 {strides = array<i32>} : memref<1664xi32, #tpu.memory_space<vmem>>, vector<16xi32>,
    %iota3A_1218 = tpu.iota {dimensions = array<i32: 0>} : vector<16xi32>
    %add3A_1219 = arith.constant 1392 : i32
    %add3A_1220 = vector.broadcast %add3A_1219 : i32 to vector<16xi32>
    %add3A_1221 = arith.addi %iota3A_1218, %add3A_1220 : vector<16xi32>
    %rem3A_1222 = arith.constant 26 : i32
    %rem3A_1223 = vector.broadcast %rem3A_1222 : i32 to vector<16xi32>
    %rem3A_1224 = arith.remsi %add3A_1221, %rem3A_1223 : vector<16xi32>
    %mul3A_1225 = arith.constant 100000 : i32
    %mul3A_1226 = vector.broadcast %mul3A_1225 : i32 to vector<16xi32>
    %mul3A_1227 = arith.muli %rem3A_1224, %mul3A_1226 : vector<16xi32>
    %swap3A_1228 = arith.constant 1392 : index
    %swap3A_1229 = tpu.vector_load %arg5[%swap3A_1228] {strides = array<i32>} : memref<1664xi32, #tpu.memory_space<vmem>>, vector<16xi32>,
    %swap3A_1230 = vector.shape_cast %swap3A_1229 : vector<16xi32> to vector<16xi32>
    %swap3A_1231 = vector.shape_cast %mul3A_1227 : vector<16xi32> to vector<16xi32>
    tpu.vector_store %arg5[%swap3A_1228], %swap3A_1231 {strides = array<i32>} : memref<1664xi32, #tpu.memory_space<vmem>>, vector<16xi32>,
    %iota3A_1232 = tpu.iota {dimensions = array<i32: 0>} : vector<16xi32>
    %add3A_1233 = arith.constant 1408 : i32
    %add3A_1234 = vector.broadcast %add3A_1233 : i32 to vector<16xi32>
    %add3A_1235 = arith.addi %iota3A_1232, %add3A_1234 : vector<16xi32>
    %rem3A_1236 = arith.constant 26 : i32
    %rem3A_1237 = vector.broadcast %rem3A_1236 : i32 to vector<16xi32>
    %rem3A_1238 = arith.remsi %add3A_1235, %rem3A_1237 : vector<16xi32>
    %mul3A_1239 = arith.constant 100000 : i32
    %mul3A_1240 = vector.broadcast %mul3A_1239 : i32 to vector<16xi32>
    %mul3A_1241 = arith.muli %rem3A_1238, %mul3A_1240 : vector<16xi32>
    %swap3A_1242 = arith.constant 1408 : index
    %swap3A_1243 = tpu.vector_load %arg5[%swap3A_1242] {strides = array<i32>} : memref<1664xi32, #tpu.memory_space<vmem>>, vector<16xi32>,
    %swap3A_1244 = vector.shape_cast %swap3A_1243 : vector<16xi32> to vector<16xi32>
    %swap3A_1245 = vector.shape_cast %mul3A_1241 : vector<16xi32> to vector<16xi32>
    tpu.vector_store %arg5[%swap3A_1242], %swap3A_1245 {strides = array<i32>} : memref<1664xi32, #tpu.memory_space<vmem>>, vector<16xi32>,
    %iota3A_1246 = tpu.iota {dimensions = array<i32: 0>} : vector<16xi32>
    %add3A_1247 = arith.constant 1424 : i32
    %add3A_1248 = vector.broadcast %add3A_1247 : i32 to vector<16xi32>
    %add3A_1249 = arith.addi %iota3A_1246, %add3A_1248 : vector<16xi32>
    %rem3A_1250 = arith.constant 26 : i32
    %rem3A_1251 = vector.broadcast %rem3A_1250 : i32 to vector<16xi32>
    %rem3A_1252 = arith.remsi %add3A_1249, %rem3A_1251 : vector<16xi32>
    %mul3A_1253 = arith.constant 100000 : i32
    %mul3A_1254 = vector.broadcast %mul3A_1253 : i32 to vector<16xi32>
    %mul3A_1255 = arith.muli %rem3A_1252, %mul3A_1254 : vector<16xi32>
    %swap3A_1256 = arith.constant 1424 : index
    %swap3A_1257 = tpu.vector_load %arg5[%swap3A_1256] {strides = array<i32>} : memref<1664xi32, #tpu.memory_space<vmem>>, vector<16xi32>,
    %swap3A_1258 = vector.shape_cast %swap3A_1257 : vector<16xi32> to vector<16xi32>
    %swap3A_1259 = vector.shape_cast %mul3A_1255 : vector<16xi32> to vector<16xi32>
    tpu.vector_store %arg5[%swap3A_1256], %swap3A_1259 {strides = array<i32>} : memref<1664xi32, #tpu.memory_space<vmem>>, vector<16xi32>,
    %iota3A_1260 = tpu.iota {dimensions = array<i32: 0>} : vector<16xi32>
    %add3A_1261 = arith.constant 1440 : i32
    %add3A_1262 = vector.broadcast %add3A_1261 : i32 to vector<16xi32>
    %add3A_1263 = arith.addi %iota3A_1260, %add3A_1262 : vector<16xi32>
    %rem3A_1264 = arith.constant 26 : i32
    %rem3A_1265 = vector.broadcast %rem3A_1264 : i32 to vector<16xi32>
    %rem3A_1266 = arith.remsi %add3A_1263, %rem3A_1265 : vector<16xi32>
    %mul3A_1267 = arith.constant 100000 : i32
    %mul3A_1268 = vector.broadcast %mul3A_1267 : i32 to vector<16xi32>
    %mul3A_1269 = arith.muli %rem3A_1266, %mul3A_1268 : vector<16xi32>
    %swap3A_1270 = arith.constant 1440 : index
    %swap3A_1271 = tpu.vector_load %arg5[%swap3A_1270] {strides = array<i32>} : memref<1664xi32, #tpu.memory_space<vmem>>, vector<16xi32>,
    %swap3A_1272 = vector.shape_cast %swap3A_1271 : vector<16xi32> to vector<16xi32>
    %swap3A_1273 = vector.shape_cast %mul3A_1269 : vector<16xi32> to vector<16xi32>
    tpu.vector_store %arg5[%swap3A_1270], %swap3A_1273 {strides = array<i32>} : memref<1664xi32, #tpu.memory_space<vmem>>, vector<16xi32>,
    %iota3A_1274 = tpu.iota {dimensions = array<i32: 0>} : vector<16xi32>
    %add3A_1275 = arith.constant 1456 : i32
    %add3A_1276 = vector.broadcast %add3A_1275 : i32 to vector<16xi32>
    %add3A_1277 = arith.addi %iota3A_1274, %add3A_1276 : vector<16xi32>
    %rem3A_1278 = arith.constant 26 : i32
    %rem3A_1279 = vector.broadcast %rem3A_1278 : i32 to vector<16xi32>
    %rem3A_1280 = arith.remsi %add3A_1277, %rem3A_1279 : vector<16xi32>
    %mul3A_1281 = arith.constant 100000 : i32
    %mul3A_1282 = vector.broadcast %mul3A_1281 : i32 to vector<16xi32>
    %mul3A_1283 = arith.muli %rem3A_1280, %mul3A_1282 : vector<16xi32>
    %swap3A_1284 = arith.constant 1456 : index
    %swap3A_1285 = tpu.vector_load %arg5[%swap3A_1284] {strides = array<i32>} : memref<1664xi32, #tpu.memory_space<vmem>>, vector<16xi32>,
    %swap3A_1286 = vector.shape_cast %swap3A_1285 : vector<16xi32> to vector<16xi32>
    %swap3A_1287 = vector.shape_cast %mul3A_1283 : vector<16xi32> to vector<16xi32>
    tpu.vector_store %arg5[%swap3A_1284], %swap3A_1287 {strides = array<i32>} : memref<1664xi32, #tpu.memory_space<vmem>>, vector<16xi32>,
    %iota3A_1288 = tpu.iota {dimensions = array<i32: 0>} : vector<16xi32>
    %add3A_1289 = arith.constant 1472 : i32
    %add3A_1290 = vector.broadcast %add3A_1289 : i32 to vector<16xi32>
    %add3A_1291 = arith.addi %iota3A_1288, %add3A_1290 : vector<16xi32>
    %rem3A_1292 = arith.constant 26 : i32
    %rem3A_1293 = vector.broadcast %rem3A_1292 : i32 to vector<16xi32>
    %rem3A_1294 = arith.remsi %add3A_1291, %rem3A_1293 : vector<16xi32>
    %mul3A_1295 = arith.constant 100000 : i32
    %mul3A_1296 = vector.broadcast %mul3A_1295 : i32 to vector<16xi32>
    %mul3A_1297 = arith.muli %rem3A_1294, %mul3A_1296 : vector<16xi32>
    %swap3A_1298 = arith.constant 1472 : index
    %swap3A_1299 = tpu.vector_load %arg5[%swap3A_1298] {strides = array<i32>} : memref<1664xi32, #tpu.memory_space<vmem>>, vector<16xi32>,
    %swap3A_1300 = vector.shape_cast %swap3A_1299 : vector<16xi32> to vector<16xi32>
    %swap3A_1301 = vector.shape_cast %mul3A_1297 : vector<16xi32> to vector<16xi32>
    tpu.vector_store %arg5[%swap3A_1298], %swap3A_1301 {strides = array<i32>} : memref<1664xi32, #tpu.memory_space<vmem>>, vector<16xi32>,
    %iota3A_1302 = tpu.iota {dimensions = array<i32: 0>} : vector<16xi32>
    %add3A_1303 = arith.constant 1488 : i32
    %add3A_1304 = vector.broadcast %add3A_1303 : i32 to vector<16xi32>
    %add3A_1305 = arith.addi %iota3A_1302, %add3A_1304 : vector<16xi32>
    %rem3A_1306 = arith.constant 26 : i32
    %rem3A_1307 = vector.broadcast %rem3A_1306 : i32 to vector<16xi32>
    %rem3A_1308 = arith.remsi %add3A_1305, %rem3A_1307 : vector<16xi32>
    %mul3A_1309 = arith.constant 100000 : i32
    %mul3A_1310 = vector.broadcast %mul3A_1309 : i32 to vector<16xi32>
    %mul3A_1311 = arith.muli %rem3A_1308, %mul3A_1310 : vector<16xi32>
    %swap3A_1312 = arith.constant 1488 : index
    %swap3A_1313 = tpu.vector_load %arg5[%swap3A_1312] {strides = array<i32>} : memref<1664xi32, #tpu.memory_space<vmem>>, vector<16xi32>,
    %swap3A_1314 = vector.shape_cast %swap3A_1313 : vector<16xi32> to vector<16xi32>
    %swap3A_1315 = vector.shape_cast %mul3A_1311 : vector<16xi32> to vector<16xi32>
    tpu.vector_store %arg5[%swap3A_1312], %swap3A_1315 {strides = array<i32>} : memref<1664xi32, #tpu.memory_space<vmem>>, vector<16xi32>,
    %iota3A_1316 = tpu.iota {dimensions = array<i32: 0>} : vector<16xi32>
    %add3A_1317 = arith.constant 1504 : i32
    %add3A_1318 = vector.broadcast %add3A_1317 : i32 to vector<16xi32>
    %add3A_1319 = arith.addi %iota3A_1316, %add3A_1318 : vector<16xi32>
    %rem3A_1320 = arith.constant 26 : i32
    %rem3A_1321 = vector.broadcast %rem3A_1320 : i32 to vector<16xi32>
    %rem3A_1322 = arith.remsi %add3A_1319, %rem3A_1321 : vector<16xi32>
    %mul3A_1323 = arith.constant 100000 : i32
    %mul3A_1324 = vector.broadcast %mul3A_1323 : i32 to vector<16xi32>
    %mul3A_1325 = arith.muli %rem3A_1322, %mul3A_1324 : vector<16xi32>
    %swap3A_1326 = arith.constant 1504 : index
    %swap3A_1327 = tpu.vector_load %arg5[%swap3A_1326] {strides = array<i32>} : memref<1664xi32, #tpu.memory_space<vmem>>, vector<16xi32>,
    %swap3A_1328 = vector.shape_cast %swap3A_1327 : vector<16xi32> to vector<16xi32>
    %swap3A_1329 = vector.shape_cast %mul3A_1325 : vector<16xi32> to vector<16xi32>
    tpu.vector_store %arg5[%swap3A_1326], %swap3A_1329 {strides = array<i32>} : memref<1664xi32, #tpu.memory_space<vmem>>, vector<16xi32>,
    %iota3A_1330 = tpu.iota {dimensions = array<i32: 0>} : vector<16xi32>
    %add3A_1331 = arith.constant 1520 : i32
    %add3A_1332 = vector.broadcast %add3A_1331 : i32 to vector<16xi32>
    %add3A_1333 = arith.addi %iota3A_1330, %add3A_1332 : vector<16xi32>
    %rem3A_1334 = arith.constant 26 : i32
    %rem3A_1335 = vector.broadcast %rem3A_1334 : i32 to vector<16xi32>
    %rem3A_1336 = arith.remsi %add3A_1333, %rem3A_1335 : vector<16xi32>
    %mul3A_1337 = arith.constant 100000 : i32
    %mul3A_1338 = vector.broadcast %mul3A_1337 : i32 to vector<16xi32>
    %mul3A_1339 = arith.muli %rem3A_1336, %mul3A_1338 : vector<16xi32>
    %swap3A_1340 = arith.constant 1520 : index
    %swap3A_1341 = tpu.vector_load %arg5[%swap3A_1340] {strides = array<i32>} : memref<1664xi32, #tpu.memory_space<vmem>>, vector<16xi32>,
    %swap3A_1342 = vector.shape_cast %swap3A_1341 : vector<16xi32> to vector<16xi32>
    %swap3A_1343 = vector.shape_cast %mul3A_1339 : vector<16xi32> to vector<16xi32>
    tpu.vector_store %arg5[%swap3A_1340], %swap3A_1343 {strides = array<i32>} : memref<1664xi32, #tpu.memory_space<vmem>>, vector<16xi32>,
    %iota3A_1344 = tpu.iota {dimensions = array<i32: 0>} : vector<16xi32>
    %add3A_1345 = arith.constant 1536 : i32
    %add3A_1346 = vector.broadcast %add3A_1345 : i32 to vector<16xi32>
    %add3A_1347 = arith.addi %iota3A_1344, %add3A_1346 : vector<16xi32>
    %rem3A_1348 = arith.constant 26 : i32
    %rem3A_1349 = vector.broadcast %rem3A_1348 : i32 to vector<16xi32>
    %rem3A_1350 = arith.remsi %add3A_1347, %rem3A_1349 : vector<16xi32>
    %mul3A_1351 = arith.constant 100000 : i32
    %mul3A_1352 = vector.broadcast %mul3A_1351 : i32 to vector<16xi32>
    %mul3A_1353 = arith.muli %rem3A_1350, %mul3A_1352 : vector<16xi32>
    %swap3A_1354 = arith.constant 1536 : index
    %swap3A_1355 = tpu.vector_load %arg5[%swap3A_1354] {strides = array<i32>} : memref<1664xi32, #tpu.memory_space<vmem>>, vector<16xi32>,
    %swap3A_1356 = vector.shape_cast %swap3A_1355 : vector<16xi32> to vector<16xi32>
    %swap3A_1357 = vector.shape_cast %mul3A_1353 : vector<16xi32> to vector<16xi32>
    tpu.vector_store %arg5[%swap3A_1354], %swap3A_1357 {strides = array<i32>} : memref<1664xi32, #tpu.memory_space<vmem>>, vector<16xi32>,
    %iota3A_1358 = tpu.iota {dimensions = array<i32: 0>} : vector<16xi32>
    %add3A_1359 = arith.constant 1552 : i32
    %add3A_1360 = vector.broadcast %add3A_1359 : i32 to vector<16xi32>
    %add3A_1361 = arith.addi %iota3A_1358, %add3A_1360 : vector<16xi32>
    %rem3A_1362 = arith.constant 26 : i32
    %rem3A_1363 = vector.broadcast %rem3A_1362 : i32 to vector<16xi32>
    %rem3A_1364 = arith.remsi %add3A_1361, %rem3A_1363 : vector<16xi32>
    %mul3A_1365 = arith.constant 100000 : i32
    %mul3A_1366 = vector.broadcast %mul3A_1365 : i32 to vector<16xi32>
    %mul3A_1367 = arith.muli %rem3A_1364, %mul3A_1366 : vector<16xi32>
    %swap3A_1368 = arith.constant 1552 : index
    %swap3A_1369 = tpu.vector_load %arg5[%swap3A_1368] {strides = array<i32>} : memref<1664xi32, #tpu.memory_space<vmem>>, vector<16xi32>,
    %swap3A_1370 = vector.shape_cast %swap3A_1369 : vector<16xi32> to vector<16xi32>
    %swap3A_1371 = vector.shape_cast %mul3A_1367 : vector<16xi32> to vector<16xi32>
    tpu.vector_store %arg5[%swap3A_1368], %swap3A_1371 {strides = array<i32>} : memref<1664xi32, #tpu.memory_space<vmem>>, vector<16xi32>,
    %iota3A_1372 = tpu.iota {dimensions = array<i32: 0>} : vector<16xi32>
    %add3A_1373 = arith.constant 1568 : i32
    %add3A_1374 = vector.broadcast %add3A_1373 : i32 to vector<16xi32>
    %add3A_1375 = arith.addi %iota3A_1372, %add3A_1374 : vector<16xi32>
    %rem3A_1376 = arith.constant 26 : i32
    %rem3A_1377 = vector.broadcast %rem3A_1376 : i32 to vector<16xi32>
    %rem3A_1378 = arith.remsi %add3A_1375, %rem3A_1377 : vector<16xi32>
    %mul3A_1379 = arith.constant 100000 : i32
    %mul3A_1380 = vector.broadcast %mul3A_1379 : i32 to vector<16xi32>
    %mul3A_1381 = arith.muli %rem3A_1378, %mul3A_1380 : vector<16xi32>
    %swap3A_1382 = arith.constant 1568 : index
    %swap3A_1383 = tpu.vector_load %arg5[%swap3A_1382] {strides = array<i32>} : memref<1664xi32, #tpu.memory_space<vmem>>, vector<16xi32>,
    %swap3A_1384 = vector.shape_cast %swap3A_1383 : vector<16xi32> to vector<16xi32>
    %swap3A_1385 = vector.shape_cast %mul3A_1381 : vector<16xi32> to vector<16xi32>
    tpu.vector_store %arg5[%swap3A_1382], %swap3A_1385 {strides = array<i32>} : memref<1664xi32, #tpu.memory_space<vmem>>, vector<16xi32>,
    %iota3A_1386 = tpu.iota {dimensions = array<i32: 0>} : vector<16xi32>
    %add3A_1387 = arith.constant 1584 : i32
    %add3A_1388 = vector.broadcast %add3A_1387 : i32 to vector<16xi32>
    %add3A_1389 = arith.addi %iota3A_1386, %add3A_1388 : vector<16xi32>
    %rem3A_1390 = arith.constant 26 : i32
    %rem3A_1391 = vector.broadcast %rem3A_1390 : i32 to vector<16xi32>
    %rem3A_1392 = arith.remsi %add3A_1389, %rem3A_1391 : vector<16xi32>
    %mul3A_1393 = arith.constant 100000 : i32
    %mul3A_1394 = vector.broadcast %mul3A_1393 : i32 to vector<16xi32>
    %mul3A_1395 = arith.muli %rem3A_1392, %mul3A_1394 : vector<16xi32>
    %swap3A_1396 = arith.constant 1584 : index
    %swap3A_1397 = tpu.vector_load %arg5[%swap3A_1396] {strides = array<i32>} : memref<1664xi32, #tpu.memory_space<vmem>>, vector<16xi32>,
    %swap3A_1398 = vector.shape_cast %swap3A_1397 : vector<16xi32> to vector<16xi32>
    %swap3A_1399 = vector.shape_cast %mul3A_1395 : vector<16xi32> to vector<16xi32>
    tpu.vector_store %arg5[%swap3A_1396], %swap3A_1399 {strides = array<i32>} : memref<1664xi32, #tpu.memory_space<vmem>>, vector<16xi32>,
    %iota3A_1400 = tpu.iota {dimensions = array<i32: 0>} : vector<16xi32>
    %add3A_1401 = arith.constant 1600 : i32
    %add3A_1402 = vector.broadcast %add3A_1401 : i32 to vector<16xi32>
    %add3A_1403 = arith.addi %iota3A_1400, %add3A_1402 : vector<16xi32>
    %rem3A_1404 = arith.constant 26 : i32
    %rem3A_1405 = vector.broadcast %rem3A_1404 : i32 to vector<16xi32>
    %rem3A_1406 = arith.remsi %add3A_1403, %rem3A_1405 : vector<16xi32>
    %mul3A_1407 = arith.constant 100000 : i32
    %mul3A_1408 = vector.broadcast %mul3A_1407 : i32 to vector<16xi32>
    %mul3A_1409 = arith.muli %rem3A_1406, %mul3A_1408 : vector<16xi32>
    %swap3A_1410 = arith.constant 1600 : index
    %swap3A_1411 = tpu.vector_load %arg5[%swap3A_1410] {strides = array<i32>} : memref<1664xi32, #tpu.memory_space<vmem>>, vector<16xi32>,
    %swap3A_1412 = vector.shape_cast %swap3A_1411 : vector<16xi32> to vector<16xi32>
    %swap3A_1413 = vector.shape_cast %mul3A_1409 : vector<16xi32> to vector<16xi32>
    tpu.vector_store %arg5[%swap3A_1410], %swap3A_1413 {strides = array<i32>} : memref<1664xi32, #tpu.memory_space<vmem>>, vector<16xi32>,
    %iota3A_1414 = tpu.iota {dimensions = array<i32: 0>} : vector<16xi32>
    %add3A_1415 = arith.constant 1616 : i32
    %add3A_1416 = vector.broadcast %add3A_1415 : i32 to vector<16xi32>
    %add3A_1417 = arith.addi %iota3A_1414, %add3A_1416 : vector<16xi32>
    %rem3A_1418 = arith.constant 26 : i32
    %rem3A_1419 = vector.broadcast %rem3A_1418 : i32 to vector<16xi32>
    %rem3A_1420 = arith.remsi %add3A_1417, %rem3A_1419 : vector<16xi32>
    %mul3A_1421 = arith.constant 100000 : i32
    %mul3A_1422 = vector.broadcast %mul3A_1421 : i32 to vector<16xi32>
    %mul3A_1423 = arith.muli %rem3A_1420, %mul3A_1422 : vector<16xi32>
    %swap3A_1424 = arith.constant 1616 : index
    %swap3A_1425 = tpu.vector_load %arg5[%swap3A_1424] {strides = array<i32>} : memref<1664xi32, #tpu.memory_space<vmem>>, vector<16xi32>,
    %swap3A_1426 = vector.shape_cast %swap3A_1425 : vector<16xi32> to vector<16xi32>
    %swap3A_1427 = vector.shape_cast %mul3A_1423 : vector<16xi32> to vector<16xi32>
    tpu.vector_store %arg5[%swap3A_1424], %swap3A_1427 {strides = array<i32>} : memref<1664xi32, #tpu.memory_space<vmem>>, vector<16xi32>,
    %iota3A_1428 = tpu.iota {dimensions = array<i32: 0>} : vector<16xi32>
    %add3A_1429 = arith.constant 1632 : i32
    %add3A_1430 = vector.broadcast %add3A_1429 : i32 to vector<16xi32>
    %add3A_1431 = arith.addi %iota3A_1428, %add3A_1430 : vector<16xi32>
    %rem3A_1432 = arith.constant 26 : i32
    %rem3A_1433 = vector.broadcast %rem3A_1432 : i32 to vector<16xi32>
    %rem3A_1434 = arith.remsi %add3A_1431, %rem3A_1433 : vector<16xi32>
    %mul3A_1435 = arith.constant 100000 : i32
    %mul3A_1436 = vector.broadcast %mul3A_1435 : i32 to vector<16xi32>
    %mul3A_1437 = arith.muli %rem3A_1434, %mul3A_1436 : vector<16xi32>
    %swap3A_1438 = arith.constant 1632 : index
    %swap3A_1439 = tpu.vector_load %arg5[%swap3A_1438] {strides = array<i32>} : memref<1664xi32, #tpu.memory_space<vmem>>, vector<16xi32>,
    %swap3A_1440 = vector.shape_cast %swap3A_1439 : vector<16xi32> to vector<16xi32>
    %swap3A_1441 = vector.shape_cast %mul3A_1437 : vector<16xi32> to vector<16xi32>
    tpu.vector_store %arg5[%swap3A_1438], %swap3A_1441 {strides = array<i32>} : memref<1664xi32, #tpu.memory_space<vmem>>, vector<16xi32>,
    %iota3A_1442 = tpu.iota {dimensions = array<i32: 0>} : vector<16xi32>
    %add3A_1443 = arith.constant 1648 : i32
    %add3A_1444 = vector.broadcast %add3A_1443 : i32 to vector<16xi32>
    %add3A_1445 = arith.addi %iota3A_1442, %add3A_1444 : vector<16xi32>
    %rem3A_1446 = arith.constant 26 : i32
    %rem3A_1447 = vector.broadcast %rem3A_1446 : i32 to vector<16xi32>
    %rem3A_1448 = arith.remsi %add3A_1445, %rem3A_1447 : vector<16xi32>
    %mul3A_1449 = arith.constant 100000 : i32
    %mul3A_1450 = vector.broadcast %mul3A_1449 : i32 to vector<16xi32>
    %mul3A_1451 = arith.muli %rem3A_1448, %mul3A_1450 : vector<16xi32>
    %swap3A_1452 = arith.constant 1648 : index
    %swap3A_1453 = tpu.vector_load %arg5[%swap3A_1452] {strides = array<i32>} : memref<1664xi32, #tpu.memory_space<vmem>>, vector<16xi32>,
    %swap3A_1454 = vector.shape_cast %swap3A_1453 : vector<16xi32> to vector<16xi32>
    %swap3A_1455 = vector.shape_cast %mul3A_1451 : vector<16xi32> to vector<16xi32>
    tpu.vector_store %arg5[%swap3A_1452], %swap3A_1455 {strides = array<i32>} : memref<1664xi32, #tpu.memory_space<vmem>>, vector<16xi32>,
    %scan3A = arith.constant 0 : i32
    %scan3A_1456 = arith.constant 0 : i32
    %scan3A_1457 = arith.constant 100 : i32
    %scan3A_1458 = arith.addi %scan3A_1456, %scan3A_1457 : i32
    %scan3A_1459 = arith.constant 1 : i32
    scf.for %scan3A_1461 = %scan3A_1456 to %scan3A_1458 step %scan3A_1459  : i32 {
      %mul3A_1462 = arith.constant 1664 : i32
      %mul3A_1463 = arith.muli %scan3A_1461, %mul3A_1462 : i32
      %add3A_1464 = arith.addi %mul3A_2, %mul3A_1463 : i32
      "tpu.region"() ({
        %run_scoped3A = tpu.sem_alloc : memref<!tpu.dma_semaphore, #tpu.memory_space<semaphore_mem>>
        %dma_start3A_2814 = tpu.memref_slice %arg2[%add3A_1464] : memref<5324800xi32, #tpu.memory_space<hbm>> -> memref<1664xi32, #tpu.memory_space<hbm>>
        %dma_start3A_2815 = tpu.memref_slice %arg2[%add3A_1464] : memref<5324800xi32, #tpu.memory_space<hbm>> -> memref<1664xi32, #tpu.memory_space<hbm>>
        tpu.enqueue_dma source(%dma_start3A_2815 : memref<1664xi32, #tpu.memory_space<hbm>>) target(%arg6 : memref<1664xi32, #tpu.memory_space<vmem>>) target_semaphore(%run_scoped3A : memref<!tpu.dma_semaphore, #tpu.memory_space<semaphore_mem>>)
        %dma_wait3A_2816 = tpu.memref_slice %arg2[%add3A_1464] : memref<5324800xi32, #tpu.memory_space<hbm>> -> memref<1664xi32, #tpu.memory_space<hbm>>
        %dma_wait3A_2817 = tpu.memref_slice %arg2[%add3A_1464] : memref<5324800xi32, #tpu.memory_space<hbm>> -> memref<1664xi32, #tpu.memory_space<hbm>>
        tpu.wait_dma2 semaphore(%run_scoped3A : memref<!tpu.dma_semaphore, #tpu.memory_space<semaphore_mem>>) src(%dma_wait3A_2817 : memref<1664xi32, #tpu.memory_space<hbm>>) dst(%arg6 : memref<1664xi32, #tpu.memory_space<vmem>>)
        tpu.yield
      }) : () -> ()
      %get3A = arith.constant 0 : index
      %get3A_1465 = tpu.vector_load %arg6[%get3A] {strides = array<i32>} : memref<1664xi32, #tpu.memory_space<vmem>>, vector<16xi32>,
      %get3A_1466 = vector.shape_cast %get3A_1465 : vector<16xi32> to vector<16xi32>
      %get3A_1467 = arith.constant 0 : index
      %get3A_1468 = tpu.vector_load %arg5[%get3A_1467] {strides = array<i32>} : memref<1664xi32, #tpu.memory_space<vmem>>, vector<16xi32>,
      %get3A_1469 = vector.shape_cast %get3A_1468 : vector<16xi32> to vector<16xi32>
      %add3A_1470 = arith.addi %get3A_1466, %get3A_1469 : vector<16xi32>
      %swap3A_1471 = arith.constant 0 : index
      %swap3A_1472 = tpu.vector_load %arg6[%swap3A_1471] {strides = array<i32>} : memref<1664xi32, #tpu.memory_space<vmem>>, vector<16xi32>,
      %swap3A_1473 = vector.shape_cast %swap3A_1472 : vector<16xi32> to vector<16xi32>
      %swap3A_1474 = vector.shape_cast %add3A_1470 : vector<16xi32> to vector<16xi32>
      tpu.vector_store %arg6[%swap3A_1471], %swap3A_1474 {strides = array<i32>} : memref<1664xi32, #tpu.memory_space<vmem>>, vector<16xi32>,
      %get3A_1475 = arith.constant 16 : index
      %get3A_1476 = tpu.vector_load %arg6[%get3A_1475] {strides = array<i32>} : memref<1664xi32, #tpu.memory_space<vmem>>, vector<16xi32>,
      %get3A_1477 = vector.shape_cast %get3A_1476 : vector<16xi32> to vector<16xi32>
      %get3A_1478 = arith.constant 16 : index
      %get3A_1479 = tpu.vector_load %arg5[%get3A_1478] {strides = array<i32>} : memref<1664xi32, #tpu.memory_space<vmem>>, vector<16xi32>,
      %get3A_1480 = vector.shape_cast %get3A_1479 : vector<16xi32> to vector<16xi32>
      %add3A_1481 = arith.addi %get3A_1477, %get3A_1480 : vector<16xi32>
      %swap3A_1482 = arith.constant 16 : index
      %swap3A_1483 = tpu.vector_load %arg6[%swap3A_1482] {strides = array<i32>} : memref<1664xi32, #tpu.memory_space<vmem>>, vector<16xi32>,
      %swap3A_1484 = vector.shape_cast %swap3A_1483 : vector<16xi32> to vector<16xi32>
      %swap3A_1485 = vector.shape_cast %add3A_1481 : vector<16xi32> to vector<16xi32>
      tpu.vector_store %arg6[%swap3A_1482], %swap3A_1485 {strides = array<i32>} : memref<1664xi32, #tpu.memory_space<vmem>>, vector<16xi32>,
      %get3A_1486 = arith.constant 32 : index
      %get3A_1487 = tpu.vector_load %arg6[%get3A_1486] {strides = array<i32>} : memref<1664xi32, #tpu.memory_space<vmem>>, vector<16xi32>,
      %get3A_1488 = vector.shape_cast %get3A_1487 : vector<16xi32> to vector<16xi32>
      %get3A_1489 = arith.constant 32 : index
      %get3A_1490 = tpu.vector_load %arg5[%get3A_1489] {strides = array<i32>} : memref<1664xi32, #tpu.memory_space<vmem>>, vector<16xi32>,
      %get3A_1491 = vector.shape_cast %get3A_1490 : vector<16xi32> to vector<16xi32>
      %add3A_1492 = arith.addi %get3A_1488, %get3A_1491 : vector<16xi32>
      %swap3A_1493 = arith.constant 32 : index
      %swap3A_1494 = tpu.vector_load %arg6[%swap3A_1493] {strides = array<i32>} : memref<1664xi32, #tpu.memory_space<vmem>>, vector<16xi32>,
      %swap3A_1495 = vector.shape_cast %swap3A_1494 : vector<16xi32> to vector<16xi32>
      %swap3A_1496 = vector.shape_cast %add3A_1492 : vector<16xi32> to vector<16xi32>
      tpu.vector_store %arg6[%swap3A_1493], %swap3A_1496 {strides = array<i32>} : memref<1664xi32, #tpu.memory_space<vmem>>, vector<16xi32>,
      %get3A_1497 = arith.constant 48 : index
      %get3A_1498 = tpu.vector_load %arg6[%get3A_1497] {strides = array<i32>} : memref<1664xi32, #tpu.memory_space<vmem>>, vector<16xi32>,
      %get3A_1499 = vector.shape_cast %get3A_1498 : vector<16xi32> to vector<16xi32>
      %get3A_1500 = arith.constant 48 : index
      %get3A_1501 = tpu.vector_load %arg5[%get3A_1500] {strides = array<i32>} : memref<1664xi32, #tpu.memory_space<vmem>>, vector<16xi32>,
      %get3A_1502 = vector.shape_cast %get3A_1501 : vector<16xi32> to vector<16xi32>
      %add3A_1503 = arith.addi %get3A_1499, %get3A_1502 : vector<16xi32>
      %swap3A_1504 = arith.constant 48 : index
      %swap3A_1505 = tpu.vector_load %arg6[%swap3A_1504] {strides = array<i32>} : memref<1664xi32, #tpu.memory_space<vmem>>, vector<16xi32>,
      %swap3A_1506 = vector.shape_cast %swap3A_1505 : vector<16xi32> to vector<16xi32>
      %swap3A_1507 = vector.shape_cast %add3A_1503 : vector<16xi32> to vector<16xi32>
      tpu.vector_store %arg6[%swap3A_1504], %swap3A_1507 {strides = array<i32>} : memref<1664xi32, #tpu.memory_space<vmem>>, vector<16xi32>,
      %get3A_1508 = arith.constant 64 : index
      %get3A_1509 = tpu.vector_load %arg6[%get3A_1508] {strides = array<i32>} : memref<1664xi32, #tpu.memory_space<vmem>>, vector<16xi32>,
      %get3A_1510 = vector.shape_cast %get3A_1509 : vector<16xi32> to vector<16xi32>
      %get3A_1511 = arith.constant 64 : index
      %get3A_1512 = tpu.vector_load %arg5[%get3A_1511] {strides = array<i32>} : memref<1664xi32, #tpu.memory_space<vmem>>, vector<16xi32>,
      %get3A_1513 = vector.shape_cast %get3A_1512 : vector<16xi32> to vector<16xi32>
      %add3A_1514 = arith.addi %get3A_1510, %get3A_1513 : vector<16xi32>
      %swap3A_1515 = arith.constant 64 : index
      %swap3A_1516 = tpu.vector_load %arg6[%swap3A_1515] {strides = array<i32>} : memref<1664xi32, #tpu.memory_space<vmem>>, vector<16xi32>,
      %swap3A_1517 = vector.shape_cast %swap3A_1516 : vector<16xi32> to vector<16xi32>
      %swap3A_1518 = vector.shape_cast %add3A_1514 : vector<16xi32> to vector<16xi32>
      tpu.vector_store %arg6[%swap3A_1515], %swap3A_1518 {strides = array<i32>} : memref<1664xi32, #tpu.memory_space<vmem>>, vector<16xi32>,
      %get3A_1519 = arith.constant 80 : index
      %get3A_1520 = tpu.vector_load %arg6[%get3A_1519] {strides = array<i32>} : memref<1664xi32, #tpu.memory_space<vmem>>, vector<16xi32>,
      %get3A_1521 = vector.shape_cast %get3A_1520 : vector<16xi32> to vector<16xi32>
      %get3A_1522 = arith.constant 80 : index
      %get3A_1523 = tpu.vector_load %arg5[%get3A_1522] {strides = array<i32>} : memref<1664xi32, #tpu.memory_space<vmem>>, vector<16xi32>,
      %get3A_1524 = vector.shape_cast %get3A_1523 : vector<16xi32> to vector<16xi32>
      %add3A_1525 = arith.addi %get3A_1521, %get3A_1524 : vector<16xi32>
      %swap3A_1526 = arith.constant 80 : index
      %swap3A_1527 = tpu.vector_load %arg6[%swap3A_1526] {strides = array<i32>} : memref<1664xi32, #tpu.memory_space<vmem>>, vector<16xi32>,
      %swap3A_1528 = vector.shape_cast %swap3A_1527 : vector<16xi32> to vector<16xi32>
      %swap3A_1529 = vector.shape_cast %add3A_1525 : vector<16xi32> to vector<16xi32>
      tpu.vector_store %arg6[%swap3A_1526], %swap3A_1529 {strides = array<i32>} : memref<1664xi32, #tpu.memory_space<vmem>>, vector<16xi32>,
      %get3A_1530 = arith.constant 96 : index
      %get3A_1531 = tpu.vector_load %arg6[%get3A_1530] {strides = array<i32>} : memref<1664xi32, #tpu.memory_space<vmem>>, vector<16xi32>,
      %get3A_1532 = vector.shape_cast %get3A_1531 : vector<16xi32> to vector<16xi32>
      %get3A_1533 = arith.constant 96 : index
      %get3A_1534 = tpu.vector_load %arg5[%get3A_1533] {strides = array<i32>} : memref<1664xi32, #tpu.memory_space<vmem>>, vector<16xi32>,
      %get3A_1535 = vector.shape_cast %get3A_1534 : vector<16xi32> to vector<16xi32>
      %add3A_1536 = arith.addi %get3A_1532, %get3A_1535 : vector<16xi32>
      %swap3A_1537 = arith.constant 96 : index
      %swap3A_1538 = tpu.vector_load %arg6[%swap3A_1537] {strides = array<i32>} : memref<1664xi32, #tpu.memory_space<vmem>>, vector<16xi32>,
      %swap3A_1539 = vector.shape_cast %swap3A_1538 : vector<16xi32> to vector<16xi32>
      %swap3A_1540 = vector.shape_cast %add3A_1536 : vector<16xi32> to vector<16xi32>
      tpu.vector_store %arg6[%swap3A_1537], %swap3A_1540 {strides = array<i32>} : memref<1664xi32, #tpu.memory_space<vmem>>, vector<16xi32>,
      %get3A_1541 = arith.constant 112 : index
      %get3A_1542 = tpu.vector_load %arg6[%get3A_1541] {strides = array<i32>} : memref<1664xi32, #tpu.memory_space<vmem>>, vector<16xi32>,
      %get3A_1543 = vector.shape_cast %get3A_1542 : vector<16xi32> to vector<16xi32>
      %get3A_1544 = arith.constant 112 : index
      %get3A_1545 = tpu.vector_load %arg5[%get3A_1544] {strides = array<i32>} : memref<1664xi32, #tpu.memory_space<vmem>>, vector<16xi32>,
      %get3A_1546 = vector.shape_cast %get3A_1545 : vector<16xi32> to vector<16xi32>
      %add3A_1547 = arith.addi %get3A_1543, %get3A_1546 : vector<16xi32>
      %swap3A_1548 = arith.constant 112 : index
      %swap3A_1549 = tpu.vector_load %arg6[%swap3A_1548] {strides = array<i32>} : memref<1664xi32, #tpu.memory_space<vmem>>, vector<16xi32>,
      %swap3A_1550 = vector.shape_cast %swap3A_1549 : vector<16xi32> to vector<16xi32>
      %swap3A_1551 = vector.shape_cast %add3A_1547 : vector<16xi32> to vector<16xi32>
      tpu.vector_store %arg6[%swap3A_1548], %swap3A_1551 {strides = array<i32>} : memref<1664xi32, #tpu.memory_space<vmem>>, vector<16xi32>,
      %get3A_1552 = arith.constant 128 : index
      %get3A_1553 = tpu.vector_load %arg6[%get3A_1552] {strides = array<i32>} : memref<1664xi32, #tpu.memory_space<vmem>>, vector<16xi32>,
      %get3A_1554 = vector.shape_cast %get3A_1553 : vector<16xi32> to vector<16xi32>
      %get3A_1555 = arith.constant 128 : index
      %get3A_1556 = tpu.vector_load %arg5[%get3A_1555] {strides = array<i32>} : memref<1664xi32, #tpu.memory_space<vmem>>, vector<16xi32>,
      %get3A_1557 = vector.shape_cast %get3A_1556 : vector<16xi32> to vector<16xi32>
      %add3A_1558 = arith.addi %get3A_1554, %get3A_1557 : vector<16xi32>
      %swap3A_1559 = arith.constant 128 : index
      %swap3A_1560 = tpu.vector_load %arg6[%swap3A_1559] {strides = array<i32>} : memref<1664xi32, #tpu.memory_space<vmem>>, vector<16xi32>,
      %swap3A_1561 = vector.shape_cast %swap3A_1560 : vector<16xi32> to vector<16xi32>
      %swap3A_1562 = vector.shape_cast %add3A_1558 : vector<16xi32> to vector<16xi32>
      tpu.vector_store %arg6[%swap3A_1559], %swap3A_1562 {strides = array<i32>} : memref<1664xi32, #tpu.memory_space<vmem>>, vector<16xi32>,
      %get3A_1563 = arith.constant 144 : index
      %get3A_1564 = tpu.vector_load %arg6[%get3A_1563] {strides = array<i32>} : memref<1664xi32, #tpu.memory_space<vmem>>, vector<16xi32>,
      %get3A_1565 = vector.shape_cast %get3A_1564 : vector<16xi32> to vector<16xi32>
      %get3A_1566 = arith.constant 144 : index
      %get3A_1567 = tpu.vector_load %arg5[%get3A_1566] {strides = array<i32>} : memref<1664xi32, #tpu.memory_space<vmem>>, vector<16xi32>,
      %get3A_1568 = vector.shape_cast %get3A_1567 : vector<16xi32> to vector<16xi32>
      %add3A_1569 = arith.addi %get3A_1565, %get3A_1568 : vector<16xi32>
      %swap3A_1570 = arith.constant 144 : index
      %swap3A_1571 = tpu.vector_load %arg6[%swap3A_1570] {strides = array<i32>} : memref<1664xi32, #tpu.memory_space<vmem>>, vector<16xi32>,
      %swap3A_1572 = vector.shape_cast %swap3A_1571 : vector<16xi32> to vector<16xi32>
      %swap3A_1573 = vector.shape_cast %add3A_1569 : vector<16xi32> to vector<16xi32>
      tpu.vector_store %arg6[%swap3A_1570], %swap3A_1573 {strides = array<i32>} : memref<1664xi32, #tpu.memory_space<vmem>>, vector<16xi32>,
      %get3A_1574 = arith.constant 160 : index
      %get3A_1575 = tpu.vector_load %arg6[%get3A_1574] {strides = array<i32>} : memref<1664xi32, #tpu.memory_space<vmem>>, vector<16xi32>,
      %get3A_1576 = vector.shape_cast %get3A_1575 : vector<16xi32> to vector<16xi32>
      %get3A_1577 = arith.constant 160 : index
      %get3A_1578 = tpu.vector_load %arg5[%get3A_1577] {strides = array<i32>} : memref<1664xi32, #tpu.memory_space<vmem>>, vector<16xi32>,
      %get3A_1579 = vector.shape_cast %get3A_1578 : vector<16xi32> to vector<16xi32>
      %add3A_1580 = arith.addi %get3A_1576, %get3A_1579 : vector<16xi32>
      %swap3A_1581 = arith.constant 160 : index
      %swap3A_1582 = tpu.vector_load %arg6[%swap3A_1581] {strides = array<i32>} : memref<1664xi32, #tpu.memory_space<vmem>>, vector<16xi32>,
      %swap3A_1583 = vector.shape_cast %swap3A_1582 : vector<16xi32> to vector<16xi32>
      %swap3A_1584 = vector.shape_cast %add3A_1580 : vector<16xi32> to vector<16xi32>
      tpu.vector_store %arg6[%swap3A_1581], %swap3A_1584 {strides = array<i32>} : memref<1664xi32, #tpu.memory_space<vmem>>, vector<16xi32>,
      %get3A_1585 = arith.constant 176 : index
      %get3A_1586 = tpu.vector_load %arg6[%get3A_1585] {strides = array<i32>} : memref<1664xi32, #tpu.memory_space<vmem>>, vector<16xi32>,
      %get3A_1587 = vector.shape_cast %get3A_1586 : vector<16xi32> to vector<16xi32>
      %get3A_1588 = arith.constant 176 : index
      %get3A_1589 = tpu.vector_load %arg5[%get3A_1588] {strides = array<i32>} : memref<1664xi32, #tpu.memory_space<vmem>>, vector<16xi32>,
      %get3A_1590 = vector.shape_cast %get3A_1589 : vector<16xi32> to vector<16xi32>
      %add3A_1591 = arith.addi %get3A_1587, %get3A_1590 : vector<16xi32>
      %swap3A_1592 = arith.constant 176 : index
      %swap3A_1593 = tpu.vector_load %arg6[%swap3A_1592] {strides = array<i32>} : memref<1664xi32, #tpu.memory_space<vmem>>, vector<16xi32>,
      %swap3A_1594 = vector.shape_cast %swap3A_1593 : vector<16xi32> to vector<16xi32>
      %swap3A_1595 = vector.shape_cast %add3A_1591 : vector<16xi32> to vector<16xi32>
      tpu.vector_store %arg6[%swap3A_1592], %swap3A_1595 {strides = array<i32>} : memref<1664xi32, #tpu.memory_space<vmem>>, vector<16xi32>,
      %get3A_1596 = arith.constant 192 : index
      %get3A_1597 = tpu.vector_load %arg6[%get3A_1596] {strides = array<i32>} : memref<1664xi32, #tpu.memory_space<vmem>>, vector<16xi32>,
      %get3A_1598 = vector.shape_cast %get3A_1597 : vector<16xi32> to vector<16xi32>
      %get3A_1599 = arith.constant 192 : index
      %get3A_1600 = tpu.vector_load %arg5[%get3A_1599] {strides = array<i32>} : memref<1664xi32, #tpu.memory_space<vmem>>, vector<16xi32>,
      %get3A_1601 = vector.shape_cast %get3A_1600 : vector<16xi32> to vector<16xi32>
      %add3A_1602 = arith.addi %get3A_1598, %get3A_1601 : vector<16xi32>
      %swap3A_1603 = arith.constant 192 : index
      %swap3A_1604 = tpu.vector_load %arg6[%swap3A_1603] {strides = array<i32>} : memref<1664xi32, #tpu.memory_space<vmem>>, vector<16xi32>,
      %swap3A_1605 = vector.shape_cast %swap3A_1604 : vector<16xi32> to vector<16xi32>
      %swap3A_1606 = vector.shape_cast %add3A_1602 : vector<16xi32> to vector<16xi32>
      tpu.vector_store %arg6[%swap3A_1603], %swap3A_1606 {strides = array<i32>} : memref<1664xi32, #tpu.memory_space<vmem>>, vector<16xi32>,
      %get3A_1607 = arith.constant 208 : index
      %get3A_1608 = tpu.vector_load %arg6[%get3A_1607] {strides = array<i32>} : memref<1664xi32, #tpu.memory_space<vmem>>, vector<16xi32>,
      %get3A_1609 = vector.shape_cast %get3A_1608 : vector<16xi32> to vector<16xi32>
      %get3A_1610 = arith.constant 208 : index
      %get3A_1611 = tpu.vector_load %arg5[%get3A_1610] {strides = array<i32>} : memref<1664xi32, #tpu.memory_space<vmem>>, vector<16xi32>,
      %get3A_1612 = vector.shape_cast %get3A_1611 : vector<16xi32> to vector<16xi32>
      %add3A_1613 = arith.addi %get3A_1609, %get3A_1612 : vector<16xi32>
      %swap3A_1614 = arith.constant 208 : index
      %swap3A_1615 = tpu.vector_load %arg6[%swap3A_1614] {strides = array<i32>} : memref<1664xi32, #tpu.memory_space<vmem>>, vector<16xi32>,
      %swap3A_1616 = vector.shape_cast %swap3A_1615 : vector<16xi32> to vector<16xi32>
      %swap3A_1617 = vector.shape_cast %add3A_1613 : vector<16xi32> to vector<16xi32>
      tpu.vector_store %arg6[%swap3A_1614], %swap3A_1617 {strides = array<i32>} : memref<1664xi32, #tpu.memory_space<vmem>>, vector<16xi32>,
      %get3A_1618 = arith.constant 224 : index
      %get3A_1619 = tpu.vector_load %arg6[%get3A_1618] {strides = array<i32>} : memref<1664xi32, #tpu.memory_space<vmem>>, vector<16xi32>,
      %get3A_1620 = vector.shape_cast %get3A_1619 : vector<16xi32> to vector<16xi32>
      %get3A_1621 = arith.constant 224 : index
      %get3A_1622 = tpu.vector_load %arg5[%get3A_1621] {strides = array<i32>} : memref<1664xi32, #tpu.memory_space<vmem>>, vector<16xi32>,
      %get3A_1623 = vector.shape_cast %get3A_1622 : vector<16xi32> to vector<16xi32>
      %add3A_1624 = arith.addi %get3A_1620, %get3A_1623 : vector<16xi32>
      %swap3A_1625 = arith.constant 224 : index
      %swap3A_1626 = tpu.vector_load %arg6[%swap3A_1625] {strides = array<i32>} : memref<1664xi32, #tpu.memory_space<vmem>>, vector<16xi32>,
      %swap3A_1627 = vector.shape_cast %swap3A_1626 : vector<16xi32> to vector<16xi32>
      %swap3A_1628 = vector.shape_cast %add3A_1624 : vector<16xi32> to vector<16xi32>
      tpu.vector_store %arg6[%swap3A_1625], %swap3A_1628 {strides = array<i32>} : memref<1664xi32, #tpu.memory_space<vmem>>, vector<16xi32>,
      %get3A_1629 = arith.constant 240 : index
      %get3A_1630 = tpu.vector_load %arg6[%get3A_1629] {strides = array<i32>} : memref<1664xi32, #tpu.memory_space<vmem>>, vector<16xi32>,
      %get3A_1631 = vector.shape_cast %get3A_1630 : vector<16xi32> to vector<16xi32>
      %get3A_1632 = arith.constant 240 : index
      %get3A_1633 = tpu.vector_load %arg5[%get3A_1632] {strides = array<i32>} : memref<1664xi32, #tpu.memory_space<vmem>>, vector<16xi32>,
      %get3A_1634 = vector.shape_cast %get3A_1633 : vector<16xi32> to vector<16xi32>
      %add3A_1635 = arith.addi %get3A_1631, %get3A_1634 : vector<16xi32>
      %swap3A_1636 = arith.constant 240 : index
      %swap3A_1637 = tpu.vector_load %arg6[%swap3A_1636] {strides = array<i32>} : memref<1664xi32, #tpu.memory_space<vmem>>, vector<16xi32>,
      %swap3A_1638 = vector.shape_cast %swap3A_1637 : vector<16xi32> to vector<16xi32>
      %swap3A_1639 = vector.shape_cast %add3A_1635 : vector<16xi32> to vector<16xi32>
      tpu.vector_store %arg6[%swap3A_1636], %swap3A_1639 {strides = array<i32>} : memref<1664xi32, #tpu.memory_space<vmem>>, vector<16xi32>,
      %get3A_1640 = arith.constant 256 : index
      %get3A_1641 = tpu.vector_load %arg6[%get3A_1640] {strides = array<i32>} : memref<1664xi32, #tpu.memory_space<vmem>>, vector<16xi32>,
      %get3A_1642 = vector.shape_cast %get3A_1641 : vector<16xi32> to vector<16xi32>
      %get3A_1643 = arith.constant 256 : index
      %get3A_1644 = tpu.vector_load %arg5[%get3A_1643] {strides = array<i32>} : memref<1664xi32, #tpu.memory_space<vmem>>, vector<16xi32>,
      %get3A_1645 = vector.shape_cast %get3A_1644 : vector<16xi32> to vector<16xi32>
      %add3A_1646 = arith.addi %get3A_1642, %get3A_1645 : vector<16xi32>
      %swap3A_1647 = arith.constant 256 : index
      %swap3A_1648 = tpu.vector_load %arg6[%swap3A_1647] {strides = array<i32>} : memref<1664xi32, #tpu.memory_space<vmem>>, vector<16xi32>,
      %swap3A_1649 = vector.shape_cast %swap3A_1648 : vector<16xi32> to vector<16xi32>
      %swap3A_1650 = vector.shape_cast %add3A_1646 : vector<16xi32> to vector<16xi32>
      tpu.vector_store %arg6[%swap3A_1647], %swap3A_1650 {strides = array<i32>} : memref<1664xi32, #tpu.memory_space<vmem>>, vector<16xi32>,
      %get3A_1651 = arith.constant 272 : index
      %get3A_1652 = tpu.vector_load %arg6[%get3A_1651] {strides = array<i32>} : memref<1664xi32, #tpu.memory_space<vmem>>, vector<16xi32>,
      %get3A_1653 = vector.shape_cast %get3A_1652 : vector<16xi32> to vector<16xi32>
      %get3A_1654 = arith.constant 272 : index
      %get3A_1655 = tpu.vector_load %arg5[%get3A_1654] {strides = array<i32>} : memref<1664xi32, #tpu.memory_space<vmem>>, vector<16xi32>,
      %get3A_1656 = vector.shape_cast %get3A_1655 : vector<16xi32> to vector<16xi32>
      %add3A_1657 = arith.addi %get3A_1653, %get3A_1656 : vector<16xi32>
      %swap3A_1658 = arith.constant 272 : index
      %swap3A_1659 = tpu.vector_load %arg6[%swap3A_1658] {strides = array<i32>} : memref<1664xi32, #tpu.memory_space<vmem>>, vector<16xi32>,
      %swap3A_1660 = vector.shape_cast %swap3A_1659 : vector<16xi32> to vector<16xi32>
      %swap3A_1661 = vector.shape_cast %add3A_1657 : vector<16xi32> to vector<16xi32>
      tpu.vector_store %arg6[%swap3A_1658], %swap3A_1661 {strides = array<i32>} : memref<1664xi32, #tpu.memory_space<vmem>>, vector<16xi32>,
      %get3A_1662 = arith.constant 288 : index
      %get3A_1663 = tpu.vector_load %arg6[%get3A_1662] {strides = array<i32>} : memref<1664xi32, #tpu.memory_space<vmem>>, vector<16xi32>,
      %get3A_1664 = vector.shape_cast %get3A_1663 : vector<16xi32> to vector<16xi32>
      %get3A_1665 = arith.constant 288 : index
      %get3A_1666 = tpu.vector_load %arg5[%get3A_1665] {strides = array<i32>} : memref<1664xi32, #tpu.memory_space<vmem>>, vector<16xi32>,
      %get3A_1667 = vector.shape_cast %get3A_1666 : vector<16xi32> to vector<16xi32>
      %add3A_1668 = arith.addi %get3A_1664, %get3A_1667 : vector<16xi32>
      %swap3A_1669 = arith.constant 288 : index
      %swap3A_1670 = tpu.vector_load %arg6[%swap3A_1669] {strides = array<i32>} : memref<1664xi32, #tpu.memory_space<vmem>>, vector<16xi32>,
      %swap3A_1671 = vector.shape_cast %swap3A_1670 : vector<16xi32> to vector<16xi32>
      %swap3A_1672 = vector.shape_cast %add3A_1668 : vector<16xi32> to vector<16xi32>
      tpu.vector_store %arg6[%swap3A_1669], %swap3A_1672 {strides = array<i32>} : memref<1664xi32, #tpu.memory_space<vmem>>, vector<16xi32>,
      %get3A_1673 = arith.constant 304 : index
      %get3A_1674 = tpu.vector_load %arg6[%get3A_1673] {strides = array<i32>} : memref<1664xi32, #tpu.memory_space<vmem>>, vector<16xi32>,
      %get3A_1675 = vector.shape_cast %get3A_1674 : vector<16xi32> to vector<16xi32>
      %get3A_1676 = arith.constant 304 : index
      %get3A_1677 = tpu.vector_load %arg5[%get3A_1676] {strides = array<i32>} : memref<1664xi32, #tpu.memory_space<vmem>>, vector<16xi32>,
      %get3A_1678 = vector.shape_cast %get3A_1677 : vector<16xi32> to vector<16xi32>
      %add3A_1679 = arith.addi %get3A_1675, %get3A_1678 : vector<16xi32>
      %swap3A_1680 = arith.constant 304 : index
      %swap3A_1681 = tpu.vector_load %arg6[%swap3A_1680] {strides = array<i32>} : memref<1664xi32, #tpu.memory_space<vmem>>, vector<16xi32>,
      %swap3A_1682 = vector.shape_cast %swap3A_1681 : vector<16xi32> to vector<16xi32>
      %swap3A_1683 = vector.shape_cast %add3A_1679 : vector<16xi32> to vector<16xi32>
      tpu.vector_store %arg6[%swap3A_1680], %swap3A_1683 {strides = array<i32>} : memref<1664xi32, #tpu.memory_space<vmem>>, vector<16xi32>,
      %get3A_1684 = arith.constant 320 : index
      %get3A_1685 = tpu.vector_load %arg6[%get3A_1684] {strides = array<i32>} : memref<1664xi32, #tpu.memory_space<vmem>>, vector<16xi32>,
      %get3A_1686 = vector.shape_cast %get3A_1685 : vector<16xi32> to vector<16xi32>
      %get3A_1687 = arith.constant 320 : index
      %get3A_1688 = tpu.vector_load %arg5[%get3A_1687] {strides = array<i32>} : memref<1664xi32, #tpu.memory_space<vmem>>, vector<16xi32>,
      %get3A_1689 = vector.shape_cast %get3A_1688 : vector<16xi32> to vector<16xi32>
      %add3A_1690 = arith.addi %get3A_1686, %get3A_1689 : vector<16xi32>
      %swap3A_1691 = arith.constant 320 : index
      %swap3A_1692 = tpu.vector_load %arg6[%swap3A_1691] {strides = array<i32>} : memref<1664xi32, #tpu.memory_space<vmem>>, vector<16xi32>,
      %swap3A_1693 = vector.shape_cast %swap3A_1692 : vector<16xi32> to vector<16xi32>
      %swap3A_1694 = vector.shape_cast %add3A_1690 : vector<16xi32> to vector<16xi32>
      tpu.vector_store %arg6[%swap3A_1691], %swap3A_1694 {strides = array<i32>} : memref<1664xi32, #tpu.memory_space<vmem>>, vector<16xi32>,
      %get3A_1695 = arith.constant 336 : index
      %get3A_1696 = tpu.vector_load %arg6[%get3A_1695] {strides = array<i32>} : memref<1664xi32, #tpu.memory_space<vmem>>, vector<16xi32>,
      %get3A_1697 = vector.shape_cast %get3A_1696 : vector<16xi32> to vector<16xi32>
      %get3A_1698 = arith.constant 336 : index
      %get3A_1699 = tpu.vector_load %arg5[%get3A_1698] {strides = array<i32>} : memref<1664xi32, #tpu.memory_space<vmem>>, vector<16xi32>,
      %get3A_1700 = vector.shape_cast %get3A_1699 : vector<16xi32> to vector<16xi32>
      %add3A_1701 = arith.addi %get3A_1697, %get3A_1700 : vector<16xi32>
      %swap3A_1702 = arith.constant 336 : index
      %swap3A_1703 = tpu.vector_load %arg6[%swap3A_1702] {strides = array<i32>} : memref<1664xi32, #tpu.memory_space<vmem>>, vector<16xi32>,
      %swap3A_1704 = vector.shape_cast %swap3A_1703 : vector<16xi32> to vector<16xi32>
      %swap3A_1705 = vector.shape_cast %add3A_1701 : vector<16xi32> to vector<16xi32>
      tpu.vector_store %arg6[%swap3A_1702], %swap3A_1705 {strides = array<i32>} : memref<1664xi32, #tpu.memory_space<vmem>>, vector<16xi32>,
      %get3A_1706 = arith.constant 352 : index
      %get3A_1707 = tpu.vector_load %arg6[%get3A_1706] {strides = array<i32>} : memref<1664xi32, #tpu.memory_space<vmem>>, vector<16xi32>,
      %get3A_1708 = vector.shape_cast %get3A_1707 : vector<16xi32> to vector<16xi32>
      %get3A_1709 = arith.constant 352 : index
      %get3A_1710 = tpu.vector_load %arg5[%get3A_1709] {strides = array<i32>} : memref<1664xi32, #tpu.memory_space<vmem>>, vector<16xi32>,
      %get3A_1711 = vector.shape_cast %get3A_1710 : vector<16xi32> to vector<16xi32>
      %add3A_1712 = arith.addi %get3A_1708, %get3A_1711 : vector<16xi32>
      %swap3A_1713 = arith.constant 352 : index
      %swap3A_1714 = tpu.vector_load %arg6[%swap3A_1713] {strides = array<i32>} : memref<1664xi32, #tpu.memory_space<vmem>>, vector<16xi32>,
      %swap3A_1715 = vector.shape_cast %swap3A_1714 : vector<16xi32> to vector<16xi32>
      %swap3A_1716 = vector.shape_cast %add3A_1712 : vector<16xi32> to vector<16xi32>
      tpu.vector_store %arg6[%swap3A_1713], %swap3A_1716 {strides = array<i32>} : memref<1664xi32, #tpu.memory_space<vmem>>, vector<16xi32>,
      %get3A_1717 = arith.constant 368 : index
      %get3A_1718 = tpu.vector_load %arg6[%get3A_1717] {strides = array<i32>} : memref<1664xi32, #tpu.memory_space<vmem>>, vector<16xi32>,
      %get3A_1719 = vector.shape_cast %get3A_1718 : vector<16xi32> to vector<16xi32>
      %get3A_1720 = arith.constant 368 : index
      %get3A_1721 = tpu.vector_load %arg5[%get3A_1720] {strides = array<i32>} : memref<1664xi32, #tpu.memory_space<vmem>>, vector<16xi32>,
      %get3A_1722 = vector.shape_cast %get3A_1721 : vector<16xi32> to vector<16xi32>
      %add3A_1723 = arith.addi %get3A_1719, %get3A_1722 : vector<16xi32>
      %swap3A_1724 = arith.constant 368 : index
      %swap3A_1725 = tpu.vector_load %arg6[%swap3A_1724] {strides = array<i32>} : memref<1664xi32, #tpu.memory_space<vmem>>, vector<16xi32>,
      %swap3A_1726 = vector.shape_cast %swap3A_1725 : vector<16xi32> to vector<16xi32>
      %swap3A_1727 = vector.shape_cast %add3A_1723 : vector<16xi32> to vector<16xi32>
      tpu.vector_store %arg6[%swap3A_1724], %swap3A_1727 {strides = array<i32>} : memref<1664xi32, #tpu.memory_space<vmem>>, vector<16xi32>,
      %get3A_1728 = arith.constant 384 : index
      %get3A_1729 = tpu.vector_load %arg6[%get3A_1728] {strides = array<i32>} : memref<1664xi32, #tpu.memory_space<vmem>>, vector<16xi32>,
      %get3A_1730 = vector.shape_cast %get3A_1729 : vector<16xi32> to vector<16xi32>
      %get3A_1731 = arith.constant 384 : index
      %get3A_1732 = tpu.vector_load %arg5[%get3A_1731] {strides = array<i32>} : memref<1664xi32, #tpu.memory_space<vmem>>, vector<16xi32>,
      %get3A_1733 = vector.shape_cast %get3A_1732 : vector<16xi32> to vector<16xi32>
      %add3A_1734 = arith.addi %get3A_1730, %get3A_1733 : vector<16xi32>
      %swap3A_1735 = arith.constant 384 : index
      %swap3A_1736 = tpu.vector_load %arg6[%swap3A_1735] {strides = array<i32>} : memref<1664xi32, #tpu.memory_space<vmem>>, vector<16xi32>,
      %swap3A_1737 = vector.shape_cast %swap3A_1736 : vector<16xi32> to vector<16xi32>
      %swap3A_1738 = vector.shape_cast %add3A_1734 : vector<16xi32> to vector<16xi32>
      tpu.vector_store %arg6[%swap3A_1735], %swap3A_1738 {strides = array<i32>} : memref<1664xi32, #tpu.memory_space<vmem>>, vector<16xi32>,
      %get3A_1739 = arith.constant 400 : index
      %get3A_1740 = tpu.vector_load %arg6[%get3A_1739] {strides = array<i32>} : memref<1664xi32, #tpu.memory_space<vmem>>, vector<16xi32>,
      %get3A_1741 = vector.shape_cast %get3A_1740 : vector<16xi32> to vector<16xi32>
      %get3A_1742 = arith.constant 400 : index
      %get3A_1743 = tpu.vector_load %arg5[%get3A_1742] {strides = array<i32>} : memref<1664xi32, #tpu.memory_space<vmem>>, vector<16xi32>,
      %get3A_1744 = vector.shape_cast %get3A_1743 : vector<16xi32> to vector<16xi32>
      %add3A_1745 = arith.addi %get3A_1741, %get3A_1744 : vector<16xi32>
      %swap3A_1746 = arith.constant 400 : index
      %swap3A_1747 = tpu.vector_load %arg6[%swap3A_1746] {strides = array<i32>} : memref<1664xi32, #tpu.memory_space<vmem>>, vector<16xi32>,
      %swap3A_1748 = vector.shape_cast %swap3A_1747 : vector<16xi32> to vector<16xi32>
      %swap3A_1749 = vector.shape_cast %add3A_1745 : vector<16xi32> to vector<16xi32>
      tpu.vector_store %arg6[%swap3A_1746], %swap3A_1749 {strides = array<i32>} : memref<1664xi32, #tpu.memory_space<vmem>>, vector<16xi32>,
      %get3A_1750 = arith.constant 416 : index
      %get3A_1751 = tpu.vector_load %arg6[%get3A_1750] {strides = array<i32>} : memref<1664xi32, #tpu.memory_space<vmem>>, vector<16xi32>,
      %get3A_1752 = vector.shape_cast %get3A_1751 : vector<16xi32> to vector<16xi32>
      %get3A_1753 = arith.constant 416 : index
      %get3A_1754 = tpu.vector_load %arg5[%get3A_1753] {strides = array<i32>} : memref<1664xi32, #tpu.memory_space<vmem>>, vector<16xi32>,
      %get3A_1755 = vector.shape_cast %get3A_1754 : vector<16xi32> to vector<16xi32>
      %add3A_1756 = arith.addi %get3A_1752, %get3A_1755 : vector<16xi32>
      %swap3A_1757 = arith.constant 416 : index
      %swap3A_1758 = tpu.vector_load %arg6[%swap3A_1757] {strides = array<i32>} : memref<1664xi32, #tpu.memory_space<vmem>>, vector<16xi32>,
      %swap3A_1759 = vector.shape_cast %swap3A_1758 : vector<16xi32> to vector<16xi32>
      %swap3A_1760 = vector.shape_cast %add3A_1756 : vector<16xi32> to vector<16xi32>
      tpu.vector_store %arg6[%swap3A_1757], %swap3A_1760 {strides = array<i32>} : memref<1664xi32, #tpu.memory_space<vmem>>, vector<16xi32>,
      %get3A_1761 = arith.constant 432 : index
      %get3A_1762 = tpu.vector_load %arg6[%get3A_1761] {strides = array<i32>} : memref<1664xi32, #tpu.memory_space<vmem>>, vector<16xi32>,
      %get3A_1763 = vector.shape_cast %get3A_1762 : vector<16xi32> to vector<16xi32>
      %get3A_1764 = arith.constant 432 : index
      %get3A_1765 = tpu.vector_load %arg5[%get3A_1764] {strides = array<i32>} : memref<1664xi32, #tpu.memory_space<vmem>>, vector<16xi32>,
      %get3A_1766 = vector.shape_cast %get3A_1765 : vector<16xi32> to vector<16xi32>
      %add3A_1767 = arith.addi %get3A_1763, %get3A_1766 : vector<16xi32>
      %swap3A_1768 = arith.constant 432 : index
      %swap3A_1769 = tpu.vector_load %arg6[%swap3A_1768] {strides = array<i32>} : memref<1664xi32, #tpu.memory_space<vmem>>, vector<16xi32>,
      %swap3A_1770 = vector.shape_cast %swap3A_1769 : vector<16xi32> to vector<16xi32>
      %swap3A_1771 = vector.shape_cast %add3A_1767 : vector<16xi32> to vector<16xi32>
      tpu.vector_store %arg6[%swap3A_1768], %swap3A_1771 {strides = array<i32>} : memref<1664xi32, #tpu.memory_space<vmem>>, vector<16xi32>,
      %get3A_1772 = arith.constant 448 : index
      %get3A_1773 = tpu.vector_load %arg6[%get3A_1772] {strides = array<i32>} : memref<1664xi32, #tpu.memory_space<vmem>>, vector<16xi32>,
      %get3A_1774 = vector.shape_cast %get3A_1773 : vector<16xi32> to vector<16xi32>
      %get3A_1775 = arith.constant 448 : index
      %get3A_1776 = tpu.vector_load %arg5[%get3A_1775] {strides = array<i32>} : memref<1664xi32, #tpu.memory_space<vmem>>, vector<16xi32>,
      %get3A_1777 = vector.shape_cast %get3A_1776 : vector<16xi32> to vector<16xi32>
      %add3A_1778 = arith.addi %get3A_1774, %get3A_1777 : vector<16xi32>
      %swap3A_1779 = arith.constant 448 : index
      %swap3A_1780 = tpu.vector_load %arg6[%swap3A_1779] {strides = array<i32>} : memref<1664xi32, #tpu.memory_space<vmem>>, vector<16xi32>,
      %swap3A_1781 = vector.shape_cast %swap3A_1780 : vector<16xi32> to vector<16xi32>
      %swap3A_1782 = vector.shape_cast %add3A_1778 : vector<16xi32> to vector<16xi32>
      tpu.vector_store %arg6[%swap3A_1779], %swap3A_1782 {strides = array<i32>} : memref<1664xi32, #tpu.memory_space<vmem>>, vector<16xi32>,
      %get3A_1783 = arith.constant 464 : index
      %get3A_1784 = tpu.vector_load %arg6[%get3A_1783] {strides = array<i32>} : memref<1664xi32, #tpu.memory_space<vmem>>, vector<16xi32>,
      %get3A_1785 = vector.shape_cast %get3A_1784 : vector<16xi32> to vector<16xi32>
      %get3A_1786 = arith.constant 464 : index
      %get3A_1787 = tpu.vector_load %arg5[%get3A_1786] {strides = array<i32>} : memref<1664xi32, #tpu.memory_space<vmem>>, vector<16xi32>,
      %get3A_1788 = vector.shape_cast %get3A_1787 : vector<16xi32> to vector<16xi32>
      %add3A_1789 = arith.addi %get3A_1785, %get3A_1788 : vector<16xi32>
      %swap3A_1790 = arith.constant 464 : index
      %swap3A_1791 = tpu.vector_load %arg6[%swap3A_1790] {strides = array<i32>} : memref<1664xi32, #tpu.memory_space<vmem>>, vector<16xi32>,
      %swap3A_1792 = vector.shape_cast %swap3A_1791 : vector<16xi32> to vector<16xi32>
      %swap3A_1793 = vector.shape_cast %add3A_1789 : vector<16xi32> to vector<16xi32>
      tpu.vector_store %arg6[%swap3A_1790], %swap3A_1793 {strides = array<i32>} : memref<1664xi32, #tpu.memory_space<vmem>>, vector<16xi32>,
      %get3A_1794 = arith.constant 480 : index
      %get3A_1795 = tpu.vector_load %arg6[%get3A_1794] {strides = array<i32>} : memref<1664xi32, #tpu.memory_space<vmem>>, vector<16xi32>,
      %get3A_1796 = vector.shape_cast %get3A_1795 : vector<16xi32> to vector<16xi32>
      %get3A_1797 = arith.constant 480 : index
      %get3A_1798 = tpu.vector_load %arg5[%get3A_1797] {strides = array<i32>} : memref<1664xi32, #tpu.memory_space<vmem>>, vector<16xi32>,
      %get3A_1799 = vector.shape_cast %get3A_1798 : vector<16xi32> to vector<16xi32>
      %add3A_1800 = arith.addi %get3A_1796, %get3A_1799 : vector<16xi32>
      %swap3A_1801 = arith.constant 480 : index
      %swap3A_1802 = tpu.vector_load %arg6[%swap3A_1801] {strides = array<i32>} : memref<1664xi32, #tpu.memory_space<vmem>>, vector<16xi32>,
      %swap3A_1803 = vector.shape_cast %swap3A_1802 : vector<16xi32> to vector<16xi32>
      %swap3A_1804 = vector.shape_cast %add3A_1800 : vector<16xi32> to vector<16xi32>
      tpu.vector_store %arg6[%swap3A_1801], %swap3A_1804 {strides = array<i32>} : memref<1664xi32, #tpu.memory_space<vmem>>, vector<16xi32>,
      %get3A_1805 = arith.constant 496 : index
      %get3A_1806 = tpu.vector_load %arg6[%get3A_1805] {strides = array<i32>} : memref<1664xi32, #tpu.memory_space<vmem>>, vector<16xi32>,
      %get3A_1807 = vector.shape_cast %get3A_1806 : vector<16xi32> to vector<16xi32>
      %get3A_1808 = arith.constant 496 : index
      %get3A_1809 = tpu.vector_load %arg5[%get3A_1808] {strides = array<i32>} : memref<1664xi32, #tpu.memory_space<vmem>>, vector<16xi32>,
      %get3A_1810 = vector.shape_cast %get3A_1809 : vector<16xi32> to vector<16xi32>
      %add3A_1811 = arith.addi %get3A_1807, %get3A_1810 : vector<16xi32>
      %swap3A_1812 = arith.constant 496 : index
      %swap3A_1813 = tpu.vector_load %arg6[%swap3A_1812] {strides = array<i32>} : memref<1664xi32, #tpu.memory_space<vmem>>, vector<16xi32>,
      %swap3A_1814 = vector.shape_cast %swap3A_1813 : vector<16xi32> to vector<16xi32>
      %swap3A_1815 = vector.shape_cast %add3A_1811 : vector<16xi32> to vector<16xi32>
      tpu.vector_store %arg6[%swap3A_1812], %swap3A_1815 {strides = array<i32>} : memref<1664xi32, #tpu.memory_space<vmem>>, vector<16xi32>,
      %get3A_1816 = arith.constant 512 : index
      %get3A_1817 = tpu.vector_load %arg6[%get3A_1816] {strides = array<i32>} : memref<1664xi32, #tpu.memory_space<vmem>>, vector<16xi32>,
      %get3A_1818 = vector.shape_cast %get3A_1817 : vector<16xi32> to vector<16xi32>
      %get3A_1819 = arith.constant 512 : index
      %get3A_1820 = tpu.vector_load %arg5[%get3A_1819] {strides = array<i32>} : memref<1664xi32, #tpu.memory_space<vmem>>, vector<16xi32>,
      %get3A_1821 = vector.shape_cast %get3A_1820 : vector<16xi32> to vector<16xi32>
      %add3A_1822 = arith.addi %get3A_1818, %get3A_1821 : vector<16xi32>
      %swap3A_1823 = arith.constant 512 : index
      %swap3A_1824 = tpu.vector_load %arg6[%swap3A_1823] {strides = array<i32>} : memref<1664xi32, #tpu.memory_space<vmem>>, vector<16xi32>,
      %swap3A_1825 = vector.shape_cast %swap3A_1824 : vector<16xi32> to vector<16xi32>
      %swap3A_1826 = vector.shape_cast %add3A_1822 : vector<16xi32> to vector<16xi32>
      tpu.vector_store %arg6[%swap3A_1823], %swap3A_1826 {strides = array<i32>} : memref<1664xi32, #tpu.memory_space<vmem>>, vector<16xi32>,
      %get3A_1827 = arith.constant 528 : index
      %get3A_1828 = tpu.vector_load %arg6[%get3A_1827] {strides = array<i32>} : memref<1664xi32, #tpu.memory_space<vmem>>, vector<16xi32>,
      %get3A_1829 = vector.shape_cast %get3A_1828 : vector<16xi32> to vector<16xi32>
      %get3A_1830 = arith.constant 528 : index
      %get3A_1831 = tpu.vector_load %arg5[%get3A_1830] {strides = array<i32>} : memref<1664xi32, #tpu.memory_space<vmem>>, vector<16xi32>,
      %get3A_1832 = vector.shape_cast %get3A_1831 : vector<16xi32> to vector<16xi32>
      %add3A_1833 = arith.addi %get3A_1829, %get3A_1832 : vector<16xi32>
      %swap3A_1834 = arith.constant 528 : index
      %swap3A_1835 = tpu.vector_load %arg6[%swap3A_1834] {strides = array<i32>} : memref<1664xi32, #tpu.memory_space<vmem>>, vector<16xi32>,
      %swap3A_1836 = vector.shape_cast %swap3A_1835 : vector<16xi32> to vector<16xi32>
      %swap3A_1837 = vector.shape_cast %add3A_1833 : vector<16xi32> to vector<16xi32>
      tpu.vector_store %arg6[%swap3A_1834], %swap3A_1837 {strides = array<i32>} : memref<1664xi32, #tpu.memory_space<vmem>>, vector<16xi32>,
      %get3A_1838 = arith.constant 544 : index
      %get3A_1839 = tpu.vector_load %arg6[%get3A_1838] {strides = array<i32>} : memref<1664xi32, #tpu.memory_space<vmem>>, vector<16xi32>,
      %get3A_1840 = vector.shape_cast %get3A_1839 : vector<16xi32> to vector<16xi32>
      %get3A_1841 = arith.constant 544 : index
      %get3A_1842 = tpu.vector_load %arg5[%get3A_1841] {strides = array<i32>} : memref<1664xi32, #tpu.memory_space<vmem>>, vector<16xi32>,
      %get3A_1843 = vector.shape_cast %get3A_1842 : vector<16xi32> to vector<16xi32>
      %add3A_1844 = arith.addi %get3A_1840, %get3A_1843 : vector<16xi32>
      %swap3A_1845 = arith.constant 544 : index
      %swap3A_1846 = tpu.vector_load %arg6[%swap3A_1845] {strides = array<i32>} : memref<1664xi32, #tpu.memory_space<vmem>>, vector<16xi32>,
      %swap3A_1847 = vector.shape_cast %swap3A_1846 : vector<16xi32> to vector<16xi32>
      %swap3A_1848 = vector.shape_cast %add3A_1844 : vector<16xi32> to vector<16xi32>
      tpu.vector_store %arg6[%swap3A_1845], %swap3A_1848 {strides = array<i32>} : memref<1664xi32, #tpu.memory_space<vmem>>, vector<16xi32>,
      %get3A_1849 = arith.constant 560 : index
      %get3A_1850 = tpu.vector_load %arg6[%get3A_1849] {strides = array<i32>} : memref<1664xi32, #tpu.memory_space<vmem>>, vector<16xi32>,
      %get3A_1851 = vector.shape_cast %get3A_1850 : vector<16xi32> to vector<16xi32>
      %get3A_1852 = arith.constant 560 : index
      %get3A_1853 = tpu.vector_load %arg5[%get3A_1852] {strides = array<i32>} : memref<1664xi32, #tpu.memory_space<vmem>>, vector<16xi32>,
      %get3A_1854 = vector.shape_cast %get3A_1853 : vector<16xi32> to vector<16xi32>
      %add3A_1855 = arith.addi %get3A_1851, %get3A_1854 : vector<16xi32>
      %swap3A_1856 = arith.constant 560 : index
      %swap3A_1857 = tpu.vector_load %arg6[%swap3A_1856] {strides = array<i32>} : memref<1664xi32, #tpu.memory_space<vmem>>, vector<16xi32>,
      %swap3A_1858 = vector.shape_cast %swap3A_1857 : vector<16xi32> to vector<16xi32>
      %swap3A_1859 = vector.shape_cast %add3A_1855 : vector<16xi32> to vector<16xi32>
      tpu.vector_store %arg6[%swap3A_1856], %swap3A_1859 {strides = array<i32>} : memref<1664xi32, #tpu.memory_space<vmem>>, vector<16xi32>,
      %get3A_1860 = arith.constant 576 : index
      %get3A_1861 = tpu.vector_load %arg6[%get3A_1860] {strides = array<i32>} : memref<1664xi32, #tpu.memory_space<vmem>>, vector<16xi32>,
      %get3A_1862 = vector.shape_cast %get3A_1861 : vector<16xi32> to vector<16xi32>
      %get3A_1863 = arith.constant 576 : index
      %get3A_1864 = tpu.vector_load %arg5[%get3A_1863] {strides = array<i32>} : memref<1664xi32, #tpu.memory_space<vmem>>, vector<16xi32>,
      %get3A_1865 = vector.shape_cast %get3A_1864 : vector<16xi32> to vector<16xi32>
      %add3A_1866 = arith.addi %get3A_1862, %get3A_1865 : vector<16xi32>
      %swap3A_1867 = arith.constant 576 : index
      %swap3A_1868 = tpu.vector_load %arg6[%swap3A_1867] {strides = array<i32>} : memref<1664xi32, #tpu.memory_space<vmem>>, vector<16xi32>,
      %swap3A_1869 = vector.shape_cast %swap3A_1868 : vector<16xi32> to vector<16xi32>
      %swap3A_1870 = vector.shape_cast %add3A_1866 : vector<16xi32> to vector<16xi32>
      tpu.vector_store %arg6[%swap3A_1867], %swap3A_1870 {strides = array<i32>} : memref<1664xi32, #tpu.memory_space<vmem>>, vector<16xi32>,
      %get3A_1871 = arith.constant 592 : index
      %get3A_1872 = tpu.vector_load %arg6[%get3A_1871] {strides = array<i32>} : memref<1664xi32, #tpu.memory_space<vmem>>, vector<16xi32>,
      %get3A_1873 = vector.shape_cast %get3A_1872 : vector<16xi32> to vector<16xi32>
      %get3A_1874 = arith.constant 592 : index
      %get3A_1875 = tpu.vector_load %arg5[%get3A_1874] {strides = array<i32>} : memref<1664xi32, #tpu.memory_space<vmem>>, vector<16xi32>,
      %get3A_1876 = vector.shape_cast %get3A_1875 : vector<16xi32> to vector<16xi32>
      %add3A_1877 = arith.addi %get3A_1873, %get3A_1876 : vector<16xi32>
      %swap3A_1878 = arith.constant 592 : index
      %swap3A_1879 = tpu.vector_load %arg6[%swap3A_1878] {strides = array<i32>} : memref<1664xi32, #tpu.memory_space<vmem>>, vector<16xi32>,
      %swap3A_1880 = vector.shape_cast %swap3A_1879 : vector<16xi32> to vector<16xi32>
      %swap3A_1881 = vector.shape_cast %add3A_1877 : vector<16xi32> to vector<16xi32>
      tpu.vector_store %arg6[%swap3A_1878], %swap3A_1881 {strides = array<i32>} : memref<1664xi32, #tpu.memory_space<vmem>>, vector<16xi32>,
      %get3A_1882 = arith.constant 608 : index
      %get3A_1883 = tpu.vector_load %arg6[%get3A_1882] {strides = array<i32>} : memref<1664xi32, #tpu.memory_space<vmem>>, vector<16xi32>,
      %get3A_1884 = vector.shape_cast %get3A_1883 : vector<16xi32> to vector<16xi32>
      %get3A_1885 = arith.constant 608 : index
      %get3A_1886 = tpu.vector_load %arg5[%get3A_1885] {strides = array<i32>} : memref<1664xi32, #tpu.memory_space<vmem>>, vector<16xi32>,
      %get3A_1887 = vector.shape_cast %get3A_1886 : vector<16xi32> to vector<16xi32>
      %add3A_1888 = arith.addi %get3A_1884, %get3A_1887 : vector<16xi32>
      %swap3A_1889 = arith.constant 608 : index
      %swap3A_1890 = tpu.vector_load %arg6[%swap3A_1889] {strides = array<i32>} : memref<1664xi32, #tpu.memory_space<vmem>>, vector<16xi32>,
      %swap3A_1891 = vector.shape_cast %swap3A_1890 : vector<16xi32> to vector<16xi32>
      %swap3A_1892 = vector.shape_cast %add3A_1888 : vector<16xi32> to vector<16xi32>
      tpu.vector_store %arg6[%swap3A_1889], %swap3A_1892 {strides = array<i32>} : memref<1664xi32, #tpu.memory_space<vmem>>, vector<16xi32>,
      %get3A_1893 = arith.constant 624 : index
      %get3A_1894 = tpu.vector_load %arg6[%get3A_1893] {strides = array<i32>} : memref<1664xi32, #tpu.memory_space<vmem>>, vector<16xi32>,
      %get3A_1895 = vector.shape_cast %get3A_1894 : vector<16xi32> to vector<16xi32>
      %get3A_1896 = arith.constant 624 : index
      %get3A_1897 = tpu.vector_load %arg5[%get3A_1896] {strides = array<i32>} : memref<1664xi32, #tpu.memory_space<vmem>>, vector<16xi32>,
      %get3A_1898 = vector.shape_cast %get3A_1897 : vector<16xi32> to vector<16xi32>
      %add3A_1899 = arith.addi %get3A_1895, %get3A_1898 : vector<16xi32>
      %swap3A_1900 = arith.constant 624 : index
      %swap3A_1901 = tpu.vector_load %arg6[%swap3A_1900] {strides = array<i32>} : memref<1664xi32, #tpu.memory_space<vmem>>, vector<16xi32>,
      %swap3A_1902 = vector.shape_cast %swap3A_1901 : vector<16xi32> to vector<16xi32>
      %swap3A_1903 = vector.shape_cast %add3A_1899 : vector<16xi32> to vector<16xi32>
      tpu.vector_store %arg6[%swap3A_1900], %swap3A_1903 {strides = array<i32>} : memref<1664xi32, #tpu.memory_space<vmem>>, vector<16xi32>,
      %get3A_1904 = arith.constant 640 : index
      %get3A_1905 = tpu.vector_load %arg6[%get3A_1904] {strides = array<i32>} : memref<1664xi32, #tpu.memory_space<vmem>>, vector<16xi32>,
      %get3A_1906 = vector.shape_cast %get3A_1905 : vector<16xi32> to vector<16xi32>
      %get3A_1907 = arith.constant 640 : index
      %get3A_1908 = tpu.vector_load %arg5[%get3A_1907] {strides = array<i32>} : memref<1664xi32, #tpu.memory_space<vmem>>, vector<16xi32>,
      %get3A_1909 = vector.shape_cast %get3A_1908 : vector<16xi32> to vector<16xi32>
      %add3A_1910 = arith.addi %get3A_1906, %get3A_1909 : vector<16xi32>
      %swap3A_1911 = arith.constant 640 : index
      %swap3A_1912 = tpu.vector_load %arg6[%swap3A_1911] {strides = array<i32>} : memref<1664xi32, #tpu.memory_space<vmem>>, vector<16xi32>,
      %swap3A_1913 = vector.shape_cast %swap3A_1912 : vector<16xi32> to vector<16xi32>
      %swap3A_1914 = vector.shape_cast %add3A_1910 : vector<16xi32> to vector<16xi32>
      tpu.vector_store %arg6[%swap3A_1911], %swap3A_1914 {strides = array<i32>} : memref<1664xi32, #tpu.memory_space<vmem>>, vector<16xi32>,
      %get3A_1915 = arith.constant 656 : index
      %get3A_1916 = tpu.vector_load %arg6[%get3A_1915] {strides = array<i32>} : memref<1664xi32, #tpu.memory_space<vmem>>, vector<16xi32>,
      %get3A_1917 = vector.shape_cast %get3A_1916 : vector<16xi32> to vector<16xi32>
      %get3A_1918 = arith.constant 656 : index
      %get3A_1919 = tpu.vector_load %arg5[%get3A_1918] {strides = array<i32>} : memref<1664xi32, #tpu.memory_space<vmem>>, vector<16xi32>,
      %get3A_1920 = vector.shape_cast %get3A_1919 : vector<16xi32> to vector<16xi32>
      %add3A_1921 = arith.addi %get3A_1917, %get3A_1920 : vector<16xi32>
      %swap3A_1922 = arith.constant 656 : index
      %swap3A_1923 = tpu.vector_load %arg6[%swap3A_1922] {strides = array<i32>} : memref<1664xi32, #tpu.memory_space<vmem>>, vector<16xi32>,
      %swap3A_1924 = vector.shape_cast %swap3A_1923 : vector<16xi32> to vector<16xi32>
      %swap3A_1925 = vector.shape_cast %add3A_1921 : vector<16xi32> to vector<16xi32>
      tpu.vector_store %arg6[%swap3A_1922], %swap3A_1925 {strides = array<i32>} : memref<1664xi32, #tpu.memory_space<vmem>>, vector<16xi32>,
      %get3A_1926 = arith.constant 672 : index
      %get3A_1927 = tpu.vector_load %arg6[%get3A_1926] {strides = array<i32>} : memref<1664xi32, #tpu.memory_space<vmem>>, vector<16xi32>,
      %get3A_1928 = vector.shape_cast %get3A_1927 : vector<16xi32> to vector<16xi32>
      %get3A_1929 = arith.constant 672 : index
      %get3A_1930 = tpu.vector_load %arg5[%get3A_1929] {strides = array<i32>} : memref<1664xi32, #tpu.memory_space<vmem>>, vector<16xi32>,
      %get3A_1931 = vector.shape_cast %get3A_1930 : vector<16xi32> to vector<16xi32>
      %add3A_1932 = arith.addi %get3A_1928, %get3A_1931 : vector<16xi32>
      %swap3A_1933 = arith.constant 672 : index
      %swap3A_1934 = tpu.vector_load %arg6[%swap3A_1933] {strides = array<i32>} : memref<1664xi32, #tpu.memory_space<vmem>>, vector<16xi32>,
      %swap3A_1935 = vector.shape_cast %swap3A_1934 : vector<16xi32> to vector<16xi32>
      %swap3A_1936 = vector.shape_cast %add3A_1932 : vector<16xi32> to vector<16xi32>
      tpu.vector_store %arg6[%swap3A_1933], %swap3A_1936 {strides = array<i32>} : memref<1664xi32, #tpu.memory_space<vmem>>, vector<16xi32>,
      %get3A_1937 = arith.constant 688 : index
      %get3A_1938 = tpu.vector_load %arg6[%get3A_1937] {strides = array<i32>} : memref<1664xi32, #tpu.memory_space<vmem>>, vector<16xi32>,
      %get3A_1939 = vector.shape_cast %get3A_1938 : vector<16xi32> to vector<16xi32>
      %get3A_1940 = arith.constant 688 : index
      %get3A_1941 = tpu.vector_load %arg5[%get3A_1940] {strides = array<i32>} : memref<1664xi32, #tpu.memory_space<vmem>>, vector<16xi32>,
      %get3A_1942 = vector.shape_cast %get3A_1941 : vector<16xi32> to vector<16xi32>
      %add3A_1943 = arith.addi %get3A_1939, %get3A_1942 : vector<16xi32>
      %swap3A_1944 = arith.constant 688 : index
      %swap3A_1945 = tpu.vector_load %arg6[%swap3A_1944] {strides = array<i32>} : memref<1664xi32, #tpu.memory_space<vmem>>, vector<16xi32>,
      %swap3A_1946 = vector.shape_cast %swap3A_1945 : vector<16xi32> to vector<16xi32>
      %swap3A_1947 = vector.shape_cast %add3A_1943 : vector<16xi32> to vector<16xi32>
      tpu.vector_store %arg6[%swap3A_1944], %swap3A_1947 {strides = array<i32>} : memref<1664xi32, #tpu.memory_space<vmem>>, vector<16xi32>,
      %get3A_1948 = arith.constant 704 : index
      %get3A_1949 = tpu.vector_load %arg6[%get3A_1948] {strides = array<i32>} : memref<1664xi32, #tpu.memory_space<vmem>>, vector<16xi32>,
      %get3A_1950 = vector.shape_cast %get3A_1949 : vector<16xi32> to vector<16xi32>
      %get3A_1951 = arith.constant 704 : index
      %get3A_1952 = tpu.vector_load %arg5[%get3A_1951] {strides = array<i32>} : memref<1664xi32, #tpu.memory_space<vmem>>, vector<16xi32>,
      %get3A_1953 = vector.shape_cast %get3A_1952 : vector<16xi32> to vector<16xi32>
      %add3A_1954 = arith.addi %get3A_1950, %get3A_1953 : vector<16xi32>
      %swap3A_1955 = arith.constant 704 : index
      %swap3A_1956 = tpu.vector_load %arg6[%swap3A_1955] {strides = array<i32>} : memref<1664xi32, #tpu.memory_space<vmem>>, vector<16xi32>,
      %swap3A_1957 = vector.shape_cast %swap3A_1956 : vector<16xi32> to vector<16xi32>
      %swap3A_1958 = vector.shape_cast %add3A_1954 : vector<16xi32> to vector<16xi32>
      tpu.vector_store %arg6[%swap3A_1955], %swap3A_1958 {strides = array<i32>} : memref<1664xi32, #tpu.memory_space<vmem>>, vector<16xi32>,
      %get3A_1959 = arith.constant 720 : index
      %get3A_1960 = tpu.vector_load %arg6[%get3A_1959] {strides = array<i32>} : memref<1664xi32, #tpu.memory_space<vmem>>, vector<16xi32>,
      %get3A_1961 = vector.shape_cast %get3A_1960 : vector<16xi32> to vector<16xi32>
      %get3A_1962 = arith.constant 720 : index
      %get3A_1963 = tpu.vector_load %arg5[%get3A_1962] {strides = array<i32>} : memref<1664xi32, #tpu.memory_space<vmem>>, vector<16xi32>,
      %get3A_1964 = vector.shape_cast %get3A_1963 : vector<16xi32> to vector<16xi32>
      %add3A_1965 = arith.addi %get3A_1961, %get3A_1964 : vector<16xi32>
      %swap3A_1966 = arith.constant 720 : index
      %swap3A_1967 = tpu.vector_load %arg6[%swap3A_1966] {strides = array<i32>} : memref<1664xi32, #tpu.memory_space<vmem>>, vector<16xi32>,
      %swap3A_1968 = vector.shape_cast %swap3A_1967 : vector<16xi32> to vector<16xi32>
      %swap3A_1969 = vector.shape_cast %add3A_1965 : vector<16xi32> to vector<16xi32>
      tpu.vector_store %arg6[%swap3A_1966], %swap3A_1969 {strides = array<i32>} : memref<1664xi32, #tpu.memory_space<vmem>>, vector<16xi32>,
      %get3A_1970 = arith.constant 736 : index
      %get3A_1971 = tpu.vector_load %arg6[%get3A_1970] {strides = array<i32>} : memref<1664xi32, #tpu.memory_space<vmem>>, vector<16xi32>,
      %get3A_1972 = vector.shape_cast %get3A_1971 : vector<16xi32> to vector<16xi32>
      %get3A_1973 = arith.constant 736 : index
      %get3A_1974 = tpu.vector_load %arg5[%get3A_1973] {strides = array<i32>} : memref<1664xi32, #tpu.memory_space<vmem>>, vector<16xi32>,
      %get3A_1975 = vector.shape_cast %get3A_1974 : vector<16xi32> to vector<16xi32>
      %add3A_1976 = arith.addi %get3A_1972, %get3A_1975 : vector<16xi32>
      %swap3A_1977 = arith.constant 736 : index
      %swap3A_1978 = tpu.vector_load %arg6[%swap3A_1977] {strides = array<i32>} : memref<1664xi32, #tpu.memory_space<vmem>>, vector<16xi32>,
      %swap3A_1979 = vector.shape_cast %swap3A_1978 : vector<16xi32> to vector<16xi32>
      %swap3A_1980 = vector.shape_cast %add3A_1976 : vector<16xi32> to vector<16xi32>
      tpu.vector_store %arg6[%swap3A_1977], %swap3A_1980 {strides = array<i32>} : memref<1664xi32, #tpu.memory_space<vmem>>, vector<16xi32>,
      %get3A_1981 = arith.constant 752 : index
      %get3A_1982 = tpu.vector_load %arg6[%get3A_1981] {strides = array<i32>} : memref<1664xi32, #tpu.memory_space<vmem>>, vector<16xi32>,
      %get3A_1983 = vector.shape_cast %get3A_1982 : vector<16xi32> to vector<16xi32>
      %get3A_1984 = arith.constant 752 : index
      %get3A_1985 = tpu.vector_load %arg5[%get3A_1984] {strides = array<i32>} : memref<1664xi32, #tpu.memory_space<vmem>>, vector<16xi32>,
      %get3A_1986 = vector.shape_cast %get3A_1985 : vector<16xi32> to vector<16xi32>
      %add3A_1987 = arith.addi %get3A_1983, %get3A_1986 : vector<16xi32>
      %swap3A_1988 = arith.constant 752 : index
      %swap3A_1989 = tpu.vector_load %arg6[%swap3A_1988] {strides = array<i32>} : memref<1664xi32, #tpu.memory_space<vmem>>, vector<16xi32>,
      %swap3A_1990 = vector.shape_cast %swap3A_1989 : vector<16xi32> to vector<16xi32>
      %swap3A_1991 = vector.shape_cast %add3A_1987 : vector<16xi32> to vector<16xi32>
      tpu.vector_store %arg6[%swap3A_1988], %swap3A_1991 {strides = array<i32>} : memref<1664xi32, #tpu.memory_space<vmem>>, vector<16xi32>,
      %get3A_1992 = arith.constant 768 : index
      %get3A_1993 = tpu.vector_load %arg6[%get3A_1992] {strides = array<i32>} : memref<1664xi32, #tpu.memory_space<vmem>>, vector<16xi32>,
      %get3A_1994 = vector.shape_cast %get3A_1993 : vector<16xi32> to vector<16xi32>
      %get3A_1995 = arith.constant 768 : index
      %get3A_1996 = tpu.vector_load %arg5[%get3A_1995] {strides = array<i32>} : memref<1664xi32, #tpu.memory_space<vmem>>, vector<16xi32>,
      %get3A_1997 = vector.shape_cast %get3A_1996 : vector<16xi32> to vector<16xi32>
      %add3A_1998 = arith.addi %get3A_1994, %get3A_1997 : vector<16xi32>
      %swap3A_1999 = arith.constant 768 : index
      %swap3A_2000 = tpu.vector_load %arg6[%swap3A_1999] {strides = array<i32>} : memref<1664xi32, #tpu.memory_space<vmem>>, vector<16xi32>,
      %swap3A_2001 = vector.shape_cast %swap3A_2000 : vector<16xi32> to vector<16xi32>
      %swap3A_2002 = vector.shape_cast %add3A_1998 : vector<16xi32> to vector<16xi32>
      tpu.vector_store %arg6[%swap3A_1999], %swap3A_2002 {strides = array<i32>} : memref<1664xi32, #tpu.memory_space<vmem>>, vector<16xi32>,
      %get3A_2003 = arith.constant 784 : index
      %get3A_2004 = tpu.vector_load %arg6[%get3A_2003] {strides = array<i32>} : memref<1664xi32, #tpu.memory_space<vmem>>, vector<16xi32>,
      %get3A_2005 = vector.shape_cast %get3A_2004 : vector<16xi32> to vector<16xi32>
      %get3A_2006 = arith.constant 784 : index
      %get3A_2007 = tpu.vector_load %arg5[%get3A_2006] {strides = array<i32>} : memref<1664xi32, #tpu.memory_space<vmem>>, vector<16xi32>,
      %get3A_2008 = vector.shape_cast %get3A_2007 : vector<16xi32> to vector<16xi32>
      %add3A_2009 = arith.addi %get3A_2005, %get3A_2008 : vector<16xi32>
      %swap3A_2010 = arith.constant 784 : index
      %swap3A_2011 = tpu.vector_load %arg6[%swap3A_2010] {strides = array<i32>} : memref<1664xi32, #tpu.memory_space<vmem>>, vector<16xi32>,
      %swap3A_2012 = vector.shape_cast %swap3A_2011 : vector<16xi32> to vector<16xi32>
      %swap3A_2013 = vector.shape_cast %add3A_2009 : vector<16xi32> to vector<16xi32>
      tpu.vector_store %arg6[%swap3A_2010], %swap3A_2013 {strides = array<i32>} : memref<1664xi32, #tpu.memory_space<vmem>>, vector<16xi32>,
      %get3A_2014 = arith.constant 800 : index
      %get3A_2015 = tpu.vector_load %arg6[%get3A_2014] {strides = array<i32>} : memref<1664xi32, #tpu.memory_space<vmem>>, vector<16xi32>,
      %get3A_2016 = vector.shape_cast %get3A_2015 : vector<16xi32> to vector<16xi32>
      %get3A_2017 = arith.constant 800 : index
      %get3A_2018 = tpu.vector_load %arg5[%get3A_2017] {strides = array<i32>} : memref<1664xi32, #tpu.memory_space<vmem>>, vector<16xi32>,
      %get3A_2019 = vector.shape_cast %get3A_2018 : vector<16xi32> to vector<16xi32>
      %add3A_2020 = arith.addi %get3A_2016, %get3A_2019 : vector<16xi32>
      %swap3A_2021 = arith.constant 800 : index
      %swap3A_2022 = tpu.vector_load %arg6[%swap3A_2021] {strides = array<i32>} : memref<1664xi32, #tpu.memory_space<vmem>>, vector<16xi32>,
      %swap3A_2023 = vector.shape_cast %swap3A_2022 : vector<16xi32> to vector<16xi32>
      %swap3A_2024 = vector.shape_cast %add3A_2020 : vector<16xi32> to vector<16xi32>
      tpu.vector_store %arg6[%swap3A_2021], %swap3A_2024 {strides = array<i32>} : memref<1664xi32, #tpu.memory_space<vmem>>, vector<16xi32>,
      %get3A_2025 = arith.constant 816 : index
      %get3A_2026 = tpu.vector_load %arg6[%get3A_2025] {strides = array<i32>} : memref<1664xi32, #tpu.memory_space<vmem>>, vector<16xi32>,
      %get3A_2027 = vector.shape_cast %get3A_2026 : vector<16xi32> to vector<16xi32>
      %get3A_2028 = arith.constant 816 : index
      %get3A_2029 = tpu.vector_load %arg5[%get3A_2028] {strides = array<i32>} : memref<1664xi32, #tpu.memory_space<vmem>>, vector<16xi32>,
      %get3A_2030 = vector.shape_cast %get3A_2029 : vector<16xi32> to vector<16xi32>
      %add3A_2031 = arith.addi %get3A_2027, %get3A_2030 : vector<16xi32>
      %swap3A_2032 = arith.constant 816 : index
      %swap3A_2033 = tpu.vector_load %arg6[%swap3A_2032] {strides = array<i32>} : memref<1664xi32, #tpu.memory_space<vmem>>, vector<16xi32>,
      %swap3A_2034 = vector.shape_cast %swap3A_2033 : vector<16xi32> to vector<16xi32>
      %swap3A_2035 = vector.shape_cast %add3A_2031 : vector<16xi32> to vector<16xi32>
      tpu.vector_store %arg6[%swap3A_2032], %swap3A_2035 {strides = array<i32>} : memref<1664xi32, #tpu.memory_space<vmem>>, vector<16xi32>,
      %get3A_2036 = arith.constant 832 : index
      %get3A_2037 = tpu.vector_load %arg6[%get3A_2036] {strides = array<i32>} : memref<1664xi32, #tpu.memory_space<vmem>>, vector<16xi32>,
      %get3A_2038 = vector.shape_cast %get3A_2037 : vector<16xi32> to vector<16xi32>
      %get3A_2039 = arith.constant 832 : index
      %get3A_2040 = tpu.vector_load %arg5[%get3A_2039] {strides = array<i32>} : memref<1664xi32, #tpu.memory_space<vmem>>, vector<16xi32>,
      %get3A_2041 = vector.shape_cast %get3A_2040 : vector<16xi32> to vector<16xi32>
      %add3A_2042 = arith.addi %get3A_2038, %get3A_2041 : vector<16xi32>
      %swap3A_2043 = arith.constant 832 : index
      %swap3A_2044 = tpu.vector_load %arg6[%swap3A_2043] {strides = array<i32>} : memref<1664xi32, #tpu.memory_space<vmem>>, vector<16xi32>,
      %swap3A_2045 = vector.shape_cast %swap3A_2044 : vector<16xi32> to vector<16xi32>
      %swap3A_2046 = vector.shape_cast %add3A_2042 : vector<16xi32> to vector<16xi32>
      tpu.vector_store %arg6[%swap3A_2043], %swap3A_2046 {strides = array<i32>} : memref<1664xi32, #tpu.memory_space<vmem>>, vector<16xi32>,
      %get3A_2047 = arith.constant 848 : index
      %get3A_2048 = tpu.vector_load %arg6[%get3A_2047] {strides = array<i32>} : memref<1664xi32, #tpu.memory_space<vmem>>, vector<16xi32>,
      %get3A_2049 = vector.shape_cast %get3A_2048 : vector<16xi32> to vector<16xi32>
      %get3A_2050 = arith.constant 848 : index
      %get3A_2051 = tpu.vector_load %arg5[%get3A_2050] {strides = array<i32>} : memref<1664xi32, #tpu.memory_space<vmem>>, vector<16xi32>,
      %get3A_2052 = vector.shape_cast %get3A_2051 : vector<16xi32> to vector<16xi32>
      %add3A_2053 = arith.addi %get3A_2049, %get3A_2052 : vector<16xi32>
      %swap3A_2054 = arith.constant 848 : index
      %swap3A_2055 = tpu.vector_load %arg6[%swap3A_2054] {strides = array<i32>} : memref<1664xi32, #tpu.memory_space<vmem>>, vector<16xi32>,
      %swap3A_2056 = vector.shape_cast %swap3A_2055 : vector<16xi32> to vector<16xi32>
      %swap3A_2057 = vector.shape_cast %add3A_2053 : vector<16xi32> to vector<16xi32>
      tpu.vector_store %arg6[%swap3A_2054], %swap3A_2057 {strides = array<i32>} : memref<1664xi32, #tpu.memory_space<vmem>>, vector<16xi32>,
      %get3A_2058 = arith.constant 864 : index
      %get3A_2059 = tpu.vector_load %arg6[%get3A_2058] {strides = array<i32>} : memref<1664xi32, #tpu.memory_space<vmem>>, vector<16xi32>,
      %get3A_2060 = vector.shape_cast %get3A_2059 : vector<16xi32> to vector<16xi32>
      %get3A_2061 = arith.constant 864 : index
      %get3A_2062 = tpu.vector_load %arg5[%get3A_2061] {strides = array<i32>} : memref<1664xi32, #tpu.memory_space<vmem>>, vector<16xi32>,
      %get3A_2063 = vector.shape_cast %get3A_2062 : vector<16xi32> to vector<16xi32>
      %add3A_2064 = arith.addi %get3A_2060, %get3A_2063 : vector<16xi32>
      %swap3A_2065 = arith.constant 864 : index
      %swap3A_2066 = tpu.vector_load %arg6[%swap3A_2065] {strides = array<i32>} : memref<1664xi32, #tpu.memory_space<vmem>>, vector<16xi32>,
      %swap3A_2067 = vector.shape_cast %swap3A_2066 : vector<16xi32> to vector<16xi32>
      %swap3A_2068 = vector.shape_cast %add3A_2064 : vector<16xi32> to vector<16xi32>
      tpu.vector_store %arg6[%swap3A_2065], %swap3A_2068 {strides = array<i32>} : memref<1664xi32, #tpu.memory_space<vmem>>, vector<16xi32>,
      %get3A_2069 = arith.constant 880 : index
      %get3A_2070 = tpu.vector_load %arg6[%get3A_2069] {strides = array<i32>} : memref<1664xi32, #tpu.memory_space<vmem>>, vector<16xi32>,
      %get3A_2071 = vector.shape_cast %get3A_2070 : vector<16xi32> to vector<16xi32>
      %get3A_2072 = arith.constant 880 : index
      %get3A_2073 = tpu.vector_load %arg5[%get3A_2072] {strides = array<i32>} : memref<1664xi32, #tpu.memory_space<vmem>>, vector<16xi32>,
      %get3A_2074 = vector.shape_cast %get3A_2073 : vector<16xi32> to vector<16xi32>
      %add3A_2075 = arith.addi %get3A_2071, %get3A_2074 : vector<16xi32>
      %swap3A_2076 = arith.constant 880 : index
      %swap3A_2077 = tpu.vector_load %arg6[%swap3A_2076] {strides = array<i32>} : memref<1664xi32, #tpu.memory_space<vmem>>, vector<16xi32>,
      %swap3A_2078 = vector.shape_cast %swap3A_2077 : vector<16xi32> to vector<16xi32>
      %swap3A_2079 = vector.shape_cast %add3A_2075 : vector<16xi32> to vector<16xi32>
      tpu.vector_store %arg6[%swap3A_2076], %swap3A_2079 {strides = array<i32>} : memref<1664xi32, #tpu.memory_space<vmem>>, vector<16xi32>,
      %get3A_2080 = arith.constant 896 : index
      %get3A_2081 = tpu.vector_load %arg6[%get3A_2080] {strides = array<i32>} : memref<1664xi32, #tpu.memory_space<vmem>>, vector<16xi32>,
      %get3A_2082 = vector.shape_cast %get3A_2081 : vector<16xi32> to vector<16xi32>
      %get3A_2083 = arith.constant 896 : index
      %get3A_2084 = tpu.vector_load %arg5[%get3A_2083] {strides = array<i32>} : memref<1664xi32, #tpu.memory_space<vmem>>, vector<16xi32>,
      %get3A_2085 = vector.shape_cast %get3A_2084 : vector<16xi32> to vector<16xi32>
      %add3A_2086 = arith.addi %get3A_2082, %get3A_2085 : vector<16xi32>
      %swap3A_2087 = arith.constant 896 : index
      %swap3A_2088 = tpu.vector_load %arg6[%swap3A_2087] {strides = array<i32>} : memref<1664xi32, #tpu.memory_space<vmem>>, vector<16xi32>,
      %swap3A_2089 = vector.shape_cast %swap3A_2088 : vector<16xi32> to vector<16xi32>
      %swap3A_2090 = vector.shape_cast %add3A_2086 : vector<16xi32> to vector<16xi32>
      tpu.vector_store %arg6[%swap3A_2087], %swap3A_2090 {strides = array<i32>} : memref<1664xi32, #tpu.memory_space<vmem>>, vector<16xi32>,
      %get3A_2091 = arith.constant 912 : index
      %get3A_2092 = tpu.vector_load %arg6[%get3A_2091] {strides = array<i32>} : memref<1664xi32, #tpu.memory_space<vmem>>, vector<16xi32>,
      %get3A_2093 = vector.shape_cast %get3A_2092 : vector<16xi32> to vector<16xi32>
      %get3A_2094 = arith.constant 912 : index
      %get3A_2095 = tpu.vector_load %arg5[%get3A_2094] {strides = array<i32>} : memref<1664xi32, #tpu.memory_space<vmem>>, vector<16xi32>,
      %get3A_2096 = vector.shape_cast %get3A_2095 : vector<16xi32> to vector<16xi32>
      %add3A_2097 = arith.addi %get3A_2093, %get3A_2096 : vector<16xi32>
      %swap3A_2098 = arith.constant 912 : index
      %swap3A_2099 = tpu.vector_load %arg6[%swap3A_2098] {strides = array<i32>} : memref<1664xi32, #tpu.memory_space<vmem>>, vector<16xi32>,
      %swap3A_2100 = vector.shape_cast %swap3A_2099 : vector<16xi32> to vector<16xi32>
      %swap3A_2101 = vector.shape_cast %add3A_2097 : vector<16xi32> to vector<16xi32>
      tpu.vector_store %arg6[%swap3A_2098], %swap3A_2101 {strides = array<i32>} : memref<1664xi32, #tpu.memory_space<vmem>>, vector<16xi32>,
      %get3A_2102 = arith.constant 928 : index
      %get3A_2103 = tpu.vector_load %arg6[%get3A_2102] {strides = array<i32>} : memref<1664xi32, #tpu.memory_space<vmem>>, vector<16xi32>,
      %get3A_2104 = vector.shape_cast %get3A_2103 : vector<16xi32> to vector<16xi32>
      %get3A_2105 = arith.constant 928 : index
      %get3A_2106 = tpu.vector_load %arg5[%get3A_2105] {strides = array<i32>} : memref<1664xi32, #tpu.memory_space<vmem>>, vector<16xi32>,
      %get3A_2107 = vector.shape_cast %get3A_2106 : vector<16xi32> to vector<16xi32>
      %add3A_2108 = arith.addi %get3A_2104, %get3A_2107 : vector<16xi32>
      %swap3A_2109 = arith.constant 928 : index
      %swap3A_2110 = tpu.vector_load %arg6[%swap3A_2109] {strides = array<i32>} : memref<1664xi32, #tpu.memory_space<vmem>>, vector<16xi32>,
      %swap3A_2111 = vector.shape_cast %swap3A_2110 : vector<16xi32> to vector<16xi32>
      %swap3A_2112 = vector.shape_cast %add3A_2108 : vector<16xi32> to vector<16xi32>
      tpu.vector_store %arg6[%swap3A_2109], %swap3A_2112 {strides = array<i32>} : memref<1664xi32, #tpu.memory_space<vmem>>, vector<16xi32>,
      %get3A_2113 = arith.constant 944 : index
      %get3A_2114 = tpu.vector_load %arg6[%get3A_2113] {strides = array<i32>} : memref<1664xi32, #tpu.memory_space<vmem>>, vector<16xi32>,
      %get3A_2115 = vector.shape_cast %get3A_2114 : vector<16xi32> to vector<16xi32>
      %get3A_2116 = arith.constant 944 : index
      %get3A_2117 = tpu.vector_load %arg5[%get3A_2116] {strides = array<i32>} : memref<1664xi32, #tpu.memory_space<vmem>>, vector<16xi32>,
      %get3A_2118 = vector.shape_cast %get3A_2117 : vector<16xi32> to vector<16xi32>
      %add3A_2119 = arith.addi %get3A_2115, %get3A_2118 : vector<16xi32>
      %swap3A_2120 = arith.constant 944 : index
      %swap3A_2121 = tpu.vector_load %arg6[%swap3A_2120] {strides = array<i32>} : memref<1664xi32, #tpu.memory_space<vmem>>, vector<16xi32>,
      %swap3A_2122 = vector.shape_cast %swap3A_2121 : vector<16xi32> to vector<16xi32>
      %swap3A_2123 = vector.shape_cast %add3A_2119 : vector<16xi32> to vector<16xi32>
      tpu.vector_store %arg6[%swap3A_2120], %swap3A_2123 {strides = array<i32>} : memref<1664xi32, #tpu.memory_space<vmem>>, vector<16xi32>,
      %get3A_2124 = arith.constant 960 : index
      %get3A_2125 = tpu.vector_load %arg6[%get3A_2124] {strides = array<i32>} : memref<1664xi32, #tpu.memory_space<vmem>>, vector<16xi32>,
      %get3A_2126 = vector.shape_cast %get3A_2125 : vector<16xi32> to vector<16xi32>
      %get3A_2127 = arith.constant 960 : index
      %get3A_2128 = tpu.vector_load %arg5[%get3A_2127] {strides = array<i32>} : memref<1664xi32, #tpu.memory_space<vmem>>, vector<16xi32>,
      %get3A_2129 = vector.shape_cast %get3A_2128 : vector<16xi32> to vector<16xi32>
      %add3A_2130 = arith.addi %get3A_2126, %get3A_2129 : vector<16xi32>
      %swap3A_2131 = arith.constant 960 : index
      %swap3A_2132 = tpu.vector_load %arg6[%swap3A_2131] {strides = array<i32>} : memref<1664xi32, #tpu.memory_space<vmem>>, vector<16xi32>,
      %swap3A_2133 = vector.shape_cast %swap3A_2132 : vector<16xi32> to vector<16xi32>
      %swap3A_2134 = vector.shape_cast %add3A_2130 : vector<16xi32> to vector<16xi32>
      tpu.vector_store %arg6[%swap3A_2131], %swap3A_2134 {strides = array<i32>} : memref<1664xi32, #tpu.memory_space<vmem>>, vector<16xi32>,
      %get3A_2135 = arith.constant 976 : index
      %get3A_2136 = tpu.vector_load %arg6[%get3A_2135] {strides = array<i32>} : memref<1664xi32, #tpu.memory_space<vmem>>, vector<16xi32>,
      %get3A_2137 = vector.shape_cast %get3A_2136 : vector<16xi32> to vector<16xi32>
      %get3A_2138 = arith.constant 976 : index
      %get3A_2139 = tpu.vector_load %arg5[%get3A_2138] {strides = array<i32>} : memref<1664xi32, #tpu.memory_space<vmem>>, vector<16xi32>,
      %get3A_2140 = vector.shape_cast %get3A_2139 : vector<16xi32> to vector<16xi32>
      %add3A_2141 = arith.addi %get3A_2137, %get3A_2140 : vector<16xi32>
      %swap3A_2142 = arith.constant 976 : index
      %swap3A_2143 = tpu.vector_load %arg6[%swap3A_2142] {strides = array<i32>} : memref<1664xi32, #tpu.memory_space<vmem>>, vector<16xi32>,
      %swap3A_2144 = vector.shape_cast %swap3A_2143 : vector<16xi32> to vector<16xi32>
      %swap3A_2145 = vector.shape_cast %add3A_2141 : vector<16xi32> to vector<16xi32>
      tpu.vector_store %arg6[%swap3A_2142], %swap3A_2145 {strides = array<i32>} : memref<1664xi32, #tpu.memory_space<vmem>>, vector<16xi32>,
      %get3A_2146 = arith.constant 992 : index
      %get3A_2147 = tpu.vector_load %arg6[%get3A_2146] {strides = array<i32>} : memref<1664xi32, #tpu.memory_space<vmem>>, vector<16xi32>,
      %get3A_2148 = vector.shape_cast %get3A_2147 : vector<16xi32> to vector<16xi32>
      %get3A_2149 = arith.constant 992 : index
      %get3A_2150 = tpu.vector_load %arg5[%get3A_2149] {strides = array<i32>} : memref<1664xi32, #tpu.memory_space<vmem>>, vector<16xi32>,
      %get3A_2151 = vector.shape_cast %get3A_2150 : vector<16xi32> to vector<16xi32>
      %add3A_2152 = arith.addi %get3A_2148, %get3A_2151 : vector<16xi32>
      %swap3A_2153 = arith.constant 992 : index
      %swap3A_2154 = tpu.vector_load %arg6[%swap3A_2153] {strides = array<i32>} : memref<1664xi32, #tpu.memory_space<vmem>>, vector<16xi32>,
      %swap3A_2155 = vector.shape_cast %swap3A_2154 : vector<16xi32> to vector<16xi32>
      %swap3A_2156 = vector.shape_cast %add3A_2152 : vector<16xi32> to vector<16xi32>
      tpu.vector_store %arg6[%swap3A_2153], %swap3A_2156 {strides = array<i32>} : memref<1664xi32, #tpu.memory_space<vmem>>, vector<16xi32>,
      %get3A_2157 = arith.constant 1008 : index
      %get3A_2158 = tpu.vector_load %arg6[%get3A_2157] {strides = array<i32>} : memref<1664xi32, #tpu.memory_space<vmem>>, vector<16xi32>,
      %get3A_2159 = vector.shape_cast %get3A_2158 : vector<16xi32> to vector<16xi32>
      %get3A_2160 = arith.constant 1008 : index
      %get3A_2161 = tpu.vector_load %arg5[%get3A_2160] {strides = array<i32>} : memref<1664xi32, #tpu.memory_space<vmem>>, vector<16xi32>,
      %get3A_2162 = vector.shape_cast %get3A_2161 : vector<16xi32> to vector<16xi32>
      %add3A_2163 = arith.addi %get3A_2159, %get3A_2162 : vector<16xi32>
      %swap3A_2164 = arith.constant 1008 : index
      %swap3A_2165 = tpu.vector_load %arg6[%swap3A_2164] {strides = array<i32>} : memref<1664xi32, #tpu.memory_space<vmem>>, vector<16xi32>,
      %swap3A_2166 = vector.shape_cast %swap3A_2165 : vector<16xi32> to vector<16xi32>
      %swap3A_2167 = vector.shape_cast %add3A_2163 : vector<16xi32> to vector<16xi32>
      tpu.vector_store %arg6[%swap3A_2164], %swap3A_2167 {strides = array<i32>} : memref<1664xi32, #tpu.memory_space<vmem>>, vector<16xi32>,
      %get3A_2168 = arith.constant 1024 : index
      %get3A_2169 = tpu.vector_load %arg6[%get3A_2168] {strides = array<i32>} : memref<1664xi32, #tpu.memory_space<vmem>>, vector<16xi32>,
      %get3A_2170 = vector.shape_cast %get3A_2169 : vector<16xi32> to vector<16xi32>
      %get3A_2171 = arith.constant 1024 : index
      %get3A_2172 = tpu.vector_load %arg5[%get3A_2171] {strides = array<i32>} : memref<1664xi32, #tpu.memory_space<vmem>>, vector<16xi32>,
      %get3A_2173 = vector.shape_cast %get3A_2172 : vector<16xi32> to vector<16xi32>
      %add3A_2174 = arith.addi %get3A_2170, %get3A_2173 : vector<16xi32>
      %swap3A_2175 = arith.constant 1024 : index
      %swap3A_2176 = tpu.vector_load %arg6[%swap3A_2175] {strides = array<i32>} : memref<1664xi32, #tpu.memory_space<vmem>>, vector<16xi32>,
      %swap3A_2177 = vector.shape_cast %swap3A_2176 : vector<16xi32> to vector<16xi32>
      %swap3A_2178 = vector.shape_cast %add3A_2174 : vector<16xi32> to vector<16xi32>
      tpu.vector_store %arg6[%swap3A_2175], %swap3A_2178 {strides = array<i32>} : memref<1664xi32, #tpu.memory_space<vmem>>, vector<16xi32>,
      %get3A_2179 = arith.constant 1040 : index
      %get3A_2180 = tpu.vector_load %arg6[%get3A_2179] {strides = array<i32>} : memref<1664xi32, #tpu.memory_space<vmem>>, vector<16xi32>,
      %get3A_2181 = vector.shape_cast %get3A_2180 : vector<16xi32> to vector<16xi32>
      %get3A_2182 = arith.constant 1040 : index
      %get3A_2183 = tpu.vector_load %arg5[%get3A_2182] {strides = array<i32>} : memref<1664xi32, #tpu.memory_space<vmem>>, vector<16xi32>,
      %get3A_2184 = vector.shape_cast %get3A_2183 : vector<16xi32> to vector<16xi32>
      %add3A_2185 = arith.addi %get3A_2181, %get3A_2184 : vector<16xi32>
      %swap3A_2186 = arith.constant 1040 : index
      %swap3A_2187 = tpu.vector_load %arg6[%swap3A_2186] {strides = array<i32>} : memref<1664xi32, #tpu.memory_space<vmem>>, vector<16xi32>,
      %swap3A_2188 = vector.shape_cast %swap3A_2187 : vector<16xi32> to vector<16xi32>
      %swap3A_2189 = vector.shape_cast %add3A_2185 : vector<16xi32> to vector<16xi32>
      tpu.vector_store %arg6[%swap3A_2186], %swap3A_2189 {strides = array<i32>} : memref<1664xi32, #tpu.memory_space<vmem>>, vector<16xi32>,
      %get3A_2190 = arith.constant 1056 : index
      %get3A_2191 = tpu.vector_load %arg6[%get3A_2190] {strides = array<i32>} : memref<1664xi32, #tpu.memory_space<vmem>>, vector<16xi32>,
      %get3A_2192 = vector.shape_cast %get3A_2191 : vector<16xi32> to vector<16xi32>
      %get3A_2193 = arith.constant 1056 : index
      %get3A_2194 = tpu.vector_load %arg5[%get3A_2193] {strides = array<i32>} : memref<1664xi32, #tpu.memory_space<vmem>>, vector<16xi32>,
      %get3A_2195 = vector.shape_cast %get3A_2194 : vector<16xi32> to vector<16xi32>
      %add3A_2196 = arith.addi %get3A_2192, %get3A_2195 : vector<16xi32>
      %swap3A_2197 = arith.constant 1056 : index
      %swap3A_2198 = tpu.vector_load %arg6[%swap3A_2197] {strides = array<i32>} : memref<1664xi32, #tpu.memory_space<vmem>>, vector<16xi32>,
      %swap3A_2199 = vector.shape_cast %swap3A_2198 : vector<16xi32> to vector<16xi32>
      %swap3A_2200 = vector.shape_cast %add3A_2196 : vector<16xi32> to vector<16xi32>
      tpu.vector_store %arg6[%swap3A_2197], %swap3A_2200 {strides = array<i32>} : memref<1664xi32, #tpu.memory_space<vmem>>, vector<16xi32>,
      %get3A_2201 = arith.constant 1072 : index
      %get3A_2202 = tpu.vector_load %arg6[%get3A_2201] {strides = array<i32>} : memref<1664xi32, #tpu.memory_space<vmem>>, vector<16xi32>,
      %get3A_2203 = vector.shape_cast %get3A_2202 : vector<16xi32> to vector<16xi32>
      %get3A_2204 = arith.constant 1072 : index
      %get3A_2205 = tpu.vector_load %arg5[%get3A_2204] {strides = array<i32>} : memref<1664xi32, #tpu.memory_space<vmem>>, vector<16xi32>,
      %get3A_2206 = vector.shape_cast %get3A_2205 : vector<16xi32> to vector<16xi32>
      %add3A_2207 = arith.addi %get3A_2203, %get3A_2206 : vector<16xi32>
      %swap3A_2208 = arith.constant 1072 : index
      %swap3A_2209 = tpu.vector_load %arg6[%swap3A_2208] {strides = array<i32>} : memref<1664xi32, #tpu.memory_space<vmem>>, vector<16xi32>,
      %swap3A_2210 = vector.shape_cast %swap3A_2209 : vector<16xi32> to vector<16xi32>
      %swap3A_2211 = vector.shape_cast %add3A_2207 : vector<16xi32> to vector<16xi32>
      tpu.vector_store %arg6[%swap3A_2208], %swap3A_2211 {strides = array<i32>} : memref<1664xi32, #tpu.memory_space<vmem>>, vector<16xi32>,
      %get3A_2212 = arith.constant 1088 : index
      %get3A_2213 = tpu.vector_load %arg6[%get3A_2212] {strides = array<i32>} : memref<1664xi32, #tpu.memory_space<vmem>>, vector<16xi32>,
      %get3A_2214 = vector.shape_cast %get3A_2213 : vector<16xi32> to vector<16xi32>
      %get3A_2215 = arith.constant 1088 : index
      %get3A_2216 = tpu.vector_load %arg5[%get3A_2215] {strides = array<i32>} : memref<1664xi32, #tpu.memory_space<vmem>>, vector<16xi32>,
      %get3A_2217 = vector.shape_cast %get3A_2216 : vector<16xi32> to vector<16xi32>
      %add3A_2218 = arith.addi %get3A_2214, %get3A_2217 : vector<16xi32>
      %swap3A_2219 = arith.constant 1088 : index
      %swap3A_2220 = tpu.vector_load %arg6[%swap3A_2219] {strides = array<i32>} : memref<1664xi32, #tpu.memory_space<vmem>>, vector<16xi32>,
      %swap3A_2221 = vector.shape_cast %swap3A_2220 : vector<16xi32> to vector<16xi32>
      %swap3A_2222 = vector.shape_cast %add3A_2218 : vector<16xi32> to vector<16xi32>
      tpu.vector_store %arg6[%swap3A_2219], %swap3A_2222 {strides = array<i32>} : memref<1664xi32, #tpu.memory_space<vmem>>, vector<16xi32>,
      %get3A_2223 = arith.constant 1104 : index
      %get3A_2224 = tpu.vector_load %arg6[%get3A_2223] {strides = array<i32>} : memref<1664xi32, #tpu.memory_space<vmem>>, vector<16xi32>,
      %get3A_2225 = vector.shape_cast %get3A_2224 : vector<16xi32> to vector<16xi32>
      %get3A_2226 = arith.constant 1104 : index
      %get3A_2227 = tpu.vector_load %arg5[%get3A_2226] {strides = array<i32>} : memref<1664xi32, #tpu.memory_space<vmem>>, vector<16xi32>,
      %get3A_2228 = vector.shape_cast %get3A_2227 : vector<16xi32> to vector<16xi32>
      %add3A_2229 = arith.addi %get3A_2225, %get3A_2228 : vector<16xi32>
      %swap3A_2230 = arith.constant 1104 : index
      %swap3A_2231 = tpu.vector_load %arg6[%swap3A_2230] {strides = array<i32>} : memref<1664xi32, #tpu.memory_space<vmem>>, vector<16xi32>,
      %swap3A_2232 = vector.shape_cast %swap3A_2231 : vector<16xi32> to vector<16xi32>
      %swap3A_2233 = vector.shape_cast %add3A_2229 : vector<16xi32> to vector<16xi32>
      tpu.vector_store %arg6[%swap3A_2230], %swap3A_2233 {strides = array<i32>} : memref<1664xi32, #tpu.memory_space<vmem>>, vector<16xi32>,
      %get3A_2234 = arith.constant 1120 : index
      %get3A_2235 = tpu.vector_load %arg6[%get3A_2234] {strides = array<i32>} : memref<1664xi32, #tpu.memory_space<vmem>>, vector<16xi32>,
      %get3A_2236 = vector.shape_cast %get3A_2235 : vector<16xi32> to vector<16xi32>
      %get3A_2237 = arith.constant 1120 : index
      %get3A_2238 = tpu.vector_load %arg5[%get3A_2237] {strides = array<i32>} : memref<1664xi32, #tpu.memory_space<vmem>>, vector<16xi32>,
      %get3A_2239 = vector.shape_cast %get3A_2238 : vector<16xi32> to vector<16xi32>
      %add3A_2240 = arith.addi %get3A_2236, %get3A_2239 : vector<16xi32>
      %swap3A_2241 = arith.constant 1120 : index
      %swap3A_2242 = tpu.vector_load %arg6[%swap3A_2241] {strides = array<i32>} : memref<1664xi32, #tpu.memory_space<vmem>>, vector<16xi32>,
      %swap3A_2243 = vector.shape_cast %swap3A_2242 : vector<16xi32> to vector<16xi32>
      %swap3A_2244 = vector.shape_cast %add3A_2240 : vector<16xi32> to vector<16xi32>
      tpu.vector_store %arg6[%swap3A_2241], %swap3A_2244 {strides = array<i32>} : memref<1664xi32, #tpu.memory_space<vmem>>, vector<16xi32>,
      %get3A_2245 = arith.constant 1136 : index
      %get3A_2246 = tpu.vector_load %arg6[%get3A_2245] {strides = array<i32>} : memref<1664xi32, #tpu.memory_space<vmem>>, vector<16xi32>,
      %get3A_2247 = vector.shape_cast %get3A_2246 : vector<16xi32> to vector<16xi32>
      %get3A_2248 = arith.constant 1136 : index
      %get3A_2249 = tpu.vector_load %arg5[%get3A_2248] {strides = array<i32>} : memref<1664xi32, #tpu.memory_space<vmem>>, vector<16xi32>,
      %get3A_2250 = vector.shape_cast %get3A_2249 : vector<16xi32> to vector<16xi32>
      %add3A_2251 = arith.addi %get3A_2247, %get3A_2250 : vector<16xi32>
      %swap3A_2252 = arith.constant 1136 : index
      %swap3A_2253 = tpu.vector_load %arg6[%swap3A_2252] {strides = array<i32>} : memref<1664xi32, #tpu.memory_space<vmem>>, vector<16xi32>,
      %swap3A_2254 = vector.shape_cast %swap3A_2253 : vector<16xi32> to vector<16xi32>
      %swap3A_2255 = vector.shape_cast %add3A_2251 : vector<16xi32> to vector<16xi32>
      tpu.vector_store %arg6[%swap3A_2252], %swap3A_2255 {strides = array<i32>} : memref<1664xi32, #tpu.memory_space<vmem>>, vector<16xi32>,
      %get3A_2256 = arith.constant 1152 : index
      %get3A_2257 = tpu.vector_load %arg6[%get3A_2256] {strides = array<i32>} : memref<1664xi32, #tpu.memory_space<vmem>>, vector<16xi32>,
      %get3A_2258 = vector.shape_cast %get3A_2257 : vector<16xi32> to vector<16xi32>
      %get3A_2259 = arith.constant 1152 : index
      %get3A_2260 = tpu.vector_load %arg5[%get3A_2259] {strides = array<i32>} : memref<1664xi32, #tpu.memory_space<vmem>>, vector<16xi32>,
      %get3A_2261 = vector.shape_cast %get3A_2260 : vector<16xi32> to vector<16xi32>
      %add3A_2262 = arith.addi %get3A_2258, %get3A_2261 : vector<16xi32>
      %swap3A_2263 = arith.constant 1152 : index
      %swap3A_2264 = tpu.vector_load %arg6[%swap3A_2263] {strides = array<i32>} : memref<1664xi32, #tpu.memory_space<vmem>>, vector<16xi32>,
      %swap3A_2265 = vector.shape_cast %swap3A_2264 : vector<16xi32> to vector<16xi32>
      %swap3A_2266 = vector.shape_cast %add3A_2262 : vector<16xi32> to vector<16xi32>
      tpu.vector_store %arg6[%swap3A_2263], %swap3A_2266 {strides = array<i32>} : memref<1664xi32, #tpu.memory_space<vmem>>, vector<16xi32>,
      %get3A_2267 = arith.constant 1168 : index
      %get3A_2268 = tpu.vector_load %arg6[%get3A_2267] {strides = array<i32>} : memref<1664xi32, #tpu.memory_space<vmem>>, vector<16xi32>,
      %get3A_2269 = vector.shape_cast %get3A_2268 : vector<16xi32> to vector<16xi32>
      %get3A_2270 = arith.constant 1168 : index
      %get3A_2271 = tpu.vector_load %arg5[%get3A_2270] {strides = array<i32>} : memref<1664xi32, #tpu.memory_space<vmem>>, vector<16xi32>,
      %get3A_2272 = vector.shape_cast %get3A_2271 : vector<16xi32> to vector<16xi32>
      %add3A_2273 = arith.addi %get3A_2269, %get3A_2272 : vector<16xi32>
      %swap3A_2274 = arith.constant 1168 : index
      %swap3A_2275 = tpu.vector_load %arg6[%swap3A_2274] {strides = array<i32>} : memref<1664xi32, #tpu.memory_space<vmem>>, vector<16xi32>,
      %swap3A_2276 = vector.shape_cast %swap3A_2275 : vector<16xi32> to vector<16xi32>
      %swap3A_2277 = vector.shape_cast %add3A_2273 : vector<16xi32> to vector<16xi32>
      tpu.vector_store %arg6[%swap3A_2274], %swap3A_2277 {strides = array<i32>} : memref<1664xi32, #tpu.memory_space<vmem>>, vector<16xi32>,
      %get3A_2278 = arith.constant 1184 : index
      %get3A_2279 = tpu.vector_load %arg6[%get3A_2278] {strides = array<i32>} : memref<1664xi32, #tpu.memory_space<vmem>>, vector<16xi32>,
      %get3A_2280 = vector.shape_cast %get3A_2279 : vector<16xi32> to vector<16xi32>
      %get3A_2281 = arith.constant 1184 : index
      %get3A_2282 = tpu.vector_load %arg5[%get3A_2281] {strides = array<i32>} : memref<1664xi32, #tpu.memory_space<vmem>>, vector<16xi32>,
      %get3A_2283 = vector.shape_cast %get3A_2282 : vector<16xi32> to vector<16xi32>
      %add3A_2284 = arith.addi %get3A_2280, %get3A_2283 : vector<16xi32>
      %swap3A_2285 = arith.constant 1184 : index
      %swap3A_2286 = tpu.vector_load %arg6[%swap3A_2285] {strides = array<i32>} : memref<1664xi32, #tpu.memory_space<vmem>>, vector<16xi32>,
      %swap3A_2287 = vector.shape_cast %swap3A_2286 : vector<16xi32> to vector<16xi32>
      %swap3A_2288 = vector.shape_cast %add3A_2284 : vector<16xi32> to vector<16xi32>
      tpu.vector_store %arg6[%swap3A_2285], %swap3A_2288 {strides = array<i32>} : memref<1664xi32, #tpu.memory_space<vmem>>, vector<16xi32>,
      %get3A_2289 = arith.constant 1200 : index
      %get3A_2290 = tpu.vector_load %arg6[%get3A_2289] {strides = array<i32>} : memref<1664xi32, #tpu.memory_space<vmem>>, vector<16xi32>,
      %get3A_2291 = vector.shape_cast %get3A_2290 : vector<16xi32> to vector<16xi32>
      %get3A_2292 = arith.constant 1200 : index
      %get3A_2293 = tpu.vector_load %arg5[%get3A_2292] {strides = array<i32>} : memref<1664xi32, #tpu.memory_space<vmem>>, vector<16xi32>,
      %get3A_2294 = vector.shape_cast %get3A_2293 : vector<16xi32> to vector<16xi32>
      %add3A_2295 = arith.addi %get3A_2291, %get3A_2294 : vector<16xi32>
      %swap3A_2296 = arith.constant 1200 : index
      %swap3A_2297 = tpu.vector_load %arg6[%swap3A_2296] {strides = array<i32>} : memref<1664xi32, #tpu.memory_space<vmem>>, vector<16xi32>,
      %swap3A_2298 = vector.shape_cast %swap3A_2297 : vector<16xi32> to vector<16xi32>
      %swap3A_2299 = vector.shape_cast %add3A_2295 : vector<16xi32> to vector<16xi32>
      tpu.vector_store %arg6[%swap3A_2296], %swap3A_2299 {strides = array<i32>} : memref<1664xi32, #tpu.memory_space<vmem>>, vector<16xi32>,
      %get3A_2300 = arith.constant 1216 : index
      %get3A_2301 = tpu.vector_load %arg6[%get3A_2300] {strides = array<i32>} : memref<1664xi32, #tpu.memory_space<vmem>>, vector<16xi32>,
      %get3A_2302 = vector.shape_cast %get3A_2301 : vector<16xi32> to vector<16xi32>
      %get3A_2303 = arith.constant 1216 : index
      %get3A_2304 = tpu.vector_load %arg5[%get3A_2303] {strides = array<i32>} : memref<1664xi32, #tpu.memory_space<vmem>>, vector<16xi32>,
      %get3A_2305 = vector.shape_cast %get3A_2304 : vector<16xi32> to vector<16xi32>
      %add3A_2306 = arith.addi %get3A_2302, %get3A_2305 : vector<16xi32>
      %swap3A_2307 = arith.constant 1216 : index
      %swap3A_2308 = tpu.vector_load %arg6[%swap3A_2307] {strides = array<i32>} : memref<1664xi32, #tpu.memory_space<vmem>>, vector<16xi32>,
      %swap3A_2309 = vector.shape_cast %swap3A_2308 : vector<16xi32> to vector<16xi32>
      %swap3A_2310 = vector.shape_cast %add3A_2306 : vector<16xi32> to vector<16xi32>
      tpu.vector_store %arg6[%swap3A_2307], %swap3A_2310 {strides = array<i32>} : memref<1664xi32, #tpu.memory_space<vmem>>, vector<16xi32>,
      %get3A_2311 = arith.constant 1232 : index
      %get3A_2312 = tpu.vector_load %arg6[%get3A_2311] {strides = array<i32>} : memref<1664xi32, #tpu.memory_space<vmem>>, vector<16xi32>,
      %get3A_2313 = vector.shape_cast %get3A_2312 : vector<16xi32> to vector<16xi32>
      %get3A_2314 = arith.constant 1232 : index
      %get3A_2315 = tpu.vector_load %arg5[%get3A_2314] {strides = array<i32>} : memref<1664xi32, #tpu.memory_space<vmem>>, vector<16xi32>,
      %get3A_2316 = vector.shape_cast %get3A_2315 : vector<16xi32> to vector<16xi32>
      %add3A_2317 = arith.addi %get3A_2313, %get3A_2316 : vector<16xi32>
      %swap3A_2318 = arith.constant 1232 : index
      %swap3A_2319 = tpu.vector_load %arg6[%swap3A_2318] {strides = array<i32>} : memref<1664xi32, #tpu.memory_space<vmem>>, vector<16xi32>,
      %swap3A_2320 = vector.shape_cast %swap3A_2319 : vector<16xi32> to vector<16xi32>
      %swap3A_2321 = vector.shape_cast %add3A_2317 : vector<16xi32> to vector<16xi32>
      tpu.vector_store %arg6[%swap3A_2318], %swap3A_2321 {strides = array<i32>} : memref<1664xi32, #tpu.memory_space<vmem>>, vector<16xi32>,
      %get3A_2322 = arith.constant 1248 : index
      %get3A_2323 = tpu.vector_load %arg6[%get3A_2322] {strides = array<i32>} : memref<1664xi32, #tpu.memory_space<vmem>>, vector<16xi32>,
      %get3A_2324 = vector.shape_cast %get3A_2323 : vector<16xi32> to vector<16xi32>
      %get3A_2325 = arith.constant 1248 : index
      %get3A_2326 = tpu.vector_load %arg5[%get3A_2325] {strides = array<i32>} : memref<1664xi32, #tpu.memory_space<vmem>>, vector<16xi32>,
      %get3A_2327 = vector.shape_cast %get3A_2326 : vector<16xi32> to vector<16xi32>
      %add3A_2328 = arith.addi %get3A_2324, %get3A_2327 : vector<16xi32>
      %swap3A_2329 = arith.constant 1248 : index
      %swap3A_2330 = tpu.vector_load %arg6[%swap3A_2329] {strides = array<i32>} : memref<1664xi32, #tpu.memory_space<vmem>>, vector<16xi32>,
      %swap3A_2331 = vector.shape_cast %swap3A_2330 : vector<16xi32> to vector<16xi32>
      %swap3A_2332 = vector.shape_cast %add3A_2328 : vector<16xi32> to vector<16xi32>
      tpu.vector_store %arg6[%swap3A_2329], %swap3A_2332 {strides = array<i32>} : memref<1664xi32, #tpu.memory_space<vmem>>, vector<16xi32>,
      %get3A_2333 = arith.constant 1264 : index
      %get3A_2334 = tpu.vector_load %arg6[%get3A_2333] {strides = array<i32>} : memref<1664xi32, #tpu.memory_space<vmem>>, vector<16xi32>,
      %get3A_2335 = vector.shape_cast %get3A_2334 : vector<16xi32> to vector<16xi32>
      %get3A_2336 = arith.constant 1264 : index
      %get3A_2337 = tpu.vector_load %arg5[%get3A_2336] {strides = array<i32>} : memref<1664xi32, #tpu.memory_space<vmem>>, vector<16xi32>,
      %get3A_2338 = vector.shape_cast %get3A_2337 : vector<16xi32> to vector<16xi32>
      %add3A_2339 = arith.addi %get3A_2335, %get3A_2338 : vector<16xi32>
      %swap3A_2340 = arith.constant 1264 : index
      %swap3A_2341 = tpu.vector_load %arg6[%swap3A_2340] {strides = array<i32>} : memref<1664xi32, #tpu.memory_space<vmem>>, vector<16xi32>,
      %swap3A_2342 = vector.shape_cast %swap3A_2341 : vector<16xi32> to vector<16xi32>
      %swap3A_2343 = vector.shape_cast %add3A_2339 : vector<16xi32> to vector<16xi32>
      tpu.vector_store %arg6[%swap3A_2340], %swap3A_2343 {strides = array<i32>} : memref<1664xi32, #tpu.memory_space<vmem>>, vector<16xi32>,
      %get3A_2344 = arith.constant 1280 : index
      %get3A_2345 = tpu.vector_load %arg6[%get3A_2344] {strides = array<i32>} : memref<1664xi32, #tpu.memory_space<vmem>>, vector<16xi32>,
      %get3A_2346 = vector.shape_cast %get3A_2345 : vector<16xi32> to vector<16xi32>
      %get3A_2347 = arith.constant 1280 : index
      %get3A_2348 = tpu.vector_load %arg5[%get3A_2347] {strides = array<i32>} : memref<1664xi32, #tpu.memory_space<vmem>>, vector<16xi32>,
      %get3A_2349 = vector.shape_cast %get3A_2348 : vector<16xi32> to vector<16xi32>
      %add3A_2350 = arith.addi %get3A_2346, %get3A_2349 : vector<16xi32>
      %swap3A_2351 = arith.constant 1280 : index
      %swap3A_2352 = tpu.vector_load %arg6[%swap3A_2351] {strides = array<i32>} : memref<1664xi32, #tpu.memory_space<vmem>>, vector<16xi32>,
      %swap3A_2353 = vector.shape_cast %swap3A_2352 : vector<16xi32> to vector<16xi32>
      %swap3A_2354 = vector.shape_cast %add3A_2350 : vector<16xi32> to vector<16xi32>
      tpu.vector_store %arg6[%swap3A_2351], %swap3A_2354 {strides = array<i32>} : memref<1664xi32, #tpu.memory_space<vmem>>, vector<16xi32>,
      %get3A_2355 = arith.constant 1296 : index
      %get3A_2356 = tpu.vector_load %arg6[%get3A_2355] {strides = array<i32>} : memref<1664xi32, #tpu.memory_space<vmem>>, vector<16xi32>,
      %get3A_2357 = vector.shape_cast %get3A_2356 : vector<16xi32> to vector<16xi32>
      %get3A_2358 = arith.constant 1296 : index
      %get3A_2359 = tpu.vector_load %arg5[%get3A_2358] {strides = array<i32>} : memref<1664xi32, #tpu.memory_space<vmem>>, vector<16xi32>,
      %get3A_2360 = vector.shape_cast %get3A_2359 : vector<16xi32> to vector<16xi32>
      %add3A_2361 = arith.addi %get3A_2357, %get3A_2360 : vector<16xi32>
      %swap3A_2362 = arith.constant 1296 : index
      %swap3A_2363 = tpu.vector_load %arg6[%swap3A_2362] {strides = array<i32>} : memref<1664xi32, #tpu.memory_space<vmem>>, vector<16xi32>,
      %swap3A_2364 = vector.shape_cast %swap3A_2363 : vector<16xi32> to vector<16xi32>
      %swap3A_2365 = vector.shape_cast %add3A_2361 : vector<16xi32> to vector<16xi32>
      tpu.vector_store %arg6[%swap3A_2362], %swap3A_2365 {strides = array<i32>} : memref<1664xi32, #tpu.memory_space<vmem>>, vector<16xi32>,
      %get3A_2366 = arith.constant 1312 : index
      %get3A_2367 = tpu.vector_load %arg6[%get3A_2366] {strides = array<i32>} : memref<1664xi32, #tpu.memory_space<vmem>>, vector<16xi32>,
      %get3A_2368 = vector.shape_cast %get3A_2367 : vector<16xi32> to vector<16xi32>
      %get3A_2369 = arith.constant 1312 : index
      %get3A_2370 = tpu.vector_load %arg5[%get3A_2369] {strides = array<i32>} : memref<1664xi32, #tpu.memory_space<vmem>>, vector<16xi32>,
      %get3A_2371 = vector.shape_cast %get3A_2370 : vector<16xi32> to vector<16xi32>
      %add3A_2372 = arith.addi %get3A_2368, %get3A_2371 : vector<16xi32>
      %swap3A_2373 = arith.constant 1312 : index
      %swap3A_2374 = tpu.vector_load %arg6[%swap3A_2373] {strides = array<i32>} : memref<1664xi32, #tpu.memory_space<vmem>>, vector<16xi32>,
      %swap3A_2375 = vector.shape_cast %swap3A_2374 : vector<16xi32> to vector<16xi32>
      %swap3A_2376 = vector.shape_cast %add3A_2372 : vector<16xi32> to vector<16xi32>
      tpu.vector_store %arg6[%swap3A_2373], %swap3A_2376 {strides = array<i32>} : memref<1664xi32, #tpu.memory_space<vmem>>, vector<16xi32>,
      %get3A_2377 = arith.constant 1328 : index
      %get3A_2378 = tpu.vector_load %arg6[%get3A_2377] {strides = array<i32>} : memref<1664xi32, #tpu.memory_space<vmem>>, vector<16xi32>,
      %get3A_2379 = vector.shape_cast %get3A_2378 : vector<16xi32> to vector<16xi32>
      %get3A_2380 = arith.constant 1328 : index
      %get3A_2381 = tpu.vector_load %arg5[%get3A_2380] {strides = array<i32>} : memref<1664xi32, #tpu.memory_space<vmem>>, vector<16xi32>,
      %get3A_2382 = vector.shape_cast %get3A_2381 : vector<16xi32> to vector<16xi32>
      %add3A_2383 = arith.addi %get3A_2379, %get3A_2382 : vector<16xi32>
      %swap3A_2384 = arith.constant 1328 : index
      %swap3A_2385 = tpu.vector_load %arg6[%swap3A_2384] {strides = array<i32>} : memref<1664xi32, #tpu.memory_space<vmem>>, vector<16xi32>,
      %swap3A_2386 = vector.shape_cast %swap3A_2385 : vector<16xi32> to vector<16xi32>
      %swap3A_2387 = vector.shape_cast %add3A_2383 : vector<16xi32> to vector<16xi32>
      tpu.vector_store %arg6[%swap3A_2384], %swap3A_2387 {strides = array<i32>} : memref<1664xi32, #tpu.memory_space<vmem>>, vector<16xi32>,
      %get3A_2388 = arith.constant 1344 : index
      %get3A_2389 = tpu.vector_load %arg6[%get3A_2388] {strides = array<i32>} : memref<1664xi32, #tpu.memory_space<vmem>>, vector<16xi32>,
      %get3A_2390 = vector.shape_cast %get3A_2389 : vector<16xi32> to vector<16xi32>
      %get3A_2391 = arith.constant 1344 : index
      %get3A_2392 = tpu.vector_load %arg5[%get3A_2391] {strides = array<i32>} : memref<1664xi32, #tpu.memory_space<vmem>>, vector<16xi32>,
      %get3A_2393 = vector.shape_cast %get3A_2392 : vector<16xi32> to vector<16xi32>
      %add3A_2394 = arith.addi %get3A_2390, %get3A_2393 : vector<16xi32>
      %swap3A_2395 = arith.constant 1344 : index
      %swap3A_2396 = tpu.vector_load %arg6[%swap3A_2395] {strides = array<i32>} : memref<1664xi32, #tpu.memory_space<vmem>>, vector<16xi32>,
      %swap3A_2397 = vector.shape_cast %swap3A_2396 : vector<16xi32> to vector<16xi32>
      %swap3A_2398 = vector.shape_cast %add3A_2394 : vector<16xi32> to vector<16xi32>
      tpu.vector_store %arg6[%swap3A_2395], %swap3A_2398 {strides = array<i32>} : memref<1664xi32, #tpu.memory_space<vmem>>, vector<16xi32>,
      %get3A_2399 = arith.constant 1360 : index
      %get3A_2400 = tpu.vector_load %arg6[%get3A_2399] {strides = array<i32>} : memref<1664xi32, #tpu.memory_space<vmem>>, vector<16xi32>,
      %get3A_2401 = vector.shape_cast %get3A_2400 : vector<16xi32> to vector<16xi32>
      %get3A_2402 = arith.constant 1360 : index
      %get3A_2403 = tpu.vector_load %arg5[%get3A_2402] {strides = array<i32>} : memref<1664xi32, #tpu.memory_space<vmem>>, vector<16xi32>,
      %get3A_2404 = vector.shape_cast %get3A_2403 : vector<16xi32> to vector<16xi32>
      %add3A_2405 = arith.addi %get3A_2401, %get3A_2404 : vector<16xi32>
      %swap3A_2406 = arith.constant 1360 : index
      %swap3A_2407 = tpu.vector_load %arg6[%swap3A_2406] {strides = array<i32>} : memref<1664xi32, #tpu.memory_space<vmem>>, vector<16xi32>,
      %swap3A_2408 = vector.shape_cast %swap3A_2407 : vector<16xi32> to vector<16xi32>
      %swap3A_2409 = vector.shape_cast %add3A_2405 : vector<16xi32> to vector<16xi32>
      tpu.vector_store %arg6[%swap3A_2406], %swap3A_2409 {strides = array<i32>} : memref<1664xi32, #tpu.memory_space<vmem>>, vector<16xi32>,
      %get3A_2410 = arith.constant 1376 : index
      %get3A_2411 = tpu.vector_load %arg6[%get3A_2410] {strides = array<i32>} : memref<1664xi32, #tpu.memory_space<vmem>>, vector<16xi32>,
      %get3A_2412 = vector.shape_cast %get3A_2411 : vector<16xi32> to vector<16xi32>
      %get3A_2413 = arith.constant 1376 : index
      %get3A_2414 = tpu.vector_load %arg5[%get3A_2413] {strides = array<i32>} : memref<1664xi32, #tpu.memory_space<vmem>>, vector<16xi32>,
      %get3A_2415 = vector.shape_cast %get3A_2414 : vector<16xi32> to vector<16xi32>
      %add3A_2416 = arith.addi %get3A_2412, %get3A_2415 : vector<16xi32>
      %swap3A_2417 = arith.constant 1376 : index
      %swap3A_2418 = tpu.vector_load %arg6[%swap3A_2417] {strides = array<i32>} : memref<1664xi32, #tpu.memory_space<vmem>>, vector<16xi32>,
      %swap3A_2419 = vector.shape_cast %swap3A_2418 : vector<16xi32> to vector<16xi32>
      %swap3A_2420 = vector.shape_cast %add3A_2416 : vector<16xi32> to vector<16xi32>
      tpu.vector_store %arg6[%swap3A_2417], %swap3A_2420 {strides = array<i32>} : memref<1664xi32, #tpu.memory_space<vmem>>, vector<16xi32>,
      %get3A_2421 = arith.constant 1392 : index
      %get3A_2422 = tpu.vector_load %arg6[%get3A_2421] {strides = array<i32>} : memref<1664xi32, #tpu.memory_space<vmem>>, vector<16xi32>,
      %get3A_2423 = vector.shape_cast %get3A_2422 : vector<16xi32> to vector<16xi32>
      %get3A_2424 = arith.constant 1392 : index
      %get3A_2425 = tpu.vector_load %arg5[%get3A_2424] {strides = array<i32>} : memref<1664xi32, #tpu.memory_space<vmem>>, vector<16xi32>,
      %get3A_2426 = vector.shape_cast %get3A_2425 : vector<16xi32> to vector<16xi32>
      %add3A_2427 = arith.addi %get3A_2423, %get3A_2426 : vector<16xi32>
      %swap3A_2428 = arith.constant 1392 : index
      %swap3A_2429 = tpu.vector_load %arg6[%swap3A_2428] {strides = array<i32>} : memref<1664xi32, #tpu.memory_space<vmem>>, vector<16xi32>,
      %swap3A_2430 = vector.shape_cast %swap3A_2429 : vector<16xi32> to vector<16xi32>
      %swap3A_2431 = vector.shape_cast %add3A_2427 : vector<16xi32> to vector<16xi32>
      tpu.vector_store %arg6[%swap3A_2428], %swap3A_2431 {strides = array<i32>} : memref<1664xi32, #tpu.memory_space<vmem>>, vector<16xi32>,
      %get3A_2432 = arith.constant 1408 : index
      %get3A_2433 = tpu.vector_load %arg6[%get3A_2432] {strides = array<i32>} : memref<1664xi32, #tpu.memory_space<vmem>>, vector<16xi32>,
      %get3A_2434 = vector.shape_cast %get3A_2433 : vector<16xi32> to vector<16xi32>
      %get3A_2435 = arith.constant 1408 : index
      %get3A_2436 = tpu.vector_load %arg5[%get3A_2435] {strides = array<i32>} : memref<1664xi32, #tpu.memory_space<vmem>>, vector<16xi32>,
      %get3A_2437 = vector.shape_cast %get3A_2436 : vector<16xi32> to vector<16xi32>
      %add3A_2438 = arith.addi %get3A_2434, %get3A_2437 : vector<16xi32>
      %swap3A_2439 = arith.constant 1408 : index
      %swap3A_2440 = tpu.vector_load %arg6[%swap3A_2439] {strides = array<i32>} : memref<1664xi32, #tpu.memory_space<vmem>>, vector<16xi32>,
      %swap3A_2441 = vector.shape_cast %swap3A_2440 : vector<16xi32> to vector<16xi32>
      %swap3A_2442 = vector.shape_cast %add3A_2438 : vector<16xi32> to vector<16xi32>
      tpu.vector_store %arg6[%swap3A_2439], %swap3A_2442 {strides = array<i32>} : memref<1664xi32, #tpu.memory_space<vmem>>, vector<16xi32>,
      %get3A_2443 = arith.constant 1424 : index
      %get3A_2444 = tpu.vector_load %arg6[%get3A_2443] {strides = array<i32>} : memref<1664xi32, #tpu.memory_space<vmem>>, vector<16xi32>,
      %get3A_2445 = vector.shape_cast %get3A_2444 : vector<16xi32> to vector<16xi32>
      %get3A_2446 = arith.constant 1424 : index
      %get3A_2447 = tpu.vector_load %arg5[%get3A_2446] {strides = array<i32>} : memref<1664xi32, #tpu.memory_space<vmem>>, vector<16xi32>,
      %get3A_2448 = vector.shape_cast %get3A_2447 : vector<16xi32> to vector<16xi32>
      %add3A_2449 = arith.addi %get3A_2445, %get3A_2448 : vector<16xi32>
      %swap3A_2450 = arith.constant 1424 : index
      %swap3A_2451 = tpu.vector_load %arg6[%swap3A_2450] {strides = array<i32>} : memref<1664xi32, #tpu.memory_space<vmem>>, vector<16xi32>,
      %swap3A_2452 = vector.shape_cast %swap3A_2451 : vector<16xi32> to vector<16xi32>
      %swap3A_2453 = vector.shape_cast %add3A_2449 : vector<16xi32> to vector<16xi32>
      tpu.vector_store %arg6[%swap3A_2450], %swap3A_2453 {strides = array<i32>} : memref<1664xi32, #tpu.memory_space<vmem>>, vector<16xi32>,
      %get3A_2454 = arith.constant 1440 : index
      %get3A_2455 = tpu.vector_load %arg6[%get3A_2454] {strides = array<i32>} : memref<1664xi32, #tpu.memory_space<vmem>>, vector<16xi32>,
      %get3A_2456 = vector.shape_cast %get3A_2455 : vector<16xi32> to vector<16xi32>
      %get3A_2457 = arith.constant 1440 : index
      %get3A_2458 = tpu.vector_load %arg5[%get3A_2457] {strides = array<i32>} : memref<1664xi32, #tpu.memory_space<vmem>>, vector<16xi32>,
      %get3A_2459 = vector.shape_cast %get3A_2458 : vector<16xi32> to vector<16xi32>
      %add3A_2460 = arith.addi %get3A_2456, %get3A_2459 : vector<16xi32>
      %swap3A_2461 = arith.constant 1440 : index
      %swap3A_2462 = tpu.vector_load %arg6[%swap3A_2461] {strides = array<i32>} : memref<1664xi32, #tpu.memory_space<vmem>>, vector<16xi32>,
      %swap3A_2463 = vector.shape_cast %swap3A_2462 : vector<16xi32> to vector<16xi32>
      %swap3A_2464 = vector.shape_cast %add3A_2460 : vector<16xi32> to vector<16xi32>
      tpu.vector_store %arg6[%swap3A_2461], %swap3A_2464 {strides = array<i32>} : memref<1664xi32, #tpu.memory_space<vmem>>, vector<16xi32>,
      %get3A_2465 = arith.constant 1456 : index
      %get3A_2466 = tpu.vector_load %arg6[%get3A_2465] {strides = array<i32>} : memref<1664xi32, #tpu.memory_space<vmem>>, vector<16xi32>,
      %get3A_2467 = vector.shape_cast %get3A_2466 : vector<16xi32> to vector<16xi32>
      %get3A_2468 = arith.constant 1456 : index
      %get3A_2469 = tpu.vector_load %arg5[%get3A_2468] {strides = array<i32>} : memref<1664xi32, #tpu.memory_space<vmem>>, vector<16xi32>,
      %get3A_2470 = vector.shape_cast %get3A_2469 : vector<16xi32> to vector<16xi32>
      %add3A_2471 = arith.addi %get3A_2467, %get3A_2470 : vector<16xi32>
      %swap3A_2472 = arith.constant 1456 : index
      %swap3A_2473 = tpu.vector_load %arg6[%swap3A_2472] {strides = array<i32>} : memref<1664xi32, #tpu.memory_space<vmem>>, vector<16xi32>,
      %swap3A_2474 = vector.shape_cast %swap3A_2473 : vector<16xi32> to vector<16xi32>
      %swap3A_2475 = vector.shape_cast %add3A_2471 : vector<16xi32> to vector<16xi32>
      tpu.vector_store %arg6[%swap3A_2472], %swap3A_2475 {strides = array<i32>} : memref<1664xi32, #tpu.memory_space<vmem>>, vector<16xi32>,
      %get3A_2476 = arith.constant 1472 : index
      %get3A_2477 = tpu.vector_load %arg6[%get3A_2476] {strides = array<i32>} : memref<1664xi32, #tpu.memory_space<vmem>>, vector<16xi32>,
      %get3A_2478 = vector.shape_cast %get3A_2477 : vector<16xi32> to vector<16xi32>
      %get3A_2479 = arith.constant 1472 : index
      %get3A_2480 = tpu.vector_load %arg5[%get3A_2479] {strides = array<i32>} : memref<1664xi32, #tpu.memory_space<vmem>>, vector<16xi32>,
      %get3A_2481 = vector.shape_cast %get3A_2480 : vector<16xi32> to vector<16xi32>
      %add3A_2482 = arith.addi %get3A_2478, %get3A_2481 : vector<16xi32>
      %swap3A_2483 = arith.constant 1472 : index
      %swap3A_2484 = tpu.vector_load %arg6[%swap3A_2483] {strides = array<i32>} : memref<1664xi32, #tpu.memory_space<vmem>>, vector<16xi32>,
      %swap3A_2485 = vector.shape_cast %swap3A_2484 : vector<16xi32> to vector<16xi32>
      %swap3A_2486 = vector.shape_cast %add3A_2482 : vector<16xi32> to vector<16xi32>
      tpu.vector_store %arg6[%swap3A_2483], %swap3A_2486 {strides = array<i32>} : memref<1664xi32, #tpu.memory_space<vmem>>, vector<16xi32>,
      %get3A_2487 = arith.constant 1488 : index
      %get3A_2488 = tpu.vector_load %arg6[%get3A_2487] {strides = array<i32>} : memref<1664xi32, #tpu.memory_space<vmem>>, vector<16xi32>,
      %get3A_2489 = vector.shape_cast %get3A_2488 : vector<16xi32> to vector<16xi32>
      %get3A_2490 = arith.constant 1488 : index
      %get3A_2491 = tpu.vector_load %arg5[%get3A_2490] {strides = array<i32>} : memref<1664xi32, #tpu.memory_space<vmem>>, vector<16xi32>,
      %get3A_2492 = vector.shape_cast %get3A_2491 : vector<16xi32> to vector<16xi32>
      %add3A_2493 = arith.addi %get3A_2489, %get3A_2492 : vector<16xi32>
      %swap3A_2494 = arith.constant 1488 : index
      %swap3A_2495 = tpu.vector_load %arg6[%swap3A_2494] {strides = array<i32>} : memref<1664xi32, #tpu.memory_space<vmem>>, vector<16xi32>,
      %swap3A_2496 = vector.shape_cast %swap3A_2495 : vector<16xi32> to vector<16xi32>
      %swap3A_2497 = vector.shape_cast %add3A_2493 : vector<16xi32> to vector<16xi32>
      tpu.vector_store %arg6[%swap3A_2494], %swap3A_2497 {strides = array<i32>} : memref<1664xi32, #tpu.memory_space<vmem>>, vector<16xi32>,
      %get3A_2498 = arith.constant 1504 : index
      %get3A_2499 = tpu.vector_load %arg6[%get3A_2498] {strides = array<i32>} : memref<1664xi32, #tpu.memory_space<vmem>>, vector<16xi32>,
      %get3A_2500 = vector.shape_cast %get3A_2499 : vector<16xi32> to vector<16xi32>
      %get3A_2501 = arith.constant 1504 : index
      %get3A_2502 = tpu.vector_load %arg5[%get3A_2501] {strides = array<i32>} : memref<1664xi32, #tpu.memory_space<vmem>>, vector<16xi32>,
      %get3A_2503 = vector.shape_cast %get3A_2502 : vector<16xi32> to vector<16xi32>
      %add3A_2504 = arith.addi %get3A_2500, %get3A_2503 : vector<16xi32>
      %swap3A_2505 = arith.constant 1504 : index
      %swap3A_2506 = tpu.vector_load %arg6[%swap3A_2505] {strides = array<i32>} : memref<1664xi32, #tpu.memory_space<vmem>>, vector<16xi32>,
      %swap3A_2507 = vector.shape_cast %swap3A_2506 : vector<16xi32> to vector<16xi32>
      %swap3A_2508 = vector.shape_cast %add3A_2504 : vector<16xi32> to vector<16xi32>
      tpu.vector_store %arg6[%swap3A_2505], %swap3A_2508 {strides = array<i32>} : memref<1664xi32, #tpu.memory_space<vmem>>, vector<16xi32>,
      %get3A_2509 = arith.constant 1520 : index
      %get3A_2510 = tpu.vector_load %arg6[%get3A_2509] {strides = array<i32>} : memref<1664xi32, #tpu.memory_space<vmem>>, vector<16xi32>,
      %get3A_2511 = vector.shape_cast %get3A_2510 : vector<16xi32> to vector<16xi32>
      %get3A_2512 = arith.constant 1520 : index
      %get3A_2513 = tpu.vector_load %arg5[%get3A_2512] {strides = array<i32>} : memref<1664xi32, #tpu.memory_space<vmem>>, vector<16xi32>,
      %get3A_2514 = vector.shape_cast %get3A_2513 : vector<16xi32> to vector<16xi32>
      %add3A_2515 = arith.addi %get3A_2511, %get3A_2514 : vector<16xi32>
      %swap3A_2516 = arith.constant 1520 : index
      %swap3A_2517 = tpu.vector_load %arg6[%swap3A_2516] {strides = array<i32>} : memref<1664xi32, #tpu.memory_space<vmem>>, vector<16xi32>,
      %swap3A_2518 = vector.shape_cast %swap3A_2517 : vector<16xi32> to vector<16xi32>
      %swap3A_2519 = vector.shape_cast %add3A_2515 : vector<16xi32> to vector<16xi32>
      tpu.vector_store %arg6[%swap3A_2516], %swap3A_2519 {strides = array<i32>} : memref<1664xi32, #tpu.memory_space<vmem>>, vector<16xi32>,
      %get3A_2520 = arith.constant 1536 : index
      %get3A_2521 = tpu.vector_load %arg6[%get3A_2520] {strides = array<i32>} : memref<1664xi32, #tpu.memory_space<vmem>>, vector<16xi32>,
      %get3A_2522 = vector.shape_cast %get3A_2521 : vector<16xi32> to vector<16xi32>
      %get3A_2523 = arith.constant 1536 : index
      %get3A_2524 = tpu.vector_load %arg5[%get3A_2523] {strides = array<i32>} : memref<1664xi32, #tpu.memory_space<vmem>>, vector<16xi32>,
      %get3A_2525 = vector.shape_cast %get3A_2524 : vector<16xi32> to vector<16xi32>
      %add3A_2526 = arith.addi %get3A_2522, %get3A_2525 : vector<16xi32>
      %swap3A_2527 = arith.constant 1536 : index
      %swap3A_2528 = tpu.vector_load %arg6[%swap3A_2527] {strides = array<i32>} : memref<1664xi32, #tpu.memory_space<vmem>>, vector<16xi32>,
      %swap3A_2529 = vector.shape_cast %swap3A_2528 : vector<16xi32> to vector<16xi32>
      %swap3A_2530 = vector.shape_cast %add3A_2526 : vector<16xi32> to vector<16xi32>
      tpu.vector_store %arg6[%swap3A_2527], %swap3A_2530 {strides = array<i32>} : memref<1664xi32, #tpu.memory_space<vmem>>, vector<16xi32>,
      %get3A_2531 = arith.constant 1552 : index
      %get3A_2532 = tpu.vector_load %arg6[%get3A_2531] {strides = array<i32>} : memref<1664xi32, #tpu.memory_space<vmem>>, vector<16xi32>,
      %get3A_2533 = vector.shape_cast %get3A_2532 : vector<16xi32> to vector<16xi32>
      %get3A_2534 = arith.constant 1552 : index
      %get3A_2535 = tpu.vector_load %arg5[%get3A_2534] {strides = array<i32>} : memref<1664xi32, #tpu.memory_space<vmem>>, vector<16xi32>,
      %get3A_2536 = vector.shape_cast %get3A_2535 : vector<16xi32> to vector<16xi32>
      %add3A_2537 = arith.addi %get3A_2533, %get3A_2536 : vector<16xi32>
      %swap3A_2538 = arith.constant 1552 : index
      %swap3A_2539 = tpu.vector_load %arg6[%swap3A_2538] {strides = array<i32>} : memref<1664xi32, #tpu.memory_space<vmem>>, vector<16xi32>,
      %swap3A_2540 = vector.shape_cast %swap3A_2539 : vector<16xi32> to vector<16xi32>
      %swap3A_2541 = vector.shape_cast %add3A_2537 : vector<16xi32> to vector<16xi32>
      tpu.vector_store %arg6[%swap3A_2538], %swap3A_2541 {strides = array<i32>} : memref<1664xi32, #tpu.memory_space<vmem>>, vector<16xi32>,
      %get3A_2542 = arith.constant 1568 : index
      %get3A_2543 = tpu.vector_load %arg6[%get3A_2542] {strides = array<i32>} : memref<1664xi32, #tpu.memory_space<vmem>>, vector<16xi32>,
      %get3A_2544 = vector.shape_cast %get3A_2543 : vector<16xi32> to vector<16xi32>
      %get3A_2545 = arith.constant 1568 : index
      %get3A_2546 = tpu.vector_load %arg5[%get3A_2545] {strides = array<i32>} : memref<1664xi32, #tpu.memory_space<vmem>>, vector<16xi32>,
      %get3A_2547 = vector.shape_cast %get3A_2546 : vector<16xi32> to vector<16xi32>
      %add3A_2548 = arith.addi %get3A_2544, %get3A_2547 : vector<16xi32>
      %swap3A_2549 = arith.constant 1568 : index
      %swap3A_2550 = tpu.vector_load %arg6[%swap3A_2549] {strides = array<i32>} : memref<1664xi32, #tpu.memory_space<vmem>>, vector<16xi32>,
      %swap3A_2551 = vector.shape_cast %swap3A_2550 : vector<16xi32> to vector<16xi32>
      %swap3A_2552 = vector.shape_cast %add3A_2548 : vector<16xi32> to vector<16xi32>
      tpu.vector_store %arg6[%swap3A_2549], %swap3A_2552 {strides = array<i32>} : memref<1664xi32, #tpu.memory_space<vmem>>, vector<16xi32>,
      %get3A_2553 = arith.constant 1584 : index
      %get3A_2554 = tpu.vector_load %arg6[%get3A_2553] {strides = array<i32>} : memref<1664xi32, #tpu.memory_space<vmem>>, vector<16xi32>,
      %get3A_2555 = vector.shape_cast %get3A_2554 : vector<16xi32> to vector<16xi32>
      %get3A_2556 = arith.constant 1584 : index
      %get3A_2557 = tpu.vector_load %arg5[%get3A_2556] {strides = array<i32>} : memref<1664xi32, #tpu.memory_space<vmem>>, vector<16xi32>,
      %get3A_2558 = vector.shape_cast %get3A_2557 : vector<16xi32> to vector<16xi32>
      %add3A_2559 = arith.addi %get3A_2555, %get3A_2558 : vector<16xi32>
      %swap3A_2560 = arith.constant 1584 : index
      %swap3A_2561 = tpu.vector_load %arg6[%swap3A_2560] {strides = array<i32>} : memref<1664xi32, #tpu.memory_space<vmem>>, vector<16xi32>,
      %swap3A_2562 = vector.shape_cast %swap3A_2561 : vector<16xi32> to vector<16xi32>
      %swap3A_2563 = vector.shape_cast %add3A_2559 : vector<16xi32> to vector<16xi32>
      tpu.vector_store %arg6[%swap3A_2560], %swap3A_2563 {strides = array<i32>} : memref<1664xi32, #tpu.memory_space<vmem>>, vector<16xi32>,
      %get3A_2564 = arith.constant 1600 : index
      %get3A_2565 = tpu.vector_load %arg6[%get3A_2564] {strides = array<i32>} : memref<1664xi32, #tpu.memory_space<vmem>>, vector<16xi32>,
      %get3A_2566 = vector.shape_cast %get3A_2565 : vector<16xi32> to vector<16xi32>
      %get3A_2567 = arith.constant 1600 : index
      %get3A_2568 = tpu.vector_load %arg5[%get3A_2567] {strides = array<i32>} : memref<1664xi32, #tpu.memory_space<vmem>>, vector<16xi32>,
      %get3A_2569 = vector.shape_cast %get3A_2568 : vector<16xi32> to vector<16xi32>
      %add3A_2570 = arith.addi %get3A_2566, %get3A_2569 : vector<16xi32>
      %swap3A_2571 = arith.constant 1600 : index
      %swap3A_2572 = tpu.vector_load %arg6[%swap3A_2571] {strides = array<i32>} : memref<1664xi32, #tpu.memory_space<vmem>>, vector<16xi32>,
      %swap3A_2573 = vector.shape_cast %swap3A_2572 : vector<16xi32> to vector<16xi32>
      %swap3A_2574 = vector.shape_cast %add3A_2570 : vector<16xi32> to vector<16xi32>
      tpu.vector_store %arg6[%swap3A_2571], %swap3A_2574 {strides = array<i32>} : memref<1664xi32, #tpu.memory_space<vmem>>, vector<16xi32>,
      %get3A_2575 = arith.constant 1616 : index
      %get3A_2576 = tpu.vector_load %arg6[%get3A_2575] {strides = array<i32>} : memref<1664xi32, #tpu.memory_space<vmem>>, vector<16xi32>,
      %get3A_2577 = vector.shape_cast %get3A_2576 : vector<16xi32> to vector<16xi32>
      %get3A_2578 = arith.constant 1616 : index
      %get3A_2579 = tpu.vector_load %arg5[%get3A_2578] {strides = array<i32>} : memref<1664xi32, #tpu.memory_space<vmem>>, vector<16xi32>,
      %get3A_2580 = vector.shape_cast %get3A_2579 : vector<16xi32> to vector<16xi32>
      %add3A_2581 = arith.addi %get3A_2577, %get3A_2580 : vector<16xi32>
      %swap3A_2582 = arith.constant 1616 : index
      %swap3A_2583 = tpu.vector_load %arg6[%swap3A_2582] {strides = array<i32>} : memref<1664xi32, #tpu.memory_space<vmem>>, vector<16xi32>,
      %swap3A_2584 = vector.shape_cast %swap3A_2583 : vector<16xi32> to vector<16xi32>
      %swap3A_2585 = vector.shape_cast %add3A_2581 : vector<16xi32> to vector<16xi32>
      tpu.vector_store %arg6[%swap3A_2582], %swap3A_2585 {strides = array<i32>} : memref<1664xi32, #tpu.memory_space<vmem>>, vector<16xi32>,
      %get3A_2586 = arith.constant 1632 : index
      %get3A_2587 = tpu.vector_load %arg6[%get3A_2586] {strides = array<i32>} : memref<1664xi32, #tpu.memory_space<vmem>>, vector<16xi32>,
      %get3A_2588 = vector.shape_cast %get3A_2587 : vector<16xi32> to vector<16xi32>
      %get3A_2589 = arith.constant 1632 : index
      %get3A_2590 = tpu.vector_load %arg5[%get3A_2589] {strides = array<i32>} : memref<1664xi32, #tpu.memory_space<vmem>>, vector<16xi32>,
      %get3A_2591 = vector.shape_cast %get3A_2590 : vector<16xi32> to vector<16xi32>
      %add3A_2592 = arith.addi %get3A_2588, %get3A_2591 : vector<16xi32>
      %swap3A_2593 = arith.constant 1632 : index
      %swap3A_2594 = tpu.vector_load %arg6[%swap3A_2593] {strides = array<i32>} : memref<1664xi32, #tpu.memory_space<vmem>>, vector<16xi32>,
      %swap3A_2595 = vector.shape_cast %swap3A_2594 : vector<16xi32> to vector<16xi32>
      %swap3A_2596 = vector.shape_cast %add3A_2592 : vector<16xi32> to vector<16xi32>
      tpu.vector_store %arg6[%swap3A_2593], %swap3A_2596 {strides = array<i32>} : memref<1664xi32, #tpu.memory_space<vmem>>, vector<16xi32>,
      %get3A_2597 = arith.constant 1648 : index
      %get3A_2598 = tpu.vector_load %arg6[%get3A_2597] {strides = array<i32>} : memref<1664xi32, #tpu.memory_space<vmem>>, vector<16xi32>,
      %get3A_2599 = vector.shape_cast %get3A_2598 : vector<16xi32> to vector<16xi32>
      %get3A_2600 = arith.constant 1648 : index
      %get3A_2601 = tpu.vector_load %arg5[%get3A_2600] {strides = array<i32>} : memref<1664xi32, #tpu.memory_space<vmem>>, vector<16xi32>,
      %get3A_2602 = vector.shape_cast %get3A_2601 : vector<16xi32> to vector<16xi32>
      %add3A_2603 = arith.addi %get3A_2599, %get3A_2602 : vector<16xi32>
      %swap3A_2604 = arith.constant 1648 : index
      %swap3A_2605 = tpu.vector_load %arg6[%swap3A_2604] {strides = array<i32>} : memref<1664xi32, #tpu.memory_space<vmem>>, vector<16xi32>,
      %swap3A_2606 = vector.shape_cast %swap3A_2605 : vector<16xi32> to vector<16xi32>
      %swap3A_2607 = vector.shape_cast %add3A_2603 : vector<16xi32> to vector<16xi32>
      tpu.vector_store %arg6[%swap3A_2604], %swap3A_2607 {strides = array<i32>} : memref<1664xi32, #tpu.memory_space<vmem>>, vector<16xi32>,
      %dma_start3A = arith.constant 0 : i32
      %dma_start3A_2608 = arith.constant 0 : i32
      %dma_start3A_2609 = tpu.memref_slice %arg7[%dma_start3A, %dma_start3A_2608] : memref<1664x32xf32, #tpu.memory_space<vmem>> -> memref<128x32xf32, #tpu.memory_space<vmem>>
      %dma_start3A_2610 = arith.constant 0 : i32
      %dma_start3A_2611 = tpu.memref_slice %arg6[%dma_start3A_2610] : memref<1664xi32, #tpu.memory_space<vmem>> -> memref<128xi32, #tpu.memory_space<vmem>>
      %dma_start3A_2612 = arith.constant 0 : i32
      %dma_start3A_2613 = arith.constant 0 : i32
      %dma_start3A_2614 = tpu.memref_slice %arg3[%dma_start3A_2612, %dma_start3A_2613] : memref<2600000x32xf32, #tpu.memory_space<hbm>> -> memref<2600000x32xf32, #tpu.memory_space<hbm>>
      tpu.enqueue_indirect_dma source(%dma_start3A_2614 : memref<2600000x32xf32, #tpu.memory_space<hbm>>) target(%dma_start3A_2609 : memref<128x32xf32, #tpu.memory_space<vmem>>) offsets(%dma_start3A_2611 : memref<128xi32, #tpu.memory_space<vmem>>) semaphore(%arg8 : memref<!tpu.dma_semaphore, #tpu.memory_space<semaphore_mem>>)
      %dma_start3A_2615 = arith.constant 128 : i32
      %dma_start3A_2616 = arith.constant 0 : i32
      %dma_start3A_2617 = tpu.memref_slice %arg7[%dma_start3A_2615, %dma_start3A_2616] : memref<1664x32xf32, #tpu.memory_space<vmem>> -> memref<128x32xf32, #tpu.memory_space<vmem>>
      %dma_start3A_2618 = arith.constant 128 : i32
      %dma_start3A_2619 = tpu.memref_slice %arg6[%dma_start3A_2618] : memref<1664xi32, #tpu.memory_space<vmem>> -> memref<128xi32, #tpu.memory_space<vmem>>
      %dma_start3A_2620 = arith.constant 0 : i32
      %dma_start3A_2621 = arith.constant 0 : i32
      %dma_start3A_2622 = tpu.memref_slice %arg3[%dma_start3A_2620, %dma_start3A_2621] : memref<2600000x32xf32, #tpu.memory_space<hbm>> -> memref<2600000x32xf32, #tpu.memory_space<hbm>>
      tpu.enqueue_indirect_dma source(%dma_start3A_2622 : memref<2600000x32xf32, #tpu.memory_space<hbm>>) target(%dma_start3A_2617 : memref<128x32xf32, #tpu.memory_space<vmem>>) offsets(%dma_start3A_2619 : memref<128xi32, #tpu.memory_space<vmem>>) semaphore(%arg8 : memref<!tpu.dma_semaphore, #tpu.memory_space<semaphore_mem>>)
      %dma_start3A_2623 = arith.constant 256 : i32
      %dma_start3A_2624 = arith.constant 0 : i32
      %dma_start3A_2625 = tpu.memref_slice %arg7[%dma_start3A_2623, %dma_start3A_2624] : memref<1664x32xf32, #tpu.memory_space<vmem>> -> memref<128x32xf32, #tpu.memory_space<vmem>>
      %dma_start3A_2626 = arith.constant 256 : i32
      %dma_start3A_2627 = tpu.memref_slice %arg6[%dma_start3A_2626] : memref<1664xi32, #tpu.memory_space<vmem>> -> memref<128xi32, #tpu.memory_space<vmem>>
      %dma_start3A_2628 = arith.constant 0 : i32
      %dma_start3A_2629 = arith.constant 0 : i32
      %dma_start3A_2630 = tpu.memref_slice %arg3[%dma_start3A_2628, %dma_start3A_2629] : memref<2600000x32xf32, #tpu.memory_space<hbm>> -> memref<2600000x32xf32, #tpu.memory_space<hbm>>
      tpu.enqueue_indirect_dma source(%dma_start3A_2630 : memref<2600000x32xf32, #tpu.memory_space<hbm>>) target(%dma_start3A_2625 : memref<128x32xf32, #tpu.memory_space<vmem>>) offsets(%dma_start3A_2627 : memref<128xi32, #tpu.memory_space<vmem>>) semaphore(%arg8 : memref<!tpu.dma_semaphore, #tpu.memory_space<semaphore_mem>>)
      %dma_start3A_2631 = arith.constant 384 : i32
      %dma_start3A_2632 = arith.constant 0 : i32
      %dma_start3A_2633 = tpu.memref_slice %arg7[%dma_start3A_2631, %dma_start3A_2632] : memref<1664x32xf32, #tpu.memory_space<vmem>> -> memref<128x32xf32, #tpu.memory_space<vmem>>
      %dma_start3A_2634 = arith.constant 384 : i32
      %dma_start3A_2635 = tpu.memref_slice %arg6[%dma_start3A_2634] : memref<1664xi32, #tpu.memory_space<vmem>> -> memref<128xi32, #tpu.memory_space<vmem>>
      %dma_start3A_2636 = arith.constant 0 : i32
      %dma_start3A_2637 = arith.constant 0 : i32
      %dma_start3A_2638 = tpu.memref_slice %arg3[%dma_start3A_2636, %dma_start3A_2637] : memref<2600000x32xf32, #tpu.memory_space<hbm>> -> memref<2600000x32xf32, #tpu.memory_space<hbm>>
      tpu.enqueue_indirect_dma source(%dma_start3A_2638 : memref<2600000x32xf32, #tpu.memory_space<hbm>>) target(%dma_start3A_2633 : memref<128x32xf32, #tpu.memory_space<vmem>>) offsets(%dma_start3A_2635 : memref<128xi32, #tpu.memory_space<vmem>>) semaphore(%arg8 : memref<!tpu.dma_semaphore, #tpu.memory_space<semaphore_mem>>)
      %dma_start3A_2639 = arith.constant 512 : i32
      %dma_start3A_2640 = arith.constant 0 : i32
      %dma_start3A_2641 = tpu.memref_slice %arg7[%dma_start3A_2639, %dma_start3A_2640] : memref<1664x32xf32, #tpu.memory_space<vmem>> -> memref<128x32xf32, #tpu.memory_space<vmem>>
      %dma_start3A_2642 = arith.constant 512 : i32
      %dma_start3A_2643 = tpu.memref_slice %arg6[%dma_start3A_2642] : memref<1664xi32, #tpu.memory_space<vmem>> -> memref<128xi32, #tpu.memory_space<vmem>>
      %dma_start3A_2644 = arith.constant 0 : i32
      %dma_start3A_2645 = arith.constant 0 : i32
      %dma_start3A_2646 = tpu.memref_slice %arg3[%dma_start3A_2644, %dma_start3A_2645] : memref<2600000x32xf32, #tpu.memory_space<hbm>> -> memref<2600000x32xf32, #tpu.memory_space<hbm>>
      tpu.enqueue_indirect_dma source(%dma_start3A_2646 : memref<2600000x32xf32, #tpu.memory_space<hbm>>) target(%dma_start3A_2641 : memref<128x32xf32, #tpu.memory_space<vmem>>) offsets(%dma_start3A_2643 : memref<128xi32, #tpu.memory_space<vmem>>) semaphore(%arg8 : memref<!tpu.dma_semaphore, #tpu.memory_space<semaphore_mem>>)
      %dma_start3A_2647 = arith.constant 640 : i32
      %dma_start3A_2648 = arith.constant 0 : i32
      %dma_start3A_2649 = tpu.memref_slice %arg7[%dma_start3A_2647, %dma_start3A_2648] : memref<1664x32xf32, #tpu.memory_space<vmem>> -> memref<128x32xf32, #tpu.memory_space<vmem>>
      %dma_start3A_2650 = arith.constant 640 : i32
      %dma_start3A_2651 = tpu.memref_slice %arg6[%dma_start3A_2650] : memref<1664xi32, #tpu.memory_space<vmem>> -> memref<128xi32, #tpu.memory_space<vmem>>
      %dma_start3A_2652 = arith.constant 0 : i32
      %dma_start3A_2653 = arith.constant 0 : i32
      %dma_start3A_2654 = tpu.memref_slice %arg3[%dma_start3A_2652, %dma_start3A_2653] : memref<2600000x32xf32, #tpu.memory_space<hbm>> -> memref<2600000x32xf32, #tpu.memory_space<hbm>>
      tpu.enqueue_indirect_dma source(%dma_start3A_2654 : memref<2600000x32xf32, #tpu.memory_space<hbm>>) target(%dma_start3A_2649 : memref<128x32xf32, #tpu.memory_space<vmem>>) offsets(%dma_start3A_2651 : memref<128xi32, #tpu.memory_space<vmem>>) semaphore(%arg8 : memref<!tpu.dma_semaphore, #tpu.memory_space<semaphore_mem>>)
      %dma_start3A_2655 = arith.constant 768 : i32
      %dma_start3A_2656 = arith.constant 0 : i32
      %dma_start3A_2657 = tpu.memref_slice %arg7[%dma_start3A_2655, %dma_start3A_2656] : memref<1664x32xf32, #tpu.memory_space<vmem>> -> memref<128x32xf32, #tpu.memory_space<vmem>>
      %dma_start3A_2658 = arith.constant 768 : i32
      %dma_start3A_2659 = tpu.memref_slice %arg6[%dma_start3A_2658] : memref<1664xi32, #tpu.memory_space<vmem>> -> memref<128xi32, #tpu.memory_space<vmem>>
      %dma_start3A_2660 = arith.constant 0 : i32
      %dma_start3A_2661 = arith.constant 0 : i32
      %dma_start3A_2662 = tpu.memref_slice %arg3[%dma_start3A_2660, %dma_start3A_2661] : memref<2600000x32xf32, #tpu.memory_space<hbm>> -> memref<2600000x32xf32, #tpu.memory_space<hbm>>
      tpu.enqueue_indirect_dma source(%dma_start3A_2662 : memref<2600000x32xf32, #tpu.memory_space<hbm>>) target(%dma_start3A_2657 : memref<128x32xf32, #tpu.memory_space<vmem>>) offsets(%dma_start3A_2659 : memref<128xi32, #tpu.memory_space<vmem>>) semaphore(%arg8 : memref<!tpu.dma_semaphore, #tpu.memory_space<semaphore_mem>>)
      %dma_start3A_2663 = arith.constant 896 : i32
      %dma_start3A_2664 = arith.constant 0 : i32
      %dma_start3A_2665 = tpu.memref_slice %arg7[%dma_start3A_2663, %dma_start3A_2664] : memref<1664x32xf32, #tpu.memory_space<vmem>> -> memref<128x32xf32, #tpu.memory_space<vmem>>
      %dma_start3A_2666 = arith.constant 896 : i32
      %dma_start3A_2667 = tpu.memref_slice %arg6[%dma_start3A_2666] : memref<1664xi32, #tpu.memory_space<vmem>> -> memref<128xi32, #tpu.memory_space<vmem>>
      %dma_start3A_2668 = arith.constant 0 : i32
      %dma_start3A_2669 = arith.constant 0 : i32
      %dma_start3A_2670 = tpu.memref_slice %arg3[%dma_start3A_2668, %dma_start3A_2669] : memref<2600000x32xf32, #tpu.memory_space<hbm>> -> memref<2600000x32xf32, #tpu.memory_space<hbm>>
      tpu.enqueue_indirect_dma source(%dma_start3A_2670 : memref<2600000x32xf32, #tpu.memory_space<hbm>>) target(%dma_start3A_2665 : memref<128x32xf32, #tpu.memory_space<vmem>>) offsets(%dma_start3A_2667 : memref<128xi32, #tpu.memory_space<vmem>>) semaphore(%arg8 : memref<!tpu.dma_semaphore, #tpu.memory_space<semaphore_mem>>)
      %dma_start3A_2671 = arith.constant 1024 : i32
      %dma_start3A_2672 = arith.constant 0 : i32
      %dma_start3A_2673 = tpu.memref_slice %arg7[%dma_start3A_2671, %dma_start3A_2672] : memref<1664x32xf32, #tpu.memory_space<vmem>> -> memref<128x32xf32, #tpu.memory_space<vmem>>
      %dma_start3A_2674 = arith.constant 1024 : i32
      %dma_start3A_2675 = tpu.memref_slice %arg6[%dma_start3A_2674] : memref<1664xi32, #tpu.memory_space<vmem>> -> memref<128xi32, #tpu.memory_space<vmem>>
      %dma_start3A_2676 = arith.constant 0 : i32
      %dma_start3A_2677 = arith.constant 0 : i32
      %dma_start3A_2678 = tpu.memref_slice %arg3[%dma_start3A_2676, %dma_start3A_2677] : memref<2600000x32xf32, #tpu.memory_space<hbm>> -> memref<2600000x32xf32, #tpu.memory_space<hbm>>
      tpu.enqueue_indirect_dma source(%dma_start3A_2678 : memref<2600000x32xf32, #tpu.memory_space<hbm>>) target(%dma_start3A_2673 : memref<128x32xf32, #tpu.memory_space<vmem>>) offsets(%dma_start3A_2675 : memref<128xi32, #tpu.memory_space<vmem>>) semaphore(%arg8 : memref<!tpu.dma_semaphore, #tpu.memory_space<semaphore_mem>>)
      %dma_start3A_2679 = arith.constant 1152 : i32
      %dma_start3A_2680 = arith.constant 0 : i32
      %dma_start3A_2681 = tpu.memref_slice %arg7[%dma_start3A_2679, %dma_start3A_2680] : memref<1664x32xf32, #tpu.memory_space<vmem>> -> memref<128x32xf32, #tpu.memory_space<vmem>>
      %dma_start3A_2682 = arith.constant 1152 : i32
      %dma_start3A_2683 = tpu.memref_slice %arg6[%dma_start3A_2682] : memref<1664xi32, #tpu.memory_space<vmem>> -> memref<128xi32, #tpu.memory_space<vmem>>
      %dma_start3A_2684 = arith.constant 0 : i32
      %dma_start3A_2685 = arith.constant 0 : i32
      %dma_start3A_2686 = tpu.memref_slice %arg3[%dma_start3A_2684, %dma_start3A_2685] : memref<2600000x32xf32, #tpu.memory_space<hbm>> -> memref<2600000x32xf32, #tpu.memory_space<hbm>>
      tpu.enqueue_indirect_dma source(%dma_start3A_2686 : memref<2600000x32xf32, #tpu.memory_space<hbm>>) target(%dma_start3A_2681 : memref<128x32xf32, #tpu.memory_space<vmem>>) offsets(%dma_start3A_2683 : memref<128xi32, #tpu.memory_space<vmem>>) semaphore(%arg8 : memref<!tpu.dma_semaphore, #tpu.memory_space<semaphore_mem>>)
      %dma_start3A_2687 = arith.constant 1280 : i32
      %dma_start3A_2688 = arith.constant 0 : i32
      %dma_start3A_2689 = tpu.memref_slice %arg7[%dma_start3A_2687, %dma_start3A_2688] : memref<1664x32xf32, #tpu.memory_space<vmem>> -> memref<128x32xf32, #tpu.memory_space<vmem>>
      %dma_start3A_2690 = arith.constant 1280 : i32
      %dma_start3A_2691 = tpu.memref_slice %arg6[%dma_start3A_2690] : memref<1664xi32, #tpu.memory_space<vmem>> -> memref<128xi32, #tpu.memory_space<vmem>>
      %dma_start3A_2692 = arith.constant 0 : i32
      %dma_start3A_2693 = arith.constant 0 : i32
      %dma_start3A_2694 = tpu.memref_slice %arg3[%dma_start3A_2692, %dma_start3A_2693] : memref<2600000x32xf32, #tpu.memory_space<hbm>> -> memref<2600000x32xf32, #tpu.memory_space<hbm>>
      tpu.enqueue_indirect_dma source(%dma_start3A_2694 : memref<2600000x32xf32, #tpu.memory_space<hbm>>) target(%dma_start3A_2689 : memref<128x32xf32, #tpu.memory_space<vmem>>) offsets(%dma_start3A_2691 : memref<128xi32, #tpu.memory_space<vmem>>) semaphore(%arg8 : memref<!tpu.dma_semaphore, #tpu.memory_space<semaphore_mem>>)
      %dma_start3A_2695 = arith.constant 1408 : i32
      %dma_start3A_2696 = arith.constant 0 : i32
      %dma_start3A_2697 = tpu.memref_slice %arg7[%dma_start3A_2695, %dma_start3A_2696] : memref<1664x32xf32, #tpu.memory_space<vmem>> -> memref<128x32xf32, #tpu.memory_space<vmem>>
      %dma_start3A_2698 = arith.constant 1408 : i32
      %dma_start3A_2699 = tpu.memref_slice %arg6[%dma_start3A_2698] : memref<1664xi32, #tpu.memory_space<vmem>> -> memref<128xi32, #tpu.memory_space<vmem>>
      %dma_start3A_2700 = arith.constant 0 : i32
      %dma_start3A_2701 = arith.constant 0 : i32
      %dma_start3A_2702 = tpu.memref_slice %arg3[%dma_start3A_2700, %dma_start3A_2701] : memref<2600000x32xf32, #tpu.memory_space<hbm>> -> memref<2600000x32xf32, #tpu.memory_space<hbm>>
      tpu.enqueue_indirect_dma source(%dma_start3A_2702 : memref<2600000x32xf32, #tpu.memory_space<hbm>>) target(%dma_start3A_2697 : memref<128x32xf32, #tpu.memory_space<vmem>>) offsets(%dma_start3A_2699 : memref<128xi32, #tpu.memory_space<vmem>>) semaphore(%arg8 : memref<!tpu.dma_semaphore, #tpu.memory_space<semaphore_mem>>)
      %dma_start3A_2703 = arith.constant 1536 : i32
      %dma_start3A_2704 = arith.constant 0 : i32
      %dma_start3A_2705 = tpu.memref_slice %arg7[%dma_start3A_2703, %dma_start3A_2704] : memref<1664x32xf32, #tpu.memory_space<vmem>> -> memref<128x32xf32, #tpu.memory_space<vmem>>
      %dma_start3A_2706 = arith.constant 1536 : i32
      %dma_start3A_2707 = tpu.memref_slice %arg6[%dma_start3A_2706] : memref<1664xi32, #tpu.memory_space<vmem>> -> memref<128xi32, #tpu.memory_space<vmem>>
      %dma_start3A_2708 = arith.constant 0 : i32
      %dma_start3A_2709 = arith.constant 0 : i32
      %dma_start3A_2710 = tpu.memref_slice %arg3[%dma_start3A_2708, %dma_start3A_2709] : memref<2600000x32xf32, #tpu.memory_space<hbm>> -> memref<2600000x32xf32, #tpu.memory_space<hbm>>
      tpu.enqueue_indirect_dma source(%dma_start3A_2710 : memref<2600000x32xf32, #tpu.memory_space<hbm>>) target(%dma_start3A_2705 : memref<128x32xf32, #tpu.memory_space<vmem>>) offsets(%dma_start3A_2707 : memref<128xi32, #tpu.memory_space<vmem>>) semaphore(%arg8 : memref<!tpu.dma_semaphore, #tpu.memory_space<semaphore_mem>>)
      %dma_wait3A = arith.constant 0 : i32
      %dma_wait3A_2711 = arith.constant 0 : i32
      %dma_wait3A_2712 = tpu.memref_slice %arg7[%dma_wait3A, %dma_wait3A_2711] : memref<1664x32xf32, #tpu.memory_space<vmem>> -> memref<128x32xf32, #tpu.memory_space<vmem>>
      %dma_wait3A_2713 = arith.constant 0 : i32
      %dma_wait3A_2714 = tpu.memref_slice %arg6[%dma_wait3A_2713] : memref<1664xi32, #tpu.memory_space<vmem>> -> memref<128xi32, #tpu.memory_space<vmem>>
      %dma_wait3A_2715 = arith.constant 0 : i32
      %dma_wait3A_2716 = arith.constant 0 : i32
      %dma_wait3A_2717 = tpu.memref_slice %arg3[%dma_wait3A_2715, %dma_wait3A_2716] : memref<2600000x32xf32, #tpu.memory_space<hbm>> -> memref<2600000x32xf32, #tpu.memory_space<hbm>>
      tpu.wait_indirect_dma semaphore(%arg8 : memref<!tpu.dma_semaphore, #tpu.memory_space<semaphore_mem>>) src(%dma_wait3A_2717 : memref<2600000x32xf32, #tpu.memory_space<hbm>>) dst(%dma_wait3A_2712 : memref<128x32xf32, #tpu.memory_space<vmem>>)
      %dma_wait3A_2718 = arith.constant 128 : i32
      %dma_wait3A_2719 = arith.constant 0 : i32
      %dma_wait3A_2720 = tpu.memref_slice %arg7[%dma_wait3A_2718, %dma_wait3A_2719] : memref<1664x32xf32, #tpu.memory_space<vmem>> -> memref<128x32xf32, #tpu.memory_space<vmem>>
      %dma_wait3A_2721 = arith.constant 128 : i32
      %dma_wait3A_2722 = tpu.memref_slice %arg6[%dma_wait3A_2721] : memref<1664xi32, #tpu.memory_space<vmem>> -> memref<128xi32, #tpu.memory_space<vmem>>
      %dma_wait3A_2723 = arith.constant 0 : i32
      %dma_wait3A_2724 = arith.constant 0 : i32
      %dma_wait3A_2725 = tpu.memref_slice %arg3[%dma_wait3A_2723, %dma_wait3A_2724] : memref<2600000x32xf32, #tpu.memory_space<hbm>> -> memref<2600000x32xf32, #tpu.memory_space<hbm>>
      tpu.wait_indirect_dma semaphore(%arg8 : memref<!tpu.dma_semaphore, #tpu.memory_space<semaphore_mem>>) src(%dma_wait3A_2725 : memref<2600000x32xf32, #tpu.memory_space<hbm>>) dst(%dma_wait3A_2720 : memref<128x32xf32, #tpu.memory_space<vmem>>)
      %dma_wait3A_2726 = arith.constant 256 : i32
      %dma_wait3A_2727 = arith.constant 0 : i32
      %dma_wait3A_2728 = tpu.memref_slice %arg7[%dma_wait3A_2726, %dma_wait3A_2727] : memref<1664x32xf32, #tpu.memory_space<vmem>> -> memref<128x32xf32, #tpu.memory_space<vmem>>
      %dma_wait3A_2729 = arith.constant 256 : i32
      %dma_wait3A_2730 = tpu.memref_slice %arg6[%dma_wait3A_2729] : memref<1664xi32, #tpu.memory_space<vmem>> -> memref<128xi32, #tpu.memory_space<vmem>>
      %dma_wait3A_2731 = arith.constant 0 : i32
      %dma_wait3A_2732 = arith.constant 0 : i32
      %dma_wait3A_2733 = tpu.memref_slice %arg3[%dma_wait3A_2731, %dma_wait3A_2732] : memref<2600000x32xf32, #tpu.memory_space<hbm>> -> memref<2600000x32xf32, #tpu.memory_space<hbm>>
      tpu.wait_indirect_dma semaphore(%arg8 : memref<!tpu.dma_semaphore, #tpu.memory_space<semaphore_mem>>) src(%dma_wait3A_2733 : memref<2600000x32xf32, #tpu.memory_space<hbm>>) dst(%dma_wait3A_2728 : memref<128x32xf32, #tpu.memory_space<vmem>>)
      %dma_wait3A_2734 = arith.constant 384 : i32
      %dma_wait3A_2735 = arith.constant 0 : i32
      %dma_wait3A_2736 = tpu.memref_slice %arg7[%dma_wait3A_2734, %dma_wait3A_2735] : memref<1664x32xf32, #tpu.memory_space<vmem>> -> memref<128x32xf32, #tpu.memory_space<vmem>>
      %dma_wait3A_2737 = arith.constant 384 : i32
      %dma_wait3A_2738 = tpu.memref_slice %arg6[%dma_wait3A_2737] : memref<1664xi32, #tpu.memory_space<vmem>> -> memref<128xi32, #tpu.memory_space<vmem>>
      %dma_wait3A_2739 = arith.constant 0 : i32
      %dma_wait3A_2740 = arith.constant 0 : i32
      %dma_wait3A_2741 = tpu.memref_slice %arg3[%dma_wait3A_2739, %dma_wait3A_2740] : memref<2600000x32xf32, #tpu.memory_space<hbm>> -> memref<2600000x32xf32, #tpu.memory_space<hbm>>
      tpu.wait_indirect_dma semaphore(%arg8 : memref<!tpu.dma_semaphore, #tpu.memory_space<semaphore_mem>>) src(%dma_wait3A_2741 : memref<2600000x32xf32, #tpu.memory_space<hbm>>) dst(%dma_wait3A_2736 : memref<128x32xf32, #tpu.memory_space<vmem>>)
      %dma_wait3A_2742 = arith.constant 512 : i32
      %dma_wait3A_2743 = arith.constant 0 : i32
      %dma_wait3A_2744 = tpu.memref_slice %arg7[%dma_wait3A_2742, %dma_wait3A_2743] : memref<1664x32xf32, #tpu.memory_space<vmem>> -> memref<128x32xf32, #tpu.memory_space<vmem>>
      %dma_wait3A_2745 = arith.constant 512 : i32
      %dma_wait3A_2746 = tpu.memref_slice %arg6[%dma_wait3A_2745] : memref<1664xi32, #tpu.memory_space<vmem>> -> memref<128xi32, #tpu.memory_space<vmem>>
      %dma_wait3A_2747 = arith.constant 0 : i32
      %dma_wait3A_2748 = arith.constant 0 : i32
      %dma_wait3A_2749 = tpu.memref_slice %arg3[%dma_wait3A_2747, %dma_wait3A_2748] : memref<2600000x32xf32, #tpu.memory_space<hbm>> -> memref<2600000x32xf32, #tpu.memory_space<hbm>>
      tpu.wait_indirect_dma semaphore(%arg8 : memref<!tpu.dma_semaphore, #tpu.memory_space<semaphore_mem>>) src(%dma_wait3A_2749 : memref<2600000x32xf32, #tpu.memory_space<hbm>>) dst(%dma_wait3A_2744 : memref<128x32xf32, #tpu.memory_space<vmem>>)
      %dma_wait3A_2750 = arith.constant 640 : i32
      %dma_wait3A_2751 = arith.constant 0 : i32
      %dma_wait3A_2752 = tpu.memref_slice %arg7[%dma_wait3A_2750, %dma_wait3A_2751] : memref<1664x32xf32, #tpu.memory_space<vmem>> -> memref<128x32xf32, #tpu.memory_space<vmem>>
      %dma_wait3A_2753 = arith.constant 640 : i32
      %dma_wait3A_2754 = tpu.memref_slice %arg6[%dma_wait3A_2753] : memref<1664xi32, #tpu.memory_space<vmem>> -> memref<128xi32, #tpu.memory_space<vmem>>
      %dma_wait3A_2755 = arith.constant 0 : i32
      %dma_wait3A_2756 = arith.constant 0 : i32
      %dma_wait3A_2757 = tpu.memref_slice %arg3[%dma_wait3A_2755, %dma_wait3A_2756] : memref<2600000x32xf32, #tpu.memory_space<hbm>> -> memref<2600000x32xf32, #tpu.memory_space<hbm>>
      tpu.wait_indirect_dma semaphore(%arg8 : memref<!tpu.dma_semaphore, #tpu.memory_space<semaphore_mem>>) src(%dma_wait3A_2757 : memref<2600000x32xf32, #tpu.memory_space<hbm>>) dst(%dma_wait3A_2752 : memref<128x32xf32, #tpu.memory_space<vmem>>)
      %dma_wait3A_2758 = arith.constant 768 : i32
      %dma_wait3A_2759 = arith.constant 0 : i32
      %dma_wait3A_2760 = tpu.memref_slice %arg7[%dma_wait3A_2758, %dma_wait3A_2759] : memref<1664x32xf32, #tpu.memory_space<vmem>> -> memref<128x32xf32, #tpu.memory_space<vmem>>
      %dma_wait3A_2761 = arith.constant 768 : i32
      %dma_wait3A_2762 = tpu.memref_slice %arg6[%dma_wait3A_2761] : memref<1664xi32, #tpu.memory_space<vmem>> -> memref<128xi32, #tpu.memory_space<vmem>>
      %dma_wait3A_2763 = arith.constant 0 : i32
      %dma_wait3A_2764 = arith.constant 0 : i32
      %dma_wait3A_2765 = tpu.memref_slice %arg3[%dma_wait3A_2763, %dma_wait3A_2764] : memref<2600000x32xf32, #tpu.memory_space<hbm>> -> memref<2600000x32xf32, #tpu.memory_space<hbm>>
      tpu.wait_indirect_dma semaphore(%arg8 : memref<!tpu.dma_semaphore, #tpu.memory_space<semaphore_mem>>) src(%dma_wait3A_2765 : memref<2600000x32xf32, #tpu.memory_space<hbm>>) dst(%dma_wait3A_2760 : memref<128x32xf32, #tpu.memory_space<vmem>>)
      %dma_wait3A_2766 = arith.constant 896 : i32
      %dma_wait3A_2767 = arith.constant 0 : i32
      %dma_wait3A_2768 = tpu.memref_slice %arg7[%dma_wait3A_2766, %dma_wait3A_2767] : memref<1664x32xf32, #tpu.memory_space<vmem>> -> memref<128x32xf32, #tpu.memory_space<vmem>>
      %dma_wait3A_2769 = arith.constant 896 : i32
      %dma_wait3A_2770 = tpu.memref_slice %arg6[%dma_wait3A_2769] : memref<1664xi32, #tpu.memory_space<vmem>> -> memref<128xi32, #tpu.memory_space<vmem>>
      %dma_wait3A_2771 = arith.constant 0 : i32
      %dma_wait3A_2772 = arith.constant 0 : i32
      %dma_wait3A_2773 = tpu.memref_slice %arg3[%dma_wait3A_2771, %dma_wait3A_2772] : memref<2600000x32xf32, #tpu.memory_space<hbm>> -> memref<2600000x32xf32, #tpu.memory_space<hbm>>
      tpu.wait_indirect_dma semaphore(%arg8 : memref<!tpu.dma_semaphore, #tpu.memory_space<semaphore_mem>>) src(%dma_wait3A_2773 : memref<2600000x32xf32, #tpu.memory_space<hbm>>) dst(%dma_wait3A_2768 : memref<128x32xf32, #tpu.memory_space<vmem>>)
      %dma_wait3A_2774 = arith.constant 1024 : i32
      %dma_wait3A_2775 = arith.constant 0 : i32
      %dma_wait3A_2776 = tpu.memref_slice %arg7[%dma_wait3A_2774, %dma_wait3A_2775] : memref<1664x32xf32, #tpu.memory_space<vmem>> -> memref<128x32xf32, #tpu.memory_space<vmem>>
      %dma_wait3A_2777 = arith.constant 1024 : i32
      %dma_wait3A_2778 = tpu.memref_slice %arg6[%dma_wait3A_2777] : memref<1664xi32, #tpu.memory_space<vmem>> -> memref<128xi32, #tpu.memory_space<vmem>>
      %dma_wait3A_2779 = arith.constant 0 : i32
      %dma_wait3A_2780 = arith.constant 0 : i32
      %dma_wait3A_2781 = tpu.memref_slice %arg3[%dma_wait3A_2779, %dma_wait3A_2780] : memref<2600000x32xf32, #tpu.memory_space<hbm>> -> memref<2600000x32xf32, #tpu.memory_space<hbm>>
      tpu.wait_indirect_dma semaphore(%arg8 : memref<!tpu.dma_semaphore, #tpu.memory_space<semaphore_mem>>) src(%dma_wait3A_2781 : memref<2600000x32xf32, #tpu.memory_space<hbm>>) dst(%dma_wait3A_2776 : memref<128x32xf32, #tpu.memory_space<vmem>>)
      %dma_wait3A_2782 = arith.constant 1152 : i32
      %dma_wait3A_2783 = arith.constant 0 : i32
      %dma_wait3A_2784 = tpu.memref_slice %arg7[%dma_wait3A_2782, %dma_wait3A_2783] : memref<1664x32xf32, #tpu.memory_space<vmem>> -> memref<128x32xf32, #tpu.memory_space<vmem>>
      %dma_wait3A_2785 = arith.constant 1152 : i32
      %dma_wait3A_2786 = tpu.memref_slice %arg6[%dma_wait3A_2785] : memref<1664xi32, #tpu.memory_space<vmem>> -> memref<128xi32, #tpu.memory_space<vmem>>
      %dma_wait3A_2787 = arith.constant 0 : i32
      %dma_wait3A_2788 = arith.constant 0 : i32
      %dma_wait3A_2789 = tpu.memref_slice %arg3[%dma_wait3A_2787, %dma_wait3A_2788] : memref<2600000x32xf32, #tpu.memory_space<hbm>> -> memref<2600000x32xf32, #tpu.memory_space<hbm>>
      tpu.wait_indirect_dma semaphore(%arg8 : memref<!tpu.dma_semaphore, #tpu.memory_space<semaphore_mem>>) src(%dma_wait3A_2789 : memref<2600000x32xf32, #tpu.memory_space<hbm>>) dst(%dma_wait3A_2784 : memref<128x32xf32, #tpu.memory_space<vmem>>)
      %dma_wait3A_2790 = arith.constant 1280 : i32
      %dma_wait3A_2791 = arith.constant 0 : i32
      %dma_wait3A_2792 = tpu.memref_slice %arg7[%dma_wait3A_2790, %dma_wait3A_2791] : memref<1664x32xf32, #tpu.memory_space<vmem>> -> memref<128x32xf32, #tpu.memory_space<vmem>>
      %dma_wait3A_2793 = arith.constant 1280 : i32
      %dma_wait3A_2794 = tpu.memref_slice %arg6[%dma_wait3A_2793] : memref<1664xi32, #tpu.memory_space<vmem>> -> memref<128xi32, #tpu.memory_space<vmem>>
      %dma_wait3A_2795 = arith.constant 0 : i32
      %dma_wait3A_2796 = arith.constant 0 : i32
      %dma_wait3A_2797 = tpu.memref_slice %arg3[%dma_wait3A_2795, %dma_wait3A_2796] : memref<2600000x32xf32, #tpu.memory_space<hbm>> -> memref<2600000x32xf32, #tpu.memory_space<hbm>>
      tpu.wait_indirect_dma semaphore(%arg8 : memref<!tpu.dma_semaphore, #tpu.memory_space<semaphore_mem>>) src(%dma_wait3A_2797 : memref<2600000x32xf32, #tpu.memory_space<hbm>>) dst(%dma_wait3A_2792 : memref<128x32xf32, #tpu.memory_space<vmem>>)
      %dma_wait3A_2798 = arith.constant 1408 : i32
      %dma_wait3A_2799 = arith.constant 0 : i32
      %dma_wait3A_2800 = tpu.memref_slice %arg7[%dma_wait3A_2798, %dma_wait3A_2799] : memref<1664x32xf32, #tpu.memory_space<vmem>> -> memref<128x32xf32, #tpu.memory_space<vmem>>
      %dma_wait3A_2801 = arith.constant 1408 : i32
      %dma_wait3A_2802 = tpu.memref_slice %arg6[%dma_wait3A_2801] : memref<1664xi32, #tpu.memory_space<vmem>> -> memref<128xi32, #tpu.memory_space<vmem>>
      %dma_wait3A_2803 = arith.constant 0 : i32
      %dma_wait3A_2804 = arith.constant 0 : i32
      %dma_wait3A_2805 = tpu.memref_slice %arg3[%dma_wait3A_2803, %dma_wait3A_2804] : memref<2600000x32xf32, #tpu.memory_space<hbm>> -> memref<2600000x32xf32, #tpu.memory_space<hbm>>
      tpu.wait_indirect_dma semaphore(%arg8 : memref<!tpu.dma_semaphore, #tpu.memory_space<semaphore_mem>>) src(%dma_wait3A_2805 : memref<2600000x32xf32, #tpu.memory_space<hbm>>) dst(%dma_wait3A_2800 : memref<128x32xf32, #tpu.memory_space<vmem>>)
      %dma_wait3A_2806 = arith.constant 1536 : i32
      %dma_wait3A_2807 = arith.constant 0 : i32
      %dma_wait3A_2808 = tpu.memref_slice %arg7[%dma_wait3A_2806, %dma_wait3A_2807] : memref<1664x32xf32, #tpu.memory_space<vmem>> -> memref<128x32xf32, #tpu.memory_space<vmem>>
      %dma_wait3A_2809 = arith.constant 1536 : i32
      %dma_wait3A_2810 = tpu.memref_slice %arg6[%dma_wait3A_2809] : memref<1664xi32, #tpu.memory_space<vmem>> -> memref<128xi32, #tpu.memory_space<vmem>>
      %dma_wait3A_2811 = arith.constant 0 : i32
      %dma_wait3A_2812 = arith.constant 0 : i32
      %dma_wait3A_2813 = tpu.memref_slice %arg3[%dma_wait3A_2811, %dma_wait3A_2812] : memref<2600000x32xf32, #tpu.memory_space<hbm>> -> memref<2600000x32xf32, #tpu.memory_space<hbm>>
      tpu.wait_indirect_dma semaphore(%arg8 : memref<!tpu.dma_semaphore, #tpu.memory_space<semaphore_mem>>) src(%dma_wait3A_2813 : memref<2600000x32xf32, #tpu.memory_space<hbm>>) dst(%dma_wait3A_2808 : memref<128x32xf32, #tpu.memory_space<vmem>>)
      "tpu.region"() ({
        %run_scoped3A = tpu.sem_alloc : memref<!tpu.dma_semaphore, #tpu.memory_space<semaphore_mem>>
        %dma_start3A_2814 = arith.constant 0 : i32
        %dma_start3A_2815 = tpu.memref_slice %arg4[%add3A_1464, %dma_start3A_2814] : memref<5324800x32xf32, #tpu.memory_space<hbm>> -> memref<1664x32xf32, #tpu.memory_space<hbm>>
        %dma_start3A_2816 = arith.constant 0 : i32
        %dma_start3A_2817 = tpu.memref_slice %arg4[%add3A_1464, %dma_start3A_2816] : memref<5324800x32xf32, #tpu.memory_space<hbm>> -> memref<1664x32xf32, #tpu.memory_space<hbm>>
        tpu.enqueue_dma source(%arg7 : memref<1664x32xf32, #tpu.memory_space<vmem>>) target(%dma_start3A_2817 : memref<1664x32xf32, #tpu.memory_space<hbm>>) target_semaphore(%run_scoped3A : memref<!tpu.dma_semaphore, #tpu.memory_space<semaphore_mem>>)
        %dma_wait3A_2818 = arith.constant 0 : i32
        %dma_wait3A_2819 = tpu.memref_slice %arg4[%add3A_1464, %dma_wait3A_2818] : memref<5324800x32xf32, #tpu.memory_space<hbm>> -> memref<1664x32xf32, #tpu.memory_space<hbm>>
        %dma_wait3A_2820 = arith.constant 0 : i32
        %dma_wait3A_2821 = tpu.memref_slice %arg4[%add3A_1464, %dma_wait3A_2820] : memref<5324800x32xf32, #tpu.memory_space<hbm>> -> memref<1664x32xf32, #tpu.memory_space<hbm>>
        tpu.wait_dma2 semaphore(%run_scoped3A : memref<!tpu.dma_semaphore, #tpu.memory_space<semaphore_mem>>) src(%arg7 : memref<1664x32xf32, #tpu.memory_space<vmem>>) dst(%dma_wait3A_2821 : memref<1664x32xf32, #tpu.memory_space<hbm>>)
        tpu.yield
      }) : () -> ()
    }
    %scan3A_1460 = arith.constant 100 : i32
    return
  }
}

</mosaic_0001>

<sc_bundles>
// kernel: kernel.3.cloned.1.call-start
scs
__scs_entry_jumppad:
0x0: {  	(pc) =	sbr.rel $0x88, $3  }
0x1: {  	(tag) =	ssettag $0x0;
	lr =	simm.s32 $0x1  }
0x2: {  	[smem:$0x3F9F] =	sst lr;
	_ =	strace $0xD0000000  }
0x3: {  	_ = 	snop  }
0x4: {  	_ = 	snop  }
0x5: {  	_ = 	snop  }
0x6: {  	_ = 	snop  }
0x7: {  	_ = 	snop  }
__scs_overlays_trampoline_lowered:
0x8: {  	[smem:$0x3FAE] =	sst s0  }
0x9: {  	[smem:$0x3FAF] =	sst s1  }
0xa: {  	[smem:$0x3FB0] =	sst s2  }
0xb: {  	[smem:$0x3FB1] =	sst s3  }
0xc: {  	[smem:$0x3FB2] =	sst s4  }
0xd: {  	[smem:$0x3FB3] =	sst s5  }
0xe: {  	[smem:$0x3FB4] =	sst s6  }
0xf: {  	[smem:$0x3FB5] =	sst s7  }
0x10: {  	[smem:$0x3FB6] =	sst s8  }
0x11: {  	[smem:$0x3FB7] =	sst s9;
	s0 =	simm.s32 @!p0 $0x0  }
0x12: {  	s1 =	sld [smem:$0x3F9D];
	s0 =	simm.s32 @p0 $0x1  }
0x13: {  	[smem:$0x3FB8] =	sst s0;
	s0 =	simm.s32 @!p1 $0x0  }
0x14: {  	s2 =	sld [smem:$0x3F9C];
	s0 =	simm.s32 @p1 $0x1  }
0x15: {  	[smem:$0x3FB9] =	sst s0;
	s0 =	simm.s32 @!p2 $0x0  }
0x16: {  	s3 =	sld [smem:$0x3FDB];
	s0 =	simm.s32 @p2 $0x1  }
0x17: {  	s4 =	simm.s32 $0x1BF5;
	[smem:$0x3FBB] =	sst s0  }
0x18: {  	s0 =	sld [smem:$0x3F9E];
	_ =	swait.ge [sflag:s4], $0x0  }
0x19: {  	s7 =	sld [smem:$0x3F9F]  }
0x1a: {  	s8 =	sadd.s32 $0xFFFFE003, lr  }
0x1b: {  	s9 =	sadd.s32 $0xFFFFFEF7, lr;
	s5 =	simm.s32 $0xFFFFFFFF;
	p2 =	slt.u32 s8, $0xFFFFF086  }
0x1c: {  	p1 =	slt.u32 s9, $0xF7A;
	s5 =	simm.s32 @!p2 $0x0  }
0x1d: {  	s5 =	simm.s32 @p1 $0x1;
	p0 =	seq.s32 s7, s2  }
0x1e: {  	s7 =	smul.u32 @!p0 $0xF7A, s2;
	p2 =	seq.s32 @!p0 s5, $0x0  }
0x1f: {  	s9 =	smul.u32 $0xF7A, s1;
	s8 =	simm.s32 @!p0 $0x1BF5;
	p2 =	por !p2, p0  }
0x20: {  	[sflag:s8] =	ssyncset.s32 @!p0 $0xFFFFF086;
	s6 =	sadd.s32 @!p0 s3, s7;
	s7 =	simm.s32 @!p0 $0x108  }
0x21: {  	s3 =	sadd.s32 s3, s9;
	s6 =	sadd.s32 @!p0 $0x88, s6;
	s7 =	simm.s32 @p2 $0x1082  }
0x22: {  	[simem:s7], [sflag:s8] =	dma.local @!p0 [hbm:s6], $0xF7A  }
0x23: {  	s9 =	sor.u32 $0xD0000000, s2;
	s6 =	simm.s32 $0x108;
	_ =	swait.ge @!p0 [sflag:s8], $0x0  }
0x24: {  	s3 =	sadd.s32 $0x88, s3;
	s6 =	simm.s32 @!p1 $0x1082;
	[sflag:s4] =	ssyncset.s32 $0xFFFFF086  }
0x25: {  	[simem:s6], [sflag:s4] =	dma.local [hbm:s3], $0xF7A  }
0x26: {  	[smem:$0x3F9F] =	sst s1;
	(tag) =	ssettag s2;
	_ =	strace s9  }
0x27: {  	s1 =	sld [smem:$0x3FAF]  }
0x28: {  	s2 =	sld [smem:$0x3FB0]  }
0x29: {  	s4 =	sld [smem:$0x3FB2]  }
0x2a: {  	p0 =	seq.s32 s5, $0x0;
	s5 =	sld [smem:$0x3FB3]  }
0x2b: {  	s6 =	sld [smem:$0x3FB4]  }
0x2c: {  	s7 =	sld [smem:$0x3FB5]  }
0x2d: {  	s3 =	simm.s32 $0x108;
	s8 =	sld [smem:$0x3FB6]  }
0x2e: {  	s3 =	simm.s32 @!p0 $0x1082;
	s9 =	sld [smem:$0x3FB7]  }
0x2f: {  	lr =	sadd.s32 s0, s3;
	s0 =	sld [smem:$0x3FAE]  }
0x30: {  	s3 =	sld [smem:$0x3FB1]  }
0x31: {  	[smem:$0x3FBA] =	sst s10  }
0x32: {  	s10 =	sld [smem:$0x3FB8];
	_ =	sdelay $0x3  }
0x33: {  	p0 =	seq.s32 s10, $0x1;
	s10 =	sld [smem:$0x3FBA];
	_ =	sdelay $0x3  }
0x34: {  	[smem:$0x3FBA] =	sst s10  }
0x35: {  	s10 =	sld [smem:$0x3FB9];
	_ =	sdelay $0x3  }
0x36: {  	p1 =	seq.s32 s10, $0x1;
	s10 =	sld [smem:$0x3FBA];
	_ =	sdelay $0x3  }
0x37: {  	[smem:$0x3FBA] =	sst s10  }
0x38: {  	s10 =	sld [smem:$0x3FBB]  }
0x39: {  	_ = 	snop;
	(pc) =	sbr.ind lr, $3  }
0x3a: {  	_ = 	snop  }
0x3b: {  	_ = 	snop  }
0x3c: {  	p2 =	seq.s32 s10, $0x1;
	s10 =	sld [smem:$0x3FBA]  }
0x3d: {  	_ =	shalt  }
0x3e: {  	_ =	shalt  }
0x3f: {  	_ =	shalt  }
0x40: {  	_ =	shalt  }
0x41: {  	_ =	shalt  }
0x42: {  	_ =	shalt  }
0x43: {  	_ =	shalt  }
0x44: {  	_ =	shalt  }
0x45: {  	_ =	shalt  }
0x46: {  	_ =	shalt  }
0x47: {  	_ =	shalt  }
0x48: {  	_ =	shalt  }
0x49: {  	_ =	shalt  }
0x4a: {  	_ =	shalt  }
0x4b: {  	_ =	shalt  }
0x4c: {  	_ =	shalt  }
0x4d: {  	_ =	shalt  }
0x4e: {  	_ =	shalt  }
0x4f: {  	_ =	shalt  }
0x50: {  	_ =	shalt  }
0x51: {  	_ =	shalt  }
0x52: {  	_ =	shalt  }
0x53: {  	_ =	shalt  }
0x54: {  	_ =	shalt  }
0x55: {  	_ =	shalt  }
0x56: {  	_ =	shalt  }
0x57: {  	_ =	shalt  }
0x58: {  	_ =	shalt  }
0x59: {  	_ =	shalt  }
0x5a: {  	_ =	shalt  }
0x5b: {  	_ =	shalt  }
0x5c: {  	_ =	shalt  }
0x5d: {  	_ =	shalt  }
0x5e: {  	_ =	shalt  }
0x5f: {  	_ =	shalt  }
0x60: {  	_ =	shalt  }
0x61: {  	_ =	shalt  }
0x62: {  	_ =	shalt  }
0x63: {  	_ =	shalt  }
0x64: {  	_ =	shalt  }
0x65: {  	_ =	shalt  }
0x66: {  	_ =	shalt  }
0x67: {  	_ =	shalt  }
0x68: {  	_ =	shalt  }
0x69: {  	_ =	shalt  }
0x6a: {  	_ =	shalt  }
0x6b: {  	_ =	shalt  }
0x6c: {  	_ =	shalt  }
0x6d: {  	_ =	shalt  }
0x6e: {  	_ =	shalt  }
0x6f: {  	_ =	shalt  }
0x70: {  	_ =	shalt  }
0x71: {  	_ =	shalt  }
0x72: {  	_ =	shalt  }
0x73: {  	_ =	shalt  }
0x74: {  	_ =	shalt  }
0x75: {  	_ =	shalt  }
0x76: {  	_ =	shalt  }
0x77: {  	_ =	shalt  }
0x78: {  	_ =	shalt  }
0x79: {  	_ =	shalt  }
0x7a: {  	_ =	shalt  }
0x7b: {  	_ =	shalt  }
0x7c: {  	_ =	shalt  }
0x7d: {  	_ =	shalt  }
0x7e: {  	_ =	shalt  }
0x7f: {  	_ =	shalt  }
0x80: {  	_ =	shalt  }
0x81: {  	_ =	shalt  }
0x82: {  	_ =	shalt  }
0x83: {  	_ =	shalt  }
0x84: {  	_ =	shalt  }
0x85: {  	_ =	shalt  }
0x86: {  	_ =	shalt  }
0x87: {  	_ =	shalt  }
.Lfunc_end0:
.L_simem_size_0:
called_computation.1_lowered:
.L_overlay_start_0:
0x88: {  	s2 =	sld [smem:$0x3FD9]  }
0x89: {  	s3 =	sld [smem:$0x3FFE];
	_ =	sdelay $0x1  }
0x8a: {  	s1 =	srdreg.scid  }
0x8b: {  	s0 =	sand.u32 $0x1, s1  }
0x8c: {  	s17 =	sshll.u32 s0, $0xA;
	s2 =	sadd.s32 s3, s2  }
0x8d: {  	s2 =	sadd.s32 s2, s17  }
0x8e: {  	[smem:$0x3FC6] =	sst s2  }
0x8f: {  	_ = 	snop  }
0x90: {  	s2 =	sld [smem:$0x3FD0];
	(tm) =	ssettm $0x1  }
0x91: {  	s18 =	sld [smem:$0x3FFB];
	_ =	sdelay $0x3  }
0x92: {  	_ =	strace s18  }
0x93: {  	s3 =	sld [smem:$0x3FFC];
	_ =	sdelay $0x3  }
0x94: {  	_ =	strace s3  }
0x95: {  	s3 =	sld [smem:$0x3FFD];
	_ =	sdelay $0x3  }
0x96: {  	_ =	strace s3  }
0x97: {  	_ =	strace $0x8FFFFFFF  }
0x98: {  	s19 =	sld [smem:$0x3FDB];
	_ =	sdelay $0x1  }
0x99: {  	s4 =	simm.s32 $_scs_section_size  }
0x9a: {  	s5 =	simm.s32 $_size__tile_overlayer_lowered;
	s6 =	simm.s32 $_tile_overlayer_lowered  }
0x9b: {  	s22 =	simm.s32 $0x1BFF;
	s21 =	sshll.u32 s6, $0x1;
	s3 =	sadd.s32 s4, s19  }
0x9c: {  	s7 =	simm.s32 $0x0;
	s20 =	sshll.u32 s5, $0x1;
	s5 =	sadd.s32 s21, s3  }
0x9d: {  	[timem:s7], [sflag:s22] =	dma.local [hbm:s5], s20  }
0x9e: {  	_ =	swait.ge [sflag:s22], s20  }
0x9f: {  	s4 =	ssub.s32 $0x0, s20;
	[sflag:s22] =	ssyncset.done $0x0  }
0xa0: {  	[sflag:s22] =	ssyncadd.s32 s4;
	_ =	sdelay $0x1  }
0xa1: {  	s23 =	simm.s32 $0x1B8B  }
0xa2: {  	_ =	swait.ge [sflag:s23], $0x1  }
0xa3: {  	[sflag:s23] =	ssyncset.done $0x0  }
0xa4: {  	s25 =	simm.s32 $0x1B8E;
	s24 =	sld [smem:$0x3FFE];
	[sflag:s23] =	ssyncadd.s32 $0xFFFFFFFF  }
0xa5: {  	s26 =	simm.s32 $execute0_lowered;
	[smem:$0x3FD2] =	sst s25  }
0xa6: {  	s5 =	sshll.u32 s26, $0x1;
	_ =	strace $0x80000046;
	[dreg:$0x1] =	wrdreg $0xFFFFFFFF  }
0xa7: {  	s28 =	simm.s32 $_size_execute0_lowered;
	s3 =	sadd.s32 s3, s5;
	[dreg:$0x0] =	wrdreg $0x0  }
0xa8: {  	s5 =	sshll.u32 s28, $0x1;
	[dreg:$0x2] =	wrdreg s3  }
0xa9: {  	[dreg:$0x3] =	wrdreg s5  }
0xaa: {  	[dreg:$0x4] =	wrdreg $0xC0  }
0xab: {  	_ =	task [dreg:s7], $0x5FFFF  }
0xac: {  	[dreg:$0x1] =	wrdreg $0xFFFFFFFF  }
0xad: {  	[dreg:$0x0] =	wrdreg $0x60  }
0xae: {  	[dreg:$0x2] =	wrdreg s24  }
0xaf: {  	[dreg:$0x3] =	wrdreg s2  }
0xb0: {  	[dreg:$0x4] =	wrdreg $0x9  }
0xb1: {  	_ =	task.clear_ibuf [dreg:s7], $0x5FFFF;
	_ =	strace $0x90000046  }
0xb2: {  	s29 =	simm.s32 $0x9;
	_ =	strace $0x80000048  }
0xb3: {  	_ =	swait.ge [sflag:s29], $0x1  }
0xb4: {  	[sflag:s29] =	ssyncadd.s32 $0xFFFFFFFF  }
0xb5: {  	_ =	strace $0x90000048  }
0xb6: {  	_ =	sfence  }
0xb7: {  	s30 =	sld [smem:$0x0];
	_ =	sdelay $0x2  }
0xb8: {  	s31 =	sshll.u32 s1, $0xD;
	s1 =	sshrl.u32 s1, $0x2  }
0xb9: {  	s3 =	sand.u32 $0x4000, s31;
	s1 =	sadd.s32 s1, s30  }
0xba: {  	s0 =	sor.u32 s3, s0;
	s1 =	sshll.u32 s1, $0x11  }
0xbb: {  	s0 =	sor.u32 s1, s0  }
0xbc: {  	s0 =	sadd.s32 $0x8F2B, s0  }
0xbd: {  	[sflag:s0] =	ssyncadd.remote.s32 $0x1  }
0xbe: {  	_ =	sfence.sel $0xFFFF  }
0xbf: {  	[dreg:$0x0] =	wrdreg $0xFFFFFFFF;
	(pc) =	sbr.abs _section_cstart, $3  }
0xc0: {  	[dreg:$0x1] =	wrdreg $0xFFFFFFFF  }
0xc1: {  	_ =	task.clear_ibuf [dreg:s7], $0x2FFFF;
	_ =	strace $0x9FFFFFFF  }
0xc2: {  	(tm) =	ssettm $0x7FFFFFFF  }
0xc3: {  	_ =	shalt  }
tec
execute0_lowered:
.L_overlay_start_1:
0x0: {  	(tag) =	ssettag $0x1  }
0x1: {  	vm14 =	vcmask $0x300;
	v0 =	vimm.s32 $0x7A120  }
0x2: {  	vm13 =	vcmask $0x704;
	vm12 =	vcmask $0xB08;
	vm11 =	vcmask $0xF0C  }
0x3: {  	vm10 =	vcmask $0x1310;
	vm9 =	vcmask $0x1714;
	vm8 =	vcmask $0x1B18  }
0x4: {  	vm7 =	vcmask $0x1F1C;
	vm6 =	vcmask $0x2320;
	vm5 =	vcmask $0x2724  }
0x5: {  	v1 =	vlaneseq.u32;
	vm3 =	vcmask $0x2B28;
	vm1 =	vcmask $0x2F2C  }
0x6: {  	v2 =	vimm.s32 $0x10C8E0;
	vm0 =	vcmask $0x3330;
	v48 =	vimm.s32 $0x186A0  }
0x7: {  	vm2 =	vcmask $0x3734;
	vm4 =	vcmask $0x3B38;
	v52 =	vimm.s32 $0x13D620  }
0x8: {  	v3 =	vimm.s32 $0xAAE60;
	v4 =	vimm.s32 $0x493E0;
	v5 =	vimm.s32 $0xDBBA0  }
0x9: {  	v0 =	vsel vm14, $0x186A00, v0;
	v6 =	vmul.u32 $0x186A0, v1;
	v47 =	vsel vm14, $0x2191C0, v2  }
0xa: {  	v2 =	vsel vm14, $0x124F80, v48;
	v3 =	vsel vm14, $0x1B7740, v3;
	v4 =	vsel vm14, $0x155CC0, v4  }
0xb: {  	v5 =	vsel vm14, $0x1E8480, v5;
	v0 =	vsel vm13, $0x19F0A0, v0;
	v1 =	vsel vm13, $0x231860, v47  }
0xc: {  	v2 =	vsel vm13, $0x13D620, v2;
	v3 =	vsel vm13, $0x1CFDE0, v3;
	v4 =	vsel vm13, $0x16E360, v4  }
0xd: {  	v5 =	vsel vm13, $0x200B20, v5;
	v0 =	vsel vm12, $0x1B7740, v0;
	v1 =	vsel vm12, $0x249F00, v1  }
0xe: {  	v2 =	vsel vm12, $0x155CC0, v2;
	v51 =	vadd.s32 $0x927C0, v6;
	v3 =	vsel vm12, $0x1E8480, v3  }
0xf: {  	v4 =	vsel vm12, $0x186A00, v4;
	v5 =	vsel vm12, $0x2191C0, v5;
	v58 =	vadd.s32 $0x30D40, v6  }
0x10: {  	v60 =	vadd.s32 $0xC3500, v6;
	v62 =	vadd.s32 $0x61A80, v6;
	v63 =	vadd.s32 $0xF4240, v6  }
0x11: {  	v0 =	vsel vm11, $0x1CFDE0, v0;
	v1 =	vsel vm11, $0x2625A0, v1;
	v2 =	vsel vm11, $0x16E360, v2  }
0x12: {  	v3 =	vsel vm11, $0x200B20, v3;
	v4 =	vsel vm11, $0x19F0A0, v4;
	v5 =	vsel vm11, $0x231860, v5  }
0x13: {  	v0 =	vsel vm10, $0x1E8480, v0;
	v1 =	vsel vm10, $0x0, v1;
	v50 =	vsel vm10, $0x186A00, v2  }
0x14: {  	v2 =	vsel vm14, $0x249F00, v52;
	v3 =	vsel vm10, $0x2191C0, v3;
	v4 =	vsel vm10, $0x1B7740, v4  }
0x15: {  	v5 =	vsel vm10, $0x249F00, v5;
	v0 =	vsel vm9, $0x200B20, v0;
	v1 =	vsel vm9, $0x186A0, v1  }
0x16: {  	v2 =	vsel vm13, $0x2625A0, v2;
	v3 =	vsel vm9, $0x231860, v3;
	v4 =	vsel vm9, $0x1CFDE0, v4  }
0x17: {  	v5 =	vsel vm9, $0x2625A0, v5;
	v0 =	vsel vm8, $0x2191C0, v0;
	v49 =	vsel vm8, $0x30D40, v1  }
0x18: {  	v1 =	vsel vm9, $0x19F0A0, v50;
	v2 =	vsel vm12, $0x0, v2;
	v3 =	vsel vm8, $0x249F00, v3  }
0x19: {  	s23 =	simm.s32 $0x700;
	v4 =	vsel vm8, $0x1E8480, v4;
	v54 =	vsel vm8, $0x0, v5;
	v0 =	vsel vm7, $0x231860, v0  }
0x1a: {  	s24 =	simm.s32 $0x1D00;
	v1 =	vsel vm8, $0x1B7740, v1;
	v2 =	vsel vm11, $0x186A0, v2;
	v0 =	vsel vm6, $0x249F00, v0  }
0x1b: {  	s25 =	simm.s32 $0x780;
	s26 =	simm.s32 $0x2D00;
	v3 =	vsel vm7, $0x2625A0, v3;
	v4 =	vsel vm7, $0x200B20, v4;
	v0 =	vsel vm5, $0x2625A0, v0  }
0x1c: {  	s31 =	simm.s32 $0x800;
	s9 =	simm.s32 $0xD00;
	v1 =	vsel vm7, $0x1CFDE0, v1;
	v2 =	vsel vm10, $0x30D40, v2;
	v0 =	vsel vm3, $0x0, v0  }
0x1d: {  	s11 =	simm.s32 $0x880;
	s12 =	simm.s32 $0x4D00;
	v4 =	vsel vm6, $0x2191C0, v4;
	v3 =	vsel vm6, $0x0, v3;
	v0 =	vsel vm1, $0x186A0, v0  }
0x1e: {  	s2 =	rddreg [dreg:$0x0];
	s13 =	simm.s32 $0x900;
	s14 =	simm.s32 $0x5D00;
	v1 =	vsel vm6, $0x1E8480, v1;
	v2 =	vsel vm9, $0x493E0, v2;
	v0 =	vsel vm0, $0x30D40, v0  }
0x1f: {  	s0 =	rddreg [dreg:$0x1];
	s3 =	srdreg.scid;
	v4 =	vsel vm5, $0x231860, v4;
	v1 =	vsel vm5, $0x200B20, v1;
	v0 =	vsel vm2, $0x493E0, v0  }
0x20: {  	s7 =	stileid.u32;
	s15 =	simm.s32 $0x980;
	s16 =	simm.s32 $0x6D00;
	v3 =	vsel vm5, $0x186A0, v3;
	v1 =	vsel vm3, $0x2191C0, v1;
	v0 =	vsel vm4, $0x61A80, v0  }
0x21: {  	s1 =	simm.s32 $0x0;
	s4 =	sand.u32 $0x1, s3;
	s5 =	smul.u32 $0x51400, s7;
	v2 =	vsel vm8, $0x61A80, v2;
	v1 =	vsel vm1, $0x231860, v1;
	[tilespmem:$0x1FF30] =	vst v0;
	v0 =	vsel vm7, $0x493E0, v49  }
0x22: {  	[smem:$0x7FF] =	sst s1;
	s6 =	smul.u32 $0x28A00, s4;
	v2 =	vsel vm7, $0x7A120, v2;
	v1 =	vsel vm0, $0x249F00, v1;
	v0 =	vsel vm6, $0x61A80, v0  }
0x23: {  	s8 =	simm.s32 $0x80;
	s3 =	sadd.s32 $0x27ACE00, s2;
	s20 =	ssub.s32 $0x2, s4;
	v2 =	vsel vm6, $0x927C0, v2;
	v1 =	vsel vm2, $0x2625A0, v1;
	v0 =	vsel vm5, $0x7A120, v0  }
0x24: {  	s22 =	sshrl.u32 s20, $0x1;
	s5 =	sadd.s32 s6, s5;
	v2 =	vsel vm5, $0xAAE60, v2;
	v1 =	vsel vm4, $0x0, v1;
	_ =	strace $0x80000047;
	[tilespmem:$0x1FF40] =	vst v51;
	v0 =	vsel vm3, $0x927C0, v0  }
0x25: {  	s21 =	smul.u32 $0xA2800, s4;
	s4 =	ssub.s32 s20, s22;
	s5 =	sshrl.u32 s5, $0x3;
	v53 =	vsel vm3, $0x249F00, v4;
	v2 =	vsel vm3, $0xC3500, v2;
	[tilespmem:$0x1FF70] =	vst v1;
	v0 =	vsel vm1, $0xAAE60, v0  }
0x26: {  	s19 =	smul.u32 $0x145000, s7;
	s4 =	smax.u32 s4, $0x1;
	s2 =	sadd.s32 s5, s2;
	v4 =	vsel vm7, $0x186A0, v54;
	v2 =	vsel vm1, $0xDBBA0, v2;
	[tilespmem:$0x1FF80] =	vst v58;
	v0 =	vsel vm0, $0xC3500, v0  }
0x27: {  	s17 =	simm.s32 $0xA00;
	s2 =	sadd.s32 $0xA00, s2;
	v55 =	vsel vm3, $0x30D40, v3;
	v2 =	vsel vm0, $0xF4240, v2;
	[dreg:$0x9] =	wrdreg s4;
	[tilespmem:$0x1FFA0] =	vst v60;
	v0 =	vsel vm2, $0xDBBA0, v0  }
0x28: {  	s18 =	simm.s32 $0x7D00;
	s0 =	sadd.s32 s19, s0;
	v56 =	vsel vm6, $0x30D40, v4;
	[dreg:$0x3] =	wrdreg s2;
	[tilespmem:$0x1FFC0] =	vst v62;
	v2 =	vsel vm2, $0x10C8E0, v2;
	v0 =	vsel vm4, $0xF4240, v0  }
0x29: {  	s28 =	simm.s32 $0xC80;
	s0 =	sadd.s32 s21, s0;
	v57 =	vsel vm5, $0x493E0, v56;
	[dreg:$0x4] =	wrdreg s23;
	v2 =	vsel vm4, $0x124F80, v2;
	[tilespmem:$0x1FF60] =	vst v0;
	v0 =	vsel vm1, $0x493E0, v55  }
0x2a: {  	s29 =	simm.s32 $0xCD00;
	s30 =	simm.s32 $0x1;
	[dreg:$0xa] =	wrdreg s0;
	v1 =	vsel vm3, $0x61A80, v57;
	[tilespmem:$0x1FF50] =	vst v2;
	v2 =	vsel vm1, $0x2625A0, v53;
	v0 =	vsel vm0, $0x61A80, v0  }
0x2b: {  	s7 =	simm.s32 $0x2;
	s19 =	simm.s32 $0xA80;
	[dreg:$0x5] =	wrdreg s24;
	[tilespmem:$0x1FFE0] =	vst v6;
	v1 =	vsel vm1, $0x7A120, v1;
	v2 =	vsel vm0, $0x0, v2;
	v0 =	vsel vm2, $0x7A120, v0  }
0x2c: {  	s6 =	simm.s32 $0x680;
	s20 =	simm.s32 $0x8D00;
	[dreg:$0x6] =	wrdreg s25;
	[tilespmem:$0x1FFF0] =	vst v63;
	v1 =	vsel vm0, $0x927C0, v1;
	v59 =	vsel vm2, $0x186A0, v2;
	v0 =	vsel vm4, $0x927C0, v0  }
0x2d: {  	s21 =	simm.s32 $0xB00;
	s22 =	simm.s32 $0x9D00;
	[dreg:$0x7] =	wrdreg s26;
	v61 =	vsel vm2, $0xAAE60, v1;
	[tilespmem:$0x1FF90] =	vst v0;
	v0 =	vsel vm4, $0x30D40, v59  }
0x2e: {  	[dreg:$0x8] =	wrdreg s31;
	s23 =	simm.s32 $0xB80;
	s24 =	simm.s32 $0xAD00;
	[tilespmem:$0x1FFB0] =	vst v0;
	v0 =	vsel vm4, $0xC3500, v61  }
0x2f: {  	s25 =	simm.s32 $0xC00;
	s26 =	simm.s32 $0xBD00;
	s2 =	simm.s32 $0x0;
	[tilespmem:$0x1FFD0] =	vst v0  }
.LBB2_1:
0x30: {  	v0 =	vld [tilespmem:$0x1FFE0]  }
0x31: {  	v1 =	vld [tilespmem:$0x1FF30]  }
0x32: {  	v2 =	vld [tilespmem:$0x1FF40]  }
0x33: {  	v4 =	vld [tilespmem:$0x1FF60]  }
0x34: {  	v5 =	vld [tilespmem:$0x1FF70]  }
0x35: {  	v6 =	vld [tilespmem:$0x1FF80];
	[tilespmem:$0x0] =	vst v0  }
0x36: {  	v7 =	vld [tilespmem:$0x1FF90];
	[tilespmem:$0x10] =	vst v1  }
0x37: {  	v8 =	vld [tilespmem:$0x1FFA0];
	[tilespmem:$0x20] =	vst v2  }
0x38: {  	v3 =	vld [tilespmem:$0x1FF50];
	[tilespmem:$0x30] =	vst v4  }
0x39: {  	v9 =	vld [tilespmem:$0x1FFB0];
	[tilespmem:$0x40] =	vst v5  }
0x3a: {  	v10 =	vld [tilespmem:$0x1FFC0];
	[tilespmem:$0x50] =	vst v6  }
0x3b: {  	v11 =	vld [tilespmem:$0x1FFD0];
	[tilespmem:$0x60] =	vst v7  }
0x3c: {  	v12 =	vld [tilespmem:$0x1FFF0];
	[tilespmem:$0x70] =	vst v8  }
0x3d: {  	[tilespmem:$0x80] =	vst v3  }
0x3e: {  	[tilespmem:$0x90] =	vst v9  }
0x3f: {  	[tilespmem:$0xA0] =	vst v10  }
0x40: {  	[tilespmem:$0xB0] =	vst v11  }
0x41: {  	[tilespmem:$0xC0] =	vst v12  }
0x42: {  	[tilespmem:$0xD0] =	vst v0  }
0x43: {  	[tilespmem:$0xE0] =	vst v1  }
0x44: {  	[tilespmem:$0xF0] =	vst v2  }
0x45: {  	[tilespmem:$0x100] =	vst v4  }
0x46: {  	[tilespmem:$0x110] =	vst v5  }
0x47: {  	[tilespmem:$0x120] =	vst v6  }
0x48: {  	[tilespmem:$0x130] =	vst v7  }
0x49: {  	[tilespmem:$0x140] =	vst v8  }
0x4a: {  	[tilespmem:$0x150] =	vst v3  }
0x4b: {  	[tilespmem:$0x160] =	vst v9  }
0x4c: {  	[tilespmem:$0x170] =	vst v10  }
0x4d: {  	[tilespmem:$0x180] =	vst v11  }
0x4e: {  	[tilespmem:$0x190] =	vst v12  }
0x4f: {  	[tilespmem:$0x1A0] =	vst v0  }
0x50: {  	[tilespmem:$0x1B0] =	vst v1  }
0x51: {  	[tilespmem:$0x1C0] =	vst v2  }
0x52: {  	[tilespmem:$0x1D0] =	vst v4  }
0x53: {  	[tilespmem:$0x1E0] =	vst v5  }
0x54: {  	[tilespmem:$0x1F0] =	vst v6  }
0x55: {  	[tilespmem:$0x200] =	vst v7  }
0x56: {  	[tilespmem:$0x210] =	vst v8  }
0x57: {  	[tilespmem:$0x220] =	vst v3  }
0x58: {  	[tilespmem:$0x230] =	vst v9  }
0x59: {  	[tilespmem:$0x240] =	vst v10  }
0x5a: {  	[tilespmem:$0x250] =	vst v11  }
0x5b: {  	[tilespmem:$0x260] =	vst v12  }
0x5c: {  	[tilespmem:$0x270] =	vst v0  }
0x5d: {  	[tilespmem:$0x280] =	vst v1  }
0x5e: {  	[tilespmem:$0x290] =	vst v2  }
0x5f: {  	[tilespmem:$0x2A0] =	vst v4  }
0x60: {  	[tilespmem:$0x2B0] =	vst v5  }
0x61: {  	[tilespmem:$0x2C0] =	vst v6  }
0x62: {  	[tilespmem:$0x2D0] =	vst v7  }
0x63: {  	[tilespmem:$0x2E0] =	vst v8  }
0x64: {  	[tilespmem:$0x2F0] =	vst v3  }
0x65: {  	[tilespmem:$0x300] =	vst v9  }
0x66: {  	[tilespmem:$0x310] =	vst v10  }
0x67: {  	[tilespmem:$0x320] =	vst v11  }
0x68: {  	[tilespmem:$0x330] =	vst v12  }
0x69: {  	[tilespmem:$0x340] =	vst v0  }
0x6a: {  	[tilespmem:$0x350] =	vst v1  }
0x6b: {  	[tilespmem:$0x360] =	vst v2  }
0x6c: {  	[tilespmem:$0x370] =	vst v4  }
0x6d: {  	[tilespmem:$0x380] =	vst v5  }
0x6e: {  	[tilespmem:$0x390] =	vst v6  }
0x6f: {  	[tilespmem:$0x3A0] =	vst v7  }
0x70: {  	[tilespmem:$0x3B0] =	vst v8  }
0x71: {  	[tilespmem:$0x3C0] =	vst v3  }
0x72: {  	[tilespmem:$0x3D0] =	vst v9  }
0x73: {  	[tilespmem:$0x3E0] =	vst v10  }
0x74: {  	[tilespmem:$0x3F0] =	vst v11  }
0x75: {  	[tilespmem:$0x400] =	vst v12  }
0x76: {  	[tilespmem:$0x410] =	vst v0  }
0x77: {  	[tilespmem:$0x420] =	vst v1  }
0x78: {  	[tilespmem:$0x430] =	vst v2  }
0x79: {  	[tilespmem:$0x440] =	vst v4  }
0x7a: {  	[tilespmem:$0x450] =	vst v5  }
0x7b: {  	[tilespmem:$0x460] =	vst v6  }
0x7c: {  	[tilespmem:$0x470] =	vst v7  }
0x7d: {  	[tilespmem:$0x480] =	vst v8  }
0x7e: {  	[tilespmem:$0x490] =	vst v3  }
0x7f: {  	[tilespmem:$0x4A0] =	vst v9  }
0x80: {  	[tilespmem:$0x4B0] =	vst v10  }
0x81: {  	[tilespmem:$0x4C0] =	vst v11  }
0x82: {  	[tilespmem:$0x4D0] =	vst v12  }
0x83: {  	[tilespmem:$0x4E0] =	vst v0  }
0x84: {  	[tilespmem:$0x4F0] =	vst v1  }
0x85: {  	[tilespmem:$0x500] =	vst v2  }
0x86: {  	[tilespmem:$0x510] =	vst v4  }
0x87: {  	[tilespmem:$0x520] =	vst v5  }
0x88: {  	[tilespmem:$0x530] =	vst v6  }
0x89: {  	[tilespmem:$0x540] =	vst v7  }
0x8a: {  	[tilespmem:$0x550] =	vst v8  }
0x8b: {  	[tilespmem:$0x560] =	vst v3  }
0x8c: {  	[tilespmem:$0x570] =	vst v9  }
0x8d: {  	[tilespmem:$0x580] =	vst v10  }
0x8e: {  	[tilespmem:$0x590] =	vst v11  }
0x8f: {  	[tilespmem:$0x5A0] =	vst v12  }
0x90: {  	[tilespmem:$0x5B0] =	vst v0  }
0x91: {  	[tilespmem:$0x5C0] =	vst v1  }
0x92: {  	[tilespmem:$0x5D0] =	vst v2  }
0x93: {  	[tilespmem:$0x5E0] =	vst v4  }
0x94: {  	[tilespmem:$0x5F0] =	vst v5  }
0x95: {  	[tilespmem:$0x600] =	vst v6  }
0x96: {  	[tilespmem:$0x610] =	vst v7  }
0x97: {  	[tilespmem:$0x620] =	vst v8  }
0x98: {  	[tilespmem:$0x630] =	vst v3  }
0x99: {  	[tilespmem:$0x640] =	vst v9  }
0x9a: {  	[tilespmem:$0x650] =	vst v10  }
0x9b: {  	[dreg:$0xb] =	wrdreg s2;
	[tilespmem:$0x660] =	vst v11  }
0x9c: {  	s5 =	rddreg [dreg:$0xa];
	s2 =	simm.s32 $0x0;
	[tilespmem:$0x670] =	vst v12  }
.LBB2_2:
0x9d: {  	s4 =	rddreg [dreg:$0x3]  }
0x9e: {  	s4 =	sadd.s32 s2, s4  }
0x9f: {  	[tilespmem:s6], [sflag:$0x2] =	stream.linear.gather [hbm4b:s4+s1], $0x680, $0x38;
	[tilespmem:$0xDD00] =	vst v63  }
0xa0: {  	_ =	swait.ge [sflag:s7], $0x680  }
0xa1: {  	[sflag:s7] =	ssyncset.done $0x0  }
0xa2: {  	[sflag:s7] =	ssyncadd.s32 $0xFFFFF980  }
0xa3: {  	v10 =	vld [tilespmem:$0x680]  }
0xa4: {  	v63 =	vld [tilespmem:$0x880]  }
0xa5: {  	v11 =	vld [tilespmem:$0x0]  }
0xa6: {  	v18 =	vld [tilespmem:$0x690]  }
0xa7: {  	v19 =	vld [tilespmem:$0x10]  }
0xa8: {  	v27 =	vld [tilespmem:$0x6A0]  }
0xa9: {  	[tilespmem:$0x1FC10] =	vst v63;
	v63 =	vld [tilespmem:$0x200]  }
0xaa: {  	v28 =	vld [tilespmem:$0x20]  }
0xab: {  	v35 =	vld [tilespmem:$0x6B0]  }
0xac: {  	v36 =	vld [tilespmem:$0x30]  }
0xad: {  	v41 =	vld [tilespmem:$0x6C0]  }
0xae: {  	[tilespmem:$0x1FC20] =	vst v63;
	v63 =	vld [tilespmem:$0x890]  }
0xaf: {  	v42 =	vld [tilespmem:$0x40]  }
0xb0: {  	v49 =	vld [tilespmem:$0x6D0]  }
0xb1: {  	v50 =	vld [tilespmem:$0x50]  }
0xb2: {  	v57 =	vld [tilespmem:$0x6E0]  }
0xb3: {  	[tilespmem:$0x1FC30] =	vst v63;
	v63 =	vld [tilespmem:$0x210]  }
0xb4: {  	v58 =	vld [tilespmem:$0x60]  }
0xb5: {  	v1 =	vld [tilespmem:$0x6F0]  }
0xb6: {  	v0 =	vld [tilespmem:$0x70]  }
0xb7: {  	v3 =	vld [tilespmem:$0x700]  }
0xb8: {  	[tilespmem:$0x1FC40] =	vst v63;
	v63 =	vld [tilespmem:$0x8A0]  }
0xb9: {  	v2 =	vld [tilespmem:$0x80]  }
0xba: {  	v5 =	vld [tilespmem:$0x710]  }
0xbb: {  	v4 =	vld [tilespmem:$0x90]  }
0xbc: {  	v7 =	vld [tilespmem:$0x720]  }
0xbd: {  	[tilespmem:$0x1FC50] =	vst v63;
	v63 =	vld [tilespmem:$0x220]  }
0xbe: {  	v6 =	vld [tilespmem:$0xA0]  }
0xbf: {  	v9 =	vld [tilespmem:$0x730]  }
0xc0: {  	v8 =	vld [tilespmem:$0xB0]  }
0xc1: {  	v13 =	vld [tilespmem:$0x740]  }
0xc2: {  	[tilespmem:$0x1FC60] =	vst v63;
	v63 =	vld [tilespmem:$0x8B0]  }
0xc3: {  	v12 =	vld [tilespmem:$0xC0]  }
0xc4: {  	v15 =	vld [tilespmem:$0x750]  }
0xc5: {  	v14 =	vld [tilespmem:$0xD0]  }
0xc6: {  	v17 =	vld [tilespmem:$0x760]  }
0xc7: {  	[tilespmem:$0x1FC70] =	vst v63;
	v63 =	vld [tilespmem:$0x230]  }
0xc8: {  	v16 =	vld [tilespmem:$0xE0]  }
0xc9: {  	v21 =	vld [tilespmem:$0x770]  }
0xca: {  	v20 =	vld [tilespmem:$0xF0]  }
0xcb: {  	v23 =	vld [tilespmem:$0x780]  }
0xcc: {  	[tilespmem:$0x1FC80] =	vst v63;
	v63 =	vld [tilespmem:$0x8C0]  }
0xcd: {  	v22 =	vld [tilespmem:$0x100]  }
0xce: {  	v25 =	vld [tilespmem:$0x790]  }
0xcf: {  	v24 =	vld [tilespmem:$0x110]  }
0xd0: {  	v29 =	vld [tilespmem:$0x7A0]  }
0xd1: {  	[tilespmem:$0x1FC90] =	vst v63;
	v63 =	vld [tilespmem:$0x240]  }
0xd2: {  	v26 =	vld [tilespmem:$0x120]  }
0xd3: {  	v31 =	vld [tilespmem:$0x7B0]  }
0xd4: {  	v30 =	vld [tilespmem:$0x130]  }
0xd5: {  	v34 =	vld [tilespmem:$0x7C0]  }
0xd6: {  	[tilespmem:$0x1FCA0] =	vst v63;
	v63 =	vld [tilespmem:$0x8D0]  }
0xd7: {  	v32 =	vld [tilespmem:$0x140]  }
0xd8: {  	v37 =	vld [tilespmem:$0x7D0]  }
0xd9: {  	v33 =	vld [tilespmem:$0x150]  }
0xda: {  	v40 =	vld [tilespmem:$0x7E0]  }
0xdb: {  	[tilespmem:$0x1FCB0] =	vst v63;
	v63 =	vld [tilespmem:$0x250]  }
0xdc: {  	v38 =	vld [tilespmem:$0x160]  }
0xdd: {  	v44 =	vld [tilespmem:$0x7F0]  }
0xde: {  	v39 =	vld [tilespmem:$0x170]  }
0xdf: {  	v46 =	vld [tilespmem:$0x800]  }
0xe0: {  	[tilespmem:$0x1FCC0] =	vst v63;
	v63 =	vld [tilespmem:$0x8E0]  }
0xe1: {  	v43 =	vld [tilespmem:$0x180]  }
0xe2: {  	v48 =	vld [tilespmem:$0x810]  }
0xe3: {  	v45 =	vld [tilespmem:$0x190]  }
0xe4: {  	v52 =	vld [tilespmem:$0x820]  }
0xe5: {  	[tilespmem:$0x1FCD0] =	vst v63;
	v63 =	vld [tilespmem:$0x260]  }
0xe6: {  	v47 =	vld [tilespmem:$0x1A0]  }
0xe7: {  	v54 =	vld [tilespmem:$0x830]  }
0xe8: {  	v51 =	vld [tilespmem:$0x1B0]  }
0xe9: {  	v56 =	vld [tilespmem:$0x840]  }
0xea: {  	[tilespmem:$0x1FCE0] =	vst v63;
	v63 =	vld [tilespmem:$0x8F0]  }
0xeb: {  	v53 =	vld [tilespmem:$0x1C0]  }
0xec: {  	v60 =	vld [tilespmem:$0x850]  }
0xed: {  	v62 =	vld [tilespmem:$0x870]  }
0xee: {  	v55 =	vld [tilespmem:$0x1D0]  }
0xef: {  	[tilespmem:$0x1FCF0] =	vst v63;
	v63 =	vld [tilespmem:$0x270]  }
0xf0: {  	v61 =	vld [tilespmem:$0x860]  }
0xf1: {  	v59 =	vld [tilespmem:$0x1E0]  }
0xf2: {  	[tilespmem:$0x1FC00] =	vst v62;
	v62 =	vld [tilespmem:$0x1F0]  }
0xf3: {  	v18 =	vadd.s32 v18, v19;
	v19 =	vld [tilespmem:$0x9F0]  }
0xf4: {  	[tilespmem:$0x1FD00] =	vst v63;
	v63 =	vld [tilespmem:$0x900]  }
0xf5: {  	v27 =	vadd.s32 v27, v28;
	v28 =	vld [tilespmem:$0x370]  }
0xf6: {  	v35 =	vadd.s32 v35, v36;
	v36 =	vld [tilespmem:$0xA00]  }
0xf7: {  	v41 =	vadd.s32 v41, v42;
	v42 =	vld [tilespmem:$0x380]  }
0xf8: {  	v49 =	vadd.s32 v49, v50;
	v50 =	vld [tilespmem:$0xA10]  }
0xf9: {  	[tilespmem:$0x1FD10] =	vst v63;
	v63 =	vld [tilespmem:$0x280]  }
0xfa: {  	v57 =	vadd.s32 v57, v58;
	v58 =	vadd.s32 v3, v2;
	v2 =	vld [tilespmem:$0x400]  }
0xfb: {  	v3 =	vld [tilespmem:$0xA90]  }
0xfc: {  	v0 =	vadd.s32 v1, v0;
	v1 =	vld [tilespmem:$0x410]  }
0xfd: {  	v5 =	vadd.s32 v5, v4;
	v4 =	vld [tilespmem:$0xAA0]  }
0xfe: {  	[tilespmem:$0x1FD20] =	vst v63;
	v63 =	vld [tilespmem:$0x910]  }
0xff: {  	[tilespmem:$0x6C0] =	vst v41;
	v41 =	vld [tilespmem:$0x390]  }
0x100: {  	[tilespmem:$0x6D0] =	vst v49;
	v49 =	vld [tilespmem:$0x3A0]  }
0x101: {  	[tilespmem:$0x6E0] =	vst v57;
	v57 =	vld [tilespmem:$0x3B0]  }
0x102: {  	[tilespmem:$0x700] =	vst v58;
	v58 =	vld [tilespmem:$0xA40]  }
0x103: {  	[tilespmem:$0x1FD30] =	vst v63;
	v63 =	vld [tilespmem:$0x290]  }
0x104: {  	[tilespmem:$0x6B0] =	vst v35;
	v35 =	vld [tilespmem:$0x3C0]  }
0x105: {  	[tilespmem:$0x6A0] =	vst v27;
	v27 =	vld [tilespmem:$0x3D0]  }
0x106: {  	v10 =	vadd.s32 v10, v11;
	v11 =	vadd.s32 v21, v20;
	[tilespmem:$0x690] =	vst v18;
	v18 =	vld [tilespmem:$0x3E0]  }
0x107: {  	[tilespmem:$0x770] =	vst v11;
	v11 =	vld [tilespmem:$0xA80]  }
0x108: {  	[tilespmem:$0x1FD40] =	vst v63;
	v63 =	vld [tilespmem:$0x920]  }
0x109: {  	v6 =	vadd.s32 v7, v6;
	[tilespmem:$0x710] =	vst v5;
	v5 =	vld [tilespmem:$0x420]  }
0x10a: {  	v7 =	vadd.s32 v9, v8;
	[tilespmem:$0x720] =	vst v6;
	v6 =	vld [tilespmem:$0xAB0]  }
0x10b: {  	v8 =	vadd.s32 v13, v12;
	[tilespmem:$0x730] =	vst v7;
	v7 =	vld [tilespmem:$0x430]  }
0x10c: {  	[tilespmem:$0x740] =	vst v8;
	v8 =	vld [tilespmem:$0xAC0]  }
0x10d: {  	v9 =	vadd.s32 v15, v14;
	[tilespmem:$0x1FD50] =	vst v63;
	v63 =	vld [tilespmem:$0x2A0]  }
0x10e: {  	v12 =	vadd.s32 v23, v22;
	[tilespmem:$0x750] =	vst v9;
	v9 =	vld [tilespmem:$0x440]  }
0x10f: {  	v13 =	vadd.s32 v25, v24;
	[tilespmem:$0x780] =	vst v12;
	v12 =	vld [tilespmem:$0xAD0]  }
0x110: {  	[tilespmem:$0x790] =	vst v13;
	v13 =	vld [tilespmem:$0x450]  }
0x111: {  	v15 =	vadd.s32 v31, v30;
	v31 =	vld [tilespmem:$0x1FC00]  }
0x112: {  	v14 =	vadd.s32 v29, v26;
	[tilespmem:$0x1FD60] =	vst v63;
	v63 =	vld [tilespmem:$0x930]  }
0x113: {  	[tilespmem:$0x7A0] =	vst v14;
	v14 =	vld [tilespmem:$0xAE0]  }
0x114: {  	[tilespmem:$0x680] =	vst v10;
	v10 =	vadd.s32 v17, v16;
	v16 =	vadd.s32 v34, v32;
	v32 =	vld [tilespmem:$0x1FC10]  }
0x115: {  	v20 =	vadd.s32 v40, v38;
	[tilespmem:$0x7B0] =	vst v15;
	v15 =	vld [tilespmem:$0x460]  }
0x116: {  	[tilespmem:$0x7E0] =	vst v20;
	v20 =	vld [tilespmem:$0xB00]  }
0x117: {  	v21 =	vadd.s32 v44, v39;
	[tilespmem:$0x1FD70] =	vst v63;
	v63 =	vld [tilespmem:$0x2B0]  }
0x118: {  	v22 =	vadd.s32 v46, v43;
	[tilespmem:$0x7F0] =	vst v21;
	v21 =	vld [tilespmem:$0x480]  }
0x119: {  	v23 =	vadd.s32 v48, v45;
	[tilespmem:$0x800] =	vst v22;
	v22 =	vld [tilespmem:$0xB10]  }
0x11a: {  	v24 =	vadd.s32 v52, v47;
	[tilespmem:$0x810] =	vst v23;
	v23 =	vld [tilespmem:$0x490]  }
0x11b: {  	[tilespmem:$0x820] =	vst v24;
	v24 =	vld [tilespmem:$0xB20]  }
0x11c: {  	v25 =	vadd.s32 v54, v51;
	[tilespmem:$0x1FD80] =	vst v63;
	v63 =	vld [tilespmem:$0x940]  }
0x11d: {  	v26 =	vadd.s32 v56, v53;
	[tilespmem:$0x830] =	vst v25;
	v25 =	vld [tilespmem:$0x4A0]  }
0x11e: {  	v29 =	vadd.s32 v60, v55;
	[tilespmem:$0x840] =	vst v26;
	v26 =	vld [tilespmem:$0xB30]  }
0x11f: {  	v30 =	vadd.s32 v61, v59;
	[tilespmem:$0x850] =	vst v29;
	v29 =	vld [tilespmem:$0x4B0]  }
0x120: {  	[tilespmem:$0x860] =	vst v30;
	v30 =	vld [tilespmem:$0xB40]  }
0x121: {  	[tilespmem:$0x1FD90] =	vst v63;
	v63 =	vld [tilespmem:$0x2C0]  }
0x122: {  	[tilespmem:$0x760] =	vst v10;
	v10 =	vld [tilespmem:$0x3F0]  }
0x123: {  	v17 =	vadd.s32 v37, v33;
	[tilespmem:$0x7C0] =	vst v16;
	v16 =	vld [tilespmem:$0xAF0]  }
0x124: {  	[tilespmem:$0x7D0] =	vst v17;
	v17 =	vld [tilespmem:$0x470]  }
0x125: {  	[tilespmem:$0x1FF10] =	vst v42;
	v42 =	vld [tilespmem:$0xA20]  }
0x126: {  	[tilespmem:$0x1FDA0] =	vst v63;
	v63 =	vld [tilespmem:$0x950]  }
0x127: {  	[tilespmem:$0x1FF20] =	vst v50;
	v50 =	vld [tilespmem:$0xA30]  }
0x128: {  	[tilespmem:$0x1FF00] =	vst v36;
	v36 =	vld [tilespmem:$0xA50]  }
0x129: {  	[tilespmem:$0x1FEF0] =	vst v28;
	v28 =	vld [tilespmem:$0xA60]  }
0x12a: {  	[tilespmem:$0x1FEE0] =	vst v19;
	v19 =	vld [tilespmem:$0xA70]  }
0x12b: {  	[tilespmem:$0x1FDB0] =	vst v63;
	v63 =	vld [tilespmem:$0x2D0]  }
0x12c: {  	v33 =	vld [tilespmem:$0x1FC20]  }
0x12d: {  	[tilespmem:$0x6F0] =	vst v0;
	v0 =	vadd.s32 v31, v62;
	v31 =	vld [tilespmem:$0x4C0]  }
0x12e: {  	v34 =	vld [tilespmem:$0x1FC30]  }
0x12f: {  	v37 =	vld [tilespmem:$0x1FC40]  }
0x130: {  	[tilespmem:$0x1FDC0] =	vst v63;
	v63 =	vld [tilespmem:$0x960]  }
0x131: {  	v38 =	vld [tilespmem:$0x1FC50]  }
0x132: {  	v39 =	vld [tilespmem:$0x1FC60]  }
0x133: {  	v40 =	vld [tilespmem:$0x1FC70]  }
0x134: {  	v43 =	vld [tilespmem:$0x1FC80]  }
0x135: {  	[tilespmem:$0x1FDD0] =	vst v63;
	v63 =	vld [tilespmem:$0x2E0]  }
0x136: {  	v44 =	vld [tilespmem:$0x1FC90]  }
0x137: {  	v45 =	vld [tilespmem:$0x1FCA0]  }
0x138: {  	v46 =	vld [tilespmem:$0x1FCB0]  }
0x139: {  	v47 =	vld [tilespmem:$0x1FCC0]  }
0x13a: {  	[tilespmem:$0x1FDE0] =	vst v63;
	v63 =	vld [tilespmem:$0x970]  }
0x13b: {  	v48 =	vld [tilespmem:$0x1FCD0]  }
0x13c: {  	v51 =	vld [tilespmem:$0x1FCE0]  }
0x13d: {  	v52 =	vld [tilespmem:$0x1FCF0]  }
0x13e: {  	v53 =	vld [tilespmem:$0x1FD00]  }
0x13f: {  	[tilespmem:$0x1FDF0] =	vst v63;
	v63 =	vld [tilespmem:$0x2F0]  }
0x140: {  	[tilespmem:$0x870] =	vst v0;
	v0 =	vadd.s32 v32, v33;
	v54 =	vld [tilespmem:$0x1FD10]  }
0x141: {  	[tilespmem:$0x880] =	vst v0;
	v0 =	vadd.s32 v34, v37;
	v55 =	vld [tilespmem:$0x1FD20]  }
0x142: {  	[tilespmem:$0x890] =	vst v0;
	v0 =	vadd.s32 v38, v39;
	v56 =	vld [tilespmem:$0x1FD30]  }
0x143: {  	[tilespmem:$0x8A0] =	vst v0;
	v59 =	vld [tilespmem:$0x1FD40]  }
0x144: {  	v0 =	vadd.s32 v40, v43;
	[tilespmem:$0x1FE00] =	vst v63;
	v63 =	vld [tilespmem:$0x980]  }
0x145: {  	[tilespmem:$0x8B0] =	vst v0;
	v0 =	vadd.s32 v44, v45;
	v60 =	vld [tilespmem:$0x1FD50]  }
0x146: {  	[tilespmem:$0x8C0] =	vst v0;
	v0 =	vadd.s32 v46, v47;
	v61 =	vld [tilespmem:$0x1FD60]  }
0x147: {  	[tilespmem:$0x8D0] =	vst v0;
	v0 =	vadd.s32 v48, v51;
	v62 =	vld [tilespmem:$0x1FD70]  }
0x148: {  	[tilespmem:$0x8E0] =	vst v0;
	v33 =	vld [tilespmem:$0x1FD80]  }
0x149: {  	v0 =	vadd.s32 v52, v53;
	[tilespmem:$0x1FE10] =	vst v63;
	v63 =	vld [tilespmem:$0x300]  }
0x14a: {  	v32 =	vld [tilespmem:$0xB50];
	[tilespmem:$0x8F0] =	vst v0;
	v0 =	vadd.s32 v54, v55  }
0x14b: {  	[tilespmem:$0x900] =	vst v0;
	v0 =	vadd.s32 v56, v59;
	v34 =	vld [tilespmem:$0x1FD90]  }
0x14c: {  	[tilespmem:$0x910] =	vst v0;
	v0 =	vadd.s32 v60, v61;
	v37 =	vld [tilespmem:$0x1FDA0]  }
0x14d: {  	[tilespmem:$0x920] =	vst v0;
	v0 =	vadd.s32 v62, v33;
	v33 =	vld [tilespmem:$0x4D0]  }
0x14e: {  	[tilespmem:$0x1FE20] =	vst v63;
	v63 =	vld [tilespmem:$0x990]  }
0x14f: {  	v38 =	vld [tilespmem:$0x1FDB0]  }
0x150: {  	v39 =	vld [tilespmem:$0x1FDC0]  }
0x151: {  	[tilespmem:$0x930] =	vst v0;
	v0 =	vadd.s32 v34, v37;
	v34 =	vld [tilespmem:$0xB60]  }
0x152: {  	v37 =	vld [tilespmem:$0x4E0]  }
0x153: {  	[tilespmem:$0x1FE30] =	vst v63;
	v63 =	vld [tilespmem:$0x310]  }
0x154: {  	v40 =	vld [tilespmem:$0x1FDD0]  }
0x155: {  	[tilespmem:$0x940] =	vst v0;
	v0 =	vadd.s32 v38, v39;
	v38 =	vld [tilespmem:$0xB70]  }
0x156: {  	v43 =	vld [tilespmem:$0x1FDE0]  }
0x157: {  	v39 =	vld [tilespmem:$0x4F0]  }
0x158: {  	[tilespmem:$0x1FE40] =	vst v63;
	v63 =	vld [tilespmem:$0x9A0]  }
0x159: {  	v44 =	vld [tilespmem:$0x1FDF0]  }
0x15a: {  	v45 =	vld [tilespmem:$0x1FE00]  }
0x15b: {  	[tilespmem:$0x950] =	vst v0;
	v0 =	vadd.s32 v40, v43;
	v40 =	vld [tilespmem:$0xB80]  }
0x15c: {  	v43 =	vld [tilespmem:$0x500]  }
0x15d: {  	[tilespmem:$0x1FE50] =	vst v63;
	v63 =	vld [tilespmem:$0x320]  }
0x15e: {  	v46 =	vld [tilespmem:$0x1FE10]  }
0x15f: {  	[tilespmem:$0x960] =	vst v0;
	v0 =	vadd.s32 v44, v45;
	v44 =	vld [tilespmem:$0xB90]  }
0x160: {  	v47 =	vld [tilespmem:$0x1FE20]  }
0x161: {  	v45 =	vld [tilespmem:$0x510]  }
0x162: {  	[tilespmem:$0x1FE60] =	vst v63;
	v63 =	vld [tilespmem:$0x9B0]  }
0x163: {  	v48 =	vld [tilespmem:$0x1FE30]  }
0x164: {  	v51 =	vld [tilespmem:$0x1FE40]  }
0x165: {  	[tilespmem:$0x970] =	vst v0;
	v0 =	vadd.s32 v46, v47;
	v46 =	vld [tilespmem:$0xBA0]  }
0x166: {  	v47 =	vld [tilespmem:$0x520]  }
0x167: {  	[tilespmem:$0x1FE70] =	vst v63;
	v63 =	vld [tilespmem:$0x330]  }
0x168: {  	v52 =	vld [tilespmem:$0x1FE50]  }
0x169: {  	[tilespmem:$0x980] =	vst v0;
	v0 =	vadd.s32 v48, v51;
	v48 =	vld [tilespmem:$0x1FEF0]  }
0x16a: {  	v53 =	vld [tilespmem:$0x1FE60]  }
0x16b: {  	v51 =	vld [tilespmem:$0x1FF00]  }
0x16c: {  	[tilespmem:$0x1FE80] =	vst v63;
	v63 =	vld [tilespmem:$0x9C0]  }
0x16d: {  	v54 =	vld [tilespmem:$0x1FE70]  }
0x16e: {  	v55 =	vld [tilespmem:$0x1FE80]  }
0x16f: {  	[tilespmem:$0x990] =	vst v0;
	v0 =	vadd.s32 v52, v53;
	v52 =	vld [tilespmem:$0x1FF10]  }
0x170: {  	v53 =	vld [tilespmem:$0x1FF20]  }
0x171: {  	v13 =	vadd.s32 v12, v13;
	[tilespmem:$0x1FE90] =	vst v63;
	v63 =	vld [tilespmem:$0x340]  }
0x172: {  	[tilespmem:$0xAD0] =	vst v13;
	v56 =	vld [tilespmem:$0x1FE90]  }
0x173: {  	v15 =	vadd.s32 v14, v15;
	[tilespmem:$0x9A0] =	vst v0;
	v0 =	vadd.s32 v54, v55;
	v54 =	vadd.s32 v42, v49;
	v42 =	vld [tilespmem:$0x530]  }
0x174: {  	v21 =	vadd.s32 v20, v21;
	[tilespmem:$0xAE0] =	vst v15;
	v55 =	vadd.s32 v50, v57;
	v57 =	vadd.s32 v36, v27;
	v27 =	vld [tilespmem:$0xBD0]  }
0x175: {  	[tilespmem:$0xB00] =	vst v21;
	v49 =	vld [tilespmem:$0x5B0]  }
0x176: {  	v36 =	vadd.s32 v24, v25;
	v25 =	vld [tilespmem:$0x5F0];
	[tilespmem:$0x9B0] =	vst v0  }
0x177: {  	v24 =	vadd.s32 v46, v47;
	v46 =	vld [tilespmem:$0x640];
	[tilespmem:$0xA20] =	vst v54  }
0x178: {  	[tilespmem:$0xA30] =	vst v55;
	v55 =	vld [tilespmem:$0xC50]  }
0x179: {  	[tilespmem:$0xA50] =	vst v57;
	v57 =	vld [tilespmem:$0x5D0]  }
0x17a: {  	[tilespmem:$0x1FEA0] =	vst v63;
	v63 =	vld [tilespmem:$0x9D0]  }
0x17b: {  	v50 =	vadd.s32 v26, v29;
	[tilespmem:$0xB20] =	vst v36;
	v59 =	vld [tilespmem:$0x1FEA0]  }
0x17c: {  	[tilespmem:$0xB30] =	vst v50;
	v54 =	vadd.s32 v32, v33;
	v32 =	vld [tilespmem:$0xC90]  }
0x17d: {  	[tilespmem:$0xBA0] =	vst v24;
	v36 =	vld [tilespmem:$0xCA0]  }
0x17e: {  	v50 =	vld [tilespmem:$0x650];
	[tilespmem:$0xB50] =	vst v54;
	v47 =	vadd.s32 v55, v57  }
0x17f: {  	v54 =	vld [tilespmem:$0x660];
	[tilespmem:$0xC50] =	vst v47  }
0x180: {  	[tilespmem:$0x1FEB0] =	vst v63;
	v63 =	vld [tilespmem:$0x350];
	v0 =	vadd.s32 v56, v59  }
0x181: {  	v60 =	vld [tilespmem:$0x1FEB0];
	v56 =	vadd.s32 v58, v35;
	[tilespmem:$0x9C0] =	vst v0  }
0x182: {  	v35 =	vld [tilespmem:$0x540];
	v58 =	vadd.s32 v28, v18;
	[tilespmem:$0xA40] =	vst v56  }
0x183: {  	v18 =	vld [tilespmem:$0x550];
	v59 =	vadd.s32 v19, v10;
	[tilespmem:$0xA60] =	vst v58  }
0x184: {  	v19 =	vadd.s32 v16, v17;
	[tilespmem:$0xA70] =	vst v59;
	v56 =	vadd.s32 v34, v37;
	v34 =	vld [tilespmem:$0x610]  }
0x185: {  	[tilespmem:$0xAF0] =	vst v19;
	v58 =	vadd.s32 v38, v39;
	v38 =	vld [tilespmem:$0x620]  }
0x186: {  	v28 =	vadd.s32 v22, v23;
	[tilespmem:$0x1FEC0] =	vst v63;
	v63 =	vld [tilespmem:$0x9E0]  }
0x187: {  	[tilespmem:$0xB10] =	vst v28;
	v61 =	vld [tilespmem:$0x1FEC0]  }
0x188: {  	v10 =	vld [tilespmem:$0xBE0];
	[tilespmem:$0xB60] =	vst v56  }
0x189: {  	v59 =	vld [tilespmem:$0xC60];
	[tilespmem:$0xB70] =	vst v58;
	v55 =	vadd.s32 v32, v34  }
0x18a: {  	v28 =	vld [tilespmem:$0xC80];
	[tilespmem:$0xC90] =	vst v55  }
0x18b: {  	v57 =	vadd.s32 v36, v38;
	[tilespmem:$0x1FED0] =	vst v63;
	v63 =	vld [tilespmem:$0x360]  }
0x18c: {  	[tilespmem:$0xCA0] =	vst v57;
	v0 =	vadd.s32 v60, v61;
	v62 =	vld [tilespmem:$0x1FED0]  }
0x18d: {  	v56 =	vld [tilespmem:$0xCF0];
	v60 =	vadd.s32 v11, v2;
	[tilespmem:$0x9D0] =	vst v0  }
0x18e: {  	v2 =	vld [tilespmem:$0x560];
	v61 =	vadd.s32 v3, v1;
	[tilespmem:$0xA80] =	vst v60  }
0x18f: {  	v58 =	vld [tilespmem:$0x670];
	v11 =	vadd.s32 v8, v9;
	[tilespmem:$0xA90] =	vst v61  }
0x190: {  	[tilespmem:$0xAC0] =	vst v11;
	v11 =	vld [tilespmem:$0xC30];
	v60 =	vadd.s32 v40, v43  }
0x191: {  	v61 =	vld [tilespmem:$0x5E0];
	[tilespmem:$0xB80] =	vst v60;
	v0 =	vadd.s32 v62, v63  }
0x192: {  	v63 =	vld [tilespmem:$0x1FEE0];
	v62 =	vadd.s32 v4, v5;
	[tilespmem:$0x9E0] =	vst v0  }
0x193: {  	v4 =	vld [tilespmem:$0xC00];
	v33 =	vadd.s32 v10, v2;
	[tilespmem:$0xAA0] =	vst v62  }
0x194: {  	v5 =	vld [tilespmem:$0x580];
	v62 =	vadd.s32 v44, v45;
	[tilespmem:$0xBE0] =	vst v33  }
0x195: {  	v1 =	vld [tilespmem:$0xBF0];
	v43 =	vadd.s32 v11, v49;
	[tilespmem:$0xB90] =	vst v62  }
0x196: {  	v3 =	vld [tilespmem:$0x570];
	v49 =	vadd.s32 v59, v61;
	[tilespmem:$0xC30] =	vst v43  }
0x197: {  	v8 =	vld [tilespmem:$0xC20];
	[tilespmem:$0xC60] =	vst v49;
	v0 =	vadd.s32 v63, v48  }
0x198: {  	v44 =	vld [tilespmem:$0xCC0];
	v63 =	vadd.s32 v6, v7;
	[tilespmem:$0x9F0] =	vst v0  }
0x199: {  	v9 =	vld [tilespmem:$0x5A0];
	v37 =	vadd.s32 v4, v5;
	[tilespmem:$0xAB0] =	vst v63  }
0x19a: {  	v48 =	vld [tilespmem:$0xBC0];
	v0 =	vadd.s32 v51, v52;
	[tilespmem:$0xC00] =	vst v37  }
0x19b: {  	v6 =	vld [tilespmem:$0xC10];
	v52 =	vadd.s32 v30, v31;
	[tilespmem:$0xA00] =	vst v0  }
0x19c: {  	v7 =	vld [tilespmem:$0x590];
	v31 =	vadd.s32 v27, v18;
	[tilespmem:$0xB40] =	vst v52  }
0x19d: {  	v60 =	vadd.s32 v44, v46;
	v0 =	vadd.s32 v53, v41;
	v41 =	vld [tilespmem:$0xBB0];
	[tilespmem:$0xBD0] =	vst v31  }
0x19e: {  	v51 =	vld [tilespmem:$0xC40];
	[tilespmem:$0xCC0] =	vst v60  }
0x19f: {  	v53 =	vld [tilespmem:$0x5C0];
	[tilespmem:$0xA10] =	vst v0;
	v29 =	vadd.s32 v48, v35  }
0x1a0: {  	v63 =	vld [tilespmem:$0xC70];
	v35 =	vadd.s32 v1, v3;
	[tilespmem:$0xBC0] =	vst v29  }
0x1a1: {  	v30 =	vld [tilespmem:$0x600];
	v39 =	vadd.s32 v6, v7;
	[tilespmem:$0xBF0] =	vst v35  }
0x1a2: {  	v52 =	vld [tilespmem:$0xCE0];
	[tilespmem:$0xC10] =	vst v39;
	v26 =	vadd.s32 v41, v42  }
0x1a3: {  	v40 =	vld [tilespmem:$0xCB0];
	v41 =	vadd.s32 v8, v9;
	[tilespmem:$0xBB0] =	vst v26  }
0x1a4: {  	v48 =	vld [tilespmem:$0xCD0];
	v45 =	vadd.s32 v51, v53;
	[tilespmem:$0xC20] =	vst v41  }
0x1a5: {  	v42 =	vld [tilespmem:$0x630];
	v51 =	vadd.s32 v63, v25;
	[tilespmem:$0xC40] =	vst v45  }
0x1a6: {  	v53 =	vadd.s32 v28, v30;
	[tilespmem:$0xC70] =	vst v51  }
0x1a7: {  	v62 =	vadd.s32 v52, v54;
	[tilespmem:$0xC80] =	vst v53  }
0x1a8: {  	v63 =	vadd.s32 v56, v58;
	[tilespmem:$0xCE0] =	vst v62  }
0x1a9: {  	[tilespmem:$0xCF0] =	vst v63;
	v61 =	vadd.s32 v48, v50  }
0x1aa: {  	s4 =	rddreg [dreg:$0x4];
	[tilespmem:$0xCD0] =	vst v61;
	v59 =	vadd.s32 v40, v42  }
0x1ab: {  	s0 =	rddreg [dreg:$0x5];
	[tilespmem:$0xCB0] =	vst v59  }
0x1ac: {  	[tilespmem:s9], [sflag:$0x1] =	stream.indirect.gather [hbm4b:s3+s8], $0x20, s6, s8, $0xb8;
	[tilespmem:$0xDD00] =	vst v63  }
0x1ad: {  	s31 =	rddreg [dreg:$0x6]  }
0x1ae: {  	[tilespmem:s0], [sflag:$0x1] =	stream.indirect.gather [hbm4b:s3+s8], $0x20, s4, s8, $0xb8;
	[tilespmem:$0xDD00] =	vst v63  }
0x1af: {  	s10 =	rddreg [dreg:$0x7]  }
0x1b0: {  	[tilespmem:s10], [sflag:$0x1] =	stream.indirect.gather [hbm4b:s3+s8], $0x20, s31, s8, $0xb8;
	[tilespmem:$0xDD00] =	vst v63  }
0x1b1: {  	s4 =	simm.s32 $0x3D00;
	s0 =	rddreg [dreg:$0x8]  }
0x1b2: {  	[tilespmem:s4], [sflag:$0x1] =	stream.indirect.gather [hbm4b:s3+s8], $0x20, s0, s8, $0xb8;
	[tilespmem:$0xDD00] =	vst v63  }
0x1b3: {  	_ = 	snop  }
0x1b4: {  	[tilespmem:s12], [sflag:$0x1] =	stream.indirect.gather [hbm4b:s3+s8], $0x20, s11, s8, $0xb8;
	[tilespmem:$0xDD00] =	vst v63  }
0x1b5: {  	_ = 	snop  }
0x1b6: {  	[tilespmem:s14], [sflag:$0x1] =	stream.indirect.gather [hbm4b:s3+s8], $0x20, s13, s8, $0xb8;
	[tilespmem:$0xDD00] =	vst v63  }
0x1b7: {  	_ = 	snop  }
0x1b8: {  	[tilespmem:s16], [sflag:$0x1] =	stream.indirect.gather [hbm4b:s3+s8], $0x20, s15, s8, $0xb8;
	[tilespmem:$0xDD00] =	vst v63  }
0x1b9: {  	_ = 	snop  }
0x1ba: {  	[tilespmem:s18], [sflag:$0x1] =	stream.indirect.gather [hbm4b:s3+s8], $0x20, s17, s8, $0xb8;
	[tilespmem:$0xDD00] =	vst v63  }
0x1bb: {  	_ = 	snop  }
0x1bc: {  	[tilespmem:s20], [sflag:$0x1] =	stream.indirect.gather [hbm4b:s3+s8], $0x20, s19, s8, $0xb8;
	[tilespmem:$0xDD00] =	vst v63  }
0x1bd: {  	_ = 	snop  }
0x1be: {  	[tilespmem:s22], [sflag:$0x1] =	stream.indirect.gather [hbm4b:s3+s8], $0x20, s21, s8, $0xb8;
	[tilespmem:$0xDD00] =	vst v63  }
0x1bf: {  	_ = 	snop  }
0x1c0: {  	[tilespmem:s24], [sflag:$0x1] =	stream.indirect.gather [hbm4b:s3+s8], $0x20, s23, s8, $0xb8;
	[tilespmem:$0xDD00] =	vst v63  }
0x1c1: {  	_ = 	snop  }
0x1c2: {  	[tilespmem:s26], [sflag:$0x1] =	stream.indirect.gather [hbm4b:s3+s8], $0x20, s25, s8, $0xb8;
	[tilespmem:$0xDD00] =	vst v63  }
0x1c3: {  	_ = 	snop  }
0x1c4: {  	[tilespmem:s29], [sflag:$0x1] =	stream.indirect.gather [hbm4b:s3+s8], $0x20, s28, s8, $0xb8;
	[tilespmem:$0xDD00] =	vst v63  }
0x1c5: {  	_ =	swait.ge [sflag:s30], $0x1000  }
0x1c6: {  	[sflag:s30] =	ssyncset.done $0x0  }
0x1c7: {  	[sflag:s30] =	ssyncadd.s32 $0xFFFFF000  }
0x1c8: {  	_ =	swait.ge [sflag:s30], $0x1000  }
0x1c9: {  	[sflag:s30] =	ssyncset.done $0x0  }
0x1ca: {  	[sflag:s30] =	ssyncadd.s32 $0xFFFFF000  }
0x1cb: {  	_ =	swait.ge [sflag:s30], $0x1000  }
0x1cc: {  	[sflag:s30] =	ssyncset.done $0x0  }
0x1cd: {  	[sflag:s30] =	ssyncadd.s32 $0xFFFFF000  }
0x1ce: {  	_ =	swait.ge [sflag:s30], $0x1000  }
0x1cf: {  	[sflag:s30] =	ssyncset.done $0x0  }
0x1d0: {  	[sflag:s30] =	ssyncadd.s32 $0xFFFFF000  }
0x1d1: {  	_ =	swait.ge [sflag:s30], $0x1000  }
0x1d2: {  	[sflag:s30] =	ssyncset.done $0x0  }
0x1d3: {  	[sflag:s30] =	ssyncadd.s32 $0xFFFFF000  }
0x1d4: {  	_ =	swait.ge [sflag:s30], $0x1000  }
0x1d5: {  	[sflag:s30] =	ssyncset.done $0x0  }
0x1d6: {  	[sflag:s30] =	ssyncadd.s32 $0xFFFFF000  }
0x1d7: {  	_ =	swait.ge [sflag:s30], $0x1000  }
0x1d8: {  	[sflag:s30] =	ssyncset.done $0x0  }
0x1d9: {  	[sflag:s30] =	ssyncadd.s32 $0xFFFFF000  }
0x1da: {  	_ =	swait.ge [sflag:s30], $0x1000  }
0x1db: {  	[sflag:s30] =	ssyncset.done $0x0  }
0x1dc: {  	[sflag:s30] =	ssyncadd.s32 $0xFFFFF000  }
0x1dd: {  	_ =	swait.ge [sflag:s30], $0x1000  }
0x1de: {  	[sflag:s30] =	ssyncset.done $0x0  }
0x1df: {  	[sflag:s30] =	ssyncadd.s32 $0xFFFFF000  }
0x1e0: {  	_ =	swait.ge [sflag:s30], $0x1000  }
0x1e1: {  	[sflag:s30] =	ssyncset.done $0x0  }
0x1e2: {  	[sflag:s30] =	ssyncadd.s32 $0xFFFFF000  }
0x1e3: {  	_ =	swait.ge [sflag:s30], $0x1000  }
0x1e4: {  	[sflag:s30] =	ssyncset.done $0x0  }
0x1e5: {  	[sflag:s30] =	ssyncadd.s32 $0xFFFFF000  }
0x1e6: {  	_ =	swait.ge [sflag:s30], $0x1000  }
0x1e7: {  	[sflag:s30] =	ssyncset.done $0x0  }
0x1e8: {  	[sflag:s30] =	ssyncadd.s32 $0xFFFFF000  }
0x1e9: {  	_ =	swait.ge [sflag:s30], $0x1000  }
0x1ea: {  	p0 =	sne.s32 s2, $0x5070;
	[sflag:s30] =	ssyncset.done $0x0  }
.Ltmp0:
0x1eb: {  	[sflag:s30] =	ssyncadd.s32 $0xFFFFF000;
	(pc) =	sbr.rel @p0 .LBB2_2-.Ltmp0, $4  }
0x1ec: {  	[hbm4b:s5+s1] =	stream.linear.scatter [tilespmem:s9], [sflag:$0x2], $0xD000, $0x38;
	[tilespmem:$0xDD00] =	vst v63  }
0x1ed: {  	_ =	swait.ge [sflag:s7], $0xD000  }
0x1ee: {  	[sflag:s7] =	ssyncset.done $0x0  }
0x1ef: {  	s2 =	sadd.s32 $0xD0, s2;
	s5 =	sadd.s32 $0x1A00, s5;
	[sflag:s7] =	ssyncadd.s32 $0xFFFF3000  }
0x1f0: {  	s2 =	rddreg [dreg:$0xb]  }
0x1f1: {  	s0 =	rddreg [dreg:$0x9];
	s2 =	sadd.s32 $0x1, s2  }
0x1f2: {  	p0 =	sne.s32 s2, s0  }
.Ltmp1:
0x1f3: {  	_ = 	snop;
	(pc) =	sbr.rel @p0 .LBB2_1-.Ltmp1, $1  }
0x1f4: {  	_ =	sdelay $0x3  }
0x1f5: {  	_ =	sfence.sel $0x180000  }
0x1f6: {  	[bflag:$0x0] =	sbarrier.arrive $0xFFFF  }
0x1f7: {  	_ =	strace $0x90000047  }
0x1f8: {  	s0 =	stileid.u32;
	[bflag:$0x2] =	sbarrier.arrive $0xFFFF  }
0x1f9: {  	p0 =	sne.s32 s0, $0x0;
	s0 =	rddreg [dreg:$0x2]  }
0x1fa: {  	s0 =	sadd.s32 @!p0 $0x100000, s0  }
0x1fb: {  	[sflag:s0] =	ssyncadd.tile.s32 @!p0 $0x1;
	_ =	shalt  }
.Lfunc_end2:
_tile_overlayer_lowered:
.L_overlay_start_2:
0x1fc: {  	(tag) =	ssettag $0x2  }
0x1fd: {  	s0 =	rddreg [dreg:$0x0];
	s2 =	stileid.u32  }
0x1fe: {  	s1 =	rddreg [dreg:$0x1];
	p0 =	sne.s32 s2, $0x0  }
0x1ff: {  	s3 =	rddreg [dreg:$0x2];
	[bflag:$0x3] =	sbarrier.arrive $0xFFFF;
	s2 =	simm.s32 @!p0 $0x1C02  }
0x200: {  	[timem:s3], [sflag:s2] =	dma.local @!p0 [hbm:s0], s1  }
0x201: {  	s0 =	simm.s32 @!p0 $0x2  }
0x202: {  	_ =	swait.ge @!p0 [sflag:s0], s1  }
0x203: {  	s1 =	ssub.s32 @!p0 $0x0, s1;
	[sflag:s0] =	ssyncset.done @!p0 $0x0  }
0x204: {  	[sflag:s0] =	ssyncadd.s32 @!p0 s1  }
0x205: {  	[bflag:$0x3] =	sbarrier.arrive $0xFFFF  }
0x206: {  	_ =	shalt  }

// kernel: sparse-core-data-format-call.cloned.1.call-start
scs
called_computation_lowered:
.L_overlay_start_0:
0x0: {  	s2 =	sld [smem:$0x3FD9]  }
0x1: {  	s3 =	sld [smem:$0x3FFE];
	_ =	sdelay $0x1  }
0x2: {  	s1 =	srdreg.scid  }
0x3: {  	s0 =	sand.u32 $0x1, s1  }
0x4: {  	s18 =	sshll.u32 s0, $0xA;
	s2 =	sadd.s32 s3, s2  }
0x5: {  	s2 =	sadd.s32 s2, s18  }
0x6: {  	[smem:$0x3FC6] =	sst s2  }
0x7: {  	_ = 	snop  }
0x8: {  	s2 =	sld [smem:$0x3FD0];
	(tm) =	ssettm $0x1  }
0x9: {  	s19 =	sld [smem:$0x3FFB];
	_ =	sdelay $0x3  }
0xa: {  	_ =	strace s19  }
0xb: {  	s3 =	sld [smem:$0x3FFC];
	_ =	sdelay $0x3  }
0xc: {  	_ =	strace s3  }
0xd: {  	s3 =	sld [smem:$0x3FFD];
	_ =	sdelay $0x3  }
0xe: {  	_ =	strace s3  }
0xf: {  	_ =	strace $0x8FFFFFFF  }
0x10: {  	s20 =	sld [smem:$0x3FDB];
	_ =	sdelay $0x1  }
0x11: {  	s4 =	simm.s32 $_scs_section_size  }
0x12: {  	s5 =	simm.s32 $_size__tile_overlayer_lowered;
	s6 =	simm.s32 $_tile_overlayer_lowered  }
0x13: {  	s23 =	simm.s32 $0x1BFF;
	s22 =	sshll.u32 s6, $0x1;
	s3 =	sadd.s32 s4, s20  }
0x14: {  	s7 =	simm.s32 $0x0;
	s21 =	sshll.u32 s5, $0x1;
	s5 =	sadd.s32 s22, s3  }
0x15: {  	[timem:s7], [sflag:s23] =	dma.local [hbm:s5], s21  }
0x16: {  	_ =	swait.ge [sflag:s23], s21  }
0x17: {  	s4 =	ssub.s32 $0x0, s21;
	[sflag:s23] =	ssyncset.done $0x0  }
0x18: {  	[sflag:s23] =	ssyncadd.s32 s4;
	_ =	sdelay $0x1  }
0x19: {  	s24 =	simm.s32 $0x1B8B  }
0x1a: {  	_ =	swait.ge [sflag:s24], $0x1  }
0x1b: {  	[sflag:s24] =	ssyncset.done $0x0  }
0x1c: {  	s26 =	simm.s32 $0x1B8E;
	s25 =	sld [smem:$0x3FFE];
	[sflag:s24] =	ssyncadd.s32 $0xFFFFFFFF  }
0x1d: {  	s27 =	simm.s32 $execute0_lowered;
	[smem:$0x3FD2] =	sst s26  }
0x1e: {  	s5 =	sshll.u32 s27, $0x1;
	_ =	strace $0x80000049;
	[dreg:$0x1] =	wrdreg $0xFFFFFFFF  }
0x1f: {  	s28 =	simm.s32 $_size_execute0_lowered;
	s3 =	sadd.s32 s3, s5;
	[dreg:$0x0] =	wrdreg $0x0  }
0x20: {  	s5 =	sshll.u32 s28, $0x1;
	[dreg:$0x2] =	wrdreg s3  }
0x21: {  	[dreg:$0x3] =	wrdreg s5  }
0x22: {  	[dreg:$0x4] =	wrdreg $0xC0  }
0x23: {  	_ =	task [dreg:s7], $0x5FFFF  }
0x24: {  	[dreg:$0x1] =	wrdreg $0xFFFFFFFF  }
0x25: {  	[dreg:$0x0] =	wrdreg $0x60  }
0x26: {  	[dreg:$0x2] =	wrdreg s25  }
0x27: {  	[dreg:$0x3] =	wrdreg s2  }
0x28: {  	[dreg:$0x4] =	wrdreg $0x9  }
0x29: {  	_ =	task.clear_ibuf [dreg:s7], $0x5FFFF;
	_ =	strace $0x90000049  }
0x2a: {  	s29 =	simm.s32 $0x9;
	_ =	strace $0x8000004B  }
0x2b: {  	_ =	swait.ge [sflag:s29], $0x1  }
0x2c: {  	[sflag:s29] =	ssyncadd.s32 $0xFFFFFFFF  }
0x2d: {  	_ =	strace $0x9000004B  }
0x2e: {  	_ =	sfence  }
0x2f: {  	s30 =	sld [smem:$0x0];
	_ =	sdelay $0x2  }
0x30: {  	s31 =	sshll.u32 s1, $0xD;
	s1 =	sshrl.u32 s1, $0x2  }
0x31: {  	s3 =	sand.u32 $0x4000, s31;
	s1 =	sadd.s32 s1, s30  }
0x32: {  	s0 =	sor.u32 s3, s0;
	s1 =	sshll.u32 s1, $0x11  }
0x33: {  	s0 =	sor.u32 s1, s0  }
0x34: {  	s0 =	sadd.s32 $0x8F2B, s0  }
0x35: {  	[sflag:s0] =	ssyncadd.remote.s32 $0x1  }
0x36: {  	_ =	sfence.sel $0xFFFF  }
0x37: {  	[dreg:$0x0] =	wrdreg $0xFFFFFFFF;
	(pc) =	sbr.abs _section_cstart, $3  }
0x38: {  	[dreg:$0x1] =	wrdreg $0xFFFFFFFF  }
0x39: {  	_ =	task.clear_ibuf [dreg:s7], $0x2FFFF;
	_ =	strace $0x9FFFFFFF  }
0x3a: {  	(tm) =	ssettm $0x7FFFFFFF  }
0x3b: {  	_ =	shalt  }
tec
execute0_lowered:
.L_overlay_start_1:
0x0: {  	(tag) =	ssettag $0x1  }
0x1: {  	s0 =	srdreg.scid;
	s6 =	rddreg [dreg:$0x0]  }
0x2: {  	s3 =	rddreg [dreg:$0x1];
	s1 =	sshll.u32 s0, $0x4  }
0x3: {  	s5 =	simm.s32 $0x1;
	s0 =	stileid.u32;
	s1 =	sand.u32 $0x10, s1  }
0x4: {  	s31 =	simm.s32 $0x2;
	s16 =	simm.s32 $0x0;
	s1 =	sor.u32 s0, s1  }
0x5: {  	s8 =	simm.s32 $0x8000;
	s18 =	simm.s32 $0x0;
	s2 =	sshll.u32 s1, $0x7  }
0x6: {  	s17 =	simm.s32 $0x0;
	s9 =	simm.s32 $0x0;
	s4 =	ssub.s32 $0x1000, s2  }
0x7: {  	s10 =	simm.s32 $0x0;
	s11 =	simm.s32 $0x0;
	s30 =	sand.u32 $0xF80, s4  }
0x8: {  	s12 =	simm.s32 $0x0;
	s13 =	simm.s32 $0x0;
	p0 =	sne.s32 s30, $0x0  }
.Ltmp0:
0x9: {  	s7 =	sshrl.u32 s4, $0xC;
	s5 =	simm.s32 @!p0 $0x0;
	(pc) =	sbr.rel .LBB1_1-.Ltmp0, $4  }
0xa: {  	s15 =	simm.s32 $0x0;
	s1 =	rddreg [dreg:$0x2];
	s5 =	sadd.s32 s5, s7  }
0xb: {  	_ =	strace $0x8000004A;
	s4 =	simm.s32 $0x1;
	s5 =	smul.u32 $0x15E, s5  }
0xc: {  	s6 =	sadd.s32 $0xA00, s6;
	s14 =	smov.u32 s2;
	[sflag:s4] =	ssyncpa.u1 $0x0  }
0xd: {  	[sflag:s31] =	ssyncpa.u1 $0x0;
	p0 =	por $0x0, $0x0;
	s7 =	sor.u32 $0x1, s5  }
.LBB1_4:
0xe: {  	s23 =	sshra.s32 s23, $0x2;
	s30 =	sshll.u32 s9, $0xC  }
0xf: {  	p1 =	sgt.s32 s10, $0x31;
	s24 =	smov.u32 s10;
	s25 =	sshra.s32 s10, $0x1F  }
0x10: {  	s26 =	sshll.u32 s11, $0x3;
	s28 =	smov.u32 s11;
	s29 =	sshra.s32 s11, $0x1F  }
0x11: {  	s22 =	sadd.s32 s23, s22;
	s24 =	simm.s32 @!p1 $0x31;
	s25 =	sand.u32 s25, s10  }
0x12: {  	s23 =	sand.u32 $0xFFFF8000, s30;
	s27 =	sand.u32 $0xFFFFFC00, s26;
	p1 =	sgt.s32 s9, $0x2C0  }
0x13: {  	s31 =	sand.u32 s29, s11;
	s29 =	sshll.u32 s9, $0x7;
	s30 =	sshra.s32 s9, $0x1F  }
0x14: {  	[tilespmem:s21+$0x2040 ss:$0x81] =	vst.msk $0xffff, v4;
	s24 =	ssub.s32 s24, s25;
	s23 =	sadd.s32 s27, s23;
	s27 =	smov.u32 s9  }
0x15: {  	[tilespmem:s21+$0x2850 ss:$0x81] =	vst.msk $0xffff, v3;
	s29 =	sand.u32 $0x380, s29;
	s25 =	sadd.s32 $0xFFFFFFCF, s24;
	s27 =	simm.s32 @!p1 $0x2C0  }
0x16: {  	v5 =	vld [tilespmem:s20+$0xFFFFFFD0];
	[tilespmem:s21+$0x3060 ss:$0x81] =	vst.msk $0xffff, v2;
	p1 =	sgt.s32 s11, $0xF80;
	s23 =	sshrl.u32 s23, $0xC;
	s24 =	ssub.s32 $0x32, s24  }
0x17: {  	v58 =	vld [tilespmem:s20+$0xFFFFFFE0];
	[tilespmem:s21+$0x0 ss:$0x81] =	vst.msk $0xffff, v1;
	s28 =	simm.s32 @!p1 $0xF80;
	p1 =	sgt.s32 s25, $0x0;
	s21 =	smulhi.u32 $0x4EC4ED, s23  }
0x18: {  	v59 =	vld [tilespmem:s20+$0xFFFFFFF0];
	s25 =	ssub.s32 s28, s31;
	s28 =	sand.u32 s30, s9;
	s24 =	simm.s32 @p1 $0x0  }
0x19: {  	v60 =	vld [tilespmem:s20+$0x0];
	s27 =	ssub.s32 s27, s28;
	s31 =	sadd.s32 $0xFFFFF080, s25;
	s25 =	ssub.s32 $0x1000, s25  }
0x1a: {  	v61 =	vld [tilespmem:s20+$0x10];
	[tilespmem:s22+$0x3870 ss:$0x81] =	vst.msk $0xffff, v0;
	s21 =	smul.u32 $0x340, s21;
	s28 =	sand.u32 $0x7, s11;
	p1 =	sgt.s32 s31, $0x7F  }
0x1b: {  	v62 =	vld [tilespmem:s20+$0x20];
	[tilespmem:s22+$0x810 ss:$0x81] =	vst.msk $0xffff, v5;
	s30 =	sadd.s32 $0xFFFFFD40, s27;
	s31 =	sand.u32 $0x78, s11;
	s25 =	simm.s32 @p1 $0x0  }
0x1c: {  	v63 =	vld [tilespmem:s20+$0xFFFFFFC0];
	[tilespmem:s22+$0x1020 ss:$0x81] =	vst.msk $0xffff, v58;
	p1 =	sgt.s32 s30, $0x7F;
	s30 =	sand.u32 $0xC00, s26;
	s24 =	smul.u32 s25, s24  }
0x1d: {  	[tilespmem:s22+$0x1830 ss:$0x81] =	vst.msk $0xffff, v59;
	s26 =	ssub.s32 $0x340, s27;
	s20 =	sor.u32 s31, s30;
	s31 =	smul.u32 $0x68000, s10  }
0x1e: {  	[tilespmem:s22+$0x2040 ss:$0x81] =	vst.msk $0xffff, v60;
	s21 =	ssub.s32 s23, s21;
	s26 =	simm.s32 @p1 $0x0;
	s20 =	sor.u32 s29, s20  }
0x1f: {  	[tilespmem:s22+$0x2850 ss:$0x81] =	vst.msk $0xffff, v61;
	s26 =	smul.u32 s26, s24;
	s20 =	sshrl.u32 s20, $0x3;
	s27 =	sadd.s32 s3, s31  }
0x20: {  	[tilespmem:s22+$0x3060 ss:$0x81] =	vst.msk $0xffff, v62;
	s21 =	sshll.u32 s21, $0x9;
	s29 =	sshll.u32 s28, $0x12;
	s20 =	sadd.s32 s20, s27  }
0x21: {  	[tilespmem:s22+$0x0 ss:$0x81] =	vst.msk $0xffff, v63;
	s31 =	sor.u32 $0x400, s29;
	s30 =	sand.u32 $0x3FFFFFFF, s26;
	s20 =	sadd.s32 s21, s20  }
0x22: {  	[hbm4b:s20+s31] =	stream.strided.scatter [tilespmem:s19], [sflag:$0x2], s30, s8, s31, $0x20;
	[tilespmem:$0x10100] =	vst v63  }
.LBB1_5:
0x23: {  	p1 =	slt.u32 s15, $0x2  }
0x24: {  	p2 =	sgt.s32 @!p1 s18, $0x31  }
0x25: {  	s19 =	smov.u32 s18;
	s20 =	sshra.s32 @!p1 s18, $0x1F;
	p2 =	por !p2, p1  }
0x26: {  	s18 =	sand.u32 @!p1 s20, s18;
	s19 =	simm.s32 @p2 $0x31  }
0x27: {  	p3 =	sgt.s32 @!p1 s16, $0x2C0;
	s18 =	ssub.s32 @!p1 s19, s18  }
0x28: {  	p4 =	sgt.s32 @!p1 s17, $0xF80;
	s21 =	sshra.s32 @!p1 s17, $0x1F;
	s19 =	sadd.s32 @!p1 $0xFFFFFFCF, s18  }
0x29: {  	s20 =	smov.u32 s16;
	p2 =	sgt.s32 @!p1 s19, $0x0;
	s19 =	sshra.s32 @!p1 s16, $0x1F  }
0x2a: {  	p4 =	por !p4, p1;
	s16 =	sand.u32 @!p1 s19, s16;
	s19 =	smov.u32 s17  }
0x2b: {  	p3 =	por !p3, p1;
	s17 =	sand.u32 @!p1 s21, s17;
	s19 =	simm.s32 @p4 $0xF80  }
0x2c: {  	s20 =	simm.s32 @p3 $0x2C0;
	s18 =	ssub.s32 @!p1 $0x32, s18;
	s17 =	ssub.s32 @!p1 s19, s17  }
0x2d: {  	p2 =	por !p2, p1;
	s16 =	ssub.s32 @!p1 s20, s16;
	s20 =	sadd.s32 @!p1 $0xFFFFF080, s17  }
0x2e: {  	s18 =	simm.s32 @!p2 $0x0;
	p3 =	sgt.s32 @!p1 s20, $0x7F  }
0x2f: {  	s19 =	sadd.s32 @!p1 $0xFFFFFD40, s16;
	s17 =	ssub.s32 @!p1 $0x1000, s17;
	p3 =	por !p3, p1  }
0x30: {  	p2 =	sgt.s32 @!p1 s19, $0x7F;
	s19 =	sadd.s32 $0x80, s12;
	s17 =	simm.s32 @!p3 $0x0  }
0x31: {  	p3 =	sgt.s32 s19, $0x33F;
	s17 =	smul.u32 @!p1 s17, s18;
	s18 =	simm.s32 $0x1  }
0x32: {  	s16 =	ssub.s32 @!p1 $0x340, s16;
	p2 =	por !p2, p1;
	s18 =	simm.s32 @!p3 $0x0  }
0x33: {  	s21 =	smov.u32 s14;
	s16 =	simm.s32 @!p2 $0x0;
	s20 =	sadd.s32 s18, s13  }
0x34: {  	s16 =	smul.u32 @!p1 s16, s17;
	s17 =	sadd.s32 $0x1000, s14;
	p2 =	sgt.s32 s20, $0x31  }
0x35: {  	p0 =	por !p0, !p0;
	s22 =	simm.s32 @!p1 $0x2;
	s21 =	smov.u32 @p2 s17  }
0x36: {  	s19 =	simm.s32 @p3 $0x0;
	s20 =	simm.s32 @p2 $0x0;
	p2 =	sgt.s32 s21, $0xFFF  }
0x37: {  	s18 =	smov.u32 s10;
	s21 =	smov.u32 @p2 s2;
	p2 =	sne.s32 s15, s7  }
.Ltmp1:
0x38: {  	s10 =	smov.u32 s13;
	s16 =	sand.u32 @!p1 $0x3FFFFFFF, s16;
	(pc) =	sbr.rel @!p2 .LBB1_6-.Ltmp1, $4  }
0x39: {  	s17 =	smov.u32 s11;
	s11 =	smov.u32 s14;
	_ =	swait.ge @!p1 [sflag:s22], s16  }
0x3a: {  	s23 =	ssub.s32 @!p1 $0x0, s16;
	s16 =	smov.u32 s9;
	s9 =	smov.u32 s12  }
0x3b: {  	s12 =	smov.u32 s19;
	s13 =	smov.u32 s20;
	[sflag:s22] =	ssyncset.done @!p1 $0x0  }
0x3c: {  	s15 =	sadd.s32 $0x1, s15;
	[sflag:s22] =	ssyncadd.s32 @!p1 s23;
	s14 =	smov.u32 s21  }
.LBB1_1:
0x3d: {  	p1 =	sge.u32 s15, s5  }
0x3e: {  	s19 =	sshrl.u32 @!p1 s13, $0x3  }
0x3f: {  	s20 =	sshll.u32 @!p1 s12, $0x3;
	s19 =	smul.u32 @!p1 $0x1C00, s19  }
0x40: {  	s21 =	sshll.u32 @!p1 s13, $0x7;
	s20 =	sand.u32 @!p1 $0xFFFFFC00, s20  }
0x41: {  	s19 =	sadd.s32 @!p1 s19, s20;
	s20 =	sand.u32 @!p1 $0x380, s21  }
0x42: {  	s19 =	sor.u32 @!p1 s20, s19  }
0x43: {  	s20 =	sshrl.u32 @!p1 s19, $0x7  }
0x44: {  	s20 =	smulhi.u32 @!p1 $0x24924925, s20;
	_ =	sdelay $0x1  }
0x45: {  	s21 =	smulhi.u32 @!p1 $0x4924925, s20;
	_ =	sdelay $0x1  }
0x46: {  	s22 =	sand.u32 @!p1 $0x7F, s12;
	s21 =	smul.u32 @!p1 $0x38, s21  }
0x47: {  	s31 =	sadd.s32 $0xFFFFFFFF, s15;
	s19 =	sor.u32 @!p1 s22, s19;
	s22 =	smul.u32 @!p1 $0x380, s20  }
0x48: {  	s23 =	sxor.u32 @!p1 $0xFFFFFFFF, s15;
	s20 =	ssub.s32 @!p1 s20, s21;
	s21 =	smul.u32 @!p1 $0x1880, s14  }
0x49: {  	s23 =	sshll.u32 @!p1 s23, $0xE;
	s19 =	ssub.s32 @!p1 s19, s22;
	s20 =	smul.u32 @!p1 $0x70, s20  }
0x4a: {  	s22 =	sand.u32 @!p1 $0x4000, s23;
	s23 =	sand.u32 @!p1 $0x7, s19;
	s21 =	sadd.s32 @!p1 s6, s21  }
0x4b: {  	s19 =	sshrl.u32 @!p1 s19, $0x3;
	s20 =	sadd.s32 @!p1 s20, s21;
	s21 =	sshll.u32 @!p1 s23, $0x12  }
0x4c: {  	s19 =	sadd.s32 @!p1 s19, s20;
	s20 =	sor.u32 @!p1 $0x80, s21;
	s21 =	simm.s32 @!p1 $0xC400  }
0x4d: {  	[tilespmem:s22], [sflag:$0x1] =	stream.strided.gather @!p1 [hbm4b:s19+s20], $0x4000, s21, s20, $0x38;
	[tilespmem:$0x10100] =	vst v63  }
0x4e: {  	p1 =	sge.u32 s31, s5  }
.Ltmp2:
0x4f: {  	_ = 	snop;
	(pc) =	sbr.rel @p1 .LBB1_5-.Ltmp2, $1  }
0x50: {  	_ =	sdelay $0x3  }
0x51: {  	s19 =	simm.s32 $0x1  }
0x52: {  	_ =	swait.ge [sflag:s4], $0x4000;
	s19 =	simm.s32 @!p0 $0x0  }
0x53: {  	[sflag:s4] =	ssyncset.done $0x0;
	s20 =	sshll.u32 s19, $0xE  }
0x54: {  	[sflag:s4] =	ssyncadd.s32 $0xFFFFC000;
	s20 =	sor.u32 $0x40, s20  }
0x55: {  	s19 =	smul.u32 $0x10200, s19;
	v0 =	vld [tilespmem:s20+$0x30]  }
0x56: {  	v1 =	vld [tilespmem:s20+$0xFFFFFFD0]  }
0x57: {  	s19 =	sshrl.u32 s19, $0x2;
	v5 =	vld [tilespmem:s20+$0xFFFFFFE0]  }
0x58: {  	v6 =	vld [tilespmem:s20+$0xFFFFFFF0];
	s22 =	sor.u32 $0x8000, s19  }
0x59: {  	s31 =	sand.u32 $0x1, s15;
	v4 =	vld [tilespmem:s20+$0x0];
	s21 =	sadd.s32 $0x0, s22  }
0x5a: {  	v3 =	vld [tilespmem:s20+$0x10];
	s19 =	smul.u32 $0x10200, s31;
	[tilespmem:s21+$0x3870 ss:$0x81] =	vst.msk $0xffff, v0  }
0x5b: {  	v2 =	vld [tilespmem:s20+$0x20];
	[tilespmem:s21+$0x810 ss:$0x81] =	vst.msk $0xffff, v1  }
0x5c: {  	s19 =	sshrl.u32 s19, $0x2;
	v1 =	vld [tilespmem:s20+$0xFFFFFFC0];
	[tilespmem:s21+$0x1020 ss:$0x81] =	vst.msk $0xffff, v5;
	s20 =	sadd.s32 $0x80, s20  }
0x5d: {  	s23 =	simm.s32 $0x4;
	s24 =	simm.s32 $0x8;
	s19 =	sor.u32 $0x8000, s19;
	[tilespmem:s21+$0x1830 ss:$0x81] =	vst.msk $0xffff, v6;
	v0 =	vld [tilespmem:s20+$0x30]  }
.LBB1_3:
0x5e: {  	p1 =	sne.s32 s24, $0x1FC;
	v5 =	vld [tilespmem:s20+$0xFFFFFFD0];
	[tilespmem:s21+$0x2040 ss:$0x81] =	vst.msk $0xffff, v4  }
0x5f: {  	v6 =	vld [tilespmem:s20+$0xFFFFFFE0];
	[tilespmem:s21+$0x2850 ss:$0x81] =	vst.msk $0xffff, v3  }
0x60: {  	s25 =	sshra.s32 s23, $0x2;
	s23 =	smov.u32 s24;
	v7 =	vld [tilespmem:s20+$0xFFFFFFF0];
	[tilespmem:s21+$0x3060 ss:$0x81] =	vst.msk $0xffff, v2  }
.Ltmp3:
0x61: {  	v4 =	vld [tilespmem:s20+$0x0];
	[tilespmem:s21+$0x0 ss:$0x81] =	vst.msk $0xffff, v1;
	s21 =	sadd.s32 s25, s22;
	(pc) =	sbr.rel @p1 .LBB1_3-.Ltmp3, $4  }
0x62: {  	v3 =	vld [tilespmem:s20+$0x10];
	[tilespmem:s21+$0x3870 ss:$0x81] =	vst.msk $0xffff, v0  }
0x63: {  	[tilespmem:s21+$0x810 ss:$0x81] =	vst.msk $0xffff, v5;
	v2 =	vld [tilespmem:s20+$0x20]  }
0x64: {  	v1 =	vld [tilespmem:s20+$0xFFFFFFC0];
	[tilespmem:s21+$0x1020 ss:$0x81] =	vst.msk $0xffff, v6;
	s20 =	sadd.s32 $0x80, s20  }
0x65: {  	s24 =	sadd.s32 $0x4, s24;
	v0 =	vld [tilespmem:s20+$0x30];
	[tilespmem:s21+$0x1830 ss:$0x81] =	vst.msk $0xffff, v7  }
.Ltmp4:
0x66: {  	_ = 	snop;
	(pc) =	sbr.rel .LBB1_4-.Ltmp4, $1  }
0x67: {  	_ =	sdelay $0x3  }
.LBB1_6:
0x68: {  	_ =	sfence.sel $0x180000  }
0x69: {  	s2 =	simm.s32 $0x1;
	[bflag:$0x0] =	sbarrier.arrive $0xFFFF  }
0x6a: {  	s31 =	simm.s32 $0x2;
	[sflag:s2] =	ssyncpa.u1 $0x1  }
0x6b: {  	[sflag:s31] =	ssyncpa.u1 $0x1  }
0x6c: {  	p0 =	sne.s32 s0, $0x0;
	_ =	strace $0x9000004A  }
0x6d: {  	s0 =	sadd.s32 @!p0 $0x100000, s1;
	[bflag:$0x2] =	sbarrier.arrive $0xFFFF  }
0x6e: {  	[sflag:s0] =	ssyncadd.tile.s32 @!p0 $0x1;
	_ =	shalt  }
.Lfunc_end1:
_tile_overlayer_lowered:
.L_overlay_start_2:
0x6f: {  	(tag) =	ssettag $0x2  }
0x70: {  	s0 =	rddreg [dreg:$0x0];
	s2 =	stileid.u32  }
0x71: {  	s1 =	rddreg [dreg:$0x1];
	p0 =	sne.s32 s2, $0x0  }
0x72: {  	s3 =	rddreg [dreg:$0x2];
	[bflag:$0x3] =	sbarrier.arrive $0xFFFF;
	s2 =	simm.s32 @!p0 $0x1C01  }
0x73: {  	[timem:s3], [sflag:s2] =	dma.local @!p0 [hbm:s0], s1  }
0x74: {  	s0 =	simm.s32 @!p0 $0x1  }
0x75: {  	_ =	swait.ge @!p0 [sflag:s0], s1  }
0x76: {  	s1 =	ssub.s32 @!p0 $0x0, s1;
	[sflag:s0] =	ssyncset.done @!p0 $0x0  }
0x77: {  	[sflag:s0] =	ssyncadd.s32 @!p0 s1  }
0x78: {  	[bflag:$0x3] =	sbarrier.arrive $0xFFFF  }
0x79: {  	_ =	shalt  }

</sc_bundles>
